<compile_context>
chip_gen: v7x
topology: tpu7x:2x2x1
jax: 0.10.2.dev20260603
libtpu: 0.0.44.dev20260713+nightly
codegen_flags: <defaults>
</compile_context>

<pallas_src>
import jax
import jax.numpy as jnp
from jax import lax
from jax.experimental import pallas as pl
from jax.experimental.pallas import tpu as pltpu
from jax.experimental.pallas import tpu_sc as plsc

N = 10000
E = 320000
D = 128
G = 64

NC = 2
NS = 16
NW = NC * NS

CHUNK = 128
N_CHUNKS = E // CHUNK
BASE_CHUNKS = N_CHUNKS // NW
N_EXTRA = N_CHUNKS - BASE_CHUNKS * NW

ROWS_MAIN = (N // NS) // 8 * 8
TAIL_ROWS = N - NS * ROWS_MAIN

NBLK = 3
BPC = BASE_CHUNKS // NBLK
PAIRS = BPC // 2
BT = 2000
NB = N // BT
BTP = 2000
NBP = N // BTP



def _sc_agg_body(h_hbm, srcb_hbm, dstb_hbm, ext_hbm, out_hbm, s_u, s_v, d_u, d_v,
                 rows_a, rows_b, agg_sh, sem_i, sem_ga, sem_gb, sem_sa, sem_sb):
    c = lax.axis_index("c")
    s = lax.axis_index("s")
    w = c * NS + s

    def _gather(idx_row, buf, sem):
        pltpu.async_copy(h_hbm.at[idx_row], buf, sem)

    def _scatter(idx_row, buf, sem):
        pltpu.async_copy(buf, agg_sh.at[idx_row], sem, add=True)

    def _wait_g(idx_row, buf, sem):
        pltpu.make_async_copy(h_hbm.at[idx_row], buf, sem).wait()

    def _wait_s(idx_row, buf, sem):
        pltpu.make_async_copy(buf, agg_sh.at[idx_row], sem).wait()

    pltpu.sync_copy(srcb_hbm.at[w, 0], s_u)
    pltpu.sync_copy(dstb_hbm.at[w, 0], d_u)
    _gather(s_u.at[0], rows_a, sem_ga)

    def _zero_row(i, carry):
        for j in range(D // 16):
            rows_b[i, pl.ds(j * 16, 16)] = jnp.zeros((16,), jnp.float32)
        return carry

    lax.fori_loop(0, CHUNK, _zero_row, 0)
    done = 0
    while done < ROWS_MAIN:
        step = min(CHUNK, ROWS_MAIN - done)
        pltpu.sync_copy(rows_b.at[pl.ds(0, step)],
                        agg_sh.at[pl.ds(s * ROWS_MAIN + done, step)])
        done += step

    @pl.when(s == NS - 1)
    def _():
        pltpu.sync_copy(rows_b.at[pl.ds(0, TAIL_ROWS)], agg_sh.at[pl.ds(NS * ROWS_MAIN, TAIL_ROWS)])

    plsc.subcore_barrier()

    for b in range(NBLK):
        sb, db = ((s_u, d_u), (s_v, d_v))[b % 2]
        nsb, ndb = ((s_v, d_v), (s_u, d_u))[b % 2]

        def _pair(k, carry, sb=sb, db=db, nsb=nsb, ndb=ndb, b=b):
            def _drain_b():
                _wait_s(db.at[1], rows_b, sem_sb)

            if b == 0:
                pl.when(k > 0)(_drain_b)
            else:
                _drain_b()
            _gather(sb.at[2 * k + 1], rows_b, sem_gb)
            _wait_g(sb.at[2 * k], rows_a, sem_ga)
            _scatter(db.at[2 * k], rows_a, sem_sa)
            _wait_g(sb.at[2 * k + 1], rows_b, sem_gb)
            _scatter(db.at[2 * k + 1], rows_b, sem_sb)
            _wait_s(db.at[0], rows_a, sem_sa)

            @pl.when(k < PAIRS - 1)
            def _():
                _gather(sb.at[2 * k + 2], rows_a, sem_ga)

            if b < NBLK - 1:
                @pl.when(k == 0)
                def _():
                    pltpu.async_copy(srcb_hbm.at[w, b + 1], nsb, sem_i)
                    pltpu.async_copy(dstb_hbm.at[w, b + 1], ndb, sem_i)
            return carry

        lax.fori_loop(0, PAIRS, _pair, 0)
        if b < NBLK - 1:
            pltpu.make_async_copy(srcb_hbm.at[w, b + 1], nsb, sem_i).wait()
            pltpu.make_async_copy(dstb_hbm.at[w, b + 1], ndb, sem_i).wait()
            _gather(nsb.at[0], rows_a, sem_ga)

    _, last_db = ((s_u, d_u), (s_v, d_v))[(NBLK - 1) % 2]
    _wait_s(last_db.at[1], rows_b, sem_sb)

    @pl.when(w < N_EXTRA)
    def _():
        pltpu.sync_copy(ext_hbm.at[w], s_v.at[pl.ds(0, 2)])
        _gather(s_v.at[0], rows_a, sem_ga)
        _wait_g(s_v.at[0], rows_a, sem_ga)
        _scatter(s_v.at[1], rows_a, sem_sa)
        _wait_s(s_v.at[1], rows_a, sem_sa)

    plsc.subcore_barrier()

    pltpu.sync_copy(
        agg_sh.at[pl.ds(s * ROWS_MAIN, ROWS_MAIN)],
        out_hbm.at[c, pl.ds(s * ROWS_MAIN, ROWS_MAIN)],
    )

    @pl.when(s == NS - 1)
    def _():
        pltpu.sync_copy(
            agg_sh.at[pl.ds(NS * ROWS_MAIN, TAIL_ROWS)],
            out_hbm.at[c, pl.ds(NS * ROWS_MAIN, TAIL_ROWS)],
        )


def _sc_agg(h, srcb, dstb, ext):
    mesh = plsc.VectorSubcoreMesh(core_axis_name="c", subcore_axis_name="s")
    return pl.kernel(
        _sc_agg_body,
        out_type=jax.ShapeDtypeStruct((NC, N, D), jnp.float32),
        mesh=mesh,
        scratch_types=[
            pltpu.VMEM((BPC, CHUNK), jnp.int32),
            pltpu.VMEM((BPC, CHUNK), jnp.int32),
            pltpu.VMEM((BPC, CHUNK), jnp.int32),
            pltpu.VMEM((BPC, CHUNK), jnp.int32),
            pltpu.VMEM((CHUNK, D), jnp.float32),
            pltpu.VMEM((CHUNK, D), jnp.float32),
            pltpu.VMEM_SHARED((N, D), jnp.float32),
            pltpu.SemaphoreType.DMA,
            pltpu.SemaphoreType.DMA,
            pltpu.SemaphoreType.DMA,
            pltpu.SemaphoreType.DMA,
            pltpu.SemaphoreType.DMA,
        ],
    )(h, srcb, dstb, ext)


def _mlp_body(h_ref, a_ref, w1_ref, b1_ref, w2_ref, b2_ref, o_ref):
    z = h_ref[...] + a_ref[0] + a_ref[1]
    z = jnp.maximum(jnp.dot(z, w1_ref[...], preferred_element_type=jnp.float32) + b1_ref[...], 0.0)
    z = jnp.dot(z, w2_ref[...], preferred_element_type=jnp.float32) + b2_ref[...]
    o_ref[...] = jnp.maximum(z, 0.0)


def _mlp(h, agg, W1, b1, W2, b2):
    return pl.pallas_call(
        _mlp_body,
        grid=(NB,),
        in_specs=[
            pl.BlockSpec((BT, D), lambda i: (i, 0)),
            pl.BlockSpec((NC, BT, D), lambda i: (0, i, 0)),
            pl.BlockSpec((D, D), lambda i: (0, 0)),
            pl.BlockSpec((1, D), lambda i: (0, 0)),
            pl.BlockSpec((D, D), lambda i: (0, 0)),
            pl.BlockSpec((1, D), lambda i: (0, 0)),
        ],
        out_specs=pl.BlockSpec((BT, D), lambda i: (i, 0)),
        out_shape=jax.ShapeDtypeStruct((N, D), jnp.float32),
    )(h, agg, W1, b1.reshape(1, D), W2, b2.reshape(1, D))


def _mlp_pool_body(h_ref, a_ref, w1_ref, b1_ref, w2_ref, b2_ref, bt_ref, o_ref):
    i = pl.program_id(0)
    z = h_ref[...] + a_ref[0] + a_ref[1]
    z = jnp.maximum(jnp.dot(z, w1_ref[...], preferred_element_type=jnp.float32) + b1_ref[...], 0.0)
    z = jnp.dot(z, w2_ref[...], preferred_element_type=jnp.float32) + b2_ref[...]
    hb = jnp.maximum(z, 0.0)
    b = bt_ref[0, 0, :]
    onehot = (lax.broadcasted_iota(jnp.int32, (G, BTP), 0) == b[None, :]).astype(jnp.float32)
    part = jnp.dot(onehot, hb, preferred_element_type=jnp.float32)

    @pl.when(i == 0)
    def _():
        o_ref[...] = part

    @pl.when(i > 0)
    def _():
        o_ref[...] += part


def _mlp_pool(h, agg, W1, b1, W2, b2, batch):
    return pl.pallas_call(
        _mlp_pool_body,
        grid=(NBP,),
        in_specs=[
            pl.BlockSpec((BTP, D), lambda i: (i, 0)),
            pl.BlockSpec((NC, BTP, D), lambda i: (0, i, 0)),
            pl.BlockSpec((D, D), lambda i: (0, 0)),
            pl.BlockSpec((1, D), lambda i: (0, 0)),
            pl.BlockSpec((D, D), lambda i: (0, 0)),
            pl.BlockSpec((1, D), lambda i: (0, 0)),
            pl.BlockSpec((1, 1, BTP), lambda i: (i, 0, 0)),
        ],
        out_specs=pl.BlockSpec((G, D), lambda i: (0, 0)),
        out_shape=jax.ShapeDtypeStruct((G, D), jnp.float32),
        compiler_params=pltpu.CompilerParams(dimension_semantics=("arbitrary",)),
    )(h, agg, W1, b1.reshape(1, D), W2, b2.reshape(1, D), batch.reshape(NBP, 1, BTP))


def kernel(x, edge_index, batch, W1_0, b1_0, W2_0, b2_0, W1_1, b1_1, W2_1, b2_1, W1_2, b1_2, W2_2, b2_2):
    src2 = edge_index[0].reshape(N_CHUNKS, CHUNK)
    dst2 = edge_index[1].reshape(N_CHUNKS, CHUNK)
    srcb = src2[: NW * BASE_CHUNKS].reshape(NW, NBLK, BPC, CHUNK)
    dstb = dst2[: NW * BASE_CHUNKS].reshape(NW, NBLK, BPC, CHUNK)
    ext = jnp.stack([src2[NW * BASE_CHUNKS:], dst2[NW * BASE_CHUNKS:]], axis=1)
    params = [(W1_0, b1_0, W2_0, b2_0), (W1_1, b1_1, W2_1, b2_1), (W1_2, b1_2, W2_2, b2_2)]
    h = x
    for li, (W1, b1, W2, b2) in enumerate(params):
        agg = _sc_agg(h, srcb, dstb, ext)
        if li < 2:
            h = _mlp(h, agg, W1, b1, W2, b2)
        else:
            out = _mlp_pool(h, agg, W1, b1, W2, b2, batch)
    return out

# --- scband reference (transcript-rebuilt; emitter-appended) ---
"""Pipeline reference for scband-ligand-encoder-4097398800930 (READ-ONLY COPY).

The authoritative reference and input builder live on the scoring server;
editing this copy changes nothing except your own understanding.
"""

import jax, jax.numpy as jnp
import numpy as np

N = 10000
E = 320000
D = 128
H = 128
G = 64
L = 3


def setup_inputs(seed: int = 0) -> dict:
    key = jax.random.key(seed)
    ks = jax.random.split(key, 3 + 4 * L)
    inp = {}
    inp["x"] = jax.random.normal(ks[0], (N, D), dtype=jnp.float32)
    inp["edge_index"] = jax.random.randint(ks[1], (2, E), 0, N, dtype=jnp.int32)
    inp["batch"] = jnp.sort(jax.random.randint(ks[2], (N,), 0, G, dtype=jnp.int32))
    for i in range(L):
        in_c = D if i == 0 else H
        inp[f"W1_{i}"] = jax.random.normal(ks[3 + 4 * i], (in_c, H), dtype=jnp.float32) * (1.0 / np.sqrt(in_c))
        inp[f"b1_{i}"] = jnp.zeros((H,), dtype=jnp.float32)
        inp[f"W2_{i}"] = jax.random.normal(ks[4 + 4 * i], (H, H), dtype=jnp.float32) * (1.0 / np.sqrt(H))
        inp[f"b2_{i}"] = jnp.zeros((H,), dtype=jnp.float32)
    return inp


def reference(x, edge_index, batch, W1_0, b1_0, W2_0, b2_0, W1_1, b1_1, W2_1, b2_1, W1_2, b1_2, W2_2, b2_2):
    # GIN layers (eps=0, train_eps=False; dropout in eval mode -> identity)
    params = [(W1_0, b1_0, W2_0, b2_0), (W1_1, b1_1, W2_1, b2_1), (W1_2, b1_2, W2_2, b2_2)]
    src = edge_index[0]
    dst = edge_index[1]
    h = x
    for (W1, b1, W2, b2) in params:
        # message passing: sum of neighbor features (scatter-add at dst)
        agg = jnp.zeros_like(h).at[dst].add(h[src])
        z = h + agg  # (1 + eps) * x + aggr, eps = 0
        z = jnp.maximum(jnp.dot(z, W1) + b1, 0.0)
        z = jnp.dot(z, W2) + b2
        h = jnp.maximum(z, 0.0)  # outer F.relu after conv
    # global_add_pool readout
    graph_feat = jax.ops.segment_sum(h, batch, num_segments=G)
    return graph_feat

if __name__ == "__main__":
    import jax
    _d = setup_inputs()
    print(jax.jit(kernel)(*tuple(_d.values())))

</pallas_src>

<mosaic_0001>
#map = affine_map<(d0, d1) -> (0, 0)>
#map1 = affine_map<(d0, d1) -> (0, 0, 0, 0)>
#map2 = affine_map<(d0, d1) -> (0, 0, 0)>
module attributes {stable_mosaic.version = 14 : i64} {
  func.func @_sc_agg_body(%arg0: i32, %arg1: i32, %arg2: memref<10000x128xf32, #tpu.memory_space<hbm>>, %arg3: memref<32x3x26x128xi32, #tpu.memory_space<hbm>>, %arg4: memref<32x3x26x128xi32, #tpu.memory_space<hbm>>, %arg5: memref<4x2x128xi32, #tpu.memory_space<hbm>>, %arg6: memref<2x10000x128xf32, #tpu.memory_space<hbm>>, %arg7: memref<26x128xi32, #tpu.memory_space<vmem>>, %arg8: memref<26x128xi32, #tpu.memory_space<vmem>>, %arg9: memref<26x128xi32, #tpu.memory_space<vmem>>, %arg10: memref<26x128xi32, #tpu.memory_space<vmem>>, %arg11: memref<128x128xf32, #tpu.memory_space<vmem>>, %arg12: memref<128x128xf32, #tpu.memory_space<vmem>>, %arg13: memref<10000x128xf32, #tpu.memory_space<vmem_shared>>, %arg14: memref<!tpu.dma_semaphore, #tpu.memory_space<semaphore_mem>>, %arg15: memref<!tpu.dma_semaphore, #tpu.memory_space<semaphore_mem>>, %arg16: memref<!tpu.dma_semaphore, #tpu.memory_space<semaphore_mem>>, %arg17: memref<!tpu.dma_semaphore, #tpu.memory_space<semaphore_mem>>, %arg18: memref<!tpu.dma_semaphore, #tpu.memory_space<semaphore_mem>>) attributes {dimension_semantics = [#tpu.dimension_semantics<core_parallel>, #tpu.dimension_semantics<subcore_parallel>], iteration_bounds = array<i64: 2, 16>, scalar_prefetch = 0 : i64, scratch_operands = 12 : i64, tpu.core_type = #tpu.core_type<sc_vector_subcore>, window_params = [{transform_indices = #map}, {transform_indices = #map1}, {transform_indices = #map1}, {transform_indices = #map2}, {transform_indices = #map2}]} {
    %mul3A = arith.constant 16 : i32
    %mul3A_0 = arith.muli %arg0, %mul3A : i32
    %add3A = arith.addi %mul3A_0, %arg1 : i32
    %run_scoped3A = arith.constant 0 : i32
    "tpu.region"() ({
      %run_scoped3A_123 = tpu.sem_alloc : memref<!tpu.dma_semaphore, #tpu.memory_space<semaphore_mem>>
      %dma_start3A_124 = arith.constant 0 : i32
      %dma_start3A_125 = arith.constant 0 : i32
      %dma_start3A_126 = tpu.memref_slice %arg3[%add3A, %run_scoped3A, %dma_start3A_124, %dma_start3A_125] : memref<32x3x26x128xi32, #tpu.memory_space<hbm>> -> memref<1x1x26x128xi32, #tpu.memory_space<hbm>>
      %dma_start3A_127 = tpu.memref_squeeze %dma_start3A_126 : memref<1x1x26x128xi32, #tpu.memory_space<hbm>> -> memref<26x128xi32, #tpu.memory_space<hbm>>
      %dma_start3A_128 = arith.constant 0 : i32
      %dma_start3A_129 = arith.constant 0 : i32
      %dma_start3A_130 = tpu.memref_slice %arg3[%add3A, %run_scoped3A, %dma_start3A_128, %dma_start3A_129] : memref<32x3x26x128xi32, #tpu.memory_space<hbm>> -> memref<1x1x26x128xi32, #tpu.memory_space<hbm>>
      %dma_start3A_131 = tpu.memref_squeeze %dma_start3A_130 : memref<1x1x26x128xi32, #tpu.memory_space<hbm>> -> memref<26x128xi32, #tpu.memory_space<hbm>>
      tpu.enqueue_dma source(%dma_start3A_131 : memref<26x128xi32, #tpu.memory_space<hbm>>) target(%arg7 : memref<26x128xi32, #tpu.memory_space<vmem>>) target_semaphore(%run_scoped3A_123 : memref<!tpu.dma_semaphore, #tpu.memory_space<semaphore_mem>>)
      %dma_wait3A_132 = arith.constant 0 : i32
      %dma_wait3A_133 = arith.constant 0 : i32
      %dma_wait3A_134 = tpu.memref_slice %arg3[%add3A, %run_scoped3A, %dma_wait3A_132, %dma_wait3A_133] : memref<32x3x26x128xi32, #tpu.memory_space<hbm>> -> memref<1x1x26x128xi32, #tpu.memory_space<hbm>>
      %dma_wait3A_135 = tpu.memref_squeeze %dma_wait3A_134 : memref<1x1x26x128xi32, #tpu.memory_space<hbm>> -> memref<26x128xi32, #tpu.memory_space<hbm>>
      %dma_wait3A_136 = arith.constant 0 : i32
      %dma_wait3A_137 = arith.constant 0 : i32
      %dma_wait3A_138 = tpu.memref_slice %arg3[%add3A, %run_scoped3A, %dma_wait3A_136, %dma_wait3A_137] : memref<32x3x26x128xi32, #tpu.memory_space<hbm>> -> memref<1x1x26x128xi32, #tpu.memory_space<hbm>>
      %dma_wait3A_139 = tpu.memref_squeeze %dma_wait3A_138 : memref<1x1x26x128xi32, #tpu.memory_space<hbm>> -> memref<26x128xi32, #tpu.memory_space<hbm>>
      tpu.wait_dma2 semaphore(%run_scoped3A_123 : memref<!tpu.dma_semaphore, #tpu.memory_space<semaphore_mem>>) src(%dma_wait3A_139 : memref<26x128xi32, #tpu.memory_space<hbm>>) dst(%arg7 : memref<26x128xi32, #tpu.memory_space<vmem>>)
      tpu.yield
    }) : () -> ()
    %run_scoped3A_1 = arith.constant 0 : i32
    "tpu.region"() ({
      %run_scoped3A_123 = tpu.sem_alloc : memref<!tpu.dma_semaphore, #tpu.memory_space<semaphore_mem>>
      %dma_start3A_124 = arith.constant 0 : i32
      %dma_start3A_125 = arith.constant 0 : i32
      %dma_start3A_126 = tpu.memref_slice %arg4[%add3A, %run_scoped3A_1, %dma_start3A_124, %dma_start3A_125] : memref<32x3x26x128xi32, #tpu.memory_space<hbm>> -> memref<1x1x26x128xi32, #tpu.memory_space<hbm>>
      %dma_start3A_127 = tpu.memref_squeeze %dma_start3A_126 : memref<1x1x26x128xi32, #tpu.memory_space<hbm>> -> memref<26x128xi32, #tpu.memory_space<hbm>>
      %dma_start3A_128 = arith.constant 0 : i32
      %dma_start3A_129 = arith.constant 0 : i32
      %dma_start3A_130 = tpu.memref_slice %arg4[%add3A, %run_scoped3A_1, %dma_start3A_128, %dma_start3A_129] : memref<32x3x26x128xi32, #tpu.memory_space<hbm>> -> memref<1x1x26x128xi32, #tpu.memory_space<hbm>>
      %dma_start3A_131 = tpu.memref_squeeze %dma_start3A_130 : memref<1x1x26x128xi32, #tpu.memory_space<hbm>> -> memref<26x128xi32, #tpu.memory_space<hbm>>
      tpu.enqueue_dma source(%dma_start3A_131 : memref<26x128xi32, #tpu.memory_space<hbm>>) target(%arg9 : memref<26x128xi32, #tpu.memory_space<vmem>>) target_semaphore(%run_scoped3A_123 : memref<!tpu.dma_semaphore, #tpu.memory_space<semaphore_mem>>)
      %dma_wait3A_132 = arith.constant 0 : i32
      %dma_wait3A_133 = arith.constant 0 : i32
      %dma_wait3A_134 = tpu.memref_slice %arg4[%add3A, %run_scoped3A_1, %dma_wait3A_132, %dma_wait3A_133] : memref<32x3x26x128xi32, #tpu.memory_space<hbm>> -> memref<1x1x26x128xi32, #tpu.memory_space<hbm>>
      %dma_wait3A_135 = tpu.memref_squeeze %dma_wait3A_134 : memref<1x1x26x128xi32, #tpu.memory_space<hbm>> -> memref<26x128xi32, #tpu.memory_space<hbm>>
      %dma_wait3A_136 = arith.constant 0 : i32
      %dma_wait3A_137 = arith.constant 0 : i32
      %dma_wait3A_138 = tpu.memref_slice %arg4[%add3A, %run_scoped3A_1, %dma_wait3A_136, %dma_wait3A_137] : memref<32x3x26x128xi32, #tpu.memory_space<hbm>> -> memref<1x1x26x128xi32, #tpu.memory_space<hbm>>
      %dma_wait3A_139 = tpu.memref_squeeze %dma_wait3A_138 : memref<1x1x26x128xi32, #tpu.memory_space<hbm>> -> memref<26x128xi32, #tpu.memory_space<hbm>>
      tpu.wait_dma2 semaphore(%run_scoped3A_123 : memref<!tpu.dma_semaphore, #tpu.memory_space<semaphore_mem>>) src(%dma_wait3A_139 : memref<26x128xi32, #tpu.memory_space<hbm>>) dst(%arg9 : memref<26x128xi32, #tpu.memory_space<vmem>>)
      tpu.yield
    }) : () -> ()
    %dma_start3A = arith.constant 0 : i32
    %dma_start3A_2 = arith.constant 0 : i32
    %dma_start3A_3 = tpu.memref_slice %arg7[%dma_start3A, %dma_start3A_2] : memref<26x128xi32, #tpu.memory_space<vmem>> -> memref<1x128xi32, #tpu.memory_space<vmem>>
    %dma_start3A_4 = tpu.memref_squeeze %dma_start3A_3 : memref<1x128xi32, #tpu.memory_space<vmem>> -> memref<128xi32, #tpu.memory_space<vmem>>
    %dma_start3A_5 = arith.constant 0 : i32
    %dma_start3A_6 = arith.constant 0 : i32
    %dma_start3A_7 = tpu.memref_slice %arg2[%dma_start3A_5, %dma_start3A_6] : memref<10000x128xf32, #tpu.memory_space<hbm>> -> memref<10000x128xf32, #tpu.memory_space<hbm>>
    tpu.enqueue_indirect_dma source(%dma_start3A_7 : memref<10000x128xf32, #tpu.memory_space<hbm>>) target(%arg11 : memref<128x128xf32, #tpu.memory_space<vmem>>) offsets(%dma_start3A_4 : memref<128xi32, #tpu.memory_space<vmem>>) semaphore(%arg15 : memref<!tpu.dma_semaphore, #tpu.memory_space<semaphore_mem>>)
    %scan3A = arith.constant 0 : i32
    %scan3A_8 = arith.constant 0 : i32
    %scan3A_9 = arith.constant 128 : i32
    %scan3A_10 = arith.addi %scan3A_8, %scan3A_9 : i32
    %scan3A_11 = arith.constant 1 : i32
    scf.for %scan3A_123 = %scan3A_8 to %scan3A_10 step %scan3A_11  : i32 {
      %broadcast_in_dim3A = arith.constant 0.000000e+00 : f32
      %broadcast_in_dim3A_124 = vector.broadcast %broadcast_in_dim3A : f32 to vector<16xf32>
      %swap3A = arith.index_cast %scan3A_123 : i32 to index
      %swap3A_125 = arith.constant 0 : index
      %swap3A_126 = tpu.vector_load %arg12[%swap3A, %swap3A_125] {strides = array<i32>} : memref<128x128xf32, #tpu.memory_space<vmem>>, vector<1x16xf32>,
      %swap3A_127 = vector.shape_cast %swap3A_126 : vector<1x16xf32> to vector<16xf32>
      %swap3A_128 = vector.shape_cast %broadcast_in_dim3A_124 : vector<16xf32> to vector<1x16xf32>
      tpu.vector_store %arg12[%swap3A, %swap3A_125], %swap3A_128 {strides = array<i32>} : memref<128x128xf32, #tpu.memory_space<vmem>>, vector<1x16xf32>,
      %broadcast_in_dim3A_129 = arith.constant 0.000000e+00 : f32
      %broadcast_in_dim3A_130 = vector.broadcast %broadcast_in_dim3A_129 : f32 to vector<16xf32>
      %swap3A_131 = arith.index_cast %scan3A_123 : i32 to index
      %swap3A_132 = arith.constant 16 : index
      %swap3A_133 = tpu.vector_load %arg12[%swap3A_131, %swap3A_132] {strides = array<i32>} : memref<128x128xf32, #tpu.memory_space<vmem>>, vector<1x16xf32>,
      %swap3A_134 = vector.shape_cast %swap3A_133 : vector<1x16xf32> to vector<16xf32>
      %swap3A_135 = vector.shape_cast %broadcast_in_dim3A_130 : vector<16xf32> to vector<1x16xf32>
      tpu.vector_store %arg12[%swap3A_131, %swap3A_132], %swap3A_135 {strides = array<i32>} : memref<128x128xf32, #tpu.memory_space<vmem>>, vector<1x16xf32>,
      %broadcast_in_dim3A_136 = arith.constant 0.000000e+00 : f32
      %broadcast_in_dim3A_137 = vector.broadcast %broadcast_in_dim3A_136 : f32 to vector<16xf32>
      %swap3A_138 = arith.index_cast %scan3A_123 : i32 to index
      %swap3A_139 = arith.constant 32 : index
      %swap3A_140 = tpu.vector_load %arg12[%swap3A_138, %swap3A_139] {strides = array<i32>} : memref<128x128xf32, #tpu.memory_space<vmem>>, vector<1x16xf32>,
      %swap3A_141 = vector.shape_cast %swap3A_140 : vector<1x16xf32> to vector<16xf32>
      %swap3A_142 = vector.shape_cast %broadcast_in_dim3A_137 : vector<16xf32> to vector<1x16xf32>
      tpu.vector_store %arg12[%swap3A_138, %swap3A_139], %swap3A_142 {strides = array<i32>} : memref<128x128xf32, #tpu.memory_space<vmem>>, vector<1x16xf32>,
      %broadcast_in_dim3A_143 = arith.constant 0.000000e+00 : f32
      %broadcast_in_dim3A_144 = vector.broadcast %broadcast_in_dim3A_143 : f32 to vector<16xf32>
      %swap3A_145 = arith.index_cast %scan3A_123 : i32 to index
      %swap3A_146 = arith.constant 48 : index
      %swap3A_147 = tpu.vector_load %arg12[%swap3A_145, %swap3A_146] {strides = array<i32>} : memref<128x128xf32, #tpu.memory_space<vmem>>, vector<1x16xf32>,
      %swap3A_148 = vector.shape_cast %swap3A_147 : vector<1x16xf32> to vector<16xf32>
      %swap3A_149 = vector.shape_cast %broadcast_in_dim3A_144 : vector<16xf32> to vector<1x16xf32>
      tpu.vector_store %arg12[%swap3A_145, %swap3A_146], %swap3A_149 {strides = array<i32>} : memref<128x128xf32, #tpu.memory_space<vmem>>, vector<1x16xf32>,
      %broadcast_in_dim3A_150 = arith.constant 0.000000e+00 : f32
      %broadcast_in_dim3A_151 = vector.broadcast %broadcast_in_dim3A_150 : f32 to vector<16xf32>
      %swap3A_152 = arith.index_cast %scan3A_123 : i32 to index
      %swap3A_153 = arith.constant 64 : index
      %swap3A_154 = tpu.vector_load %arg12[%swap3A_152, %swap3A_153] {strides = array<i32>} : memref<128x128xf32, #tpu.memory_space<vmem>>, vector<1x16xf32>,
      %swap3A_155 = vector.shape_cast %swap3A_154 : vector<1x16xf32> to vector<16xf32>
      %swap3A_156 = vector.shape_cast %broadcast_in_dim3A_151 : vector<16xf32> to vector<1x16xf32>
      tpu.vector_store %arg12[%swap3A_152, %swap3A_153], %swap3A_156 {strides = array<i32>} : memref<128x128xf32, #tpu.memory_space<vmem>>, vector<1x16xf32>,
      %broadcast_in_dim3A_157 = arith.constant 0.000000e+00 : f32
      %broadcast_in_dim3A_158 = vector.broadcast %broadcast_in_dim3A_157 : f32 to vector<16xf32>
      %swap3A_159 = arith.index_cast %scan3A_123 : i32 to index
      %swap3A_160 = arith.constant 80 : index
      %swap3A_161 = tpu.vector_load %arg12[%swap3A_159, %swap3A_160] {strides = array<i32>} : memref<128x128xf32, #tpu.memory_space<vmem>>, vector<1x16xf32>,
      %swap3A_162 = vector.shape_cast %swap3A_161 : vector<1x16xf32> to vector<16xf32>
      %swap3A_163 = vector.shape_cast %broadcast_in_dim3A_158 : vector<16xf32> to vector<1x16xf32>
      tpu.vector_store %arg12[%swap3A_159, %swap3A_160], %swap3A_163 {strides = array<i32>} : memref<128x128xf32, #tpu.memory_space<vmem>>, vector<1x16xf32>,
      %broadcast_in_dim3A_164 = arith.constant 0.000000e+00 : f32
      %broadcast_in_dim3A_165 = vector.broadcast %broadcast_in_dim3A_164 : f32 to vector<16xf32>
      %swap3A_166 = arith.index_cast %scan3A_123 : i32 to index
      %swap3A_167 = arith.constant 96 : index
      %swap3A_168 = tpu.vector_load %arg12[%swap3A_166, %swap3A_167] {strides = array<i32>} : memref<128x128xf32, #tpu.memory_space<vmem>>, vector<1x16xf32>,
      %swap3A_169 = vector.shape_cast %swap3A_168 : vector<1x16xf32> to vector<16xf32>
      %swap3A_170 = vector.shape_cast %broadcast_in_dim3A_165 : vector<16xf32> to vector<1x16xf32>
      tpu.vector_store %arg12[%swap3A_166, %swap3A_167], %swap3A_170 {strides = array<i32>} : memref<128x128xf32, #tpu.memory_space<vmem>>, vector<1x16xf32>,
      %broadcast_in_dim3A_171 = arith.constant 0.000000e+00 : f32
      %broadcast_in_dim3A_172 = vector.broadcast %broadcast_in_dim3A_171 : f32 to vector<16xf32>
      %swap3A_173 = arith.index_cast %scan3A_123 : i32 to index
      %swap3A_174 = arith.constant 112 : index
      %swap3A_175 = tpu.vector_load %arg12[%swap3A_173, %swap3A_174] {strides = array<i32>} : memref<128x128xf32, #tpu.memory_space<vmem>>, vector<1x16xf32>,
      %swap3A_176 = vector.shape_cast %swap3A_175 : vector<1x16xf32> to vector<16xf32>
      %swap3A_177 = vector.shape_cast %broadcast_in_dim3A_172 : vector<16xf32> to vector<1x16xf32>
      tpu.vector_store %arg12[%swap3A_173, %swap3A_174], %swap3A_177 {strides = array<i32>} : memref<128x128xf32, #tpu.memory_space<vmem>>, vector<1x16xf32>,
    }
    %scan3A_12 = arith.constant 128 : i32
    %mul3A_13 = arith.constant 624 : i32
    %mul3A_14 = arith.muli %arg1, %mul3A_13 : i32
    %add3A_15 = arith.constant 0 : i32
    %add3A_16 = arith.addi %mul3A_14, %add3A_15 : i32
    "tpu.region"() ({
      %run_scoped3A_123 = tpu.sem_alloc : memref<!tpu.dma_semaphore, #tpu.memory_space<semaphore_mem>>
      %dma_start3A_124 = arith.constant 0 : i32
      %dma_start3A_125 = arith.constant 0 : i32
      %dma_start3A_126 = tpu.memref_slice %arg12[%dma_start3A_124, %dma_start3A_125] : memref<128x128xf32, #tpu.memory_space<vmem>> -> memref<128x128xf32, #tpu.memory_space<vmem>>
      %dma_start3A_127 = arith.constant 0 : i32
      %dma_start3A_128 = tpu.memref_slice %arg13[%add3A_16, %dma_start3A_127] : memref<10000x128xf32, #tpu.memory_space<vmem_shared>> -> memref<128x128xf32, #tpu.memory_space<vmem_shared>>
      %dma_start3A_129 = arith.constant 0 : i32
      %dma_start3A_130 = tpu.memref_slice %arg13[%add3A_16, %dma_start3A_129] : memref<10000x128xf32, #tpu.memory_space<vmem_shared>> -> memref<128x128xf32, #tpu.memory_space<vmem_shared>>
      %dma_start3A_131 = arith.constant 0 : i32
      %dma_start3A_132 = arith.constant 0 : i32
      %dma_start3A_133 = tpu.memref_slice %arg12[%dma_start3A_131, %dma_start3A_132] : memref<128x128xf32, #tpu.memory_space<vmem>> -> memref<128x128xf32, #tpu.memory_space<vmem>>
      tpu.enqueue_dma source(%dma_start3A_133 : memref<128x128xf32, #tpu.memory_space<vmem>>) target(%dma_start3A_130 : memref<128x128xf32, #tpu.memory_space<vmem_shared>>) target_semaphore(%run_scoped3A_123 : memref<!tpu.dma_semaphore, #tpu.memory_space<semaphore_mem>>)
      %dma_wait3A_134 = arith.constant 0 : i32
      %dma_wait3A_135 = arith.constant 0 : i32
      %dma_wait3A_136 = tpu.memref_slice %arg12[%dma_wait3A_134, %dma_wait3A_135] : memref<128x128xf32, #tpu.memory_space<vmem>> -> memref<128x128xf32, #tpu.memory_space<vmem>>
      %dma_wait3A_137 = arith.constant 0 : i32
      %dma_wait3A_138 = tpu.memref_slice %arg13[%add3A_16, %dma_wait3A_137] : memref<10000x128xf32, #tpu.memory_space<vmem_shared>> -> memref<128x128xf32, #tpu.memory_space<vmem_shared>>
      %dma_wait3A_139 = arith.constant 0 : i32
      %dma_wait3A_140 = tpu.memref_slice %arg13[%add3A_16, %dma_wait3A_139] : memref<10000x128xf32, #tpu.memory_space<vmem_shared>> -> memref<128x128xf32, #tpu.memory_space<vmem_shared>>
      %dma_wait3A_141 = arith.constant 0 : i32
      %dma_wait3A_142 = arith.constant 0 : i32
      %dma_wait3A_143 = tpu.memref_slice %arg12[%dma_wait3A_141, %dma_wait3A_142] : memref<128x128xf32, #tpu.memory_space<vmem>> -> memref<128x128xf32, #tpu.memory_space<vmem>>
      tpu.wait_dma2 semaphore(%run_scoped3A_123 : memref<!tpu.dma_semaphore, #tpu.memory_space<semaphore_mem>>) src(%dma_wait3A_143 : memref<128x128xf32, #tpu.memory_space<vmem>>) dst(%dma_wait3A_140 : memref<128x128xf32, #tpu.memory_space<vmem_shared>>)
      tpu.yield
    }) : () -> ()
    %mul3A_17 = arith.constant 624 : i32
    %mul3A_18 = arith.muli %arg1, %mul3A_17 : i32
    %add3A_19 = arith.constant 128 : i32
    %add3A_20 = arith.addi %mul3A_18, %add3A_19 : i32
    "tpu.region"() ({
      %run_scoped3A_123 = tpu.sem_alloc : memref<!tpu.dma_semaphore, #tpu.memory_space<semaphore_mem>>
      %dma_start3A_124 = arith.constant 0 : i32
      %dma_start3A_125 = arith.constant 0 : i32
      %dma_start3A_126 = tpu.memref_slice %arg12[%dma_start3A_124, %dma_start3A_125] : memref<128x128xf32, #tpu.memory_space<vmem>> -> memref<128x128xf32, #tpu.memory_space<vmem>>
      %dma_start3A_127 = arith.constant 0 : i32
      %dma_start3A_128 = tpu.memref_slice %arg13[%add3A_20, %dma_start3A_127] : memref<10000x128xf32, #tpu.memory_space<vmem_shared>> -> memref<128x128xf32, #tpu.memory_space<vmem_shared>>
      %dma_start3A_129 = arith.constant 0 : i32
      %dma_start3A_130 = tpu.memref_slice %arg13[%add3A_20, %dma_start3A_129] : memref<10000x128xf32, #tpu.memory_space<vmem_shared>> -> memref<128x128xf32, #tpu.memory_space<vmem_shared>>
      %dma_start3A_131 = arith.constant 0 : i32
      %dma_start3A_132 = arith.constant 0 : i32
      %dma_start3A_133 = tpu.memref_slice %arg12[%dma_start3A_131, %dma_start3A_132] : memref<128x128xf32, #tpu.memory_space<vmem>> -> memref<128x128xf32, #tpu.memory_space<vmem>>
      tpu.enqueue_dma source(%dma_start3A_133 : memref<128x128xf32, #tpu.memory_space<vmem>>) target(%dma_start3A_130 : memref<128x128xf32, #tpu.memory_space<vmem_shared>>) target_semaphore(%run_scoped3A_123 : memref<!tpu.dma_semaphore, #tpu.memory_space<semaphore_mem>>)
      %dma_wait3A_134 = arith.constant 0 : i32
      %dma_wait3A_135 = arith.constant 0 : i32
      %dma_wait3A_136 = tpu.memref_slice %arg12[%dma_wait3A_134, %dma_wait3A_135] : memref<128x128xf32, #tpu.memory_space<vmem>> -> memref<128x128xf32, #tpu.memory_space<vmem>>
      %dma_wait3A_137 = arith.constant 0 : i32
      %dma_wait3A_138 = tpu.memref_slice %arg13[%add3A_20, %dma_wait3A_137] : memref<10000x128xf32, #tpu.memory_space<vmem_shared>> -> memref<128x128xf32, #tpu.memory_space<vmem_shared>>
      %dma_wait3A_139 = arith.constant 0 : i32
      %dma_wait3A_140 = tpu.memref_slice %arg13[%add3A_20, %dma_wait3A_139] : memref<10000x128xf32, #tpu.memory_space<vmem_shared>> -> memref<128x128xf32, #tpu.memory_space<vmem_shared>>
      %dma_wait3A_141 = arith.constant 0 : i32
      %dma_wait3A_142 = arith.constant 0 : i32
      %dma_wait3A_143 = tpu.memref_slice %arg12[%dma_wait3A_141, %dma_wait3A_142] : memref<128x128xf32, #tpu.memory_space<vmem>> -> memref<128x128xf32, #tpu.memory_space<vmem>>
      tpu.wait_dma2 semaphore(%run_scoped3A_123 : memref<!tpu.dma_semaphore, #tpu.memory_space<semaphore_mem>>) src(%dma_wait3A_143 : memref<128x128xf32, #tpu.memory_space<vmem>>) dst(%dma_wait3A_140 : memref<128x128xf32, #tpu.memory_space<vmem_shared>>)
      tpu.yield
    }) : () -> ()
    %mul3A_21 = arith.constant 624 : i32
    %mul3A_22 = arith.muli %arg1, %mul3A_21 : i32
    %add3A_23 = arith.constant 256 : i32
    %add3A_24 = arith.addi %mul3A_22, %add3A_23 : i32
    "tpu.region"() ({
      %run_scoped3A_123 = tpu.sem_alloc : memref<!tpu.dma_semaphore, #tpu.memory_space<semaphore_mem>>
      %dma_start3A_124 = arith.constant 0 : i32
      %dma_start3A_125 = arith.constant 0 : i32
      %dma_start3A_126 = tpu.memref_slice %arg12[%dma_start3A_124, %dma_start3A_125] : memref<128x128xf32, #tpu.memory_space<vmem>> -> memref<128x128xf32, #tpu.memory_space<vmem>>
      %dma_start3A_127 = arith.constant 0 : i32
      %dma_start3A_128 = tpu.memref_slice %arg13[%add3A_24, %dma_start3A_127] : memref<10000x128xf32, #tpu.memory_space<vmem_shared>> -> memref<128x128xf32, #tpu.memory_space<vmem_shared>>
      %dma_start3A_129 = arith.constant 0 : i32
      %dma_start3A_130 = tpu.memref_slice %arg13[%add3A_24, %dma_start3A_129] : memref<10000x128xf32, #tpu.memory_space<vmem_shared>> -> memref<128x128xf32, #tpu.memory_space<vmem_shared>>
      %dma_start3A_131 = arith.constant 0 : i32
      %dma_start3A_132 = arith.constant 0 : i32
      %dma_start3A_133 = tpu.memref_slice %arg12[%dma_start3A_131, %dma_start3A_132] : memref<128x128xf32, #tpu.memory_space<vmem>> -> memref<128x128xf32, #tpu.memory_space<vmem>>
      tpu.enqueue_dma source(%dma_start3A_133 : memref<128x128xf32, #tpu.memory_space<vmem>>) target(%dma_start3A_130 : memref<128x128xf32, #tpu.memory_space<vmem_shared>>) target_semaphore(%run_scoped3A_123 : memref<!tpu.dma_semaphore, #tpu.memory_space<semaphore_mem>>)
      %dma_wait3A_134 = arith.constant 0 : i32
      %dma_wait3A_135 = arith.constant 0 : i32
      %dma_wait3A_136 = tpu.memref_slice %arg12[%dma_wait3A_134, %dma_wait3A_135] : memref<128x128xf32, #tpu.memory_space<vmem>> -> memref<128x128xf32, #tpu.memory_space<vmem>>
      %dma_wait3A_137 = arith.constant 0 : i32
      %dma_wait3A_138 = tpu.memref_slice %arg13[%add3A_24, %dma_wait3A_137] : memref<10000x128xf32, #tpu.memory_space<vmem_shared>> -> memref<128x128xf32, #tpu.memory_space<vmem_shared>>
      %dma_wait3A_139 = arith.constant 0 : i32
      %dma_wait3A_140 = tpu.memref_slice %arg13[%add3A_24, %dma_wait3A_139] : memref<10000x128xf32, #tpu.memory_space<vmem_shared>> -> memref<128x128xf32, #tpu.memory_space<vmem_shared>>
      %dma_wait3A_141 = arith.constant 0 : i32
      %dma_wait3A_142 = arith.constant 0 : i32
      %dma_wait3A_143 = tpu.memref_slice %arg12[%dma_wait3A_141, %dma_wait3A_142] : memref<128x128xf32, #tpu.memory_space<vmem>> -> memref<128x128xf32, #tpu.memory_space<vmem>>
      tpu.wait_dma2 semaphore(%run_scoped3A_123 : memref<!tpu.dma_semaphore, #tpu.memory_space<semaphore_mem>>) src(%dma_wait3A_143 : memref<128x128xf32, #tpu.memory_space<vmem>>) dst(%dma_wait3A_140 : memref<128x128xf32, #tpu.memory_space<vmem_shared>>)
      tpu.yield
    }) : () -> ()
    %mul3A_25 = arith.constant 624 : i32
    %mul3A_26 = arith.muli %arg1, %mul3A_25 : i32
    %add3A_27 = arith.constant 384 : i32
    %add3A_28 = arith.addi %mul3A_26, %add3A_27 : i32
    "tpu.region"() ({
      %run_scoped3A_123 = tpu.sem_alloc : memref<!tpu.dma_semaphore, #tpu.memory_space<semaphore_mem>>
      %dma_start3A_124 = arith.constant 0 : i32
      %dma_start3A_125 = arith.constant 0 : i32
      %dma_start3A_126 = tpu.memref_slice %arg12[%dma_start3A_124, %dma_start3A_125] : memref<128x128xf32, #tpu.memory_space<vmem>> -> memref<128x128xf32, #tpu.memory_space<vmem>>
      %dma_start3A_127 = arith.constant 0 : i32
      %dma_start3A_128 = tpu.memref_slice %arg13[%add3A_28, %dma_start3A_127] : memref<10000x128xf32, #tpu.memory_space<vmem_shared>> -> memref<128x128xf32, #tpu.memory_space<vmem_shared>>
      %dma_start3A_129 = arith.constant 0 : i32
      %dma_start3A_130 = tpu.memref_slice %arg13[%add3A_28, %dma_start3A_129] : memref<10000x128xf32, #tpu.memory_space<vmem_shared>> -> memref<128x128xf32, #tpu.memory_space<vmem_shared>>
      %dma_start3A_131 = arith.constant 0 : i32
      %dma_start3A_132 = arith.constant 0 : i32
      %dma_start3A_133 = tpu.memref_slice %arg12[%dma_start3A_131, %dma_start3A_132] : memref<128x128xf32, #tpu.memory_space<vmem>> -> memref<128x128xf32, #tpu.memory_space<vmem>>
      tpu.enqueue_dma source(%dma_start3A_133 : memref<128x128xf32, #tpu.memory_space<vmem>>) target(%dma_start3A_130 : memref<128x128xf32, #tpu.memory_space<vmem_shared>>) target_semaphore(%run_scoped3A_123 : memref<!tpu.dma_semaphore, #tpu.memory_space<semaphore_mem>>)
      %dma_wait3A_134 = arith.constant 0 : i32
      %dma_wait3A_135 = arith.constant 0 : i32
      %dma_wait3A_136 = tpu.memref_slice %arg12[%dma_wait3A_134, %dma_wait3A_135] : memref<128x128xf32, #tpu.memory_space<vmem>> -> memref<128x128xf32, #tpu.memory_space<vmem>>
      %dma_wait3A_137 = arith.constant 0 : i32
      %dma_wait3A_138 = tpu.memref_slice %arg13[%add3A_28, %dma_wait3A_137] : memref<10000x128xf32, #tpu.memory_space<vmem_shared>> -> memref<128x128xf32, #tpu.memory_space<vmem_shared>>
      %dma_wait3A_139 = arith.constant 0 : i32
      %dma_wait3A_140 = tpu.memref_slice %arg13[%add3A_28, %dma_wait3A_139] : memref<10000x128xf32, #tpu.memory_space<vmem_shared>> -> memref<128x128xf32, #tpu.memory_space<vmem_shared>>
      %dma_wait3A_141 = arith.constant 0 : i32
      %dma_wait3A_142 = arith.constant 0 : i32
      %dma_wait3A_143 = tpu.memref_slice %arg12[%dma_wait3A_141, %dma_wait3A_142] : memref<128x128xf32, #tpu.memory_space<vmem>> -> memref<128x128xf32, #tpu.memory_space<vmem>>
      tpu.wait_dma2 semaphore(%run_scoped3A_123 : memref<!tpu.dma_semaphore, #tpu.memory_space<semaphore_mem>>) src(%dma_wait3A_143 : memref<128x128xf32, #tpu.memory_space<vmem>>) dst(%dma_wait3A_140 : memref<128x128xf32, #tpu.memory_space<vmem_shared>>)
      tpu.yield
    }) : () -> ()
    %mul3A_29 = arith.constant 624 : i32
    %mul3A_30 = arith.muli %arg1, %mul3A_29 : i32
    %add3A_31 = arith.constant 512 : i32
    %add3A_32 = arith.addi %mul3A_30, %add3A_31 : i32
    "tpu.region"() ({
      %run_scoped3A_123 = tpu.sem_alloc : memref<!tpu.dma_semaphore, #tpu.memory_space<semaphore_mem>>
      %dma_start3A_124 = arith.constant 0 : i32
      %dma_start3A_125 = arith.constant 0 : i32
      %dma_start3A_126 = tpu.memref_slice %arg12[%dma_start3A_124, %dma_start3A_125] : memref<128x128xf32, #tpu.memory_space<vmem>> -> memref<112x128xf32, #tpu.memory_space<vmem>>
      %dma_start3A_127 = arith.constant 0 : i32
      %dma_start3A_128 = tpu.memref_slice %arg13[%add3A_32, %dma_start3A_127] : memref<10000x128xf32, #tpu.memory_space<vmem_shared>> -> memref<112x128xf32, #tpu.memory_space<vmem_shared>>
      %dma_start3A_129 = arith.constant 0 : i32
      %dma_start3A_130 = tpu.memref_slice %arg13[%add3A_32, %dma_start3A_129] : memref<10000x128xf32, #tpu.memory_space<vmem_shared>> -> memref<112x128xf32, #tpu.memory_space<vmem_shared>>
      %dma_start3A_131 = arith.constant 0 : i32
      %dma_start3A_132 = arith.constant 0 : i32
      %dma_start3A_133 = tpu.memref_slice %arg12[%dma_start3A_131, %dma_start3A_132] : memref<128x128xf32, #tpu.memory_space<vmem>> -> memref<112x128xf32, #tpu.memory_space<vmem>>
      tpu.enqueue_dma source(%dma_start3A_133 : memref<112x128xf32, #tpu.memory_space<vmem>>) target(%dma_start3A_130 : memref<112x128xf32, #tpu.memory_space<vmem_shared>>) target_semaphore(%run_scoped3A_123 : memref<!tpu.dma_semaphore, #tpu.memory_space<semaphore_mem>>)
      %dma_wait3A_134 = arith.constant 0 : i32
      %dma_wait3A_135 = arith.constant 0 : i32
      %dma_wait3A_136 = tpu.memref_slice %arg12[%dma_wait3A_134, %dma_wait3A_135] : memref<128x128xf32, #tpu.memory_space<vmem>> -> memref<112x128xf32, #tpu.memory_space<vmem>>
      %dma_wait3A_137 = arith.constant 0 : i32
      %dma_wait3A_138 = tpu.memref_slice %arg13[%add3A_32, %dma_wait3A_137] : memref<10000x128xf32, #tpu.memory_space<vmem_shared>> -> memref<112x128xf32, #tpu.memory_space<vmem_shared>>
      %dma_wait3A_139 = arith.constant 0 : i32
      %dma_wait3A_140 = tpu.memref_slice %arg13[%add3A_32, %dma_wait3A_139] : memref<10000x128xf32, #tpu.memory_space<vmem_shared>> -> memref<112x128xf32, #tpu.memory_space<vmem_shared>>
      %dma_wait3A_141 = arith.constant 0 : i32
      %dma_wait3A_142 = arith.constant 0 : i32
      %dma_wait3A_143 = tpu.memref_slice %arg12[%dma_wait3A_141, %dma_wait3A_142] : memref<128x128xf32, #tpu.memory_space<vmem>> -> memref<112x128xf32, #tpu.memory_space<vmem>>
      tpu.wait_dma2 semaphore(%run_scoped3A_123 : memref<!tpu.dma_semaphore, #tpu.memory_space<semaphore_mem>>) src(%dma_wait3A_143 : memref<112x128xf32, #tpu.memory_space<vmem>>) dst(%dma_wait3A_140 : memref<112x128xf32, #tpu.memory_space<vmem_shared>>)
      tpu.yield
    }) : () -> ()
    %eq3A = arith.constant 15 : i32
    %eq3A_33 = arith.cmpi eq, %arg1, %eq3A : i32
    %convert_element_type3A = arith.extui %eq3A_33 : i1 to i32
    %cond3A = arith.constant 0 : i32
    %cond3A_34 = arith.cmpi ne, %convert_element_type3A, %cond3A : i32
    scf.if %cond3A_34 {
      "tpu.region"() ({
        %run_scoped3A_123 = tpu.sem_alloc : memref<!tpu.dma_semaphore, #tpu.memory_space<semaphore_mem>>
        %dma_start3A_124 = arith.constant 0 : i32
        %dma_start3A_125 = arith.constant 0 : i32
        %dma_start3A_126 = tpu.memref_slice %arg12[%dma_start3A_124, %dma_start3A_125] : memref<128x128xf32, #tpu.memory_space<vmem>> -> memref<16x128xf32, #tpu.memory_space<vmem>>
        %dma_start3A_127 = arith.constant 9984 : i32
        %dma_start3A_128 = arith.constant 0 : i32
        %dma_start3A_129 = tpu.memref_slice %arg13[%dma_start3A_127, %dma_start3A_128] : memref<10000x128xf32, #tpu.memory_space<vmem_shared>> -> memref<16x128xf32, #tpu.memory_space<vmem_shared>>
        %dma_start3A_130 = arith.constant 9984 : i32
        %dma_start3A_131 = arith.constant 0 : i32
        %dma_start3A_132 = tpu.memref_slice %arg13[%dma_start3A_130, %dma_start3A_131] : memref<10000x128xf32, #tpu.memory_space<vmem_shared>> -> memref<16x128xf32, #tpu.memory_space<vmem_shared>>
        %dma_start3A_133 = arith.constant 0 : i32
        %dma_start3A_134 = arith.constant 0 : i32
        %dma_start3A_135 = tpu.memref_slice %arg12[%dma_start3A_133, %dma_start3A_134] : memref<128x128xf32, #tpu.memory_space<vmem>> -> memref<16x128xf32, #tpu.memory_space<vmem>>
        tpu.enqueue_dma source(%dma_start3A_135 : memref<16x128xf32, #tpu.memory_space<vmem>>) target(%dma_start3A_132 : memref<16x128xf32, #tpu.memory_space<vmem_shared>>) target_semaphore(%run_scoped3A_123 : memref<!tpu.dma_semaphore, #tpu.memory_space<semaphore_mem>>)
        %dma_wait3A_136 = arith.constant 0 : i32
        %dma_wait3A_137 = arith.constant 0 : i32
        %dma_wait3A_138 = tpu.memref_slice %arg12[%dma_wait3A_136, %dma_wait3A_137] : memref<128x128xf32, #tpu.memory_space<vmem>> -> memref<16x128xf32, #tpu.memory_space<vmem>>
        %dma_wait3A_139 = arith.constant 9984 : i32
        %dma_wait3A_140 = arith.constant 0 : i32
        %dma_wait3A_141 = tpu.memref_slice %arg13[%dma_wait3A_139, %dma_wait3A_140] : memref<10000x128xf32, #tpu.memory_space<vmem_shared>> -> memref<16x128xf32, #tpu.memory_space<vmem_shared>>
        %dma_wait3A_142 = arith.constant 9984 : i32
        %dma_wait3A_143 = arith.constant 0 : i32
        %dma_wait3A_144 = tpu.memref_slice %arg13[%dma_wait3A_142, %dma_wait3A_143] : memref<10000x128xf32, #tpu.memory_space<vmem_shared>> -> memref<16x128xf32, #tpu.memory_space<vmem_shared>>
        %dma_wait3A_145 = arith.constant 0 : i32
        %dma_wait3A_146 = arith.constant 0 : i32
        %dma_wait3A_147 = tpu.memref_slice %arg12[%dma_wait3A_145, %dma_wait3A_146] : memref<128x128xf32, #tpu.memory_space<vmem>> -> memref<16x128xf32, #tpu.memory_space<vmem>>
        tpu.wait_dma2 semaphore(%run_scoped3A_123 : memref<!tpu.dma_semaphore, #tpu.memory_space<semaphore_mem>>) src(%dma_wait3A_147 : memref<16x128xf32, #tpu.memory_space<vmem>>) dst(%dma_wait3A_144 : memref<16x128xf32, #tpu.memory_space<vmem_shared>>)
        tpu.yield
      }) : () -> ()
    } else {
    }
    %barrier3A = arith.constant 0 : index
    tpu.barrier barrier_id(%barrier3A)
    %scan3A_35 = arith.constant 0 : i32
    %scan3A_36 = arith.constant 0 : i32
    %scan3A_37 = arith.constant 13 : i32
    %scan3A_38 = arith.addi %scan3A_36, %scan3A_37 : i32
    %scan3A_39 = arith.constant 1 : i32
    scf.for %scan3A_123 = %scan3A_36 to %scan3A_38 step %scan3A_39  : i32 {
      %gt3A = arith.constant 0 : i32
      %gt3A_124 = arith.cmpi sgt, %scan3A_123, %gt3A : i32
      %convert_element_type3A_125 = arith.extui %gt3A_124 : i1 to i32
      %cond3A_126 = arith.constant 0 : i32
      %cond3A_127 = arith.cmpi ne, %convert_element_type3A_125, %cond3A_126 : i32
      scf.if %cond3A_127 {
        %dma_wait3A_191 = arith.constant 1 : i32
        %dma_wait3A_192 = arith.constant 0 : i32
        %dma_wait3A_193 = tpu.memref_slice %arg9[%dma_wait3A_191, %dma_wait3A_192] : memref<26x128xi32, #tpu.memory_space<vmem>> -> memref<1x128xi32, #tpu.memory_space<vmem>>
        %dma_wait3A_194 = tpu.memref_squeeze %dma_wait3A_193 : memref<1x128xi32, #tpu.memory_space<vmem>> -> memref<128xi32, #tpu.memory_space<vmem>>
        %dma_wait3A_195 = arith.constant 0 : i32
        %dma_wait3A_196 = arith.constant 0 : i32
        %dma_wait3A_197 = tpu.memref_slice %arg13[%dma_wait3A_195, %dma_wait3A_196] : memref<10000x128xf32, #tpu.memory_space<vmem_shared>> -> memref<10000x128xf32, #tpu.memory_space<vmem_shared>>
        tpu.wait_indirect_dma semaphore(%arg18 : memref<!tpu.dma_semaphore, #tpu.memory_space<semaphore_mem>>) src(%arg12 : memref<128x128xf32, #tpu.memory_space<vmem>>) dst(%dma_wait3A_197 : memref<10000x128xf32, #tpu.memory_space<vmem_shared>>)
      } else {
      }
      %mul3A_128 = arith.constant 2 : i32
      %mul3A_129 = arith.muli %mul3A_128, %scan3A_123 : i32
      %add3A_130 = arith.constant 1 : i32
      %add3A_131 = arith.addi %mul3A_129, %add3A_130 : i32
      %dma_start3A_132 = arith.constant 0 : i32
      %dma_start3A_133 = tpu.memref_slice %arg7[%add3A_131, %dma_start3A_132] : memref<26x128xi32, #tpu.memory_space<vmem>> -> memref<1x128xi32, #tpu.memory_space<vmem>>
      %dma_start3A_134 = tpu.memref_squeeze %dma_start3A_133 : memref<1x128xi32, #tpu.memory_space<vmem>> -> memref<128xi32, #tpu.memory_space<vmem>>
      %dma_start3A_135 = arith.constant 0 : i32
      %dma_start3A_136 = arith.constant 0 : i32
      %dma_start3A_137 = tpu.memref_slice %arg2[%dma_start3A_135, %dma_start3A_136] : memref<10000x128xf32, #tpu.memory_space<hbm>> -> memref<10000x128xf32, #tpu.memory_space<hbm>>
      tpu.enqueue_indirect_dma source(%dma_start3A_137 : memref<10000x128xf32, #tpu.memory_space<hbm>>) target(%arg12 : memref<128x128xf32, #tpu.memory_space<vmem>>) offsets(%dma_start3A_134 : memref<128xi32, #tpu.memory_space<vmem>>) semaphore(%arg16 : memref<!tpu.dma_semaphore, #tpu.memory_space<semaphore_mem>>)
      %mul3A_138 = arith.constant 2 : i32
      %mul3A_139 = arith.muli %mul3A_138, %scan3A_123 : i32
      %dma_wait3A_140 = arith.constant 0 : i32
      %dma_wait3A_141 = tpu.memref_slice %arg7[%mul3A_139, %dma_wait3A_140] : memref<26x128xi32, #tpu.memory_space<vmem>> -> memref<1x128xi32, #tpu.memory_space<vmem>>
      %dma_wait3A_142 = tpu.memref_squeeze %dma_wait3A_141 : memref<1x128xi32, #tpu.memory_space<vmem>> -> memref<128xi32, #tpu.memory_space<vmem>>
      %dma_wait3A_143 = arith.constant 0 : i32
      %dma_wait3A_144 = arith.constant 0 : i32
      %dma_wait3A_145 = tpu.memref_slice %arg2[%dma_wait3A_143, %dma_wait3A_144] : memref<10000x128xf32, #tpu.memory_space<hbm>> -> memref<10000x128xf32, #tpu.memory_space<hbm>>
      tpu.wait_indirect_dma semaphore(%arg15 : memref<!tpu.dma_semaphore, #tpu.memory_space<semaphore_mem>>) src(%dma_wait3A_145 : memref<10000x128xf32, #tpu.memory_space<hbm>>) dst(%arg11 : memref<128x128xf32, #tpu.memory_space<vmem>>)
      %mul3A_146 = arith.constant 2 : i32
      %mul3A_147 = arith.muli %mul3A_146, %scan3A_123 : i32
      %dma_start3A_148 = arith.constant 0 : i32
      %dma_start3A_149 = tpu.memref_slice %arg9[%mul3A_147, %dma_start3A_148] : memref<26x128xi32, #tpu.memory_space<vmem>> -> memref<1x128xi32, #tpu.memory_space<vmem>>
      %dma_start3A_150 = tpu.memref_squeeze %dma_start3A_149 : memref<1x128xi32, #tpu.memory_space<vmem>> -> memref<128xi32, #tpu.memory_space<vmem>>
      %dma_start3A_151 = arith.constant 0 : i32
      %dma_start3A_152 = arith.constant 0 : i32
      %dma_start3A_153 = tpu.memref_slice %arg13[%dma_start3A_151, %dma_start3A_152] : memref<10000x128xf32, #tpu.memory_space<vmem_shared>> -> memref<10000x128xf32, #tpu.memory_space<vmem_shared>>
      tpu.enqueue_indirect_dma source(%arg11 : memref<128x128xf32, #tpu.memory_space<vmem>>) target(%dma_start3A_153 : memref<10000x128xf32, #tpu.memory_space<vmem_shared>>) offsets(%dma_start3A_150 : memref<128xi32, #tpu.memory_space<vmem>>) semaphore(%arg17 : memref<!tpu.dma_semaphore, #tpu.memory_space<semaphore_mem>>) {add = true}
      %mul3A_154 = arith.constant 2 : i32
      %mul3A_155 = arith.muli %mul3A_154, %scan3A_123 : i32
      %add3A_156 = arith.constant 1 : i32
      %add3A_157 = arith.addi %mul3A_155, %add3A_156 : i32
      %dma_wait3A_158 = arith.constant 0 : i32
      %dma_wait3A_159 = tpu.memref_slice %arg7[%add3A_157, %dma_wait3A_158] : memref<26x128xi32, #tpu.memory_space<vmem>> -> memref<1x128xi32, #tpu.memory_space<vmem>>
      %dma_wait3A_160 = tpu.memref_squeeze %dma_wait3A_159 : memref<1x128xi32, #tpu.memory_space<vmem>> -> memref<128xi32, #tpu.memory_space<vmem>>
      %dma_wait3A_161 = arith.constant 0 : i32
      %dma_wait3A_162 = arith.constant 0 : i32
      %dma_wait3A_163 = tpu.memref_slice %arg2[%dma_wait3A_161, %dma_wait3A_162] : memref<10000x128xf32, #tpu.memory_space<hbm>> -> memref<10000x128xf32, #tpu.memory_space<hbm>>
      tpu.wait_indirect_dma semaphore(%arg16 : memref<!tpu.dma_semaphore, #tpu.memory_space<semaphore_mem>>) src(%dma_wait3A_163 : memref<10000x128xf32, #tpu.memory_space<hbm>>) dst(%arg12 : memref<128x128xf32, #tpu.memory_space<vmem>>)
      %mul3A_164 = arith.constant 2 : i32
      %mul3A_165 = arith.muli %mul3A_164, %scan3A_123 : i32
      %add3A_166 = arith.constant 1 : i32
      %add3A_167 = arith.addi %mul3A_165, %add3A_166 : i32
      %dma_start3A_168 = arith.constant 0 : i32
      %dma_start3A_169 = tpu.memref_slice %arg9[%add3A_167, %dma_start3A_168] : memref<26x128xi32, #tpu.memory_space<vmem>> -> memref<1x128xi32, #tpu.memory_space<vmem>>
      %dma_start3A_170 = tpu.memref_squeeze %dma_start3A_169 : memref<1x128xi32, #tpu.memory_space<vmem>> -> memref<128xi32, #tpu.memory_space<vmem>>
      %dma_start3A_171 = arith.constant 0 : i32
      %dma_start3A_172 = arith.constant 0 : i32
      %dma_start3A_173 = tpu.memref_slice %arg13[%dma_start3A_171, %dma_start3A_172] : memref<10000x128xf32, #tpu.memory_space<vmem_shared>> -> memref<10000x128xf32, #tpu.memory_space<vmem_shared>>
      tpu.enqueue_indirect_dma source(%arg12 : memref<128x128xf32, #tpu.memory_space<vmem>>) target(%dma_start3A_173 : memref<10000x128xf32, #tpu.memory_space<vmem_shared>>) offsets(%dma_start3A_170 : memref<128xi32, #tpu.memory_space<vmem>>) semaphore(%arg18 : memref<!tpu.dma_semaphore, #tpu.memory_space<semaphore_mem>>) {add = true}
      %dma_wait3A_174 = arith.constant 0 : i32
      %dma_wait3A_175 = arith.constant 0 : i32
      %dma_wait3A_176 = tpu.memref_slice %arg9[%dma_wait3A_174, %dma_wait3A_175] : memref<26x128xi32, #tpu.memory_space<vmem>> -> memref<1x128xi32, #tpu.memory_space<vmem>>
      %dma_wait3A_177 = tpu.memref_squeeze %dma_wait3A_176 : memref<1x128xi32, #tpu.memory_space<vmem>> -> memref<128xi32, #tpu.memory_space<vmem>>
      %dma_wait3A_178 = arith.constant 0 : i32
      %dma_wait3A_179 = arith.constant 0 : i32
      %dma_wait3A_180 = tpu.memref_slice %arg13[%dma_wait3A_178, %dma_wait3A_179] : memref<10000x128xf32, #tpu.memory_space<vmem_shared>> -> memref<10000x128xf32, #tpu.memory_space<vmem_shared>>
      tpu.wait_indirect_dma semaphore(%arg17 : memref<!tpu.dma_semaphore, #tpu.memory_space<semaphore_mem>>) src(%arg11 : memref<128x128xf32, #tpu.memory_space<vmem>>) dst(%dma_wait3A_180 : memref<10000x128xf32, #tpu.memory_space<vmem_shared>>)
      %lt3A_181 = arith.constant 12 : i32
      %lt3A_182 = arith.cmpi slt, %scan3A_123, %lt3A_181 : i32
      %convert_element_type3A_183 = arith.extui %lt3A_182 : i1 to i32
      %cond3A_184 = arith.constant 0 : i32
      %cond3A_185 = arith.cmpi ne, %convert_element_type3A_183, %cond3A_184 : i32
      scf.if %cond3A_185 {
        %mul3A_191 = arith.constant 2 : i32
        %mul3A_192 = arith.muli %mul3A_191, %scan3A_123 : i32
        %add3A_193 = arith.constant 2 : i32
        %add3A_194 = arith.addi %mul3A_192, %add3A_193 : i32
        %dma_start3A_195 = arith.constant 0 : i32
        %dma_start3A_196 = tpu.memref_slice %arg7[%add3A_194, %dma_start3A_195] : memref<26x128xi32, #tpu.memory_space<vmem>> -> memref<1x128xi32, #tpu.memory_space<vmem>>
        %dma_start3A_197 = tpu.memref_squeeze %dma_start3A_196 : memref<1x128xi32, #tpu.memory_space<vmem>> -> memref<128xi32, #tpu.memory_space<vmem>>
        %dma_start3A_198 = arith.constant 0 : i32
        %dma_start3A_199 = arith.constant 0 : i32
        %dma_start3A_200 = tpu.memref_slice %arg2[%dma_start3A_198, %dma_start3A_199] : memref<10000x128xf32, #tpu.memory_space<hbm>> -> memref<10000x128xf32, #tpu.memory_space<hbm>>
        tpu.enqueue_indirect_dma source(%dma_start3A_200 : memref<10000x128xf32, #tpu.memory_space<hbm>>) target(%arg11 : memref<128x128xf32, #tpu.memory_space<vmem>>) offsets(%dma_start3A_197 : memref<128xi32, #tpu.memory_space<vmem>>) semaphore(%arg15 : memref<!tpu.dma_semaphore, #tpu.memory_space<semaphore_mem>>)
      } else {
      }
      %eq3A_186 = arith.constant 0 : i32
      %eq3A_187 = arith.cmpi eq, %scan3A_123, %eq3A_186 : i32
      %convert_element_type3A_188 = arith.extui %eq3A_187 : i1 to i32
      %cond3A_189 = arith.constant 0 : i32
      %cond3A_190 = arith.cmpi ne, %convert_element_type3A_188, %cond3A_189 : i32
      scf.if %cond3A_190 {
        %dma_start3A_191 = arith.constant 1 : i32
        %dma_start3A_192 = arith.constant 0 : i32
        %dma_start3A_193 = arith.constant 0 : i32
        %dma_start3A_194 = tpu.memref_slice %arg3[%add3A, %dma_start3A_191, %dma_start3A_192, %dma_start3A_193] : memref<32x3x26x128xi32, #tpu.memory_space<hbm>> -> memref<1x1x26x128xi32, #tpu.memory_space<hbm>>
        %dma_start3A_195 = tpu.memref_squeeze %dma_start3A_194 : memref<1x1x26x128xi32, #tpu.memory_space<hbm>> -> memref<26x128xi32, #tpu.memory_space<hbm>>
        %dma_start3A_196 = arith.constant 0 : i32
        %dma_start3A_197 = arith.constant 0 : i32
        %dma_start3A_198 = tpu.memref_slice %arg3[%add3A, %dma_start3A_191, %dma_start3A_196, %dma_start3A_197] : memref<32x3x26x128xi32, #tpu.memory_space<hbm>> -> memref<1x1x26x128xi32, #tpu.memory_space<hbm>>
        %dma_start3A_199 = tpu.memref_squeeze %dma_start3A_198 : memref<1x1x26x128xi32, #tpu.memory_space<hbm>> -> memref<26x128xi32, #tpu.memory_space<hbm>>
        tpu.enqueue_dma source(%dma_start3A_199 : memref<26x128xi32, #tpu.memory_space<hbm>>) target(%arg8 : memref<26x128xi32, #tpu.memory_space<vmem>>) target_semaphore(%arg14 : memref<!tpu.dma_semaphore, #tpu.memory_space<semaphore_mem>>)
        %dma_start3A_200 = arith.constant 1 : i32
        %dma_start3A_201 = arith.constant 0 : i32
        %dma_start3A_202 = arith.constant 0 : i32
        %dma_start3A_203 = tpu.memref_slice %arg4[%add3A, %dma_start3A_200, %dma_start3A_201, %dma_start3A_202] : memref<32x3x26x128xi32, #tpu.memory_space<hbm>> -> memref<1x1x26x128xi32, #tpu.memory_space<hbm>>
        %dma_start3A_204 = tpu.memref_squeeze %dma_start3A_203 : memref<1x1x26x128xi32, #tpu.memory_space<hbm>> -> memref<26x128xi32, #tpu.memory_space<hbm>>
        %dma_start3A_205 = arith.constant 0 : i32
        %dma_start3A_206 = arith.constant 0 : i32
        %dma_start3A_207 = tpu.memref_slice %arg4[%add3A, %dma_start3A_200, %dma_start3A_205, %dma_start3A_206] : memref<32x3x26x128xi32, #tpu.memory_space<hbm>> -> memref<1x1x26x128xi32, #tpu.memory_space<hbm>>
        %dma_start3A_208 = tpu.memref_squeeze %dma_start3A_207 : memref<1x1x26x128xi32, #tpu.memory_space<hbm>> -> memref<26x128xi32, #tpu.memory_space<hbm>>
        tpu.enqueue_dma source(%dma_start3A_208 : memref<26x128xi32, #tpu.memory_space<hbm>>) target(%arg10 : memref<26x128xi32, #tpu.memory_space<vmem>>) target_semaphore(%arg14 : memref<!tpu.dma_semaphore, #tpu.memory_space<semaphore_mem>>)
      } else {
      }
    }
    %scan3A_40 = arith.constant 13 : i32
    %dma_wait3A = arith.constant 1 : i32
    %dma_wait3A_41 = arith.constant 0 : i32
    %dma_wait3A_42 = arith.constant 0 : i32
    %dma_wait3A_43 = tpu.memref_slice %arg3[%add3A, %dma_wait3A, %dma_wait3A_41, %dma_wait3A_42] : memref<32x3x26x128xi32, #tpu.memory_space<hbm>> -> memref<1x1x26x128xi32, #tpu.memory_space<hbm>>
    %dma_wait3A_44 = tpu.memref_squeeze %dma_wait3A_43 : memref<1x1x26x128xi32, #tpu.memory_space<hbm>> -> memref<26x128xi32, #tpu.memory_space<hbm>>
    %dma_wait3A_45 = arith.constant 0 : i32
    %dma_wait3A_46 = arith.constant 0 : i32
    %dma_wait3A_47 = tpu.memref_slice %arg3[%add3A, %dma_wait3A, %dma_wait3A_45, %dma_wait3A_46] : memref<32x3x26x128xi32, #tpu.memory_space<hbm>> -> memref<1x1x26x128xi32, #tpu.memory_space<hbm>>
    %dma_wait3A_48 = tpu.memref_squeeze %dma_wait3A_47 : memref<1x1x26x128xi32, #tpu.memory_space<hbm>> -> memref<26x128xi32, #tpu.memory_space<hbm>>
    tpu.wait_dma2 semaphore(%arg14 : memref<!tpu.dma_semaphore, #tpu.memory_space<semaphore_mem>>) src(%dma_wait3A_48 : memref<26x128xi32, #tpu.memory_space<hbm>>) dst(%arg8 : memref<26x128xi32, #tpu.memory_space<vmem>>)
    %dma_wait3A_49 = arith.constant 1 : i32
    %dma_wait3A_50 = arith.constant 0 : i32
    %dma_wait3A_51 = arith.constant 0 : i32
    %dma_wait3A_52 = tpu.memref_slice %arg4[%add3A, %dma_wait3A_49, %dma_wait3A_50, %dma_wait3A_51] : memref<32x3x26x128xi32, #tpu.memory_space<hbm>> -> memref<1x1x26x128xi32, #tpu.memory_space<hbm>>
    %dma_wait3A_53 = tpu.memref_squeeze %dma_wait3A_52 : memref<1x1x26x128xi32, #tpu.memory_space<hbm>> -> memref<26x128xi32, #tpu.memory_space<hbm>>
    %dma_wait3A_54 = arith.constant 0 : i32
    %dma_wait3A_55 = arith.constant 0 : i32
    %dma_wait3A_56 = tpu.memref_slice %arg4[%add3A, %dma_wait3A_49, %dma_wait3A_54, %dma_wait3A_55] : memref<32x3x26x128xi32, #tpu.memory_space<hbm>> -> memref<1x1x26x128xi32, #tpu.memory_space<hbm>>
    %dma_wait3A_57 = tpu.memref_squeeze %dma_wait3A_56 : memref<1x1x26x128xi32, #tpu.memory_space<hbm>> -> memref<26x128xi32, #tpu.memory_space<hbm>>
    tpu.wait_dma2 semaphore(%arg14 : memref<!tpu.dma_semaphore, #tpu.memory_space<semaphore_mem>>) src(%dma_wait3A_57 : memref<26x128xi32, #tpu.memory_space<hbm>>) dst(%arg10 : memref<26x128xi32, #tpu.memory_space<vmem>>)
    %dma_start3A_58 = arith.constant 0 : i32
    %dma_start3A_59 = arith.constant 0 : i32
    %dma_start3A_60 = tpu.memref_slice %arg8[%dma_start3A_58, %dma_start3A_59] : memref<26x128xi32, #tpu.memory_space<vmem>> -> memref<1x128xi32, #tpu.memory_space<vmem>>
    %dma_start3A_61 = tpu.memref_squeeze %dma_start3A_60 : memref<1x128xi32, #tpu.memory_space<vmem>> -> memref<128xi32, #tpu.memory_space<vmem>>
    %dma_start3A_62 = arith.constant 0 : i32
    %dma_start3A_63 = arith.constant 0 : i32
    %dma_start3A_64 = tpu.memref_slice %arg2[%dma_start3A_62, %dma_start3A_63] : memref<10000x128xf32, #tpu.memory_space<hbm>> -> memref<10000x128xf32, #tpu.memory_space<hbm>>
    tpu.enqueue_indirect_dma source(%dma_start3A_64 : memref<10000x128xf32, #tpu.memory_space<hbm>>) target(%arg11 : memref<128x128xf32, #tpu.memory_space<vmem>>) offsets(%dma_start3A_61 : memref<128xi32, #tpu.memory_space<vmem>>) semaphore(%arg15 : memref<!tpu.dma_semaphore, #tpu.memory_space<semaphore_mem>>)
    %scan3A_65 = arith.constant 0 : i32
    %scan3A_66 = arith.constant 0 : i32
    %scan3A_67 = arith.constant 13 : i32
    %scan3A_68 = arith.addi %scan3A_66, %scan3A_67 : i32
    %scan3A_69 = arith.constant 1 : i32
    scf.for %scan3A_123 = %scan3A_66 to %scan3A_68 step %scan3A_69  : i32 {
      %dma_wait3A_124 = arith.constant 1 : i32
      %dma_wait3A_125 = arith.constant 0 : i32
      %dma_wait3A_126 = tpu.memref_slice %arg10[%dma_wait3A_124, %dma_wait3A_125] : memref<26x128xi32, #tpu.memory_space<vmem>> -> memref<1x128xi32, #tpu.memory_space<vmem>>
      %dma_wait3A_127 = tpu.memref_squeeze %dma_wait3A_126 : memref<1x128xi32, #tpu.memory_space<vmem>> -> memref<128xi32, #tpu.memory_space<vmem>>
      %dma_wait3A_128 = arith.constant 0 : i32
      %dma_wait3A_129 = arith.constant 0 : i32
      %dma_wait3A_130 = tpu.memref_slice %arg13[%dma_wait3A_128, %dma_wait3A_129] : memref<10000x128xf32, #tpu.memory_space<vmem_shared>> -> memref<10000x128xf32, #tpu.memory_space<vmem_shared>>
      tpu.wait_indirect_dma semaphore(%arg18 : memref<!tpu.dma_semaphore, #tpu.memory_space<semaphore_mem>>) src(%arg12 : memref<128x128xf32, #tpu.memory_space<vmem>>) dst(%dma_wait3A_130 : memref<10000x128xf32, #tpu.memory_space<vmem_shared>>)
      %mul3A_131 = arith.constant 2 : i32
      %mul3A_132 = arith.muli %mul3A_131, %scan3A_123 : i32
      %add3A_133 = arith.constant 1 : i32
      %add3A_134 = arith.addi %mul3A_132, %add3A_133 : i32
      %dma_start3A_135 = arith.constant 0 : i32
      %dma_start3A_136 = tpu.memref_slice %arg8[%add3A_134, %dma_start3A_135] : memref<26x128xi32, #tpu.memory_space<vmem>> -> memref<1x128xi32, #tpu.memory_space<vmem>>
      %dma_start3A_137 = tpu.memref_squeeze %dma_start3A_136 : memref<1x128xi32, #tpu.memory_space<vmem>> -> memref<128xi32, #tpu.memory_space<vmem>>
      %dma_start3A_138 = arith.constant 0 : i32
      %dma_start3A_139 = arith.constant 0 : i32
      %dma_start3A_140 = tpu.memref_slice %arg2[%dma_start3A_138, %dma_start3A_139] : memref<10000x128xf32, #tpu.memory_space<hbm>> -> memref<10000x128xf32, #tpu.memory_space<hbm>>
      tpu.enqueue_indirect_dma source(%dma_start3A_140 : memref<10000x128xf32, #tpu.memory_space<hbm>>) target(%arg12 : memref<128x128xf32, #tpu.memory_space<vmem>>) offsets(%dma_start3A_137 : memref<128xi32, #tpu.memory_space<vmem>>) semaphore(%arg16 : memref<!tpu.dma_semaphore, #tpu.memory_space<semaphore_mem>>)
      %mul3A_141 = arith.constant 2 : i32
      %mul3A_142 = arith.muli %mul3A_141, %scan3A_123 : i32
      %dma_wait3A_143 = arith.constant 0 : i32
      %dma_wait3A_144 = tpu.memref_slice %arg8[%mul3A_142, %dma_wait3A_143] : memref<26x128xi32, #tpu.memory_space<vmem>> -> memref<1x128xi32, #tpu.memory_space<vmem>>
      %dma_wait3A_145 = tpu.memref_squeeze %dma_wait3A_144 : memref<1x128xi32, #tpu.memory_space<vmem>> -> memref<128xi32, #tpu.memory_space<vmem>>
      %dma_wait3A_146 = arith.constant 0 : i32
      %dma_wait3A_147 = arith.constant 0 : i32
      %dma_wait3A_148 = tpu.memref_slice %arg2[%dma_wait3A_146, %dma_wait3A_147] : memref<10000x128xf32, #tpu.memory_space<hbm>> -> memref<10000x128xf32, #tpu.memory_space<hbm>>
      tpu.wait_indirect_dma semaphore(%arg15 : memref<!tpu.dma_semaphore, #tpu.memory_space<semaphore_mem>>) src(%dma_wait3A_148 : memref<10000x128xf32, #tpu.memory_space<hbm>>) dst(%arg11 : memref<128x128xf32, #tpu.memory_space<vmem>>)
      %mul3A_149 = arith.constant 2 : i32
      %mul3A_150 = arith.muli %mul3A_149, %scan3A_123 : i32
      %dma_start3A_151 = arith.constant 0 : i32
      %dma_start3A_152 = tpu.memref_slice %arg10[%mul3A_150, %dma_start3A_151] : memref<26x128xi32, #tpu.memory_space<vmem>> -> memref<1x128xi32, #tpu.memory_space<vmem>>
      %dma_start3A_153 = tpu.memref_squeeze %dma_start3A_152 : memref<1x128xi32, #tpu.memory_space<vmem>> -> memref<128xi32, #tpu.memory_space<vmem>>
      %dma_start3A_154 = arith.constant 0 : i32
      %dma_start3A_155 = arith.constant 0 : i32
      %dma_start3A_156 = tpu.memref_slice %arg13[%dma_start3A_154, %dma_start3A_155] : memref<10000x128xf32, #tpu.memory_space<vmem_shared>> -> memref<10000x128xf32, #tpu.memory_space<vmem_shared>>
      tpu.enqueue_indirect_dma source(%arg11 : memref<128x128xf32, #tpu.memory_space<vmem>>) target(%dma_start3A_156 : memref<10000x128xf32, #tpu.memory_space<vmem_shared>>) offsets(%dma_start3A_153 : memref<128xi32, #tpu.memory_space<vmem>>) semaphore(%arg17 : memref<!tpu.dma_semaphore, #tpu.memory_space<semaphore_mem>>) {add = true}
      %mul3A_157 = arith.constant 2 : i32
      %mul3A_158 = arith.muli %mul3A_157, %scan3A_123 : i32
      %add3A_159 = arith.constant 1 : i32
      %add3A_160 = arith.addi %mul3A_158, %add3A_159 : i32
      %dma_wait3A_161 = arith.constant 0 : i32
      %dma_wait3A_162 = tpu.memref_slice %arg8[%add3A_160, %dma_wait3A_161] : memref<26x128xi32, #tpu.memory_space<vmem>> -> memref<1x128xi32, #tpu.memory_space<vmem>>
      %dma_wait3A_163 = tpu.memref_squeeze %dma_wait3A_162 : memref<1x128xi32, #tpu.memory_space<vmem>> -> memref<128xi32, #tpu.memory_space<vmem>>
      %dma_wait3A_164 = arith.constant 0 : i32
      %dma_wait3A_165 = arith.constant 0 : i32
      %dma_wait3A_166 = tpu.memref_slice %arg2[%dma_wait3A_164, %dma_wait3A_165] : memref<10000x128xf32, #tpu.memory_space<hbm>> -> memref<10000x128xf32, #tpu.memory_space<hbm>>
      tpu.wait_indirect_dma semaphore(%arg16 : memref<!tpu.dma_semaphore, #tpu.memory_space<semaphore_mem>>) src(%dma_wait3A_166 : memref<10000x128xf32, #tpu.memory_space<hbm>>) dst(%arg12 : memref<128x128xf32, #tpu.memory_space<vmem>>)
      %mul3A_167 = arith.constant 2 : i32
      %mul3A_168 = arith.muli %mul3A_167, %scan3A_123 : i32
      %add3A_169 = arith.constant 1 : i32
      %add3A_170 = arith.addi %mul3A_168, %add3A_169 : i32
      %dma_start3A_171 = arith.constant 0 : i32
      %dma_start3A_172 = tpu.memref_slice %arg10[%add3A_170, %dma_start3A_171] : memref<26x128xi32, #tpu.memory_space<vmem>> -> memref<1x128xi32, #tpu.memory_space<vmem>>
      %dma_start3A_173 = tpu.memref_squeeze %dma_start3A_172 : memref<1x128xi32, #tpu.memory_space<vmem>> -> memref<128xi32, #tpu.memory_space<vmem>>
      %dma_start3A_174 = arith.constant 0 : i32
      %dma_start3A_175 = arith.constant 0 : i32
      %dma_start3A_176 = tpu.memref_slice %arg13[%dma_start3A_174, %dma_start3A_175] : memref<10000x128xf32, #tpu.memory_space<vmem_shared>> -> memref<10000x128xf32, #tpu.memory_space<vmem_shared>>
      tpu.enqueue_indirect_dma source(%arg12 : memref<128x128xf32, #tpu.memory_space<vmem>>) target(%dma_start3A_176 : memref<10000x128xf32, #tpu.memory_space<vmem_shared>>) offsets(%dma_start3A_173 : memref<128xi32, #tpu.memory_space<vmem>>) semaphore(%arg18 : memref<!tpu.dma_semaphore, #tpu.memory_space<semaphore_mem>>) {add = true}
      %dma_wait3A_177 = arith.constant 0 : i32
      %dma_wait3A_178 = arith.constant 0 : i32
      %dma_wait3A_179 = tpu.memref_slice %arg10[%dma_wait3A_177, %dma_wait3A_178] : memref<26x128xi32, #tpu.memory_space<vmem>> -> memref<1x128xi32, #tpu.memory_space<vmem>>
      %dma_wait3A_180 = tpu.memref_squeeze %dma_wait3A_179 : memref<1x128xi32, #tpu.memory_space<vmem>> -> memref<128xi32, #tpu.memory_space<vmem>>
      %dma_wait3A_181 = arith.constant 0 : i32
      %dma_wait3A_182 = arith.constant 0 : i32
      %dma_wait3A_183 = tpu.memref_slice %arg13[%dma_wait3A_181, %dma_wait3A_182] : memref<10000x128xf32, #tpu.memory_space<vmem_shared>> -> memref<10000x128xf32, #tpu.memory_space<vmem_shared>>
      tpu.wait_indirect_dma semaphore(%arg17 : memref<!tpu.dma_semaphore, #tpu.memory_space<semaphore_mem>>) src(%arg11 : memref<128x128xf32, #tpu.memory_space<vmem>>) dst(%dma_wait3A_183 : memref<10000x128xf32, #tpu.memory_space<vmem_shared>>)
      %lt3A_184 = arith.constant 12 : i32
      %lt3A_185 = arith.cmpi slt, %scan3A_123, %lt3A_184 : i32
      %convert_element_type3A_186 = arith.extui %lt3A_185 : i1 to i32
      %cond3A_187 = arith.constant 0 : i32
      %cond3A_188 = arith.cmpi ne, %convert_element_type3A_186, %cond3A_187 : i32
      scf.if %cond3A_188 {
        %mul3A_194 = arith.constant 2 : i32
        %mul3A_195 = arith.muli %mul3A_194, %scan3A_123 : i32
        %add3A_196 = arith.constant 2 : i32
        %add3A_197 = arith.addi %mul3A_195, %add3A_196 : i32
        %dma_start3A_198 = arith.constant 0 : i32
        %dma_start3A_199 = tpu.memref_slice %arg8[%add3A_197, %dma_start3A_198] : memref<26x128xi32, #tpu.memory_space<vmem>> -> memref<1x128xi32, #tpu.memory_space<vmem>>
        %dma_start3A_200 = tpu.memref_squeeze %dma_start3A_199 : memref<1x128xi32, #tpu.memory_space<vmem>> -> memref<128xi32, #tpu.memory_space<vmem>>
        %dma_start3A_201 = arith.constant 0 : i32
        %dma_start3A_202 = arith.constant 0 : i32
        %dma_start3A_203 = tpu.memref_slice %arg2[%dma_start3A_201, %dma_start3A_202] : memref<10000x128xf32, #tpu.memory_space<hbm>> -> memref<10000x128xf32, #tpu.memory_space<hbm>>
        tpu.enqueue_indirect_dma source(%dma_start3A_203 : memref<10000x128xf32, #tpu.memory_space<hbm>>) target(%arg11 : memref<128x128xf32, #tpu.memory_space<vmem>>) offsets(%dma_start3A_200 : memref<128xi32, #tpu.memory_space<vmem>>) semaphore(%arg15 : memref<!tpu.dma_semaphore, #tpu.memory_space<semaphore_mem>>)
      } else {
      }
      %eq3A_189 = arith.constant 0 : i32
      %eq3A_190 = arith.cmpi eq, %scan3A_123, %eq3A_189 : i32
      %convert_element_type3A_191 = arith.extui %eq3A_190 : i1 to i32
      %cond3A_192 = arith.constant 0 : i32
      %cond3A_193 = arith.cmpi ne, %convert_element_type3A_191, %cond3A_192 : i32
      scf.if %cond3A_193 {
        %dma_start3A_194 = arith.constant 2 : i32
        %dma_start3A_195 = arith.constant 0 : i32
        %dma_start3A_196 = arith.constant 0 : i32
        %dma_start3A_197 = tpu.memref_slice %arg3[%add3A, %dma_start3A_194, %dma_start3A_195, %dma_start3A_196] : memref<32x3x26x128xi32, #tpu.memory_space<hbm>> -> memref<1x1x26x128xi32, #tpu.memory_space<hbm>>
        %dma_start3A_198 = tpu.memref_squeeze %dma_start3A_197 : memref<1x1x26x128xi32, #tpu.memory_space<hbm>> -> memref<26x128xi32, #tpu.memory_space<hbm>>
        %dma_start3A_199 = arith.constant 0 : i32
        %dma_start3A_200 = arith.constant 0 : i32
        %dma_start3A_201 = tpu.memref_slice %arg3[%add3A, %dma_start3A_194, %dma_start3A_199, %dma_start3A_200] : memref<32x3x26x128xi32, #tpu.memory_space<hbm>> -> memref<1x1x26x128xi32, #tpu.memory_space<hbm>>
        %dma_start3A_202 = tpu.memref_squeeze %dma_start3A_201 : memref<1x1x26x128xi32, #tpu.memory_space<hbm>> -> memref<26x128xi32, #tpu.memory_space<hbm>>
        tpu.enqueue_dma source(%dma_start3A_202 : memref<26x128xi32, #tpu.memory_space<hbm>>) target(%arg7 : memref<26x128xi32, #tpu.memory_space<vmem>>) target_semaphore(%arg14 : memref<!tpu.dma_semaphore, #tpu.memory_space<semaphore_mem>>)
        %dma_start3A_203 = arith.constant 2 : i32
        %dma_start3A_204 = arith.constant 0 : i32
        %dma_start3A_205 = arith.constant 0 : i32
        %dma_start3A_206 = tpu.memref_slice %arg4[%add3A, %dma_start3A_203, %dma_start3A_204, %dma_start3A_205] : memref<32x3x26x128xi32, #tpu.memory_space<hbm>> -> memref<1x1x26x128xi32, #tpu.memory_space<hbm>>
        %dma_start3A_207 = tpu.memref_squeeze %dma_start3A_206 : memref<1x1x26x128xi32, #tpu.memory_space<hbm>> -> memref<26x128xi32, #tpu.memory_space<hbm>>
        %dma_start3A_208 = arith.constant 0 : i32
        %dma_start3A_209 = arith.constant 0 : i32
        %dma_start3A_210 = tpu.memref_slice %arg4[%add3A, %dma_start3A_203, %dma_start3A_208, %dma_start3A_209] : memref<32x3x26x128xi32, #tpu.memory_space<hbm>> -> memref<1x1x26x128xi32, #tpu.memory_space<hbm>>
        %dma_start3A_211 = tpu.memref_squeeze %dma_start3A_210 : memref<1x1x26x128xi32, #tpu.memory_space<hbm>> -> memref<26x128xi32, #tpu.memory_space<hbm>>
        tpu.enqueue_dma source(%dma_start3A_211 : memref<26x128xi32, #tpu.memory_space<hbm>>) target(%arg9 : memref<26x128xi32, #tpu.memory_space<vmem>>) target_semaphore(%arg14 : memref<!tpu.dma_semaphore, #tpu.memory_space<semaphore_mem>>)
      } else {
      }
    }
    %scan3A_70 = arith.constant 13 : i32
    %dma_wait3A_71 = arith.constant 2 : i32
    %dma_wait3A_72 = arith.constant 0 : i32
    %dma_wait3A_73 = arith.constant 0 : i32
    %dma_wait3A_74 = tpu.memref_slice %arg3[%add3A, %dma_wait3A_71, %dma_wait3A_72, %dma_wait3A_73] : memref<32x3x26x128xi32, #tpu.memory_space<hbm>> -> memref<1x1x26x128xi32, #tpu.memory_space<hbm>>
    %dma_wait3A_75 = tpu.memref_squeeze %dma_wait3A_74 : memref<1x1x26x128xi32, #tpu.memory_space<hbm>> -> memref<26x128xi32, #tpu.memory_space<hbm>>
    %dma_wait3A_76 = arith.constant 0 : i32
    %dma_wait3A_77 = arith.constant 0 : i32
    %dma_wait3A_78 = tpu.memref_slice %arg3[%add3A, %dma_wait3A_71, %dma_wait3A_76, %dma_wait3A_77] : memref<32x3x26x128xi32, #tpu.memory_space<hbm>> -> memref<1x1x26x128xi32, #tpu.memory_space<hbm>>
    %dma_wait3A_79 = tpu.memref_squeeze %dma_wait3A_78 : memref<1x1x26x128xi32, #tpu.memory_space<hbm>> -> memref<26x128xi32, #tpu.memory_space<hbm>>
    tpu.wait_dma2 semaphore(%arg14 : memref<!tpu.dma_semaphore, #tpu.memory_space<semaphore_mem>>) src(%dma_wait3A_79 : memref<26x128xi32, #tpu.memory_space<hbm>>) dst(%arg7 : memref<26x128xi32, #tpu.memory_space<vmem>>)
    %dma_wait3A_80 = arith.constant 2 : i32
    %dma_wait3A_81 = arith.constant 0 : i32
    %dma_wait3A_82 = arith.constant 0 : i32
    %dma_wait3A_83 = tpu.memref_slice %arg4[%add3A, %dma_wait3A_80, %dma_wait3A_81, %dma_wait3A_82] : memref<32x3x26x128xi32, #tpu.memory_space<hbm>> -> memref<1x1x26x128xi32, #tpu.memory_space<hbm>>
    %dma_wait3A_84 = tpu.memref_squeeze %dma_wait3A_83 : memref<1x1x26x128xi32, #tpu.memory_space<hbm>> -> memref<26x128xi32, #tpu.memory_space<hbm>>
    %dma_wait3A_85 = arith.constant 0 : i32
    %dma_wait3A_86 = arith.constant 0 : i32
    %dma_wait3A_87 = tpu.memref_slice %arg4[%add3A, %dma_wait3A_80, %dma_wait3A_85, %dma_wait3A_86] : memref<32x3x26x128xi32, #tpu.memory_space<hbm>> -> memref<1x1x26x128xi32, #tpu.memory_space<hbm>>
    %dma_wait3A_88 = tpu.memref_squeeze %dma_wait3A_87 : memref<1x1x26x128xi32, #tpu.memory_space<hbm>> -> memref<26x128xi32, #tpu.memory_space<hbm>>
    tpu.wait_dma2 semaphore(%arg14 : memref<!tpu.dma_semaphore, #tpu.memory_space<semaphore_mem>>) src(%dma_wait3A_88 : memref<26x128xi32, #tpu.memory_space<hbm>>) dst(%arg9 : memref<26x128xi32, #tpu.memory_space<vmem>>)
    %dma_start3A_89 = arith.constant 0 : i32
    %dma_start3A_90 = arith.constant 0 : i32
    %dma_start3A_91 = tpu.memref_slice %arg7[%dma_start3A_89, %dma_start3A_90] : memref<26x128xi32, #tpu.memory_space<vmem>> -> memref<1x128xi32, #tpu.memory_space<vmem>>
    %dma_start3A_92 = tpu.memref_squeeze %dma_start3A_91 : memref<1x128xi32, #tpu.memory_space<vmem>> -> memref<128xi32, #tpu.memory_space<vmem>>
    %dma_start3A_93 = arith.constant 0 : i32
    %dma_start3A_94 = arith.constant 0 : i32
    %dma_start3A_95 = tpu.memref_slice %arg2[%dma_start3A_93, %dma_start3A_94] : memref<10000x128xf32, #tpu.memory_space<hbm>> -> memref<10000x128xf32, #tpu.memory_space<hbm>>
    tpu.enqueue_indirect_dma source(%dma_start3A_95 : memref<10000x128xf32, #tpu.memory_space<hbm>>) target(%arg11 : memref<128x128xf32, #tpu.memory_space<vmem>>) offsets(%dma_start3A_92 : memref<128xi32, #tpu.memory_space<vmem>>) semaphore(%arg15 : memref<!tpu.dma_semaphore, #tpu.memory_space<semaphore_mem>>)
    %scan3A_96 = arith.constant 0 : i32
    %scan3A_97 = arith.constant 0 : i32
    %scan3A_98 = arith.constant 13 : i32
    %scan3A_99 = arith.addi %scan3A_97, %scan3A_98 : i32
    %scan3A_100 = arith.constant 1 : i32
    scf.for %scan3A_123 = %scan3A_97 to %scan3A_99 step %scan3A_100  : i32 {
      %dma_wait3A_124 = arith.constant 1 : i32
      %dma_wait3A_125 = arith.constant 0 : i32
      %dma_wait3A_126 = tpu.memref_slice %arg9[%dma_wait3A_124, %dma_wait3A_125] : memref<26x128xi32, #tpu.memory_space<vmem>> -> memref<1x128xi32, #tpu.memory_space<vmem>>
      %dma_wait3A_127 = tpu.memref_squeeze %dma_wait3A_126 : memref<1x128xi32, #tpu.memory_space<vmem>> -> memref<128xi32, #tpu.memory_space<vmem>>
      %dma_wait3A_128 = arith.constant 0 : i32
      %dma_wait3A_129 = arith.constant 0 : i32
      %dma_wait3A_130 = tpu.memref_slice %arg13[%dma_wait3A_128, %dma_wait3A_129] : memref<10000x128xf32, #tpu.memory_space<vmem_shared>> -> memref<10000x128xf32, #tpu.memory_space<vmem_shared>>
      tpu.wait_indirect_dma semaphore(%arg18 : memref<!tpu.dma_semaphore, #tpu.memory_space<semaphore_mem>>) src(%arg12 : memref<128x128xf32, #tpu.memory_space<vmem>>) dst(%dma_wait3A_130 : memref<10000x128xf32, #tpu.memory_space<vmem_shared>>)
      %mul3A_131 = arith.constant 2 : i32
      %mul3A_132 = arith.muli %mul3A_131, %scan3A_123 : i32
      %add3A_133 = arith.constant 1 : i32
      %add3A_134 = arith.addi %mul3A_132, %add3A_133 : i32
      %dma_start3A_135 = arith.constant 0 : i32
      %dma_start3A_136 = tpu.memref_slice %arg7[%add3A_134, %dma_start3A_135] : memref<26x128xi32, #tpu.memory_space<vmem>> -> memref<1x128xi32, #tpu.memory_space<vmem>>
      %dma_start3A_137 = tpu.memref_squeeze %dma_start3A_136 : memref<1x128xi32, #tpu.memory_space<vmem>> -> memref<128xi32, #tpu.memory_space<vmem>>
      %dma_start3A_138 = arith.constant 0 : i32
      %dma_start3A_139 = arith.constant 0 : i32
      %dma_start3A_140 = tpu.memref_slice %arg2[%dma_start3A_138, %dma_start3A_139] : memref<10000x128xf32, #tpu.memory_space<hbm>> -> memref<10000x128xf32, #tpu.memory_space<hbm>>
      tpu.enqueue_indirect_dma source(%dma_start3A_140 : memref<10000x128xf32, #tpu.memory_space<hbm>>) target(%arg12 : memref<128x128xf32, #tpu.memory_space<vmem>>) offsets(%dma_start3A_137 : memref<128xi32, #tpu.memory_space<vmem>>) semaphore(%arg16 : memref<!tpu.dma_semaphore, #tpu.memory_space<semaphore_mem>>)
      %mul3A_141 = arith.constant 2 : i32
      %mul3A_142 = arith.muli %mul3A_141, %scan3A_123 : i32
      %dma_wait3A_143 = arith.constant 0 : i32
      %dma_wait3A_144 = tpu.memref_slice %arg7[%mul3A_142, %dma_wait3A_143] : memref<26x128xi32, #tpu.memory_space<vmem>> -> memref<1x128xi32, #tpu.memory_space<vmem>>
      %dma_wait3A_145 = tpu.memref_squeeze %dma_wait3A_144 : memref<1x128xi32, #tpu.memory_space<vmem>> -> memref<128xi32, #tpu.memory_space<vmem>>
      %dma_wait3A_146 = arith.constant 0 : i32
      %dma_wait3A_147 = arith.constant 0 : i32
      %dma_wait3A_148 = tpu.memref_slice %arg2[%dma_wait3A_146, %dma_wait3A_147] : memref<10000x128xf32, #tpu.memory_space<hbm>> -> memref<10000x128xf32, #tpu.memory_space<hbm>>
      tpu.wait_indirect_dma semaphore(%arg15 : memref<!tpu.dma_semaphore, #tpu.memory_space<semaphore_mem>>) src(%dma_wait3A_148 : memref<10000x128xf32, #tpu.memory_space<hbm>>) dst(%arg11 : memref<128x128xf32, #tpu.memory_space<vmem>>)
      %mul3A_149 = arith.constant 2 : i32
      %mul3A_150 = arith.muli %mul3A_149, %scan3A_123 : i32
      %dma_start3A_151 = arith.constant 0 : i32
      %dma_start3A_152 = tpu.memref_slice %arg9[%mul3A_150, %dma_start3A_151] : memref<26x128xi32, #tpu.memory_space<vmem>> -> memref<1x128xi32, #tpu.memory_space<vmem>>
      %dma_start3A_153 = tpu.memref_squeeze %dma_start3A_152 : memref<1x128xi32, #tpu.memory_space<vmem>> -> memref<128xi32, #tpu.memory_space<vmem>>
      %dma_start3A_154 = arith.constant 0 : i32
      %dma_start3A_155 = arith.constant 0 : i32
      %dma_start3A_156 = tpu.memref_slice %arg13[%dma_start3A_154, %dma_start3A_155] : memref<10000x128xf32, #tpu.memory_space<vmem_shared>> -> memref<10000x128xf32, #tpu.memory_space<vmem_shared>>
      tpu.enqueue_indirect_dma source(%arg11 : memref<128x128xf32, #tpu.memory_space<vmem>>) target(%dma_start3A_156 : memref<10000x128xf32, #tpu.memory_space<vmem_shared>>) offsets(%dma_start3A_153 : memref<128xi32, #tpu.memory_space<vmem>>) semaphore(%arg17 : memref<!tpu.dma_semaphore, #tpu.memory_space<semaphore_mem>>) {add = true}
      %mul3A_157 = arith.constant 2 : i32
      %mul3A_158 = arith.muli %mul3A_157, %scan3A_123 : i32
      %add3A_159 = arith.constant 1 : i32
      %add3A_160 = arith.addi %mul3A_158, %add3A_159 : i32
      %dma_wait3A_161 = arith.constant 0 : i32
      %dma_wait3A_162 = tpu.memref_slice %arg7[%add3A_160, %dma_wait3A_161] : memref<26x128xi32, #tpu.memory_space<vmem>> -> memref<1x128xi32, #tpu.memory_space<vmem>>
      %dma_wait3A_163 = tpu.memref_squeeze %dma_wait3A_162 : memref<1x128xi32, #tpu.memory_space<vmem>> -> memref<128xi32, #tpu.memory_space<vmem>>
      %dma_wait3A_164 = arith.constant 0 : i32
      %dma_wait3A_165 = arith.constant 0 : i32
      %dma_wait3A_166 = tpu.memref_slice %arg2[%dma_wait3A_164, %dma_wait3A_165] : memref<10000x128xf32, #tpu.memory_space<hbm>> -> memref<10000x128xf32, #tpu.memory_space<hbm>>
      tpu.wait_indirect_dma semaphore(%arg16 : memref<!tpu.dma_semaphore, #tpu.memory_space<semaphore_mem>>) src(%dma_wait3A_166 : memref<10000x128xf32, #tpu.memory_space<hbm>>) dst(%arg12 : memref<128x128xf32, #tpu.memory_space<vmem>>)
      %mul3A_167 = arith.constant 2 : i32
      %mul3A_168 = arith.muli %mul3A_167, %scan3A_123 : i32
      %add3A_169 = arith.constant 1 : i32
      %add3A_170 = arith.addi %mul3A_168, %add3A_169 : i32
      %dma_start3A_171 = arith.constant 0 : i32
      %dma_start3A_172 = tpu.memref_slice %arg9[%add3A_170, %dma_start3A_171] : memref<26x128xi32, #tpu.memory_space<vmem>> -> memref<1x128xi32, #tpu.memory_space<vmem>>
      %dma_start3A_173 = tpu.memref_squeeze %dma_start3A_172 : memref<1x128xi32, #tpu.memory_space<vmem>> -> memref<128xi32, #tpu.memory_space<vmem>>
      %dma_start3A_174 = arith.constant 0 : i32
      %dma_start3A_175 = arith.constant 0 : i32
      %dma_start3A_176 = tpu.memref_slice %arg13[%dma_start3A_174, %dma_start3A_175] : memref<10000x128xf32, #tpu.memory_space<vmem_shared>> -> memref<10000x128xf32, #tpu.memory_space<vmem_shared>>
      tpu.enqueue_indirect_dma source(%arg12 : memref<128x128xf32, #tpu.memory_space<vmem>>) target(%dma_start3A_176 : memref<10000x128xf32, #tpu.memory_space<vmem_shared>>) offsets(%dma_start3A_173 : memref<128xi32, #tpu.memory_space<vmem>>) semaphore(%arg18 : memref<!tpu.dma_semaphore, #tpu.memory_space<semaphore_mem>>) {add = true}
      %dma_wait3A_177 = arith.constant 0 : i32
      %dma_wait3A_178 = arith.constant 0 : i32
      %dma_wait3A_179 = tpu.memref_slice %arg9[%dma_wait3A_177, %dma_wait3A_178] : memref<26x128xi32, #tpu.memory_space<vmem>> -> memref<1x128xi32, #tpu.memory_space<vmem>>
      %dma_wait3A_180 = tpu.memref_squeeze %dma_wait3A_179 : memref<1x128xi32, #tpu.memory_space<vmem>> -> memref<128xi32, #tpu.memory_space<vmem>>
      %dma_wait3A_181 = arith.constant 0 : i32
      %dma_wait3A_182 = arith.constant 0 : i32
      %dma_wait3A_183 = tpu.memref_slice %arg13[%dma_wait3A_181, %dma_wait3A_182] : memref<10000x128xf32, #tpu.memory_space<vmem_shared>> -> memref<10000x128xf32, #tpu.memory_space<vmem_shared>>
      tpu.wait_indirect_dma semaphore(%arg17 : memref<!tpu.dma_semaphore, #tpu.memory_space<semaphore_mem>>) src(%arg11 : memref<128x128xf32, #tpu.memory_space<vmem>>) dst(%dma_wait3A_183 : memref<10000x128xf32, #tpu.memory_space<vmem_shared>>)
      %lt3A_184 = arith.constant 12 : i32
      %lt3A_185 = arith.cmpi slt, %scan3A_123, %lt3A_184 : i32
      %convert_element_type3A_186 = arith.extui %lt3A_185 : i1 to i32
      %cond3A_187 = arith.constant 0 : i32
      %cond3A_188 = arith.cmpi ne, %convert_element_type3A_186, %cond3A_187 : i32
      scf.if %cond3A_188 {
        %mul3A_189 = arith.constant 2 : i32
        %mul3A_190 = arith.muli %mul3A_189, %scan3A_123 : i32
        %add3A_191 = arith.constant 2 : i32
        %add3A_192 = arith.addi %mul3A_190, %add3A_191 : i32
        %dma_start3A_193 = arith.constant 0 : i32
        %dma_start3A_194 = tpu.memref_slice %arg7[%add3A_192, %dma_start3A_193] : memref<26x128xi32, #tpu.memory_space<vmem>> -> memref<1x128xi32, #tpu.memory_space<vmem>>
        %dma_start3A_195 = tpu.memref_squeeze %dma_start3A_194 : memref<1x128xi32, #tpu.memory_space<vmem>> -> memref<128xi32, #tpu.memory_space<vmem>>
        %dma_start3A_196 = arith.constant 0 : i32
        %dma_start3A_197 = arith.constant 0 : i32
        %dma_start3A_198 = tpu.memref_slice %arg2[%dma_start3A_196, %dma_start3A_197] : memref<10000x128xf32, #tpu.memory_space<hbm>> -> memref<10000x128xf32, #tpu.memory_space<hbm>>
        tpu.enqueue_indirect_dma source(%dma_start3A_198 : memref<10000x128xf32, #tpu.memory_space<hbm>>) target(%arg11 : memref<128x128xf32, #tpu.memory_space<vmem>>) offsets(%dma_start3A_195 : memref<128xi32, #tpu.memory_space<vmem>>) semaphore(%arg15 : memref<!tpu.dma_semaphore, #tpu.memory_space<semaphore_mem>>)
      } else {
      }
    }
    %scan3A_101 = arith.constant 13 : i32
    %dma_wait3A_102 = arith.constant 1 : i32
    %dma_wait3A_103 = arith.constant 0 : i32
    %dma_wait3A_104 = tpu.memref_slice %arg9[%dma_wait3A_102, %dma_wait3A_103] : memref<26x128xi32, #tpu.memory_space<vmem>> -> memref<1x128xi32, #tpu.memory_space<vmem>>
    %dma_wait3A_105 = tpu.memref_squeeze %dma_wait3A_104 : memref<1x128xi32, #tpu.memory_space<vmem>> -> memref<128xi32, #tpu.memory_space<vmem>>
    %dma_wait3A_106 = arith.constant 0 : i32
    %dma_wait3A_107 = arith.constant 0 : i32
    %dma_wait3A_108 = tpu.memref_slice %arg13[%dma_wait3A_106, %dma_wait3A_107] : memref<10000x128xf32, #tpu.memory_space<vmem_shared>> -> memref<10000x128xf32, #tpu.memory_space<vmem_shared>>
    tpu.wait_indirect_dma semaphore(%arg18 : memref<!tpu.dma_semaphore, #tpu.memory_space<semaphore_mem>>) src(%arg12 : memref<128x128xf32, #tpu.memory_space<vmem>>) dst(%dma_wait3A_108 : memref<10000x128xf32, #tpu.memory_space<vmem_shared>>)
    %lt3A = arith.constant 4 : i32
    %lt3A_109 = arith.cmpi slt, %add3A, %lt3A : i32
    %convert_element_type3A_110 = arith.extui %lt3A_109 : i1 to i32
    %cond3A_111 = arith.constant 0 : i32
    %cond3A_112 = arith.cmpi ne, %convert_element_type3A_110, %cond3A_111 : i32
    scf.if %cond3A_112 {
      "tpu.region"() ({
        %run_scoped3A_151 = tpu.sem_alloc : memref<!tpu.dma_semaphore, #tpu.memory_space<semaphore_mem>>
        %dma_start3A_152 = arith.constant 0 : i32
        %dma_start3A_153 = arith.constant 0 : i32
        %dma_start3A_154 = tpu.memref_slice %arg8[%dma_start3A_152, %dma_start3A_153] : memref<26x128xi32, #tpu.memory_space<vmem>> -> memref<2x128xi32, #tpu.memory_space<vmem>>
        %dma_start3A_155 = arith.constant 0 : i32
        %dma_start3A_156 = arith.constant 0 : i32
        %dma_start3A_157 = tpu.memref_slice %arg5[%add3A, %dma_start3A_155, %dma_start3A_156] : memref<4x2x128xi32, #tpu.memory_space<hbm>> -> memref<1x2x128xi32, #tpu.memory_space<hbm>>
        %dma_start3A_158 = tpu.memref_squeeze %dma_start3A_157 : memref<1x2x128xi32, #tpu.memory_space<hbm>> -> memref<2x128xi32, #tpu.memory_space<hbm>>
        %dma_start3A_159 = arith.constant 0 : i32
        %dma_start3A_160 = arith.constant 0 : i32
        %dma_start3A_161 = tpu.memref_slice %arg8[%dma_start3A_159, %dma_start3A_160] : memref<26x128xi32, #tpu.memory_space<vmem>> -> memref<2x128xi32, #tpu.memory_space<vmem>>
        %dma_start3A_162 = arith.constant 0 : i32
        %dma_start3A_163 = arith.constant 0 : i32
        %dma_start3A_164 = tpu.memref_slice %arg5[%add3A, %dma_start3A_162, %dma_start3A_163] : memref<4x2x128xi32, #tpu.memory_space<hbm>> -> memref<1x2x128xi32, #tpu.memory_space<hbm>>
        %dma_start3A_165 = tpu.memref_squeeze %dma_start3A_164 : memref<1x2x128xi32, #tpu.memory_space<hbm>> -> memref<2x128xi32, #tpu.memory_space<hbm>>
        tpu.enqueue_dma source(%dma_start3A_165 : memref<2x128xi32, #tpu.memory_space<hbm>>) target(%dma_start3A_161 : memref<2x128xi32, #tpu.memory_space<vmem>>) target_semaphore(%run_scoped3A_151 : memref<!tpu.dma_semaphore, #tpu.memory_space<semaphore_mem>>)
        %dma_wait3A_166 = arith.constant 0 : i32
        %dma_wait3A_167 = arith.constant 0 : i32
        %dma_wait3A_168 = tpu.memref_slice %arg8[%dma_wait3A_166, %dma_wait3A_167] : memref<26x128xi32, #tpu.memory_space<vmem>> -> memref<2x128xi32, #tpu.memory_space<vmem>>
        %dma_wait3A_169 = arith.constant 0 : i32
        %dma_wait3A_170 = arith.constant 0 : i32
        %dma_wait3A_171 = tpu.memref_slice %arg5[%add3A, %dma_wait3A_169, %dma_wait3A_170] : memref<4x2x128xi32, #tpu.memory_space<hbm>> -> memref<1x2x128xi32, #tpu.memory_space<hbm>>
        %dma_wait3A_172 = tpu.memref_squeeze %dma_wait3A_171 : memref<1x2x128xi32, #tpu.memory_space<hbm>> -> memref<2x128xi32, #tpu.memory_space<hbm>>
        %dma_wait3A_173 = arith.constant 0 : i32
        %dma_wait3A_174 = arith.constant 0 : i32
        %dma_wait3A_175 = tpu.memref_slice %arg8[%dma_wait3A_173, %dma_wait3A_174] : memref<26x128xi32, #tpu.memory_space<vmem>> -> memref<2x128xi32, #tpu.memory_space<vmem>>
        %dma_wait3A_176 = arith.constant 0 : i32
        %dma_wait3A_177 = arith.constant 0 : i32
        %dma_wait3A_178 = tpu.memref_slice %arg5[%add3A, %dma_wait3A_176, %dma_wait3A_177] : memref<4x2x128xi32, #tpu.memory_space<hbm>> -> memref<1x2x128xi32, #tpu.memory_space<hbm>>
        %dma_wait3A_179 = tpu.memref_squeeze %dma_wait3A_178 : memref<1x2x128xi32, #tpu.memory_space<hbm>> -> memref<2x128xi32, #tpu.memory_space<hbm>>
        tpu.wait_dma2 semaphore(%run_scoped3A_151 : memref<!tpu.dma_semaphore, #tpu.memory_space<semaphore_mem>>) src(%dma_wait3A_179 : memref<2x128xi32, #tpu.memory_space<hbm>>) dst(%dma_wait3A_175 : memref<2x128xi32, #tpu.memory_space<vmem>>)
        tpu.yield
      }) : () -> ()
      %dma_start3A_123 = arith.constant 0 : i32
      %dma_start3A_124 = arith.constant 0 : i32
      %dma_start3A_125 = tpu.memref_slice %arg8[%dma_start3A_123, %dma_start3A_124] : memref<26x128xi32, #tpu.memory_space<vmem>> -> memref<1x128xi32, #tpu.memory_space<vmem>>
      %dma_start3A_126 = tpu.memref_squeeze %dma_start3A_125 : memref<1x128xi32, #tpu.memory_space<vmem>> -> memref<128xi32, #tpu.memory_space<vmem>>
      %dma_start3A_127 = arith.constant 0 : i32
      %dma_start3A_128 = arith.constant 0 : i32
      %dma_start3A_129 = tpu.memref_slice %arg2[%dma_start3A_127, %dma_start3A_128] : memref<10000x128xf32, #tpu.memory_space<hbm>> -> memref<10000x128xf32, #tpu.memory_space<hbm>>
      tpu.enqueue_indirect_dma source(%dma_start3A_129 : memref<10000x128xf32, #tpu.memory_space<hbm>>) target(%arg11 : memref<128x128xf32, #tpu.memory_space<vmem>>) offsets(%dma_start3A_126 : memref<128xi32, #tpu.memory_space<vmem>>) semaphore(%arg15 : memref<!tpu.dma_semaphore, #tpu.memory_space<semaphore_mem>>)
      %dma_wait3A_130 = arith.constant 0 : i32
      %dma_wait3A_131 = arith.constant 0 : i32
      %dma_wait3A_132 = tpu.memref_slice %arg8[%dma_wait3A_130, %dma_wait3A_131] : memref<26x128xi32, #tpu.memory_space<vmem>> -> memref<1x128xi32, #tpu.memory_space<vmem>>
      %dma_wait3A_133 = tpu.memref_squeeze %dma_wait3A_132 : memref<1x128xi32, #tpu.memory_space<vmem>> -> memref<128xi32, #tpu.memory_space<vmem>>
      %dma_wait3A_134 = arith.constant 0 : i32
      %dma_wait3A_135 = arith.constant 0 : i32
      %dma_wait3A_136 = tpu.memref_slice %arg2[%dma_wait3A_134, %dma_wait3A_135] : memref<10000x128xf32, #tpu.memory_space<hbm>> -> memref<10000x128xf32, #tpu.memory_space<hbm>>
      tpu.wait_indirect_dma semaphore(%arg15 : memref<!tpu.dma_semaphore, #tpu.memory_space<semaphore_mem>>) src(%dma_wait3A_136 : memref<10000x128xf32, #tpu.memory_space<hbm>>) dst(%arg11 : memref<128x128xf32, #tpu.memory_space<vmem>>)
      %dma_start3A_137 = arith.constant 1 : i32
      %dma_start3A_138 = arith.constant 0 : i32
      %dma_start3A_139 = tpu.memref_slice %arg8[%dma_start3A_137, %dma_start3A_138] : memref<26x128xi32, #tpu.memory_space<vmem>> -> memref<1x128xi32, #tpu.memory_space<vmem>>
      %dma_start3A_140 = tpu.memref_squeeze %dma_start3A_139 : memref<1x128xi32, #tpu.memory_space<vmem>> -> memref<128xi32, #tpu.memory_space<vmem>>
      %dma_start3A_141 = arith.constant 0 : i32
      %dma_start3A_142 = arith.constant 0 : i32
      %dma_start3A_143 = tpu.memref_slice %arg13[%dma_start3A_141, %dma_start3A_142] : memref<10000x128xf32, #tpu.memory_space<vmem_shared>> -> memref<10000x128xf32, #tpu.memory_space<vmem_shared>>
      tpu.enqueue_indirect_dma source(%arg11 : memref<128x128xf32, #tpu.memory_space<vmem>>) target(%dma_start3A_143 : memref<10000x128xf32, #tpu.memory_space<vmem_shared>>) offsets(%dma_start3A_140 : memref<128xi32, #tpu.memory_space<vmem>>) semaphore(%arg17 : memref<!tpu.dma_semaphore, #tpu.memory_space<semaphore_mem>>) {add = true}
      %dma_wait3A_144 = arith.constant 1 : i32
      %dma_wait3A_145 = arith.constant 0 : i32
      %dma_wait3A_146 = tpu.memref_slice %arg8[%dma_wait3A_144, %dma_wait3A_145] : memref<26x128xi32, #tpu.memory_space<vmem>> -> memref<1x128xi32, #tpu.memory_space<vmem>>
      %dma_wait3A_147 = tpu.memref_squeeze %dma_wait3A_146 : memref<1x128xi32, #tpu.memory_space<vmem>> -> memref<128xi32, #tpu.memory_space<vmem>>
      %dma_wait3A_148 = arith.constant 0 : i32
      %dma_wait3A_149 = arith.constant 0 : i32
      %dma_wait3A_150 = tpu.memref_slice %arg13[%dma_wait3A_148, %dma_wait3A_149] : memref<10000x128xf32, #tpu.memory_space<vmem_shared>> -> memref<10000x128xf32, #tpu.memory_space<vmem_shared>>
      tpu.wait_indirect_dma semaphore(%arg17 : memref<!tpu.dma_semaphore, #tpu.memory_space<semaphore_mem>>) src(%arg11 : memref<128x128xf32, #tpu.memory_space<vmem>>) dst(%dma_wait3A_150 : memref<10000x128xf32, #tpu.memory_space<vmem_shared>>)
    } else {
    }
    %barrier3A_113 = arith.constant 0 : index
    tpu.barrier barrier_id(%barrier3A_113)
    %mul3A_114 = arith.constant 624 : i32
    %mul3A_115 = arith.muli %arg1, %mul3A_114 : i32
    %mul3A_116 = arith.constant 624 : i32
    %mul3A_117 = arith.muli %arg1, %mul3A_116 : i32
    "tpu.region"() ({
      %run_scoped3A_123 = tpu.sem_alloc : memref<!tpu.dma_semaphore, #tpu.memory_space<semaphore_mem>>
      %dma_start3A_124 = arith.constant 0 : i32
      %dma_start3A_125 = tpu.memref_slice %arg6[%arg0, %mul3A_117, %dma_start3A_124] : memref<2x10000x128xf32, #tpu.memory_space<hbm>> -> memref<1x624x128xf32, #tpu.memory_space<hbm>>
      %dma_start3A_126 = tpu.memref_squeeze %dma_start3A_125 : memref<1x624x128xf32, #tpu.memory_space<hbm>> -> memref<624x128xf32, #tpu.memory_space<hbm>>
      %dma_start3A_127 = arith.constant 0 : i32
      %dma_start3A_128 = tpu.memref_slice %arg13[%mul3A_115, %dma_start3A_127] : memref<10000x128xf32, #tpu.memory_space<vmem_shared>> -> memref<624x128xf32, #tpu.memory_space<vmem_shared>>
      tpu.enqueue_dma source(%dma_start3A_128 : memref<624x128xf32, #tpu.memory_space<vmem_shared>>) target(%dma_start3A_126 : memref<624x128xf32, #tpu.memory_space<hbm>>) target_semaphore(%run_scoped3A_123 : memref<!tpu.dma_semaphore, #tpu.memory_space<semaphore_mem>>)
      %dma_wait3A_129 = arith.constant 0 : i32
      %dma_wait3A_130 = tpu.memref_slice %arg6[%arg0, %mul3A_117, %dma_wait3A_129] : memref<2x10000x128xf32, #tpu.memory_space<hbm>> -> memref<1x624x128xf32, #tpu.memory_space<hbm>>
      %dma_wait3A_131 = tpu.memref_squeeze %dma_wait3A_130 : memref<1x624x128xf32, #tpu.memory_space<hbm>> -> memref<624x128xf32, #tpu.memory_space<hbm>>
      %dma_wait3A_132 = arith.constant 0 : i32
      %dma_wait3A_133 = tpu.memref_slice %arg13[%mul3A_115, %dma_wait3A_132] : memref<10000x128xf32, #tpu.memory_space<vmem_shared>> -> memref<624x128xf32, #tpu.memory_space<vmem_shared>>
      tpu.wait_dma2 semaphore(%run_scoped3A_123 : memref<!tpu.dma_semaphore, #tpu.memory_space<semaphore_mem>>) src(%dma_wait3A_133 : memref<624x128xf32, #tpu.memory_space<vmem_shared>>) dst(%dma_wait3A_131 : memref<624x128xf32, #tpu.memory_space<hbm>>)
      tpu.yield
    }) : () -> ()
    %eq3A_118 = arith.constant 15 : i32
    %eq3A_119 = arith.cmpi eq, %arg1, %eq3A_118 : i32
    %convert_element_type3A_120 = arith.extui %eq3A_119 : i1 to i32
    %cond3A_121 = arith.constant 0 : i32
    %cond3A_122 = arith.cmpi ne, %convert_element_type3A_120, %cond3A_121 : i32
    scf.if %cond3A_122 {
      "tpu.region"() ({
        %run_scoped3A_123 = tpu.sem_alloc : memref<!tpu.dma_semaphore, #tpu.memory_space<semaphore_mem>>
        %dma_start3A_124 = arith.constant 9984 : i32
        %dma_start3A_125 = arith.constant 0 : i32
        %dma_start3A_126 = tpu.memref_slice %arg6[%arg0, %dma_start3A_124, %dma_start3A_125] : memref<2x10000x128xf32, #tpu.memory_space<hbm>> -> memref<1x16x128xf32, #tpu.memory_space<hbm>>
        %dma_start3A_127 = tpu.memref_squeeze %dma_start3A_126 : memref<1x16x128xf32, #tpu.memory_space<hbm>> -> memref<16x128xf32, #tpu.memory_space<hbm>>
        %dma_start3A_128 = arith.constant 9984 : i32
        %dma_start3A_129 = arith.constant 0 : i32
        %dma_start3A_130 = tpu.memref_slice %arg13[%dma_start3A_128, %dma_start3A_129] : memref<10000x128xf32, #tpu.memory_space<vmem_shared>> -> memref<16x128xf32, #tpu.memory_space<vmem_shared>>
        tpu.enqueue_dma source(%dma_start3A_130 : memref<16x128xf32, #tpu.memory_space<vmem_shared>>) target(%dma_start3A_127 : memref<16x128xf32, #tpu.memory_space<hbm>>) target_semaphore(%run_scoped3A_123 : memref<!tpu.dma_semaphore, #tpu.memory_space<semaphore_mem>>)
        %dma_wait3A_131 = arith.constant 9984 : i32
        %dma_wait3A_132 = arith.constant 0 : i32
        %dma_wait3A_133 = tpu.memref_slice %arg6[%arg0, %dma_wait3A_131, %dma_wait3A_132] : memref<2x10000x128xf32, #tpu.memory_space<hbm>> -> memref<1x16x128xf32, #tpu.memory_space<hbm>>
        %dma_wait3A_134 = tpu.memref_squeeze %dma_wait3A_133 : memref<1x16x128xf32, #tpu.memory_space<hbm>> -> memref<16x128xf32, #tpu.memory_space<hbm>>
        %dma_wait3A_135 = arith.constant 9984 : i32
        %dma_wait3A_136 = arith.constant 0 : i32
        %dma_wait3A_137 = tpu.memref_slice %arg13[%dma_wait3A_135, %dma_wait3A_136] : memref<10000x128xf32, #tpu.memory_space<vmem_shared>> -> memref<16x128xf32, #tpu.memory_space<vmem_shared>>
        tpu.wait_dma2 semaphore(%run_scoped3A_123 : memref<!tpu.dma_semaphore, #tpu.memory_space<semaphore_mem>>) src(%dma_wait3A_137 : memref<16x128xf32, #tpu.memory_space<vmem_shared>>) dst(%dma_wait3A_134 : memref<16x128xf32, #tpu.memory_space<hbm>>)
        tpu.yield
      }) : () -> ()
    } else {
    }
    return
  }
}

#map = affine_map<(d0, d1) -> (0, 0)>
#map1 = affine_map<(d0, d1) -> (0, 0, 0, 0)>
#map2 = affine_map<(d0, d1) -> (0, 0, 0)>
module attributes {stable_mosaic.version = 14 : i64} {
  func.func @_sc_agg_body(%arg0: i32, %arg1: i32, %arg2: memref<10000x128xf32, #tpu.memory_space<hbm>>, %arg3: memref<32x3x26x128xi32, #tpu.memory_space<hbm>>, %arg4: memref<32x3x26x128xi32, #tpu.memory_space<hbm>>, %arg5: memref<4x2x128xi32, #tpu.memory_space<hbm>>, %arg6: memref<2x10000x128xf32, #tpu.memory_space<hbm>>, %arg7: memref<26x128xi32, #tpu.memory_space<vmem>>, %arg8: memref<26x128xi32, #tpu.memory_space<vmem>>, %arg9: memref<26x128xi32, #tpu.memory_space<vmem>>, %arg10: memref<26x128xi32, #tpu.memory_space<vmem>>, %arg11: memref<128x128xf32, #tpu.memory_space<vmem>>, %arg12: memref<128x128xf32, #tpu.memory_space<vmem>>, %arg13: memref<10000x128xf32, #tpu.memory_space<vmem_shared>>, %arg14: memref<!tpu.dma_semaphore, #tpu.memory_space<semaphore_mem>>, %arg15: memref<!tpu.dma_semaphore, #tpu.memory_space<semaphore_mem>>, %arg16: memref<!tpu.dma_semaphore, #tpu.memory_space<semaphore_mem>>, %arg17: memref<!tpu.dma_semaphore, #tpu.memory_space<semaphore_mem>>, %arg18: memref<!tpu.dma_semaphore, #tpu.memory_space<semaphore_mem>>) attributes {dimension_semantics = [#tpu.dimension_semantics<core_parallel>, #tpu.dimension_semantics<subcore_parallel>], iteration_bounds = array<i64: 2, 16>, scalar_prefetch = 0 : i64, scratch_operands = 12 : i64, tpu.core_type = #tpu.core_type<sc_vector_subcore>, window_params = [{transform_indices = #map}, {transform_indices = #map1}, {transform_indices = #map1}, {transform_indices = #map2}, {transform_indices = #map2}]} {
    %mul3A = arith.constant 16 : i32
    %mul3A_0 = arith.muli %arg0, %mul3A : i32
    %add3A = arith.addi %mul3A_0, %arg1 : i32
    %run_scoped3A = arith.constant 0 : i32
    "tpu.region"() ({
      %run_scoped3A_123 = tpu.sem_alloc : memref<!tpu.dma_semaphore, #tpu.memory_space<semaphore_mem>>
      %dma_start3A_124 = arith.constant 0 : i32
      %dma_start3A_125 = arith.constant 0 : i32
      %dma_start3A_126 = tpu.memref_slice %arg3[%add3A, %run_scoped3A, %dma_start3A_124, %dma_start3A_125] : memref<32x3x26x128xi32, #tpu.memory_space<hbm>> -> memref<1x1x26x128xi32, #tpu.memory_space<hbm>>
      %dma_start3A_127 = tpu.memref_squeeze %dma_start3A_126 : memref<1x1x26x128xi32, #tpu.memory_space<hbm>> -> memref<26x128xi32, #tpu.memory_space<hbm>>
      %dma_start3A_128 = arith.constant 0 : i32
      %dma_start3A_129 = arith.constant 0 : i32
      %dma_start3A_130 = tpu.memref_slice %arg3[%add3A, %run_scoped3A, %dma_start3A_128, %dma_start3A_129] : memref<32x3x26x128xi32, #tpu.memory_space<hbm>> -> memref<1x1x26x128xi32, #tpu.memory_space<hbm>>
      %dma_start3A_131 = tpu.memref_squeeze %dma_start3A_130 : memref<1x1x26x128xi32, #tpu.memory_space<hbm>> -> memref<26x128xi32, #tpu.memory_space<hbm>>
      tpu.enqueue_dma source(%dma_start3A_131 : memref<26x128xi32, #tpu.memory_space<hbm>>) target(%arg7 : memref<26x128xi32, #tpu.memory_space<vmem>>) target_semaphore(%run_scoped3A_123 : memref<!tpu.dma_semaphore, #tpu.memory_space<semaphore_mem>>)
      %dma_wait3A_132 = arith.constant 0 : i32
      %dma_wait3A_133 = arith.constant 0 : i32
      %dma_wait3A_134 = tpu.memref_slice %arg3[%add3A, %run_scoped3A, %dma_wait3A_132, %dma_wait3A_133] : memref<32x3x26x128xi32, #tpu.memory_space<hbm>> -> memref<1x1x26x128xi32, #tpu.memory_space<hbm>>
      %dma_wait3A_135 = tpu.memref_squeeze %dma_wait3A_134 : memref<1x1x26x128xi32, #tpu.memory_space<hbm>> -> memref<26x128xi32, #tpu.memory_space<hbm>>
      %dma_wait3A_136 = arith.constant 0 : i32
      %dma_wait3A_137 = arith.constant 0 : i32
      %dma_wait3A_138 = tpu.memref_slice %arg3[%add3A, %run_scoped3A, %dma_wait3A_136, %dma_wait3A_137] : memref<32x3x26x128xi32, #tpu.memory_space<hbm>> -> memref<1x1x26x128xi32, #tpu.memory_space<hbm>>
      %dma_wait3A_139 = tpu.memref_squeeze %dma_wait3A_138 : memref<1x1x26x128xi32, #tpu.memory_space<hbm>> -> memref<26x128xi32, #tpu.memory_space<hbm>>
      tpu.wait_dma2 semaphore(%run_scoped3A_123 : memref<!tpu.dma_semaphore, #tpu.memory_space<semaphore_mem>>) src(%dma_wait3A_139 : memref<26x128xi32, #tpu.memory_space<hbm>>) dst(%arg7 : memref<26x128xi32, #tpu.memory_space<vmem>>)
      tpu.yield
    }) : () -> ()
    %run_scoped3A_1 = arith.constant 0 : i32
    "tpu.region"() ({
      %run_scoped3A_123 = tpu.sem_alloc : memref<!tpu.dma_semaphore, #tpu.memory_space<semaphore_mem>>
      %dma_start3A_124 = arith.constant 0 : i32
      %dma_start3A_125 = arith.constant 0 : i32
      %dma_start3A_126 = tpu.memref_slice %arg4[%add3A, %run_scoped3A_1, %dma_start3A_124, %dma_start3A_125] : memref<32x3x26x128xi32, #tpu.memory_space<hbm>> -> memref<1x1x26x128xi32, #tpu.memory_space<hbm>>
      %dma_start3A_127 = tpu.memref_squeeze %dma_start3A_126 : memref<1x1x26x128xi32, #tpu.memory_space<hbm>> -> memref<26x128xi32, #tpu.memory_space<hbm>>
      %dma_start3A_128 = arith.constant 0 : i32
      %dma_start3A_129 = arith.constant 0 : i32
      %dma_start3A_130 = tpu.memref_slice %arg4[%add3A, %run_scoped3A_1, %dma_start3A_128, %dma_start3A_129] : memref<32x3x26x128xi32, #tpu.memory_space<hbm>> -> memref<1x1x26x128xi32, #tpu.memory_space<hbm>>
      %dma_start3A_131 = tpu.memref_squeeze %dma_start3A_130 : memref<1x1x26x128xi32, #tpu.memory_space<hbm>> -> memref<26x128xi32, #tpu.memory_space<hbm>>
      tpu.enqueue_dma source(%dma_start3A_131 : memref<26x128xi32, #tpu.memory_space<hbm>>) target(%arg9 : memref<26x128xi32, #tpu.memory_space<vmem>>) target_semaphore(%run_scoped3A_123 : memref<!tpu.dma_semaphore, #tpu.memory_space<semaphore_mem>>)
      %dma_wait3A_132 = arith.constant 0 : i32
      %dma_wait3A_133 = arith.constant 0 : i32
      %dma_wait3A_134 = tpu.memref_slice %arg4[%add3A, %run_scoped3A_1, %dma_wait3A_132, %dma_wait3A_133] : memref<32x3x26x128xi32, #tpu.memory_space<hbm>> -> memref<1x1x26x128xi32, #tpu.memory_space<hbm>>
      %dma_wait3A_135 = tpu.memref_squeeze %dma_wait3A_134 : memref<1x1x26x128xi32, #tpu.memory_space<hbm>> -> memref<26x128xi32, #tpu.memory_space<hbm>>
      %dma_wait3A_136 = arith.constant 0 : i32
      %dma_wait3A_137 = arith.constant 0 : i32
      %dma_wait3A_138 = tpu.memref_slice %arg4[%add3A, %run_scoped3A_1, %dma_wait3A_136, %dma_wait3A_137] : memref<32x3x26x128xi32, #tpu.memory_space<hbm>> -> memref<1x1x26x128xi32, #tpu.memory_space<hbm>>
      %dma_wait3A_139 = tpu.memref_squeeze %dma_wait3A_138 : memref<1x1x26x128xi32, #tpu.memory_space<hbm>> -> memref<26x128xi32, #tpu.memory_space<hbm>>
      tpu.wait_dma2 semaphore(%run_scoped3A_123 : memref<!tpu.dma_semaphore, #tpu.memory_space<semaphore_mem>>) src(%dma_wait3A_139 : memref<26x128xi32, #tpu.memory_space<hbm>>) dst(%arg9 : memref<26x128xi32, #tpu.memory_space<vmem>>)
      tpu.yield
    }) : () -> ()
    %dma_start3A = arith.constant 0 : i32
    %dma_start3A_2 = arith.constant 0 : i32
    %dma_start3A_3 = tpu.memref_slice %arg7[%dma_start3A, %dma_start3A_2] : memref<26x128xi32, #tpu.memory_space<vmem>> -> memref<1x128xi32, #tpu.memory_space<vmem>>
    %dma_start3A_4 = tpu.memref_squeeze %dma_start3A_3 : memref<1x128xi32, #tpu.memory_space<vmem>> -> memref<128xi32, #tpu.memory_space<vmem>>
    %dma_start3A_5 = arith.constant 0 : i32
    %dma_start3A_6 = arith.constant 0 : i32
    %dma_start3A_7 = tpu.memref_slice %arg2[%dma_start3A_5, %dma_start3A_6] : memref<10000x128xf32, #tpu.memory_space<hbm>> -> memref<10000x128xf32, #tpu.memory_space<hbm>>
    tpu.enqueue_indirect_dma source(%dma_start3A_7 : memref<10000x128xf32, #tpu.memory_space<hbm>>) target(%arg11 : memref<128x128xf32, #tpu.memory_space<vmem>>) offsets(%dma_start3A_4 : memref<128xi32, #tpu.memory_space<vmem>>) semaphore(%arg15 : memref<!tpu.dma_semaphore, #tpu.memory_space<semaphore_mem>>)
    %scan3A = arith.constant 0 : i32
    %scan3A_8 = arith.constant 0 : i32
    %scan3A_9 = arith.constant 128 : i32
    %scan3A_10 = arith.addi %scan3A_8, %scan3A_9 : i32
    %scan3A_11 = arith.constant 1 : i32
    scf.for %scan3A_123 = %scan3A_8 to %scan3A_10 step %scan3A_11  : i32 {
      %broadcast_in_dim3A = arith.constant 0.000000e+00 : f32
      %broadcast_in_dim3A_124 = vector.broadcast %broadcast_in_dim3A : f32 to vector<16xf32>
      %swap3A = arith.index_cast %scan3A_123 : i32 to index
      %swap3A_125 = arith.constant 0 : index
      %swap3A_126 = tpu.vector_load %arg12[%swap3A, %swap3A_125] {strides = array<i32>} : memref<128x128xf32, #tpu.memory_space<vmem>>, vector<1x16xf32>,
      %swap3A_127 = vector.shape_cast %swap3A_126 : vector<1x16xf32> to vector<16xf32>
      %swap3A_128 = vector.shape_cast %broadcast_in_dim3A_124 : vector<16xf32> to vector<1x16xf32>
      tpu.vector_store %arg12[%swap3A, %swap3A_125], %swap3A_128 {strides = array<i32>} : memref<128x128xf32, #tpu.memory_space<vmem>>, vector<1x16xf32>,
      %broadcast_in_dim3A_129 = arith.constant 0.000000e+00 : f32
      %broadcast_in_dim3A_130 = vector.broadcast %broadcast_in_dim3A_129 : f32 to vector<16xf32>
      %swap3A_131 = arith.index_cast %scan3A_123 : i32 to index
      %swap3A_132 = arith.constant 16 : index
      %swap3A_133 = tpu.vector_load %arg12[%swap3A_131, %swap3A_132] {strides = array<i32>} : memref<128x128xf32, #tpu.memory_space<vmem>>, vector<1x16xf32>,
      %swap3A_134 = vector.shape_cast %swap3A_133 : vector<1x16xf32> to vector<16xf32>
      %swap3A_135 = vector.shape_cast %broadcast_in_dim3A_130 : vector<16xf32> to vector<1x16xf32>
      tpu.vector_store %arg12[%swap3A_131, %swap3A_132], %swap3A_135 {strides = array<i32>} : memref<128x128xf32, #tpu.memory_space<vmem>>, vector<1x16xf32>,
      %broadcast_in_dim3A_136 = arith.constant 0.000000e+00 : f32
      %broadcast_in_dim3A_137 = vector.broadcast %broadcast_in_dim3A_136 : f32 to vector<16xf32>
      %swap3A_138 = arith.index_cast %scan3A_123 : i32 to index
      %swap3A_139 = arith.constant 32 : index
      %swap3A_140 = tpu.vector_load %arg12[%swap3A_138, %swap3A_139] {strides = array<i32>} : memref<128x128xf32, #tpu.memory_space<vmem>>, vector<1x16xf32>,
      %swap3A_141 = vector.shape_cast %swap3A_140 : vector<1x16xf32> to vector<16xf32>
      %swap3A_142 = vector.shape_cast %broadcast_in_dim3A_137 : vector<16xf32> to vector<1x16xf32>
      tpu.vector_store %arg12[%swap3A_138, %swap3A_139], %swap3A_142 {strides = array<i32>} : memref<128x128xf32, #tpu.memory_space<vmem>>, vector<1x16xf32>,
      %broadcast_in_dim3A_143 = arith.constant 0.000000e+00 : f32
      %broadcast_in_dim3A_144 = vector.broadcast %broadcast_in_dim3A_143 : f32 to vector<16xf32>
      %swap3A_145 = arith.index_cast %scan3A_123 : i32 to index
      %swap3A_146 = arith.constant 48 : index
      %swap3A_147 = tpu.vector_load %arg12[%swap3A_145, %swap3A_146] {strides = array<i32>} : memref<128x128xf32, #tpu.memory_space<vmem>>, vector<1x16xf32>,
      %swap3A_148 = vector.shape_cast %swap3A_147 : vector<1x16xf32> to vector<16xf32>
      %swap3A_149 = vector.shape_cast %broadcast_in_dim3A_144 : vector<16xf32> to vector<1x16xf32>
      tpu.vector_store %arg12[%swap3A_145, %swap3A_146], %swap3A_149 {strides = array<i32>} : memref<128x128xf32, #tpu.memory_space<vmem>>, vector<1x16xf32>,
      %broadcast_in_dim3A_150 = arith.constant 0.000000e+00 : f32
      %broadcast_in_dim3A_151 = vector.broadcast %broadcast_in_dim3A_150 : f32 to vector<16xf32>
      %swap3A_152 = arith.index_cast %scan3A_123 : i32 to index
      %swap3A_153 = arith.constant 64 : index
      %swap3A_154 = tpu.vector_load %arg12[%swap3A_152, %swap3A_153] {strides = array<i32>} : memref<128x128xf32, #tpu.memory_space<vmem>>, vector<1x16xf32>,
      %swap3A_155 = vector.shape_cast %swap3A_154 : vector<1x16xf32> to vector<16xf32>
      %swap3A_156 = vector.shape_cast %broadcast_in_dim3A_151 : vector<16xf32> to vector<1x16xf32>
      tpu.vector_store %arg12[%swap3A_152, %swap3A_153], %swap3A_156 {strides = array<i32>} : memref<128x128xf32, #tpu.memory_space<vmem>>, vector<1x16xf32>,
      %broadcast_in_dim3A_157 = arith.constant 0.000000e+00 : f32
      %broadcast_in_dim3A_158 = vector.broadcast %broadcast_in_dim3A_157 : f32 to vector<16xf32>
      %swap3A_159 = arith.index_cast %scan3A_123 : i32 to index
      %swap3A_160 = arith.constant 80 : index
      %swap3A_161 = tpu.vector_load %arg12[%swap3A_159, %swap3A_160] {strides = array<i32>} : memref<128x128xf32, #tpu.memory_space<vmem>>, vector<1x16xf32>,
      %swap3A_162 = vector.shape_cast %swap3A_161 : vector<1x16xf32> to vector<16xf32>
      %swap3A_163 = vector.shape_cast %broadcast_in_dim3A_158 : vector<16xf32> to vector<1x16xf32>
      tpu.vector_store %arg12[%swap3A_159, %swap3A_160], %swap3A_163 {strides = array<i32>} : memref<128x128xf32, #tpu.memory_space<vmem>>, vector<1x16xf32>,
      %broadcast_in_dim3A_164 = arith.constant 0.000000e+00 : f32
      %broadcast_in_dim3A_165 = vector.broadcast %broadcast_in_dim3A_164 : f32 to vector<16xf32>
      %swap3A_166 = arith.index_cast %scan3A_123 : i32 to index
      %swap3A_167 = arith.constant 96 : index
      %swap3A_168 = tpu.vector_load %arg12[%swap3A_166, %swap3A_167] {strides = array<i32>} : memref<128x128xf32, #tpu.memory_space<vmem>>, vector<1x16xf32>,
      %swap3A_169 = vector.shape_cast %swap3A_168 : vector<1x16xf32> to vector<16xf32>
      %swap3A_170 = vector.shape_cast %broadcast_in_dim3A_165 : vector<16xf32> to vector<1x16xf32>
      tpu.vector_store %arg12[%swap3A_166, %swap3A_167], %swap3A_170 {strides = array<i32>} : memref<128x128xf32, #tpu.memory_space<vmem>>, vector<1x16xf32>,
      %broadcast_in_dim3A_171 = arith.constant 0.000000e+00 : f32
      %broadcast_in_dim3A_172 = vector.broadcast %broadcast_in_dim3A_171 : f32 to vector<16xf32>
      %swap3A_173 = arith.index_cast %scan3A_123 : i32 to index
      %swap3A_174 = arith.constant 112 : index
      %swap3A_175 = tpu.vector_load %arg12[%swap3A_173, %swap3A_174] {strides = array<i32>} : memref<128x128xf32, #tpu.memory_space<vmem>>, vector<1x16xf32>,
      %swap3A_176 = vector.shape_cast %swap3A_175 : vector<1x16xf32> to vector<16xf32>
      %swap3A_177 = vector.shape_cast %broadcast_in_dim3A_172 : vector<16xf32> to vector<1x16xf32>
      tpu.vector_store %arg12[%swap3A_173, %swap3A_174], %swap3A_177 {strides = array<i32>} : memref<128x128xf32, #tpu.memory_space<vmem>>, vector<1x16xf32>,
    }
    %scan3A_12 = arith.constant 128 : i32
    %mul3A_13 = arith.constant 624 : i32
    %mul3A_14 = arith.muli %arg1, %mul3A_13 : i32
    %add3A_15 = arith.constant 0 : i32
    %add3A_16 = arith.addi %mul3A_14, %add3A_15 : i32
    "tpu.region"() ({
      %run_scoped3A_123 = tpu.sem_alloc : memref<!tpu.dma_semaphore, #tpu.memory_space<semaphore_mem>>
      %dma_start3A_124 = arith.constant 0 : i32
      %dma_start3A_125 = arith.constant 0 : i32
      %dma_start3A_126 = tpu.memref_slice %arg12[%dma_start3A_124, %dma_start3A_125] : memref<128x128xf32, #tpu.memory_space<vmem>> -> memref<128x128xf32, #tpu.memory_space<vmem>>
      %dma_start3A_127 = arith.constant 0 : i32
      %dma_start3A_128 = tpu.memref_slice %arg13[%add3A_16, %dma_start3A_127] : memref<10000x128xf32, #tpu.memory_space<vmem_shared>> -> memref<128x128xf32, #tpu.memory_space<vmem_shared>>
      %dma_start3A_129 = arith.constant 0 : i32
      %dma_start3A_130 = tpu.memref_slice %arg13[%add3A_16, %dma_start3A_129] : memref<10000x128xf32, #tpu.memory_space<vmem_shared>> -> memref<128x128xf32, #tpu.memory_space<vmem_shared>>
      %dma_start3A_131 = arith.constant 0 : i32
      %dma_start3A_132 = arith.constant 0 : i32
      %dma_start3A_133 = tpu.memref_slice %arg12[%dma_start3A_131, %dma_start3A_132] : memref<128x128xf32, #tpu.memory_space<vmem>> -> memref<128x128xf32, #tpu.memory_space<vmem>>
      tpu.enqueue_dma source(%dma_start3A_133 : memref<128x128xf32, #tpu.memory_space<vmem>>) target(%dma_start3A_130 : memref<128x128xf32, #tpu.memory_space<vmem_shared>>) target_semaphore(%run_scoped3A_123 : memref<!tpu.dma_semaphore, #tpu.memory_space<semaphore_mem>>)
      %dma_wait3A_134 = arith.constant 0 : i32
      %dma_wait3A_135 = arith.constant 0 : i32
      %dma_wait3A_136 = tpu.memref_slice %arg12[%dma_wait3A_134, %dma_wait3A_135] : memref<128x128xf32, #tpu.memory_space<vmem>> -> memref<128x128xf32, #tpu.memory_space<vmem>>
      %dma_wait3A_137 = arith.constant 0 : i32
      %dma_wait3A_138 = tpu.memref_slice %arg13[%add3A_16, %dma_wait3A_137] : memref<10000x128xf32, #tpu.memory_space<vmem_shared>> -> memref<128x128xf32, #tpu.memory_space<vmem_shared>>
      %dma_wait3A_139 = arith.constant 0 : i32
      %dma_wait3A_140 = tpu.memref_slice %arg13[%add3A_16, %dma_wait3A_139] : memref<10000x128xf32, #tpu.memory_space<vmem_shared>> -> memref<128x128xf32, #tpu.memory_space<vmem_shared>>
      %dma_wait3A_141 = arith.constant 0 : i32
      %dma_wait3A_142 = arith.constant 0 : i32
      %dma_wait3A_143 = tpu.memref_slice %arg12[%dma_wait3A_141, %dma_wait3A_142] : memref<128x128xf32, #tpu.memory_space<vmem>> -> memref<128x128xf32, #tpu.memory_space<vmem>>
      tpu.wait_dma2 semaphore(%run_scoped3A_123 : memref<!tpu.dma_semaphore, #tpu.memory_space<semaphore_mem>>) src(%dma_wait3A_143 : memref<128x128xf32, #tpu.memory_space<vmem>>) dst(%dma_wait3A_140 : memref<128x128xf32, #tpu.memory_space<vmem_shared>>)
      tpu.yield
    }) : () -> ()
    %mul3A_17 = arith.constant 624 : i32
    %mul3A_18 = arith.muli %arg1, %mul3A_17 : i32
    %add3A_19 = arith.constant 128 : i32
    %add3A_20 = arith.addi %mul3A_18, %add3A_19 : i32
    "tpu.region"() ({
      %run_scoped3A_123 = tpu.sem_alloc : memref<!tpu.dma_semaphore, #tpu.memory_space<semaphore_mem>>
      %dma_start3A_124 = arith.constant 0 : i32
      %dma_start3A_125 = arith.constant 0 : i32
      %dma_start3A_126 = tpu.memref_slice %arg12[%dma_start3A_124, %dma_start3A_125] : memref<128x128xf32, #tpu.memory_space<vmem>> -> memref<128x128xf32, #tpu.memory_space<vmem>>
      %dma_start3A_127 = arith.constant 0 : i32
      %dma_start3A_128 = tpu.memref_slice %arg13[%add3A_20, %dma_start3A_127] : memref<10000x128xf32, #tpu.memory_space<vmem_shared>> -> memref<128x128xf32, #tpu.memory_space<vmem_shared>>
      %dma_start3A_129 = arith.constant 0 : i32
      %dma_start3A_130 = tpu.memref_slice %arg13[%add3A_20, %dma_start3A_129] : memref<10000x128xf32, #tpu.memory_space<vmem_shared>> -> memref<128x128xf32, #tpu.memory_space<vmem_shared>>
      %dma_start3A_131 = arith.constant 0 : i32
      %dma_start3A_132 = arith.constant 0 : i32
      %dma_start3A_133 = tpu.memref_slice %arg12[%dma_start3A_131, %dma_start3A_132] : memref<128x128xf32, #tpu.memory_space<vmem>> -> memref<128x128xf32, #tpu.memory_space<vmem>>
      tpu.enqueue_dma source(%dma_start3A_133 : memref<128x128xf32, #tpu.memory_space<vmem>>) target(%dma_start3A_130 : memref<128x128xf32, #tpu.memory_space<vmem_shared>>) target_semaphore(%run_scoped3A_123 : memref<!tpu.dma_semaphore, #tpu.memory_space<semaphore_mem>>)
      %dma_wait3A_134 = arith.constant 0 : i32
      %dma_wait3A_135 = arith.constant 0 : i32
      %dma_wait3A_136 = tpu.memref_slice %arg12[%dma_wait3A_134, %dma_wait3A_135] : memref<128x128xf32, #tpu.memory_space<vmem>> -> memref<128x128xf32, #tpu.memory_space<vmem>>
      %dma_wait3A_137 = arith.constant 0 : i32
      %dma_wait3A_138 = tpu.memref_slice %arg13[%add3A_20, %dma_wait3A_137] : memref<10000x128xf32, #tpu.memory_space<vmem_shared>> -> memref<128x128xf32, #tpu.memory_space<vmem_shared>>
      %dma_wait3A_139 = arith.constant 0 : i32
      %dma_wait3A_140 = tpu.memref_slice %arg13[%add3A_20, %dma_wait3A_139] : memref<10000x128xf32, #tpu.memory_space<vmem_shared>> -> memref<128x128xf32, #tpu.memory_space<vmem_shared>>
      %dma_wait3A_141 = arith.constant 0 : i32
      %dma_wait3A_142 = arith.constant 0 : i32
      %dma_wait3A_143 = tpu.memref_slice %arg12[%dma_wait3A_141, %dma_wait3A_142] : memref<128x128xf32, #tpu.memory_space<vmem>> -> memref<128x128xf32, #tpu.memory_space<vmem>>
      tpu.wait_dma2 semaphore(%run_scoped3A_123 : memref<!tpu.dma_semaphore, #tpu.memory_space<semaphore_mem>>) src(%dma_wait3A_143 : memref<128x128xf32, #tpu.memory_space<vmem>>) dst(%dma_wait3A_140 : memref<128x128xf32, #tpu.memory_space<vmem_shared>>)
      tpu.yield
    }) : () -> ()
    %mul3A_21 = arith.constant 624 : i32
    %mul3A_22 = arith.muli %arg1, %mul3A_21 : i32
    %add3A_23 = arith.constant 256 : i32
    %add3A_24 = arith.addi %mul3A_22, %add3A_23 : i32
    "tpu.region"() ({
      %run_scoped3A_123 = tpu.sem_alloc : memref<!tpu.dma_semaphore, #tpu.memory_space<semaphore_mem>>
      %dma_start3A_124 = arith.constant 0 : i32
      %dma_start3A_125 = arith.constant 0 : i32
      %dma_start3A_126 = tpu.memref_slice %arg12[%dma_start3A_124, %dma_start3A_125] : memref<128x128xf32, #tpu.memory_space<vmem>> -> memref<128x128xf32, #tpu.memory_space<vmem>>
      %dma_start3A_127 = arith.constant 0 : i32
      %dma_start3A_128 = tpu.memref_slice %arg13[%add3A_24, %dma_start3A_127] : memref<10000x128xf32, #tpu.memory_space<vmem_shared>> -> memref<128x128xf32, #tpu.memory_space<vmem_shared>>
      %dma_start3A_129 = arith.constant 0 : i32
      %dma_start3A_130 = tpu.memref_slice %arg13[%add3A_24, %dma_start3A_129] : memref<10000x128xf32, #tpu.memory_space<vmem_shared>> -> memref<128x128xf32, #tpu.memory_space<vmem_shared>>
      %dma_start3A_131 = arith.constant 0 : i32
      %dma_start3A_132 = arith.constant 0 : i32
      %dma_start3A_133 = tpu.memref_slice %arg12[%dma_start3A_131, %dma_start3A_132] : memref<128x128xf32, #tpu.memory_space<vmem>> -> memref<128x128xf32, #tpu.memory_space<vmem>>
      tpu.enqueue_dma source(%dma_start3A_133 : memref<128x128xf32, #tpu.memory_space<vmem>>) target(%dma_start3A_130 : memref<128x128xf32, #tpu.memory_space<vmem_shared>>) target_semaphore(%run_scoped3A_123 : memref<!tpu.dma_semaphore, #tpu.memory_space<semaphore_mem>>)
      %dma_wait3A_134 = arith.constant 0 : i32
      %dma_wait3A_135 = arith.constant 0 : i32
      %dma_wait3A_136 = tpu.memref_slice %arg12[%dma_wait3A_134, %dma_wait3A_135] : memref<128x128xf32, #tpu.memory_space<vmem>> -> memref<128x128xf32, #tpu.memory_space<vmem>>
      %dma_wait3A_137 = arith.constant 0 : i32
      %dma_wait3A_138 = tpu.memref_slice %arg13[%add3A_24, %dma_wait3A_137] : memref<10000x128xf32, #tpu.memory_space<vmem_shared>> -> memref<128x128xf32, #tpu.memory_space<vmem_shared>>
      %dma_wait3A_139 = arith.constant 0 : i32
      %dma_wait3A_140 = tpu.memref_slice %arg13[%add3A_24, %dma_wait3A_139] : memref<10000x128xf32, #tpu.memory_space<vmem_shared>> -> memref<128x128xf32, #tpu.memory_space<vmem_shared>>
      %dma_wait3A_141 = arith.constant 0 : i32
      %dma_wait3A_142 = arith.constant 0 : i32
      %dma_wait3A_143 = tpu.memref_slice %arg12[%dma_wait3A_141, %dma_wait3A_142] : memref<128x128xf32, #tpu.memory_space<vmem>> -> memref<128x128xf32, #tpu.memory_space<vmem>>
      tpu.wait_dma2 semaphore(%run_scoped3A_123 : memref<!tpu.dma_semaphore, #tpu.memory_space<semaphore_mem>>) src(%dma_wait3A_143 : memref<128x128xf32, #tpu.memory_space<vmem>>) dst(%dma_wait3A_140 : memref<128x128xf32, #tpu.memory_space<vmem_shared>>)
      tpu.yield
    }) : () -> ()
    %mul3A_25 = arith.constant 624 : i32
    %mul3A_26 = arith.muli %arg1, %mul3A_25 : i32
    %add3A_27 = arith.constant 384 : i32
    %add3A_28 = arith.addi %mul3A_26, %add3A_27 : i32
    "tpu.region"() ({
      %run_scoped3A_123 = tpu.sem_alloc : memref<!tpu.dma_semaphore, #tpu.memory_space<semaphore_mem>>
      %dma_start3A_124 = arith.constant 0 : i32
      %dma_start3A_125 = arith.constant 0 : i32
      %dma_start3A_126 = tpu.memref_slice %arg12[%dma_start3A_124, %dma_start3A_125] : memref<128x128xf32, #tpu.memory_space<vmem>> -> memref<128x128xf32, #tpu.memory_space<vmem>>
      %dma_start3A_127 = arith.constant 0 : i32
      %dma_start3A_128 = tpu.memref_slice %arg13[%add3A_28, %dma_start3A_127] : memref<10000x128xf32, #tpu.memory_space<vmem_shared>> -> memref<128x128xf32, #tpu.memory_space<vmem_shared>>
      %dma_start3A_129 = arith.constant 0 : i32
      %dma_start3A_130 = tpu.memref_slice %arg13[%add3A_28, %dma_start3A_129] : memref<10000x128xf32, #tpu.memory_space<vmem_shared>> -> memref<128x128xf32, #tpu.memory_space<vmem_shared>>
      %dma_start3A_131 = arith.constant 0 : i32
      %dma_start3A_132 = arith.constant 0 : i32
      %dma_start3A_133 = tpu.memref_slice %arg12[%dma_start3A_131, %dma_start3A_132] : memref<128x128xf32, #tpu.memory_space<vmem>> -> memref<128x128xf32, #tpu.memory_space<vmem>>
      tpu.enqueue_dma source(%dma_start3A_133 : memref<128x128xf32, #tpu.memory_space<vmem>>) target(%dma_start3A_130 : memref<128x128xf32, #tpu.memory_space<vmem_shared>>) target_semaphore(%run_scoped3A_123 : memref<!tpu.dma_semaphore, #tpu.memory_space<semaphore_mem>>)
      %dma_wait3A_134 = arith.constant 0 : i32
      %dma_wait3A_135 = arith.constant 0 : i32
      %dma_wait3A_136 = tpu.memref_slice %arg12[%dma_wait3A_134, %dma_wait3A_135] : memref<128x128xf32, #tpu.memory_space<vmem>> -> memref<128x128xf32, #tpu.memory_space<vmem>>
      %dma_wait3A_137 = arith.constant 0 : i32
      %dma_wait3A_138 = tpu.memref_slice %arg13[%add3A_28, %dma_wait3A_137] : memref<10000x128xf32, #tpu.memory_space<vmem_shared>> -> memref<128x128xf32, #tpu.memory_space<vmem_shared>>
      %dma_wait3A_139 = arith.constant 0 : i32
      %dma_wait3A_140 = tpu.memref_slice %arg13[%add3A_28, %dma_wait3A_139] : memref<10000x128xf32, #tpu.memory_space<vmem_shared>> -> memref<128x128xf32, #tpu.memory_space<vmem_shared>>
      %dma_wait3A_141 = arith.constant 0 : i32
      %dma_wait3A_142 = arith.constant 0 : i32
      %dma_wait3A_143 = tpu.memref_slice %arg12[%dma_wait3A_141, %dma_wait3A_142] : memref<128x128xf32, #tpu.memory_space<vmem>> -> memref<128x128xf32, #tpu.memory_space<vmem>>
      tpu.wait_dma2 semaphore(%run_scoped3A_123 : memref<!tpu.dma_semaphore, #tpu.memory_space<semaphore_mem>>) src(%dma_wait3A_143 : memref<128x128xf32, #tpu.memory_space<vmem>>) dst(%dma_wait3A_140 : memref<128x128xf32, #tpu.memory_space<vmem_shared>>)
      tpu.yield
    }) : () -> ()
    %mul3A_29 = arith.constant 624 : i32
    %mul3A_30 = arith.muli %arg1, %mul3A_29 : i32
    %add3A_31 = arith.constant 512 : i32
    %add3A_32 = arith.addi %mul3A_30, %add3A_31 : i32
    "tpu.region"() ({
      %run_scoped3A_123 = tpu.sem_alloc : memref<!tpu.dma_semaphore, #tpu.memory_space<semaphore_mem>>
      %dma_start3A_124 = arith.constant 0 : i32
      %dma_start3A_125 = arith.constant 0 : i32
      %dma_start3A_126 = tpu.memref_slice %arg12[%dma_start3A_124, %dma_start3A_125] : memref<128x128xf32, #tpu.memory_space<vmem>> -> memref<112x128xf32, #tpu.memory_space<vmem>>
      %dma_start3A_127 = arith.constant 0 : i32
      %dma_start3A_128 = tpu.memref_slice %arg13[%add3A_32, %dma_start3A_127] : memref<10000x128xf32, #tpu.memory_space<vmem_shared>> -> memref<112x128xf32, #tpu.memory_space<vmem_shared>>
      %dma_start3A_129 = arith.constant 0 : i32
      %dma_start3A_130 = tpu.memref_slice %arg13[%add3A_32, %dma_start3A_129] : memref<10000x128xf32, #tpu.memory_space<vmem_shared>> -> memref<112x128xf32, #tpu.memory_space<vmem_shared>>
      %dma_start3A_131 = arith.constant 0 : i32
      %dma_start3A_132 = arith.constant 0 : i32
      %dma_start3A_133 = tpu.memref_slice %arg12[%dma_start3A_131, %dma_start3A_132] : memref<128x128xf32, #tpu.memory_space<vmem>> -> memref<112x128xf32, #tpu.memory_space<vmem>>
      tpu.enqueue_dma source(%dma_start3A_133 : memref<112x128xf32, #tpu.memory_space<vmem>>) target(%dma_start3A_130 : memref<112x128xf32, #tpu.memory_space<vmem_shared>>) target_semaphore(%run_scoped3A_123 : memref<!tpu.dma_semaphore, #tpu.memory_space<semaphore_mem>>)
      %dma_wait3A_134 = arith.constant 0 : i32
      %dma_wait3A_135 = arith.constant 0 : i32
      %dma_wait3A_136 = tpu.memref_slice %arg12[%dma_wait3A_134, %dma_wait3A_135] : memref<128x128xf32, #tpu.memory_space<vmem>> -> memref<112x128xf32, #tpu.memory_space<vmem>>
      %dma_wait3A_137 = arith.constant 0 : i32
      %dma_wait3A_138 = tpu.memref_slice %arg13[%add3A_32, %dma_wait3A_137] : memref<10000x128xf32, #tpu.memory_space<vmem_shared>> -> memref<112x128xf32, #tpu.memory_space<vmem_shared>>
      %dma_wait3A_139 = arith.constant 0 : i32
      %dma_wait3A_140 = tpu.memref_slice %arg13[%add3A_32, %dma_wait3A_139] : memref<10000x128xf32, #tpu.memory_space<vmem_shared>> -> memref<112x128xf32, #tpu.memory_space<vmem_shared>>
      %dma_wait3A_141 = arith.constant 0 : i32
      %dma_wait3A_142 = arith.constant 0 : i32
      %dma_wait3A_143 = tpu.memref_slice %arg12[%dma_wait3A_141, %dma_wait3A_142] : memref<128x128xf32, #tpu.memory_space<vmem>> -> memref<112x128xf32, #tpu.memory_space<vmem>>
      tpu.wait_dma2 semaphore(%run_scoped3A_123 : memref<!tpu.dma_semaphore, #tpu.memory_space<semaphore_mem>>) src(%dma_wait3A_143 : memref<112x128xf32, #tpu.memory_space<vmem>>) dst(%dma_wait3A_140 : memref<112x128xf32, #tpu.memory_space<vmem_shared>>)
      tpu.yield
    }) : () -> ()
    %eq3A = arith.constant 15 : i32
    %eq3A_33 = arith.cmpi eq, %arg1, %eq3A : i32
    %convert_element_type3A = arith.extui %eq3A_33 : i1 to i32
    %cond3A = arith.constant 0 : i32
    %cond3A_34 = arith.cmpi ne, %convert_element_type3A, %cond3A : i32
    scf.if %cond3A_34 {
      "tpu.region"() ({
        %run_scoped3A_123 = tpu.sem_alloc : memref<!tpu.dma_semaphore, #tpu.memory_space<semaphore_mem>>
        %dma_start3A_124 = arith.constant 0 : i32
        %dma_start3A_125 = arith.constant 0 : i32
        %dma_start3A_126 = tpu.memref_slice %arg12[%dma_start3A_124, %dma_start3A_125] : memref<128x128xf32, #tpu.memory_space<vmem>> -> memref<16x128xf32, #tpu.memory_space<vmem>>
        %dma_start3A_127 = arith.constant 9984 : i32
        %dma_start3A_128 = arith.constant 0 : i32
        %dma_start3A_129 = tpu.memref_slice %arg13[%dma_start3A_127, %dma_start3A_128] : memref<10000x128xf32, #tpu.memory_space<vmem_shared>> -> memref<16x128xf32, #tpu.memory_space<vmem_shared>>
        %dma_start3A_130 = arith.constant 9984 : i32
        %dma_start3A_131 = arith.constant 0 : i32
        %dma_start3A_132 = tpu.memref_slice %arg13[%dma_start3A_130, %dma_start3A_131] : memref<10000x128xf32, #tpu.memory_space<vmem_shared>> -> memref<16x128xf32, #tpu.memory_space<vmem_shared>>
        %dma_start3A_133 = arith.constant 0 : i32
        %dma_start3A_134 = arith.constant 0 : i32
        %dma_start3A_135 = tpu.memref_slice %arg12[%dma_start3A_133, %dma_start3A_134] : memref<128x128xf32, #tpu.memory_space<vmem>> -> memref<16x128xf32, #tpu.memory_space<vmem>>
        tpu.enqueue_dma source(%dma_start3A_135 : memref<16x128xf32, #tpu.memory_space<vmem>>) target(%dma_start3A_132 : memref<16x128xf32, #tpu.memory_space<vmem_shared>>) target_semaphore(%run_scoped3A_123 : memref<!tpu.dma_semaphore, #tpu.memory_space<semaphore_mem>>)
        %dma_wait3A_136 = arith.constant 0 : i32
        %dma_wait3A_137 = arith.constant 0 : i32
        %dma_wait3A_138 = tpu.memref_slice %arg12[%dma_wait3A_136, %dma_wait3A_137] : memref<128x128xf32, #tpu.memory_space<vmem>> -> memref<16x128xf32, #tpu.memory_space<vmem>>
        %dma_wait3A_139 = arith.constant 9984 : i32
        %dma_wait3A_140 = arith.constant 0 : i32
        %dma_wait3A_141 = tpu.memref_slice %arg13[%dma_wait3A_139, %dma_wait3A_140] : memref<10000x128xf32, #tpu.memory_space<vmem_shared>> -> memref<16x128xf32, #tpu.memory_space<vmem_shared>>
        %dma_wait3A_142 = arith.constant 9984 : i32
        %dma_wait3A_143 = arith.constant 0 : i32
        %dma_wait3A_144 = tpu.memref_slice %arg13[%dma_wait3A_142, %dma_wait3A_143] : memref<10000x128xf32, #tpu.memory_space<vmem_shared>> -> memref<16x128xf32, #tpu.memory_space<vmem_shared>>
        %dma_wait3A_145 = arith.constant 0 : i32
        %dma_wait3A_146 = arith.constant 0 : i32
        %dma_wait3A_147 = tpu.memref_slice %arg12[%dma_wait3A_145, %dma_wait3A_146] : memref<128x128xf32, #tpu.memory_space<vmem>> -> memref<16x128xf32, #tpu.memory_space<vmem>>
        tpu.wait_dma2 semaphore(%run_scoped3A_123 : memref<!tpu.dma_semaphore, #tpu.memory_space<semaphore_mem>>) src(%dma_wait3A_147 : memref<16x128xf32, #tpu.memory_space<vmem>>) dst(%dma_wait3A_144 : memref<16x128xf32, #tpu.memory_space<vmem_shared>>)
        tpu.yield
      }) : () -> ()
    } else {
    }
    %barrier3A = arith.constant 0 : index
    tpu.barrier barrier_id(%barrier3A)
    %scan3A_35 = arith.constant 0 : i32
    %scan3A_36 = arith.constant 0 : i32
    %scan3A_37 = arith.constant 13 : i32
    %scan3A_38 = arith.addi %scan3A_36, %scan3A_37 : i32
    %scan3A_39 = arith.constant 1 : i32
    scf.for %scan3A_123 = %scan3A_36 to %scan3A_38 step %scan3A_39  : i32 {
      %gt3A = arith.constant 0 : i32
      %gt3A_124 = arith.cmpi sgt, %scan3A_123, %gt3A : i32
      %convert_element_type3A_125 = arith.extui %gt3A_124 : i1 to i32
      %cond3A_126 = arith.constant 0 : i32
      %cond3A_127 = arith.cmpi ne, %convert_element_type3A_125, %cond3A_126 : i32
      scf.if %cond3A_127 {
        %dma_wait3A_191 = arith.constant 1 : i32
        %dma_wait3A_192 = arith.constant 0 : i32
        %dma_wait3A_193 = tpu.memref_slice %arg9[%dma_wait3A_191, %dma_wait3A_192] : memref<26x128xi32, #tpu.memory_space<vmem>> -> memref<1x128xi32, #tpu.memory_space<vmem>>
        %dma_wait3A_194 = tpu.memref_squeeze %dma_wait3A_193 : memref<1x128xi32, #tpu.memory_space<vmem>> -> memref<128xi32, #tpu.memory_space<vmem>>
        %dma_wait3A_195 = arith.constant 0 : i32
        %dma_wait3A_196 = arith.constant 0 : i32
        %dma_wait3A_197 = tpu.memref_slice %arg13[%dma_wait3A_195, %dma_wait3A_196] : memref<10000x128xf32, #tpu.memory_space<vmem_shared>> -> memref<10000x128xf32, #tpu.memory_space<vmem_shared>>
        tpu.wait_indirect_dma semaphore(%arg18 : memref<!tpu.dma_semaphore, #tpu.memory_space<semaphore_mem>>) src(%arg12 : memref<128x128xf32, #tpu.memory_space<vmem>>) dst(%dma_wait3A_197 : memref<10000x128xf32, #tpu.memory_space<vmem_shared>>)
      } else {
      }
      %mul3A_128 = arith.constant 2 : i32
      %mul3A_129 = arith.muli %mul3A_128, %scan3A_123 : i32
      %add3A_130 = arith.constant 1 : i32
      %add3A_131 = arith.addi %mul3A_129, %add3A_130 : i32
      %dma_start3A_132 = arith.constant 0 : i32
      %dma_start3A_133 = tpu.memref_slice %arg7[%add3A_131, %dma_start3A_132] : memref<26x128xi32, #tpu.memory_space<vmem>> -> memref<1x128xi32, #tpu.memory_space<vmem>>
      %dma_start3A_134 = tpu.memref_squeeze %dma_start3A_133 : memref<1x128xi32, #tpu.memory_space<vmem>> -> memref<128xi32, #tpu.memory_space<vmem>>
      %dma_start3A_135 = arith.constant 0 : i32
      %dma_start3A_136 = arith.constant 0 : i32
      %dma_start3A_137 = tpu.memref_slice %arg2[%dma_start3A_135, %dma_start3A_136] : memref<10000x128xf32, #tpu.memory_space<hbm>> -> memref<10000x128xf32, #tpu.memory_space<hbm>>
      tpu.enqueue_indirect_dma source(%dma_start3A_137 : memref<10000x128xf32, #tpu.memory_space<hbm>>) target(%arg12 : memref<128x128xf32, #tpu.memory_space<vmem>>) offsets(%dma_start3A_134 : memref<128xi32, #tpu.memory_space<vmem>>) semaphore(%arg16 : memref<!tpu.dma_semaphore, #tpu.memory_space<semaphore_mem>>)
      %mul3A_138 = arith.constant 2 : i32
      %mul3A_139 = arith.muli %mul3A_138, %scan3A_123 : i32
      %dma_wait3A_140 = arith.constant 0 : i32
      %dma_wait3A_141 = tpu.memref_slice %arg7[%mul3A_139, %dma_wait3A_140] : memref<26x128xi32, #tpu.memory_space<vmem>> -> memref<1x128xi32, #tpu.memory_space<vmem>>
      %dma_wait3A_142 = tpu.memref_squeeze %dma_wait3A_141 : memref<1x128xi32, #tpu.memory_space<vmem>> -> memref<128xi32, #tpu.memory_space<vmem>>
      %dma_wait3A_143 = arith.constant 0 : i32
      %dma_wait3A_144 = arith.constant 0 : i32
      %dma_wait3A_145 = tpu.memref_slice %arg2[%dma_wait3A_143, %dma_wait3A_144] : memref<10000x128xf32, #tpu.memory_space<hbm>> -> memref<10000x128xf32, #tpu.memory_space<hbm>>
      tpu.wait_indirect_dma semaphore(%arg15 : memref<!tpu.dma_semaphore, #tpu.memory_space<semaphore_mem>>) src(%dma_wait3A_145 : memref<10000x128xf32, #tpu.memory_space<hbm>>) dst(%arg11 : memref<128x128xf32, #tpu.memory_space<vmem>>)
      %mul3A_146 = arith.constant 2 : i32
      %mul3A_147 = arith.muli %mul3A_146, %scan3A_123 : i32
      %dma_start3A_148 = arith.constant 0 : i32
      %dma_start3A_149 = tpu.memref_slice %arg9[%mul3A_147, %dma_start3A_148] : memref<26x128xi32, #tpu.memory_space<vmem>> -> memref<1x128xi32, #tpu.memory_space<vmem>>
      %dma_start3A_150 = tpu.memref_squeeze %dma_start3A_149 : memref<1x128xi32, #tpu.memory_space<vmem>> -> memref<128xi32, #tpu.memory_space<vmem>>
      %dma_start3A_151 = arith.constant 0 : i32
      %dma_start3A_152 = arith.constant 0 : i32
      %dma_start3A_153 = tpu.memref_slice %arg13[%dma_start3A_151, %dma_start3A_152] : memref<10000x128xf32, #tpu.memory_space<vmem_shared>> -> memref<10000x128xf32, #tpu.memory_space<vmem_shared>>
      tpu.enqueue_indirect_dma source(%arg11 : memref<128x128xf32, #tpu.memory_space<vmem>>) target(%dma_start3A_153 : memref<10000x128xf32, #tpu.memory_space<vmem_shared>>) offsets(%dma_start3A_150 : memref<128xi32, #tpu.memory_space<vmem>>) semaphore(%arg17 : memref<!tpu.dma_semaphore, #tpu.memory_space<semaphore_mem>>) {add = true}
      %mul3A_154 = arith.constant 2 : i32
      %mul3A_155 = arith.muli %mul3A_154, %scan3A_123 : i32
      %add3A_156 = arith.constant 1 : i32
      %add3A_157 = arith.addi %mul3A_155, %add3A_156 : i32
      %dma_wait3A_158 = arith.constant 0 : i32
      %dma_wait3A_159 = tpu.memref_slice %arg7[%add3A_157, %dma_wait3A_158] : memref<26x128xi32, #tpu.memory_space<vmem>> -> memref<1x128xi32, #tpu.memory_space<vmem>>
      %dma_wait3A_160 = tpu.memref_squeeze %dma_wait3A_159 : memref<1x128xi32, #tpu.memory_space<vmem>> -> memref<128xi32, #tpu.memory_space<vmem>>
      %dma_wait3A_161 = arith.constant 0 : i32
      %dma_wait3A_162 = arith.constant 0 : i32
      %dma_wait3A_163 = tpu.memref_slice %arg2[%dma_wait3A_161, %dma_wait3A_162] : memref<10000x128xf32, #tpu.memory_space<hbm>> -> memref<10000x128xf32, #tpu.memory_space<hbm>>
      tpu.wait_indirect_dma semaphore(%arg16 : memref<!tpu.dma_semaphore, #tpu.memory_space<semaphore_mem>>) src(%dma_wait3A_163 : memref<10000x128xf32, #tpu.memory_space<hbm>>) dst(%arg12 : memref<128x128xf32, #tpu.memory_space<vmem>>)
      %mul3A_164 = arith.constant 2 : i32
      %mul3A_165 = arith.muli %mul3A_164, %scan3A_123 : i32
      %add3A_166 = arith.constant 1 : i32
      %add3A_167 = arith.addi %mul3A_165, %add3A_166 : i32
      %dma_start3A_168 = arith.constant 0 : i32
      %dma_start3A_169 = tpu.memref_slice %arg9[%add3A_167, %dma_start3A_168] : memref<26x128xi32, #tpu.memory_space<vmem>> -> memref<1x128xi32, #tpu.memory_space<vmem>>
      %dma_start3A_170 = tpu.memref_squeeze %dma_start3A_169 : memref<1x128xi32, #tpu.memory_space<vmem>> -> memref<128xi32, #tpu.memory_space<vmem>>
      %dma_start3A_171 = arith.constant 0 : i32
      %dma_start3A_172 = arith.constant 0 : i32
      %dma_start3A_173 = tpu.memref_slice %arg13[%dma_start3A_171, %dma_start3A_172] : memref<10000x128xf32, #tpu.memory_space<vmem_shared>> -> memref<10000x128xf32, #tpu.memory_space<vmem_shared>>
      tpu.enqueue_indirect_dma source(%arg12 : memref<128x128xf32, #tpu.memory_space<vmem>>) target(%dma_start3A_173 : memref<10000x128xf32, #tpu.memory_space<vmem_shared>>) offsets(%dma_start3A_170 : memref<128xi32, #tpu.memory_space<vmem>>) semaphore(%arg18 : memref<!tpu.dma_semaphore, #tpu.memory_space<semaphore_mem>>) {add = true}
      %dma_wait3A_174 = arith.constant 0 : i32
      %dma_wait3A_175 = arith.constant 0 : i32
      %dma_wait3A_176 = tpu.memref_slice %arg9[%dma_wait3A_174, %dma_wait3A_175] : memref<26x128xi32, #tpu.memory_space<vmem>> -> memref<1x128xi32, #tpu.memory_space<vmem>>
      %dma_wait3A_177 = tpu.memref_squeeze %dma_wait3A_176 : memref<1x128xi32, #tpu.memory_space<vmem>> -> memref<128xi32, #tpu.memory_space<vmem>>
      %dma_wait3A_178 = arith.constant 0 : i32
      %dma_wait3A_179 = arith.constant 0 : i32
      %dma_wait3A_180 = tpu.memref_slice %arg13[%dma_wait3A_178, %dma_wait3A_179] : memref<10000x128xf32, #tpu.memory_space<vmem_shared>> -> memref<10000x128xf32, #tpu.memory_space<vmem_shared>>
      tpu.wait_indirect_dma semaphore(%arg17 : memref<!tpu.dma_semaphore, #tpu.memory_space<semaphore_mem>>) src(%arg11 : memref<128x128xf32, #tpu.memory_space<vmem>>) dst(%dma_wait3A_180 : memref<10000x128xf32, #tpu.memory_space<vmem_shared>>)
      %lt3A_181 = arith.constant 12 : i32
      %lt3A_182 = arith.cmpi slt, %scan3A_123, %lt3A_181 : i32
      %convert_element_type3A_183 = arith.extui %lt3A_182 : i1 to i32
      %cond3A_184 = arith.constant 0 : i32
      %cond3A_185 = arith.cmpi ne, %convert_element_type3A_183, %cond3A_184 : i32
      scf.if %cond3A_185 {
        %mul3A_191 = arith.constant 2 : i32
        %mul3A_192 = arith.muli %mul3A_191, %scan3A_123 : i32
        %add3A_193 = arith.constant 2 : i32
        %add3A_194 = arith.addi %mul3A_192, %add3A_193 : i32
        %dma_start3A_195 = arith.constant 0 : i32
        %dma_start3A_196 = tpu.memref_slice %arg7[%add3A_194, %dma_start3A_195] : memref<26x128xi32, #tpu.memory_space<vmem>> -> memref<1x128xi32, #tpu.memory_space<vmem>>
        %dma_start3A_197 = tpu.memref_squeeze %dma_start3A_196 : memref<1x128xi32, #tpu.memory_space<vmem>> -> memref<128xi32, #tpu.memory_space<vmem>>
        %dma_start3A_198 = arith.constant 0 : i32
        %dma_start3A_199 = arith.constant 0 : i32
        %dma_start3A_200 = tpu.memref_slice %arg2[%dma_start3A_198, %dma_start3A_199] : memref<10000x128xf32, #tpu.memory_space<hbm>> -> memref<10000x128xf32, #tpu.memory_space<hbm>>
        tpu.enqueue_indirect_dma source(%dma_start3A_200 : memref<10000x128xf32, #tpu.memory_space<hbm>>) target(%arg11 : memref<128x128xf32, #tpu.memory_space<vmem>>) offsets(%dma_start3A_197 : memref<128xi32, #tpu.memory_space<vmem>>) semaphore(%arg15 : memref<!tpu.dma_semaphore, #tpu.memory_space<semaphore_mem>>)
      } else {
      }
      %eq3A_186 = arith.constant 0 : i32
      %eq3A_187 = arith.cmpi eq, %scan3A_123, %eq3A_186 : i32
      %convert_element_type3A_188 = arith.extui %eq3A_187 : i1 to i32
      %cond3A_189 = arith.constant 0 : i32
      %cond3A_190 = arith.cmpi ne, %convert_element_type3A_188, %cond3A_189 : i32
      scf.if %cond3A_190 {
        %dma_start3A_191 = arith.constant 1 : i32
        %dma_start3A_192 = arith.constant 0 : i32
        %dma_start3A_193 = arith.constant 0 : i32
        %dma_start3A_194 = tpu.memref_slice %arg3[%add3A, %dma_start3A_191, %dma_start3A_192, %dma_start3A_193] : memref<32x3x26x128xi32, #tpu.memory_space<hbm>> -> memref<1x1x26x128xi32, #tpu.memory_space<hbm>>
        %dma_start3A_195 = tpu.memref_squeeze %dma_start3A_194 : memref<1x1x26x128xi32, #tpu.memory_space<hbm>> -> memref<26x128xi32, #tpu.memory_space<hbm>>
        %dma_start3A_196 = arith.constant 0 : i32
        %dma_start3A_197 = arith.constant 0 : i32
        %dma_start3A_198 = tpu.memref_slice %arg3[%add3A, %dma_start3A_191, %dma_start3A_196, %dma_start3A_197] : memref<32x3x26x128xi32, #tpu.memory_space<hbm>> -> memref<1x1x26x128xi32, #tpu.memory_space<hbm>>
        %dma_start3A_199 = tpu.memref_squeeze %dma_start3A_198 : memref<1x1x26x128xi32, #tpu.memory_space<hbm>> -> memref<26x128xi32, #tpu.memory_space<hbm>>
        tpu.enqueue_dma source(%dma_start3A_199 : memref<26x128xi32, #tpu.memory_space<hbm>>) target(%arg8 : memref<26x128xi32, #tpu.memory_space<vmem>>) target_semaphore(%arg14 : memref<!tpu.dma_semaphore, #tpu.memory_space<semaphore_mem>>)
        %dma_start3A_200 = arith.constant 1 : i32
        %dma_start3A_201 = arith.constant 0 : i32
        %dma_start3A_202 = arith.constant 0 : i32
        %dma_start3A_203 = tpu.memref_slice %arg4[%add3A, %dma_start3A_200, %dma_start3A_201, %dma_start3A_202] : memref<32x3x26x128xi32, #tpu.memory_space<hbm>> -> memref<1x1x26x128xi32, #tpu.memory_space<hbm>>
        %dma_start3A_204 = tpu.memref_squeeze %dma_start3A_203 : memref<1x1x26x128xi32, #tpu.memory_space<hbm>> -> memref<26x128xi32, #tpu.memory_space<hbm>>
        %dma_start3A_205 = arith.constant 0 : i32
        %dma_start3A_206 = arith.constant 0 : i32
        %dma_start3A_207 = tpu.memref_slice %arg4[%add3A, %dma_start3A_200, %dma_start3A_205, %dma_start3A_206] : memref<32x3x26x128xi32, #tpu.memory_space<hbm>> -> memref<1x1x26x128xi32, #tpu.memory_space<hbm>>
        %dma_start3A_208 = tpu.memref_squeeze %dma_start3A_207 : memref<1x1x26x128xi32, #tpu.memory_space<hbm>> -> memref<26x128xi32, #tpu.memory_space<hbm>>
        tpu.enqueue_dma source(%dma_start3A_208 : memref<26x128xi32, #tpu.memory_space<hbm>>) target(%arg10 : memref<26x128xi32, #tpu.memory_space<vmem>>) target_semaphore(%arg14 : memref<!tpu.dma_semaphore, #tpu.memory_space<semaphore_mem>>)
      } else {
      }
    }
    %scan3A_40 = arith.constant 13 : i32
    %dma_wait3A = arith.constant 1 : i32
    %dma_wait3A_41 = arith.constant 0 : i32
    %dma_wait3A_42 = arith.constant 0 : i32
    %dma_wait3A_43 = tpu.memref_slice %arg3[%add3A, %dma_wait3A, %dma_wait3A_41, %dma_wait3A_42] : memref<32x3x26x128xi32, #tpu.memory_space<hbm>> -> memref<1x1x26x128xi32, #tpu.memory_space<hbm>>
    %dma_wait3A_44 = tpu.memref_squeeze %dma_wait3A_43 : memref<1x1x26x128xi32, #tpu.memory_space<hbm>> -> memref<26x128xi32, #tpu.memory_space<hbm>>
    %dma_wait3A_45 = arith.constant 0 : i32
    %dma_wait3A_46 = arith.constant 0 : i32
    %dma_wait3A_47 = tpu.memref_slice %arg3[%add3A, %dma_wait3A, %dma_wait3A_45, %dma_wait3A_46] : memref<32x3x26x128xi32, #tpu.memory_space<hbm>> -> memref<1x1x26x128xi32, #tpu.memory_space<hbm>>
    %dma_wait3A_48 = tpu.memref_squeeze %dma_wait3A_47 : memref<1x1x26x128xi32, #tpu.memory_space<hbm>> -> memref<26x128xi32, #tpu.memory_space<hbm>>
    tpu.wait_dma2 semaphore(%arg14 : memref<!tpu.dma_semaphore, #tpu.memory_space<semaphore_mem>>) src(%dma_wait3A_48 : memref<26x128xi32, #tpu.memory_space<hbm>>) dst(%arg8 : memref<26x128xi32, #tpu.memory_space<vmem>>)
    %dma_wait3A_49 = arith.constant 1 : i32
    %dma_wait3A_50 = arith.constant 0 : i32
    %dma_wait3A_51 = arith.constant 0 : i32
    %dma_wait3A_52 = tpu.memref_slice %arg4[%add3A, %dma_wait3A_49, %dma_wait3A_50, %dma_wait3A_51] : memref<32x3x26x128xi32, #tpu.memory_space<hbm>> -> memref<1x1x26x128xi32, #tpu.memory_space<hbm>>
    %dma_wait3A_53 = tpu.memref_squeeze %dma_wait3A_52 : memref<1x1x26x128xi32, #tpu.memory_space<hbm>> -> memref<26x128xi32, #tpu.memory_space<hbm>>
    %dma_wait3A_54 = arith.constant 0 : i32
    %dma_wait3A_55 = arith.constant 0 : i32
    %dma_wait3A_56 = tpu.memref_slice %arg4[%add3A, %dma_wait3A_49, %dma_wait3A_54, %dma_wait3A_55] : memref<32x3x26x128xi32, #tpu.memory_space<hbm>> -> memref<1x1x26x128xi32, #tpu.memory_space<hbm>>
    %dma_wait3A_57 = tpu.memref_squeeze %dma_wait3A_56 : memref<1x1x26x128xi32, #tpu.memory_space<hbm>> -> memref<26x128xi32, #tpu.memory_space<hbm>>
    tpu.wait_dma2 semaphore(%arg14 : memref<!tpu.dma_semaphore, #tpu.memory_space<semaphore_mem>>) src(%dma_wait3A_57 : memref<26x128xi32, #tpu.memory_space<hbm>>) dst(%arg10 : memref<26x128xi32, #tpu.memory_space<vmem>>)
    %dma_start3A_58 = arith.constant 0 : i32
    %dma_start3A_59 = arith.constant 0 : i32
    %dma_start3A_60 = tpu.memref_slice %arg8[%dma_start3A_58, %dma_start3A_59] : memref<26x128xi32, #tpu.memory_space<vmem>> -> memref<1x128xi32, #tpu.memory_space<vmem>>
    %dma_start3A_61 = tpu.memref_squeeze %dma_start3A_60 : memref<1x128xi32, #tpu.memory_space<vmem>> -> memref<128xi32, #tpu.memory_space<vmem>>
    %dma_start3A_62 = arith.constant 0 : i32
    %dma_start3A_63 = arith.constant 0 : i32
    %dma_start3A_64 = tpu.memref_slice %arg2[%dma_start3A_62, %dma_start3A_63] : memref<10000x128xf32, #tpu.memory_space<hbm>> -> memref<10000x128xf32, #tpu.memory_space<hbm>>
    tpu.enqueue_indirect_dma source(%dma_start3A_64 : memref<10000x128xf32, #tpu.memory_space<hbm>>) target(%arg11 : memref<128x128xf32, #tpu.memory_space<vmem>>) offsets(%dma_start3A_61 : memref<128xi32, #tpu.memory_space<vmem>>) semaphore(%arg15 : memref<!tpu.dma_semaphore, #tpu.memory_space<semaphore_mem>>)
    %scan3A_65 = arith.constant 0 : i32
    %scan3A_66 = arith.constant 0 : i32
    %scan3A_67 = arith.constant 13 : i32
    %scan3A_68 = arith.addi %scan3A_66, %scan3A_67 : i32
    %scan3A_69 = arith.constant 1 : i32
    scf.for %scan3A_123 = %scan3A_66 to %scan3A_68 step %scan3A_69  : i32 {
      %dma_wait3A_124 = arith.constant 1 : i32
      %dma_wait3A_125 = arith.constant 0 : i32
      %dma_wait3A_126 = tpu.memref_slice %arg10[%dma_wait3A_124, %dma_wait3A_125] : memref<26x128xi32, #tpu.memory_space<vmem>> -> memref<1x128xi32, #tpu.memory_space<vmem>>
      %dma_wait3A_127 = tpu.memref_squeeze %dma_wait3A_126 : memref<1x128xi32, #tpu.memory_space<vmem>> -> memref<128xi32, #tpu.memory_space<vmem>>
      %dma_wait3A_128 = arith.constant 0 : i32
      %dma_wait3A_129 = arith.constant 0 : i32
      %dma_wait3A_130 = tpu.memref_slice %arg13[%dma_wait3A_128, %dma_wait3A_129] : memref<10000x128xf32, #tpu.memory_space<vmem_shared>> -> memref<10000x128xf32, #tpu.memory_space<vmem_shared>>
      tpu.wait_indirect_dma semaphore(%arg18 : memref<!tpu.dma_semaphore, #tpu.memory_space<semaphore_mem>>) src(%arg12 : memref<128x128xf32, #tpu.memory_space<vmem>>) dst(%dma_wait3A_130 : memref<10000x128xf32, #tpu.memory_space<vmem_shared>>)
      %mul3A_131 = arith.constant 2 : i32
      %mul3A_132 = arith.muli %mul3A_131, %scan3A_123 : i32
      %add3A_133 = arith.constant 1 : i32
      %add3A_134 = arith.addi %mul3A_132, %add3A_133 : i32
      %dma_start3A_135 = arith.constant 0 : i32
      %dma_start3A_136 = tpu.memref_slice %arg8[%add3A_134, %dma_start3A_135] : memref<26x128xi32, #tpu.memory_space<vmem>> -> memref<1x128xi32, #tpu.memory_space<vmem>>
      %dma_start3A_137 = tpu.memref_squeeze %dma_start3A_136 : memref<1x128xi32, #tpu.memory_space<vmem>> -> memref<128xi32, #tpu.memory_space<vmem>>
      %dma_start3A_138 = arith.constant 0 : i32
      %dma_start3A_139 = arith.constant 0 : i32
      %dma_start3A_140 = tpu.memref_slice %arg2[%dma_start3A_138, %dma_start3A_139] : memref<10000x128xf32, #tpu.memory_space<hbm>> -> memref<10000x128xf32, #tpu.memory_space<hbm>>
      tpu.enqueue_indirect_dma source(%dma_start3A_140 : memref<10000x128xf32, #tpu.memory_space<hbm>>) target(%arg12 : memref<128x128xf32, #tpu.memory_space<vmem>>) offsets(%dma_start3A_137 : memref<128xi32, #tpu.memory_space<vmem>>) semaphore(%arg16 : memref<!tpu.dma_semaphore, #tpu.memory_space<semaphore_mem>>)
      %mul3A_141 = arith.constant 2 : i32
      %mul3A_142 = arith.muli %mul3A_141, %scan3A_123 : i32
      %dma_wait3A_143 = arith.constant 0 : i32
      %dma_wait3A_144 = tpu.memref_slice %arg8[%mul3A_142, %dma_wait3A_143] : memref<26x128xi32, #tpu.memory_space<vmem>> -> memref<1x128xi32, #tpu.memory_space<vmem>>
      %dma_wait3A_145 = tpu.memref_squeeze %dma_wait3A_144 : memref<1x128xi32, #tpu.memory_space<vmem>> -> memref<128xi32, #tpu.memory_space<vmem>>
      %dma_wait3A_146 = arith.constant 0 : i32
      %dma_wait3A_147 = arith.constant 0 : i32
      %dma_wait3A_148 = tpu.memref_slice %arg2[%dma_wait3A_146, %dma_wait3A_147] : memref<10000x128xf32, #tpu.memory_space<hbm>> -> memref<10000x128xf32, #tpu.memory_space<hbm>>
      tpu.wait_indirect_dma semaphore(%arg15 : memref<!tpu.dma_semaphore, #tpu.memory_space<semaphore_mem>>) src(%dma_wait3A_148 : memref<10000x128xf32, #tpu.memory_space<hbm>>) dst(%arg11 : memref<128x128xf32, #tpu.memory_space<vmem>>)
      %mul3A_149 = arith.constant 2 : i32
      %mul3A_150 = arith.muli %mul3A_149, %scan3A_123 : i32
      %dma_start3A_151 = arith.constant 0 : i32
      %dma_start3A_152 = tpu.memref_slice %arg10[%mul3A_150, %dma_start3A_151] : memref<26x128xi32, #tpu.memory_space<vmem>> -> memref<1x128xi32, #tpu.memory_space<vmem>>
      %dma_start3A_153 = tpu.memref_squeeze %dma_start3A_152 : memref<1x128xi32, #tpu.memory_space<vmem>> -> memref<128xi32, #tpu.memory_space<vmem>>
      %dma_start3A_154 = arith.constant 0 : i32
      %dma_start3A_155 = arith.constant 0 : i32
      %dma_start3A_156 = tpu.memref_slice %arg13[%dma_start3A_154, %dma_start3A_155] : memref<10000x128xf32, #tpu.memory_space<vmem_shared>> -> memref<10000x128xf32, #tpu.memory_space<vmem_shared>>
      tpu.enqueue_indirect_dma source(%arg11 : memref<128x128xf32, #tpu.memory_space<vmem>>) target(%dma_start3A_156 : memref<10000x128xf32, #tpu.memory_space<vmem_shared>>) offsets(%dma_start3A_153 : memref<128xi32, #tpu.memory_space<vmem>>) semaphore(%arg17 : memref<!tpu.dma_semaphore, #tpu.memory_space<semaphore_mem>>) {add = true}
      %mul3A_157 = arith.constant 2 : i32
      %mul3A_158 = arith.muli %mul3A_157, %scan3A_123 : i32
      %add3A_159 = arith.constant 1 : i32
      %add3A_160 = arith.addi %mul3A_158, %add3A_159 : i32
      %dma_wait3A_161 = arith.constant 0 : i32
      %dma_wait3A_162 = tpu.memref_slice %arg8[%add3A_160, %dma_wait3A_161] : memref<26x128xi32, #tpu.memory_space<vmem>> -> memref<1x128xi32, #tpu.memory_space<vmem>>
      %dma_wait3A_163 = tpu.memref_squeeze %dma_wait3A_162 : memref<1x128xi32, #tpu.memory_space<vmem>> -> memref<128xi32, #tpu.memory_space<vmem>>
      %dma_wait3A_164 = arith.constant 0 : i32
      %dma_wait3A_165 = arith.constant 0 : i32
      %dma_wait3A_166 = tpu.memref_slice %arg2[%dma_wait3A_164, %dma_wait3A_165] : memref<10000x128xf32, #tpu.memory_space<hbm>> -> memref<10000x128xf32, #tpu.memory_space<hbm>>
      tpu.wait_indirect_dma semaphore(%arg16 : memref<!tpu.dma_semaphore, #tpu.memory_space<semaphore_mem>>) src(%dma_wait3A_166 : memref<10000x128xf32, #tpu.memory_space<hbm>>) dst(%arg12 : memref<128x128xf32, #tpu.memory_space<vmem>>)
      %mul3A_167 = arith.constant 2 : i32
      %mul3A_168 = arith.muli %mul3A_167, %scan3A_123 : i32
      %add3A_169 = arith.constant 1 : i32
      %add3A_170 = arith.addi %mul3A_168, %add3A_169 : i32
      %dma_start3A_171 = arith.constant 0 : i32
      %dma_start3A_172 = tpu.memref_slice %arg10[%add3A_170, %dma_start3A_171] : memref<26x128xi32, #tpu.memory_space<vmem>> -> memref<1x128xi32, #tpu.memory_space<vmem>>
      %dma_start3A_173 = tpu.memref_squeeze %dma_start3A_172 : memref<1x128xi32, #tpu.memory_space<vmem>> -> memref<128xi32, #tpu.memory_space<vmem>>
      %dma_start3A_174 = arith.constant 0 : i32
      %dma_start3A_175 = arith.constant 0 : i32
      %dma_start3A_176 = tpu.memref_slice %arg13[%dma_start3A_174, %dma_start3A_175] : memref<10000x128xf32, #tpu.memory_space<vmem_shared>> -> memref<10000x128xf32, #tpu.memory_space<vmem_shared>>
      tpu.enqueue_indirect_dma source(%arg12 : memref<128x128xf32, #tpu.memory_space<vmem>>) target(%dma_start3A_176 : memref<10000x128xf32, #tpu.memory_space<vmem_shared>>) offsets(%dma_start3A_173 : memref<128xi32, #tpu.memory_space<vmem>>) semaphore(%arg18 : memref<!tpu.dma_semaphore, #tpu.memory_space<semaphore_mem>>) {add = true}
      %dma_wait3A_177 = arith.constant 0 : i32
      %dma_wait3A_178 = arith.constant 0 : i32
      %dma_wait3A_179 = tpu.memref_slice %arg10[%dma_wait3A_177, %dma_wait3A_178] : memref<26x128xi32, #tpu.memory_space<vmem>> -> memref<1x128xi32, #tpu.memory_space<vmem>>
      %dma_wait3A_180 = tpu.memref_squeeze %dma_wait3A_179 : memref<1x128xi32, #tpu.memory_space<vmem>> -> memref<128xi32, #tpu.memory_space<vmem>>
      %dma_wait3A_181 = arith.constant 0 : i32
      %dma_wait3A_182 = arith.constant 0 : i32
      %dma_wait3A_183 = tpu.memref_slice %arg13[%dma_wait3A_181, %dma_wait3A_182] : memref<10000x128xf32, #tpu.memory_space<vmem_shared>> -> memref<10000x128xf32, #tpu.memory_space<vmem_shared>>
      tpu.wait_indirect_dma semaphore(%arg17 : memref<!tpu.dma_semaphore, #tpu.memory_space<semaphore_mem>>) src(%arg11 : memref<128x128xf32, #tpu.memory_space<vmem>>) dst(%dma_wait3A_183 : memref<10000x128xf32, #tpu.memory_space<vmem_shared>>)
      %lt3A_184 = arith.constant 12 : i32
      %lt3A_185 = arith.cmpi slt, %scan3A_123, %lt3A_184 : i32
      %convert_element_type3A_186 = arith.extui %lt3A_185 : i1 to i32
      %cond3A_187 = arith.constant 0 : i32
      %cond3A_188 = arith.cmpi ne, %convert_element_type3A_186, %cond3A_187 : i32
      scf.if %cond3A_188 {
        %mul3A_194 = arith.constant 2 : i32
        %mul3A_195 = arith.muli %mul3A_194, %scan3A_123 : i32
        %add3A_196 = arith.constant 2 : i32
        %add3A_197 = arith.addi %mul3A_195, %add3A_196 : i32
        %dma_start3A_198 = arith.constant 0 : i32
        %dma_start3A_199 = tpu.memref_slice %arg8[%add3A_197, %dma_start3A_198] : memref<26x128xi32, #tpu.memory_space<vmem>> -> memref<1x128xi32, #tpu.memory_space<vmem>>
        %dma_start3A_200 = tpu.memref_squeeze %dma_start3A_199 : memref<1x128xi32, #tpu.memory_space<vmem>> -> memref<128xi32, #tpu.memory_space<vmem>>
        %dma_start3A_201 = arith.constant 0 : i32
        %dma_start3A_202 = arith.constant 0 : i32
        %dma_start3A_203 = tpu.memref_slice %arg2[%dma_start3A_201, %dma_start3A_202] : memref<10000x128xf32, #tpu.memory_space<hbm>> -> memref<10000x128xf32, #tpu.memory_space<hbm>>
        tpu.enqueue_indirect_dma source(%dma_start3A_203 : memref<10000x128xf32, #tpu.memory_space<hbm>>) target(%arg11 : memref<128x128xf32, #tpu.memory_space<vmem>>) offsets(%dma_start3A_200 : memref<128xi32, #tpu.memory_space<vmem>>) semaphore(%arg15 : memref<!tpu.dma_semaphore, #tpu.memory_space<semaphore_mem>>)
      } else {
      }
      %eq3A_189 = arith.constant 0 : i32
      %eq3A_190 = arith.cmpi eq, %scan3A_123, %eq3A_189 : i32
      %convert_element_type3A_191 = arith.extui %eq3A_190 : i1 to i32
      %cond3A_192 = arith.constant 0 : i32
      %cond3A_193 = arith.cmpi ne, %convert_element_type3A_191, %cond3A_192 : i32
      scf.if %cond3A_193 {
        %dma_start3A_194 = arith.constant 2 : i32
        %dma_start3A_195 = arith.constant 0 : i32
        %dma_start3A_196 = arith.constant 0 : i32
        %dma_start3A_197 = tpu.memref_slice %arg3[%add3A, %dma_start3A_194, %dma_start3A_195, %dma_start3A_196] : memref<32x3x26x128xi32, #tpu.memory_space<hbm>> -> memref<1x1x26x128xi32, #tpu.memory_space<hbm>>
        %dma_start3A_198 = tpu.memref_squeeze %dma_start3A_197 : memref<1x1x26x128xi32, #tpu.memory_space<hbm>> -> memref<26x128xi32, #tpu.memory_space<hbm>>
        %dma_start3A_199 = arith.constant 0 : i32
        %dma_start3A_200 = arith.constant 0 : i32
        %dma_start3A_201 = tpu.memref_slice %arg3[%add3A, %dma_start3A_194, %dma_start3A_199, %dma_start3A_200] : memref<32x3x26x128xi32, #tpu.memory_space<hbm>> -> memref<1x1x26x128xi32, #tpu.memory_space<hbm>>
        %dma_start3A_202 = tpu.memref_squeeze %dma_start3A_201 : memref<1x1x26x128xi32, #tpu.memory_space<hbm>> -> memref<26x128xi32, #tpu.memory_space<hbm>>
        tpu.enqueue_dma source(%dma_start3A_202 : memref<26x128xi32, #tpu.memory_space<hbm>>) target(%arg7 : memref<26x128xi32, #tpu.memory_space<vmem>>) target_semaphore(%arg14 : memref<!tpu.dma_semaphore, #tpu.memory_space<semaphore_mem>>)
        %dma_start3A_203 = arith.constant 2 : i32
        %dma_start3A_204 = arith.constant 0 : i32
        %dma_start3A_205 = arith.constant 0 : i32
        %dma_start3A_206 = tpu.memref_slice %arg4[%add3A, %dma_start3A_203, %dma_start3A_204, %dma_start3A_205] : memref<32x3x26x128xi32, #tpu.memory_space<hbm>> -> memref<1x1x26x128xi32, #tpu.memory_space<hbm>>
        %dma_start3A_207 = tpu.memref_squeeze %dma_start3A_206 : memref<1x1x26x128xi32, #tpu.memory_space<hbm>> -> memref<26x128xi32, #tpu.memory_space<hbm>>
        %dma_start3A_208 = arith.constant 0 : i32
        %dma_start3A_209 = arith.constant 0 : i32
        %dma_start3A_210 = tpu.memref_slice %arg4[%add3A, %dma_start3A_203, %dma_start3A_208, %dma_start3A_209] : memref<32x3x26x128xi32, #tpu.memory_space<hbm>> -> memref<1x1x26x128xi32, #tpu.memory_space<hbm>>
        %dma_start3A_211 = tpu.memref_squeeze %dma_start3A_210 : memref<1x1x26x128xi32, #tpu.memory_space<hbm>> -> memref<26x128xi32, #tpu.memory_space<hbm>>
        tpu.enqueue_dma source(%dma_start3A_211 : memref<26x128xi32, #tpu.memory_space<hbm>>) target(%arg9 : memref<26x128xi32, #tpu.memory_space<vmem>>) target_semaphore(%arg14 : memref<!tpu.dma_semaphore, #tpu.memory_space<semaphore_mem>>)
      } else {
      }
    }
    %scan3A_70 = arith.constant 13 : i32
    %dma_wait3A_71 = arith.constant 2 : i32
    %dma_wait3A_72 = arith.constant 0 : i32
    %dma_wait3A_73 = arith.constant 0 : i32
    %dma_wait3A_74 = tpu.memref_slice %arg3[%add3A, %dma_wait3A_71, %dma_wait3A_72, %dma_wait3A_73] : memref<32x3x26x128xi32, #tpu.memory_space<hbm>> -> memref<1x1x26x128xi32, #tpu.memory_space<hbm>>
    %dma_wait3A_75 = tpu.memref_squeeze %dma_wait3A_74 : memref<1x1x26x128xi32, #tpu.memory_space<hbm>> -> memref<26x128xi32, #tpu.memory_space<hbm>>
    %dma_wait3A_76 = arith.constant 0 : i32
    %dma_wait3A_77 = arith.constant 0 : i32
    %dma_wait3A_78 = tpu.memref_slice %arg3[%add3A, %dma_wait3A_71, %dma_wait3A_76, %dma_wait3A_77] : memref<32x3x26x128xi32, #tpu.memory_space<hbm>> -> memref<1x1x26x128xi32, #tpu.memory_space<hbm>>
    %dma_wait3A_79 = tpu.memref_squeeze %dma_wait3A_78 : memref<1x1x26x128xi32, #tpu.memory_space<hbm>> -> memref<26x128xi32, #tpu.memory_space<hbm>>
    tpu.wait_dma2 semaphore(%arg14 : memref<!tpu.dma_semaphore, #tpu.memory_space<semaphore_mem>>) src(%dma_wait3A_79 : memref<26x128xi32, #tpu.memory_space<hbm>>) dst(%arg7 : memref<26x128xi32, #tpu.memory_space<vmem>>)
    %dma_wait3A_80 = arith.constant 2 : i32
    %dma_wait3A_81 = arith.constant 0 : i32
    %dma_wait3A_82 = arith.constant 0 : i32
    %dma_wait3A_83 = tpu.memref_slice %arg4[%add3A, %dma_wait3A_80, %dma_wait3A_81, %dma_wait3A_82] : memref<32x3x26x128xi32, #tpu.memory_space<hbm>> -> memref<1x1x26x128xi32, #tpu.memory_space<hbm>>
    %dma_wait3A_84 = tpu.memref_squeeze %dma_wait3A_83 : memref<1x1x26x128xi32, #tpu.memory_space<hbm>> -> memref<26x128xi32, #tpu.memory_space<hbm>>
    %dma_wait3A_85 = arith.constant 0 : i32
    %dma_wait3A_86 = arith.constant 0 : i32
    %dma_wait3A_87 = tpu.memref_slice %arg4[%add3A, %dma_wait3A_80, %dma_wait3A_85, %dma_wait3A_86] : memref<32x3x26x128xi32, #tpu.memory_space<hbm>> -> memref<1x1x26x128xi32, #tpu.memory_space<hbm>>
    %dma_wait3A_88 = tpu.memref_squeeze %dma_wait3A_87 : memref<1x1x26x128xi32, #tpu.memory_space<hbm>> -> memref<26x128xi32, #tpu.memory_space<hbm>>
    tpu.wait_dma2 semaphore(%arg14 : memref<!tpu.dma_semaphore, #tpu.memory_space<semaphore_mem>>) src(%dma_wait3A_88 : memref<26x128xi32, #tpu.memory_space<hbm>>) dst(%arg9 : memref<26x128xi32, #tpu.memory_space<vmem>>)
    %dma_start3A_89 = arith.constant 0 : i32
    %dma_start3A_90 = arith.constant 0 : i32
    %dma_start3A_91 = tpu.memref_slice %arg7[%dma_start3A_89, %dma_start3A_90] : memref<26x128xi32, #tpu.memory_space<vmem>> -> memref<1x128xi32, #tpu.memory_space<vmem>>
    %dma_start3A_92 = tpu.memref_squeeze %dma_start3A_91 : memref<1x128xi32, #tpu.memory_space<vmem>> -> memref<128xi32, #tpu.memory_space<vmem>>
    %dma_start3A_93 = arith.constant 0 : i32
    %dma_start3A_94 = arith.constant 0 : i32
    %dma_start3A_95 = tpu.memref_slice %arg2[%dma_start3A_93, %dma_start3A_94] : memref<10000x128xf32, #tpu.memory_space<hbm>> -> memref<10000x128xf32, #tpu.memory_space<hbm>>
    tpu.enqueue_indirect_dma source(%dma_start3A_95 : memref<10000x128xf32, #tpu.memory_space<hbm>>) target(%arg11 : memref<128x128xf32, #tpu.memory_space<vmem>>) offsets(%dma_start3A_92 : memref<128xi32, #tpu.memory_space<vmem>>) semaphore(%arg15 : memref<!tpu.dma_semaphore, #tpu.memory_space<semaphore_mem>>)
    %scan3A_96 = arith.constant 0 : i32
    %scan3A_97 = arith.constant 0 : i32
    %scan3A_98 = arith.constant 13 : i32
    %scan3A_99 = arith.addi %scan3A_97, %scan3A_98 : i32
    %scan3A_100 = arith.constant 1 : i32
    scf.for %scan3A_123 = %scan3A_97 to %scan3A_99 step %scan3A_100  : i32 {
      %dma_wait3A_124 = arith.constant 1 : i32
      %dma_wait3A_125 = arith.constant 0 : i32
      %dma_wait3A_126 = tpu.memref_slice %arg9[%dma_wait3A_124, %dma_wait3A_125] : memref<26x128xi32, #tpu.memory_space<vmem>> -> memref<1x128xi32, #tpu.memory_space<vmem>>
      %dma_wait3A_127 = tpu.memref_squeeze %dma_wait3A_126 : memref<1x128xi32, #tpu.memory_space<vmem>> -> memref<128xi32, #tpu.memory_space<vmem>>
      %dma_wait3A_128 = arith.constant 0 : i32
      %dma_wait3A_129 = arith.constant 0 : i32
      %dma_wait3A_130 = tpu.memref_slice %arg13[%dma_wait3A_128, %dma_wait3A_129] : memref<10000x128xf32, #tpu.memory_space<vmem_shared>> -> memref<10000x128xf32, #tpu.memory_space<vmem_shared>>
      tpu.wait_indirect_dma semaphore(%arg18 : memref<!tpu.dma_semaphore, #tpu.memory_space<semaphore_mem>>) src(%arg12 : memref<128x128xf32, #tpu.memory_space<vmem>>) dst(%dma_wait3A_130 : memref<10000x128xf32, #tpu.memory_space<vmem_shared>>)
      %mul3A_131 = arith.constant 2 : i32
      %mul3A_132 = arith.muli %mul3A_131, %scan3A_123 : i32
      %add3A_133 = arith.constant 1 : i32
      %add3A_134 = arith.addi %mul3A_132, %add3A_133 : i32
      %dma_start3A_135 = arith.constant 0 : i32
      %dma_start3A_136 = tpu.memref_slice %arg7[%add3A_134, %dma_start3A_135] : memref<26x128xi32, #tpu.memory_space<vmem>> -> memref<1x128xi32, #tpu.memory_space<vmem>>
      %dma_start3A_137 = tpu.memref_squeeze %dma_start3A_136 : memref<1x128xi32, #tpu.memory_space<vmem>> -> memref<128xi32, #tpu.memory_space<vmem>>
      %dma_start3A_138 = arith.constant 0 : i32
      %dma_start3A_139 = arith.constant 0 : i32
      %dma_start3A_140 = tpu.memref_slice %arg2[%dma_start3A_138, %dma_start3A_139] : memref<10000x128xf32, #tpu.memory_space<hbm>> -> memref<10000x128xf32, #tpu.memory_space<hbm>>
      tpu.enqueue_indirect_dma source(%dma_start3A_140 : memref<10000x128xf32, #tpu.memory_space<hbm>>) target(%arg12 : memref<128x128xf32, #tpu.memory_space<vmem>>) offsets(%dma_start3A_137 : memref<128xi32, #tpu.memory_space<vmem>>) semaphore(%arg16 : memref<!tpu.dma_semaphore, #tpu.memory_space<semaphore_mem>>)
      %mul3A_141 = arith.constant 2 : i32
      %mul3A_142 = arith.muli %mul3A_141, %scan3A_123 : i32
      %dma_wait3A_143 = arith.constant 0 : i32
      %dma_wait3A_144 = tpu.memref_slice %arg7[%mul3A_142, %dma_wait3A_143] : memref<26x128xi32, #tpu.memory_space<vmem>> -> memref<1x128xi32, #tpu.memory_space<vmem>>
      %dma_wait3A_145 = tpu.memref_squeeze %dma_wait3A_144 : memref<1x128xi32, #tpu.memory_space<vmem>> -> memref<128xi32, #tpu.memory_space<vmem>>
      %dma_wait3A_146 = arith.constant 0 : i32
      %dma_wait3A_147 = arith.constant 0 : i32
      %dma_wait3A_148 = tpu.memref_slice %arg2[%dma_wait3A_146, %dma_wait3A_147] : memref<10000x128xf32, #tpu.memory_space<hbm>> -> memref<10000x128xf32, #tpu.memory_space<hbm>>
      tpu.wait_indirect_dma semaphore(%arg15 : memref<!tpu.dma_semaphore, #tpu.memory_space<semaphore_mem>>) src(%dma_wait3A_148 : memref<10000x128xf32, #tpu.memory_space<hbm>>) dst(%arg11 : memref<128x128xf32, #tpu.memory_space<vmem>>)
      %mul3A_149 = arith.constant 2 : i32
      %mul3A_150 = arith.muli %mul3A_149, %scan3A_123 : i32
      %dma_start3A_151 = arith.constant 0 : i32
      %dma_start3A_152 = tpu.memref_slice %arg9[%mul3A_150, %dma_start3A_151] : memref<26x128xi32, #tpu.memory_space<vmem>> -> memref<1x128xi32, #tpu.memory_space<vmem>>
      %dma_start3A_153 = tpu.memref_squeeze %dma_start3A_152 : memref<1x128xi32, #tpu.memory_space<vmem>> -> memref<128xi32, #tpu.memory_space<vmem>>
      %dma_start3A_154 = arith.constant 0 : i32
      %dma_start3A_155 = arith.constant 0 : i32
      %dma_start3A_156 = tpu.memref_slice %arg13[%dma_start3A_154, %dma_start3A_155] : memref<10000x128xf32, #tpu.memory_space<vmem_shared>> -> memref<10000x128xf32, #tpu.memory_space<vmem_shared>>
      tpu.enqueue_indirect_dma source(%arg11 : memref<128x128xf32, #tpu.memory_space<vmem>>) target(%dma_start3A_156 : memref<10000x128xf32, #tpu.memory_space<vmem_shared>>) offsets(%dma_start3A_153 : memref<128xi32, #tpu.memory_space<vmem>>) semaphore(%arg17 : memref<!tpu.dma_semaphore, #tpu.memory_space<semaphore_mem>>) {add = true}
      %mul3A_157 = arith.constant 2 : i32
      %mul3A_158 = arith.muli %mul3A_157, %scan3A_123 : i32
      %add3A_159 = arith.constant 1 : i32
      %add3A_160 = arith.addi %mul3A_158, %add3A_159 : i32
      %dma_wait3A_161 = arith.constant 0 : i32
      %dma_wait3A_162 = tpu.memref_slice %arg7[%add3A_160, %dma_wait3A_161] : memref<26x128xi32, #tpu.memory_space<vmem>> -> memref<1x128xi32, #tpu.memory_space<vmem>>
      %dma_wait3A_163 = tpu.memref_squeeze %dma_wait3A_162 : memref<1x128xi32, #tpu.memory_space<vmem>> -> memref<128xi32, #tpu.memory_space<vmem>>
      %dma_wait3A_164 = arith.constant 0 : i32
      %dma_wait3A_165 = arith.constant 0 : i32
      %dma_wait3A_166 = tpu.memref_slice %arg2[%dma_wait3A_164, %dma_wait3A_165] : memref<10000x128xf32, #tpu.memory_space<hbm>> -> memref<10000x128xf32, #tpu.memory_space<hbm>>
      tpu.wait_indirect_dma semaphore(%arg16 : memref<!tpu.dma_semaphore, #tpu.memory_space<semaphore_mem>>) src(%dma_wait3A_166 : memref<10000x128xf32, #tpu.memory_space<hbm>>) dst(%arg12 : memref<128x128xf32, #tpu.memory_space<vmem>>)
      %mul3A_167 = arith.constant 2 : i32
      %mul3A_168 = arith.muli %mul3A_167, %scan3A_123 : i32
      %add3A_169 = arith.constant 1 : i32
      %add3A_170 = arith.addi %mul3A_168, %add3A_169 : i32
      %dma_start3A_171 = arith.constant 0 : i32
      %dma_start3A_172 = tpu.memref_slice %arg9[%add3A_170, %dma_start3A_171] : memref<26x128xi32, #tpu.memory_space<vmem>> -> memref<1x128xi32, #tpu.memory_space<vmem>>
      %dma_start3A_173 = tpu.memref_squeeze %dma_start3A_172 : memref<1x128xi32, #tpu.memory_space<vmem>> -> memref<128xi32, #tpu.memory_space<vmem>>
      %dma_start3A_174 = arith.constant 0 : i32
      %dma_start3A_175 = arith.constant 0 : i32
      %dma_start3A_176 = tpu.memref_slice %arg13[%dma_start3A_174, %dma_start3A_175] : memref<10000x128xf32, #tpu.memory_space<vmem_shared>> -> memref<10000x128xf32, #tpu.memory_space<vmem_shared>>
      tpu.enqueue_indirect_dma source(%arg12 : memref<128x128xf32, #tpu.memory_space<vmem>>) target(%dma_start3A_176 : memref<10000x128xf32, #tpu.memory_space<vmem_shared>>) offsets(%dma_start3A_173 : memref<128xi32, #tpu.memory_space<vmem>>) semaphore(%arg18 : memref<!tpu.dma_semaphore, #tpu.memory_space<semaphore_mem>>) {add = true}
      %dma_wait3A_177 = arith.constant 0 : i32
      %dma_wait3A_178 = arith.constant 0 : i32
      %dma_wait3A_179 = tpu.memref_slice %arg9[%dma_wait3A_177, %dma_wait3A_178] : memref<26x128xi32, #tpu.memory_space<vmem>> -> memref<1x128xi32, #tpu.memory_space<vmem>>
      %dma_wait3A_180 = tpu.memref_squeeze %dma_wait3A_179 : memref<1x128xi32, #tpu.memory_space<vmem>> -> memref<128xi32, #tpu.memory_space<vmem>>
      %dma_wait3A_181 = arith.constant 0 : i32
      %dma_wait3A_182 = arith.constant 0 : i32
      %dma_wait3A_183 = tpu.memref_slice %arg13[%dma_wait3A_181, %dma_wait3A_182] : memref<10000x128xf32, #tpu.memory_space<vmem_shared>> -> memref<10000x128xf32, #tpu.memory_space<vmem_shared>>
      tpu.wait_indirect_dma semaphore(%arg17 : memref<!tpu.dma_semaphore, #tpu.memory_space<semaphore_mem>>) src(%arg11 : memref<128x128xf32, #tpu.memory_space<vmem>>) dst(%dma_wait3A_183 : memref<10000x128xf32, #tpu.memory_space<vmem_shared>>)
      %lt3A_184 = arith.constant 12 : i32
      %lt3A_185 = arith.cmpi slt, %scan3A_123, %lt3A_184 : i32
      %convert_element_type3A_186 = arith.extui %lt3A_185 : i1 to i32
      %cond3A_187 = arith.constant 0 : i32
      %cond3A_188 = arith.cmpi ne, %convert_element_type3A_186, %cond3A_187 : i32
      scf.if %cond3A_188 {
        %mul3A_189 = arith.constant 2 : i32
        %mul3A_190 = arith.muli %mul3A_189, %scan3A_123 : i32
        %add3A_191 = arith.constant 2 : i32
        %add3A_192 = arith.addi %mul3A_190, %add3A_191 : i32
        %dma_start3A_193 = arith.constant 0 : i32
        %dma_start3A_194 = tpu.memref_slice %arg7[%add3A_192, %dma_start3A_193] : memref<26x128xi32, #tpu.memory_space<vmem>> -> memref<1x128xi32, #tpu.memory_space<vmem>>
        %dma_start3A_195 = tpu.memref_squeeze %dma_start3A_194 : memref<1x128xi32, #tpu.memory_space<vmem>> -> memref<128xi32, #tpu.memory_space<vmem>>
        %dma_start3A_196 = arith.constant 0 : i32
        %dma_start3A_197 = arith.constant 0 : i32
        %dma_start3A_198 = tpu.memref_slice %arg2[%dma_start3A_196, %dma_start3A_197] : memref<10000x128xf32, #tpu.memory_space<hbm>> -> memref<10000x128xf32, #tpu.memory_space<hbm>>
        tpu.enqueue_indirect_dma source(%dma_start3A_198 : memref<10000x128xf32, #tpu.memory_space<hbm>>) target(%arg11 : memref<128x128xf32, #tpu.memory_space<vmem>>) offsets(%dma_start3A_195 : memref<128xi32, #tpu.memory_space<vmem>>) semaphore(%arg15 : memref<!tpu.dma_semaphore, #tpu.memory_space<semaphore_mem>>)
      } else {
      }
    }
    %scan3A_101 = arith.constant 13 : i32
    %dma_wait3A_102 = arith.constant 1 : i32
    %dma_wait3A_103 = arith.constant 0 : i32
    %dma_wait3A_104 = tpu.memref_slice %arg9[%dma_wait3A_102, %dma_wait3A_103] : memref<26x128xi32, #tpu.memory_space<vmem>> -> memref<1x128xi32, #tpu.memory_space<vmem>>
    %dma_wait3A_105 = tpu.memref_squeeze %dma_wait3A_104 : memref<1x128xi32, #tpu.memory_space<vmem>> -> memref<128xi32, #tpu.memory_space<vmem>>
    %dma_wait3A_106 = arith.constant 0 : i32
    %dma_wait3A_107 = arith.constant 0 : i32
    %dma_wait3A_108 = tpu.memref_slice %arg13[%dma_wait3A_106, %dma_wait3A_107] : memref<10000x128xf32, #tpu.memory_space<vmem_shared>> -> memref<10000x128xf32, #tpu.memory_space<vmem_shared>>
    tpu.wait_indirect_dma semaphore(%arg18 : memref<!tpu.dma_semaphore, #tpu.memory_space<semaphore_mem>>) src(%arg12 : memref<128x128xf32, #tpu.memory_space<vmem>>) dst(%dma_wait3A_108 : memref<10000x128xf32, #tpu.memory_space<vmem_shared>>)
    %lt3A = arith.constant 4 : i32
    %lt3A_109 = arith.cmpi slt, %add3A, %lt3A : i32
    %convert_element_type3A_110 = arith.extui %lt3A_109 : i1 to i32
    %cond3A_111 = arith.constant 0 : i32
    %cond3A_112 = arith.cmpi ne, %convert_element_type3A_110, %cond3A_111 : i32
    scf.if %cond3A_112 {
      "tpu.region"() ({
        %run_scoped3A_151 = tpu.sem_alloc : memref<!tpu.dma_semaphore, #tpu.memory_space<semaphore_mem>>
        %dma_start3A_152 = arith.constant 0 : i32
        %dma_start3A_153 = arith.constant 0 : i32
        %dma_start3A_154 = tpu.memref_slice %arg8[%dma_start3A_152, %dma_start3A_153] : memref<26x128xi32, #tpu.memory_space<vmem>> -> memref<2x128xi32, #tpu.memory_space<vmem>>
        %dma_start3A_155 = arith.constant 0 : i32
        %dma_start3A_156 = arith.constant 0 : i32
        %dma_start3A_157 = tpu.memref_slice %arg5[%add3A, %dma_start3A_155, %dma_start3A_156] : memref<4x2x128xi32, #tpu.memory_space<hbm>> -> memref<1x2x128xi32, #tpu.memory_space<hbm>>
        %dma_start3A_158 = tpu.memref_squeeze %dma_start3A_157 : memref<1x2x128xi32, #tpu.memory_space<hbm>> -> memref<2x128xi32, #tpu.memory_space<hbm>>
        %dma_start3A_159 = arith.constant 0 : i32
        %dma_start3A_160 = arith.constant 0 : i32
        %dma_start3A_161 = tpu.memref_slice %arg8[%dma_start3A_159, %dma_start3A_160] : memref<26x128xi32, #tpu.memory_space<vmem>> -> memref<2x128xi32, #tpu.memory_space<vmem>>
        %dma_start3A_162 = arith.constant 0 : i32
        %dma_start3A_163 = arith.constant 0 : i32
        %dma_start3A_164 = tpu.memref_slice %arg5[%add3A, %dma_start3A_162, %dma_start3A_163] : memref<4x2x128xi32, #tpu.memory_space<hbm>> -> memref<1x2x128xi32, #tpu.memory_space<hbm>>
        %dma_start3A_165 = tpu.memref_squeeze %dma_start3A_164 : memref<1x2x128xi32, #tpu.memory_space<hbm>> -> memref<2x128xi32, #tpu.memory_space<hbm>>
        tpu.enqueue_dma source(%dma_start3A_165 : memref<2x128xi32, #tpu.memory_space<hbm>>) target(%dma_start3A_161 : memref<2x128xi32, #tpu.memory_space<vmem>>) target_semaphore(%run_scoped3A_151 : memref<!tpu.dma_semaphore, #tpu.memory_space<semaphore_mem>>)
        %dma_wait3A_166 = arith.constant 0 : i32
        %dma_wait3A_167 = arith.constant 0 : i32
        %dma_wait3A_168 = tpu.memref_slice %arg8[%dma_wait3A_166, %dma_wait3A_167] : memref<26x128xi32, #tpu.memory_space<vmem>> -> memref<2x128xi32, #tpu.memory_space<vmem>>
        %dma_wait3A_169 = arith.constant 0 : i32
        %dma_wait3A_170 = arith.constant 0 : i32
        %dma_wait3A_171 = tpu.memref_slice %arg5[%add3A, %dma_wait3A_169, %dma_wait3A_170] : memref<4x2x128xi32, #tpu.memory_space<hbm>> -> memref<1x2x128xi32, #tpu.memory_space<hbm>>
        %dma_wait3A_172 = tpu.memref_squeeze %dma_wait3A_171 : memref<1x2x128xi32, #tpu.memory_space<hbm>> -> memref<2x128xi32, #tpu.memory_space<hbm>>
        %dma_wait3A_173 = arith.constant 0 : i32
        %dma_wait3A_174 = arith.constant 0 : i32
        %dma_wait3A_175 = tpu.memref_slice %arg8[%dma_wait3A_173, %dma_wait3A_174] : memref<26x128xi32, #tpu.memory_space<vmem>> -> memref<2x128xi32, #tpu.memory_space<vmem>>
        %dma_wait3A_176 = arith.constant 0 : i32
        %dma_wait3A_177 = arith.constant 0 : i32
        %dma_wait3A_178 = tpu.memref_slice %arg5[%add3A, %dma_wait3A_176, %dma_wait3A_177] : memref<4x2x128xi32, #tpu.memory_space<hbm>> -> memref<1x2x128xi32, #tpu.memory_space<hbm>>
        %dma_wait3A_179 = tpu.memref_squeeze %dma_wait3A_178 : memref<1x2x128xi32, #tpu.memory_space<hbm>> -> memref<2x128xi32, #tpu.memory_space<hbm>>
        tpu.wait_dma2 semaphore(%run_scoped3A_151 : memref<!tpu.dma_semaphore, #tpu.memory_space<semaphore_mem>>) src(%dma_wait3A_179 : memref<2x128xi32, #tpu.memory_space<hbm>>) dst(%dma_wait3A_175 : memref<2x128xi32, #tpu.memory_space<vmem>>)
        tpu.yield
      }) : () -> ()
      %dma_start3A_123 = arith.constant 0 : i32
      %dma_start3A_124 = arith.constant 0 : i32
      %dma_start3A_125 = tpu.memref_slice %arg8[%dma_start3A_123, %dma_start3A_124] : memref<26x128xi32, #tpu.memory_space<vmem>> -> memref<1x128xi32, #tpu.memory_space<vmem>>
      %dma_start3A_126 = tpu.memref_squeeze %dma_start3A_125 : memref<1x128xi32, #tpu.memory_space<vmem>> -> memref<128xi32, #tpu.memory_space<vmem>>
      %dma_start3A_127 = arith.constant 0 : i32
      %dma_start3A_128 = arith.constant 0 : i32
      %dma_start3A_129 = tpu.memref_slice %arg2[%dma_start3A_127, %dma_start3A_128] : memref<10000x128xf32, #tpu.memory_space<hbm>> -> memref<10000x128xf32, #tpu.memory_space<hbm>>
      tpu.enqueue_indirect_dma source(%dma_start3A_129 : memref<10000x128xf32, #tpu.memory_space<hbm>>) target(%arg11 : memref<128x128xf32, #tpu.memory_space<vmem>>) offsets(%dma_start3A_126 : memref<128xi32, #tpu.memory_space<vmem>>) semaphore(%arg15 : memref<!tpu.dma_semaphore, #tpu.memory_space<semaphore_mem>>)
      %dma_wait3A_130 = arith.constant 0 : i32
      %dma_wait3A_131 = arith.constant 0 : i32
      %dma_wait3A_132 = tpu.memref_slice %arg8[%dma_wait3A_130, %dma_wait3A_131] : memref<26x128xi32, #tpu.memory_space<vmem>> -> memref<1x128xi32, #tpu.memory_space<vmem>>
      %dma_wait3A_133 = tpu.memref_squeeze %dma_wait3A_132 : memref<1x128xi32, #tpu.memory_space<vmem>> -> memref<128xi32, #tpu.memory_space<vmem>>
      %dma_wait3A_134 = arith.constant 0 : i32
      %dma_wait3A_135 = arith.constant 0 : i32
      %dma_wait3A_136 = tpu.memref_slice %arg2[%dma_wait3A_134, %dma_wait3A_135] : memref<10000x128xf32, #tpu.memory_space<hbm>> -> memref<10000x128xf32, #tpu.memory_space<hbm>>
      tpu.wait_indirect_dma semaphore(%arg15 : memref<!tpu.dma_semaphore, #tpu.memory_space<semaphore_mem>>) src(%dma_wait3A_136 : memref<10000x128xf32, #tpu.memory_space<hbm>>) dst(%arg11 : memref<128x128xf32, #tpu.memory_space<vmem>>)
      %dma_start3A_137 = arith.constant 1 : i32
      %dma_start3A_138 = arith.constant 0 : i32
      %dma_start3A_139 = tpu.memref_slice %arg8[%dma_start3A_137, %dma_start3A_138] : memref<26x128xi32, #tpu.memory_space<vmem>> -> memref<1x128xi32, #tpu.memory_space<vmem>>
      %dma_start3A_140 = tpu.memref_squeeze %dma_start3A_139 : memref<1x128xi32, #tpu.memory_space<vmem>> -> memref<128xi32, #tpu.memory_space<vmem>>
      %dma_start3A_141 = arith.constant 0 : i32
      %dma_start3A_142 = arith.constant 0 : i32
      %dma_start3A_143 = tpu.memref_slice %arg13[%dma_start3A_141, %dma_start3A_142] : memref<10000x128xf32, #tpu.memory_space<vmem_shared>> -> memref<10000x128xf32, #tpu.memory_space<vmem_shared>>
      tpu.enqueue_indirect_dma source(%arg11 : memref<128x128xf32, #tpu.memory_space<vmem>>) target(%dma_start3A_143 : memref<10000x128xf32, #tpu.memory_space<vmem_shared>>) offsets(%dma_start3A_140 : memref<128xi32, #tpu.memory_space<vmem>>) semaphore(%arg17 : memref<!tpu.dma_semaphore, #tpu.memory_space<semaphore_mem>>) {add = true}
      %dma_wait3A_144 = arith.constant 1 : i32
      %dma_wait3A_145 = arith.constant 0 : i32
      %dma_wait3A_146 = tpu.memref_slice %arg8[%dma_wait3A_144, %dma_wait3A_145] : memref<26x128xi32, #tpu.memory_space<vmem>> -> memref<1x128xi32, #tpu.memory_space<vmem>>
      %dma_wait3A_147 = tpu.memref_squeeze %dma_wait3A_146 : memref<1x128xi32, #tpu.memory_space<vmem>> -> memref<128xi32, #tpu.memory_space<vmem>>
      %dma_wait3A_148 = arith.constant 0 : i32
      %dma_wait3A_149 = arith.constant 0 : i32
      %dma_wait3A_150 = tpu.memref_slice %arg13[%dma_wait3A_148, %dma_wait3A_149] : memref<10000x128xf32, #tpu.memory_space<vmem_shared>> -> memref<10000x128xf32, #tpu.memory_space<vmem_shared>>
      tpu.wait_indirect_dma semaphore(%arg17 : memref<!tpu.dma_semaphore, #tpu.memory_space<semaphore_mem>>) src(%arg11 : memref<128x128xf32, #tpu.memory_space<vmem>>) dst(%dma_wait3A_150 : memref<10000x128xf32, #tpu.memory_space<vmem_shared>>)
    } else {
    }
    %barrier3A_113 = arith.constant 0 : index
    tpu.barrier barrier_id(%barrier3A_113)
    %mul3A_114 = arith.constant 624 : i32
    %mul3A_115 = arith.muli %arg1, %mul3A_114 : i32
    %mul3A_116 = arith.constant 624 : i32
    %mul3A_117 = arith.muli %arg1, %mul3A_116 : i32
    "tpu.region"() ({
      %run_scoped3A_123 = tpu.sem_alloc : memref<!tpu.dma_semaphore, #tpu.memory_space<semaphore_mem>>
      %dma_start3A_124 = arith.constant 0 : i32
      %dma_start3A_125 = tpu.memref_slice %arg6[%arg0, %mul3A_117, %dma_start3A_124] : memref<2x10000x128xf32, #tpu.memory_space<hbm>> -> memref<1x624x128xf32, #tpu.memory_space<hbm>>
      %dma_start3A_126 = tpu.memref_squeeze %dma_start3A_125 : memref<1x624x128xf32, #tpu.memory_space<hbm>> -> memref<624x128xf32, #tpu.memory_space<hbm>>
      %dma_start3A_127 = arith.constant 0 : i32
      %dma_start3A_128 = tpu.memref_slice %arg13[%mul3A_115, %dma_start3A_127] : memref<10000x128xf32, #tpu.memory_space<vmem_shared>> -> memref<624x128xf32, #tpu.memory_space<vmem_shared>>
      tpu.enqueue_dma source(%dma_start3A_128 : memref<624x128xf32, #tpu.memory_space<vmem_shared>>) target(%dma_start3A_126 : memref<624x128xf32, #tpu.memory_space<hbm>>) target_semaphore(%run_scoped3A_123 : memref<!tpu.dma_semaphore, #tpu.memory_space<semaphore_mem>>)
      %dma_wait3A_129 = arith.constant 0 : i32
      %dma_wait3A_130 = tpu.memref_slice %arg6[%arg0, %mul3A_117, %dma_wait3A_129] : memref<2x10000x128xf32, #tpu.memory_space<hbm>> -> memref<1x624x128xf32, #tpu.memory_space<hbm>>
      %dma_wait3A_131 = tpu.memref_squeeze %dma_wait3A_130 : memref<1x624x128xf32, #tpu.memory_space<hbm>> -> memref<624x128xf32, #tpu.memory_space<hbm>>
      %dma_wait3A_132 = arith.constant 0 : i32
      %dma_wait3A_133 = tpu.memref_slice %arg13[%mul3A_115, %dma_wait3A_132] : memref<10000x128xf32, #tpu.memory_space<vmem_shared>> -> memref<624x128xf32, #tpu.memory_space<vmem_shared>>
      tpu.wait_dma2 semaphore(%run_scoped3A_123 : memref<!tpu.dma_semaphore, #tpu.memory_space<semaphore_mem>>) src(%dma_wait3A_133 : memref<624x128xf32, #tpu.memory_space<vmem_shared>>) dst(%dma_wait3A_131 : memref<624x128xf32, #tpu.memory_space<hbm>>)
      tpu.yield
    }) : () -> ()
    %eq3A_118 = arith.constant 15 : i32
    %eq3A_119 = arith.cmpi eq, %arg1, %eq3A_118 : i32
    %convert_element_type3A_120 = arith.extui %eq3A_119 : i1 to i32
    %cond3A_121 = arith.constant 0 : i32
    %cond3A_122 = arith.cmpi ne, %convert_element_type3A_120, %cond3A_121 : i32
    scf.if %cond3A_122 {
      "tpu.region"() ({
        %run_scoped3A_123 = tpu.sem_alloc : memref<!tpu.dma_semaphore, #tpu.memory_space<semaphore_mem>>
        %dma_start3A_124 = arith.constant 9984 : i32
        %dma_start3A_125 = arith.constant 0 : i32
        %dma_start3A_126 = tpu.memref_slice %arg6[%arg0, %dma_start3A_124, %dma_start3A_125] : memref<2x10000x128xf32, #tpu.memory_space<hbm>> -> memref<1x16x128xf32, #tpu.memory_space<hbm>>
        %dma_start3A_127 = tpu.memref_squeeze %dma_start3A_126 : memref<1x16x128xf32, #tpu.memory_space<hbm>> -> memref<16x128xf32, #tpu.memory_space<hbm>>
        %dma_start3A_128 = arith.constant 9984 : i32
        %dma_start3A_129 = arith.constant 0 : i32
        %dma_start3A_130 = tpu.memref_slice %arg13[%dma_start3A_128, %dma_start3A_129] : memref<10000x128xf32, #tpu.memory_space<vmem_shared>> -> memref<16x128xf32, #tpu.memory_space<vmem_shared>>
        tpu.enqueue_dma source(%dma_start3A_130 : memref<16x128xf32, #tpu.memory_space<vmem_shared>>) target(%dma_start3A_127 : memref<16x128xf32, #tpu.memory_space<hbm>>) target_semaphore(%run_scoped3A_123 : memref<!tpu.dma_semaphore, #tpu.memory_space<semaphore_mem>>)
        %dma_wait3A_131 = arith.constant 9984 : i32
        %dma_wait3A_132 = arith.constant 0 : i32
        %dma_wait3A_133 = tpu.memref_slice %arg6[%arg0, %dma_wait3A_131, %dma_wait3A_132] : memref<2x10000x128xf32, #tpu.memory_space<hbm>> -> memref<1x16x128xf32, #tpu.memory_space<hbm>>
        %dma_wait3A_134 = tpu.memref_squeeze %dma_wait3A_133 : memref<1x16x128xf32, #tpu.memory_space<hbm>> -> memref<16x128xf32, #tpu.memory_space<hbm>>
        %dma_wait3A_135 = arith.constant 9984 : i32
        %dma_wait3A_136 = arith.constant 0 : i32
        %dma_wait3A_137 = tpu.memref_slice %arg13[%dma_wait3A_135, %dma_wait3A_136] : memref<10000x128xf32, #tpu.memory_space<vmem_shared>> -> memref<16x128xf32, #tpu.memory_space<vmem_shared>>
        tpu.wait_dma2 semaphore(%run_scoped3A_123 : memref<!tpu.dma_semaphore, #tpu.memory_space<semaphore_mem>>) src(%dma_wait3A_137 : memref<16x128xf32, #tpu.memory_space<vmem_shared>>) dst(%dma_wait3A_134 : memref<16x128xf32, #tpu.memory_space<hbm>>)
        tpu.yield
      }) : () -> ()
    } else {
    }
    return
  }
}

#map = affine_map<(d0, d1) -> (0, 0)>
#map1 = affine_map<(d0, d1) -> (0, 0, 0, 0)>
#map2 = affine_map<(d0, d1) -> (0, 0, 0)>
module attributes {stable_mosaic.version = 14 : i64} {
  func.func @_sc_agg_body(%arg0: i32, %arg1: i32, %arg2: memref<10000x128xf32, #tpu.memory_space<hbm>>, %arg3: memref<32x3x26x128xi32, #tpu.memory_space<hbm>>, %arg4: memref<32x3x26x128xi32, #tpu.memory_space<hbm>>, %arg5: memref<4x2x128xi32, #tpu.memory_space<hbm>>, %arg6: memref<2x10000x128xf32, #tpu.memory_space<hbm>>, %arg7: memref<26x128xi32, #tpu.memory_space<vmem>>, %arg8: memref<26x128xi32, #tpu.memory_space<vmem>>, %arg9: memref<26x128xi32, #tpu.memory_space<vmem>>, %arg10: memref<26x128xi32, #tpu.memory_space<vmem>>, %arg11: memref<128x128xf32, #tpu.memory_space<vmem>>, %arg12: memref<128x128xf32, #tpu.memory_space<vmem>>, %arg13: memref<10000x128xf32, #tpu.memory_space<vmem_shared>>, %arg14: memref<!tpu.dma_semaphore, #tpu.memory_space<semaphore_mem>>, %arg15: memref<!tpu.dma_semaphore, #tpu.memory_space<semaphore_mem>>, %arg16: memref<!tpu.dma_semaphore, #tpu.memory_space<semaphore_mem>>, %arg17: memref<!tpu.dma_semaphore, #tpu.memory_space<semaphore_mem>>, %arg18: memref<!tpu.dma_semaphore, #tpu.memory_space<semaphore_mem>>) attributes {dimension_semantics = [#tpu.dimension_semantics<core_parallel>, #tpu.dimension_semantics<subcore_parallel>], iteration_bounds = array<i64: 2, 16>, scalar_prefetch = 0 : i64, scratch_operands = 12 : i64, tpu.core_type = #tpu.core_type<sc_vector_subcore>, window_params = [{transform_indices = #map}, {transform_indices = #map1}, {transform_indices = #map1}, {transform_indices = #map2}, {transform_indices = #map2}]} {
    %mul3A = arith.constant 16 : i32
    %mul3A_0 = arith.muli %arg0, %mul3A : i32
    %add3A = arith.addi %mul3A_0, %arg1 : i32
    %run_scoped3A = arith.constant 0 : i32
    "tpu.region"() ({
      %run_scoped3A_123 = tpu.sem_alloc : memref<!tpu.dma_semaphore, #tpu.memory_space<semaphore_mem>>
      %dma_start3A_124 = arith.constant 0 : i32
      %dma_start3A_125 = arith.constant 0 : i32
      %dma_start3A_126 = tpu.memref_slice %arg3[%add3A, %run_scoped3A, %dma_start3A_124, %dma_start3A_125] : memref<32x3x26x128xi32, #tpu.memory_space<hbm>> -> memref<1x1x26x128xi32, #tpu.memory_space<hbm>>
      %dma_start3A_127 = tpu.memref_squeeze %dma_start3A_126 : memref<1x1x26x128xi32, #tpu.memory_space<hbm>> -> memref<26x128xi32, #tpu.memory_space<hbm>>
      %dma_start3A_128 = arith.constant 0 : i32
      %dma_start3A_129 = arith.constant 0 : i32
      %dma_start3A_130 = tpu.memref_slice %arg3[%add3A, %run_scoped3A, %dma_start3A_128, %dma_start3A_129] : memref<32x3x26x128xi32, #tpu.memory_space<hbm>> -> memref<1x1x26x128xi32, #tpu.memory_space<hbm>>
      %dma_start3A_131 = tpu.memref_squeeze %dma_start3A_130 : memref<1x1x26x128xi32, #tpu.memory_space<hbm>> -> memref<26x128xi32, #tpu.memory_space<hbm>>
      tpu.enqueue_dma source(%dma_start3A_131 : memref<26x128xi32, #tpu.memory_space<hbm>>) target(%arg7 : memref<26x128xi32, #tpu.memory_space<vmem>>) target_semaphore(%run_scoped3A_123 : memref<!tpu.dma_semaphore, #tpu.memory_space<semaphore_mem>>)
      %dma_wait3A_132 = arith.constant 0 : i32
      %dma_wait3A_133 = arith.constant 0 : i32
      %dma_wait3A_134 = tpu.memref_slice %arg3[%add3A, %run_scoped3A, %dma_wait3A_132, %dma_wait3A_133] : memref<32x3x26x128xi32, #tpu.memory_space<hbm>> -> memref<1x1x26x128xi32, #tpu.memory_space<hbm>>
      %dma_wait3A_135 = tpu.memref_squeeze %dma_wait3A_134 : memref<1x1x26x128xi32, #tpu.memory_space<hbm>> -> memref<26x128xi32, #tpu.memory_space<hbm>>
      %dma_wait3A_136 = arith.constant 0 : i32
      %dma_wait3A_137 = arith.constant 0 : i32
      %dma_wait3A_138 = tpu.memref_slice %arg3[%add3A, %run_scoped3A, %dma_wait3A_136, %dma_wait3A_137] : memref<32x3x26x128xi32, #tpu.memory_space<hbm>> -> memref<1x1x26x128xi32, #tpu.memory_space<hbm>>
      %dma_wait3A_139 = tpu.memref_squeeze %dma_wait3A_138 : memref<1x1x26x128xi32, #tpu.memory_space<hbm>> -> memref<26x128xi32, #tpu.memory_space<hbm>>
      tpu.wait_dma2 semaphore(%run_scoped3A_123 : memref<!tpu.dma_semaphore, #tpu.memory_space<semaphore_mem>>) src(%dma_wait3A_139 : memref<26x128xi32, #tpu.memory_space<hbm>>) dst(%arg7 : memref<26x128xi32, #tpu.memory_space<vmem>>)
      tpu.yield
    }) : () -> ()
    %run_scoped3A_1 = arith.constant 0 : i32
    "tpu.region"() ({
      %run_scoped3A_123 = tpu.sem_alloc : memref<!tpu.dma_semaphore, #tpu.memory_space<semaphore_mem>>
      %dma_start3A_124 = arith.constant 0 : i32
      %dma_start3A_125 = arith.constant 0 : i32
      %dma_start3A_126 = tpu.memref_slice %arg4[%add3A, %run_scoped3A_1, %dma_start3A_124, %dma_start3A_125] : memref<32x3x26x128xi32, #tpu.memory_space<hbm>> -> memref<1x1x26x128xi32, #tpu.memory_space<hbm>>
      %dma_start3A_127 = tpu.memref_squeeze %dma_start3A_126 : memref<1x1x26x128xi32, #tpu.memory_space<hbm>> -> memref<26x128xi32, #tpu.memory_space<hbm>>
      %dma_start3A_128 = arith.constant 0 : i32
      %dma_start3A_129 = arith.constant 0 : i32
      %dma_start3A_130 = tpu.memref_slice %arg4[%add3A, %run_scoped3A_1, %dma_start3A_128, %dma_start3A_129] : memref<32x3x26x128xi32, #tpu.memory_space<hbm>> -> memref<1x1x26x128xi32, #tpu.memory_space<hbm>>
      %dma_start3A_131 = tpu.memref_squeeze %dma_start3A_130 : memref<1x1x26x128xi32, #tpu.memory_space<hbm>> -> memref<26x128xi32, #tpu.memory_space<hbm>>
      tpu.enqueue_dma source(%dma_start3A_131 : memref<26x128xi32, #tpu.memory_space<hbm>>) target(%arg9 : memref<26x128xi32, #tpu.memory_space<vmem>>) target_semaphore(%run_scoped3A_123 : memref<!tpu.dma_semaphore, #tpu.memory_space<semaphore_mem>>)
      %dma_wait3A_132 = arith.constant 0 : i32
      %dma_wait3A_133 = arith.constant 0 : i32
      %dma_wait3A_134 = tpu.memref_slice %arg4[%add3A, %run_scoped3A_1, %dma_wait3A_132, %dma_wait3A_133] : memref<32x3x26x128xi32, #tpu.memory_space<hbm>> -> memref<1x1x26x128xi32, #tpu.memory_space<hbm>>
      %dma_wait3A_135 = tpu.memref_squeeze %dma_wait3A_134 : memref<1x1x26x128xi32, #tpu.memory_space<hbm>> -> memref<26x128xi32, #tpu.memory_space<hbm>>
      %dma_wait3A_136 = arith.constant 0 : i32
      %dma_wait3A_137 = arith.constant 0 : i32
      %dma_wait3A_138 = tpu.memref_slice %arg4[%add3A, %run_scoped3A_1, %dma_wait3A_136, %dma_wait3A_137] : memref<32x3x26x128xi32, #tpu.memory_space<hbm>> -> memref<1x1x26x128xi32, #tpu.memory_space<hbm>>
      %dma_wait3A_139 = tpu.memref_squeeze %dma_wait3A_138 : memref<1x1x26x128xi32, #tpu.memory_space<hbm>> -> memref<26x128xi32, #tpu.memory_space<hbm>>
      tpu.wait_dma2 semaphore(%run_scoped3A_123 : memref<!tpu.dma_semaphore, #tpu.memory_space<semaphore_mem>>) src(%dma_wait3A_139 : memref<26x128xi32, #tpu.memory_space<hbm>>) dst(%arg9 : memref<26x128xi32, #tpu.memory_space<vmem>>)
      tpu.yield
    }) : () -> ()
    %dma_start3A = arith.constant 0 : i32
    %dma_start3A_2 = arith.constant 0 : i32
    %dma_start3A_3 = tpu.memref_slice %arg7[%dma_start3A, %dma_start3A_2] : memref<26x128xi32, #tpu.memory_space<vmem>> -> memref<1x128xi32, #tpu.memory_space<vmem>>
    %dma_start3A_4 = tpu.memref_squeeze %dma_start3A_3 : memref<1x128xi32, #tpu.memory_space<vmem>> -> memref<128xi32, #tpu.memory_space<vmem>>
    %dma_start3A_5 = arith.constant 0 : i32
    %dma_start3A_6 = arith.constant 0 : i32
    %dma_start3A_7 = tpu.memref_slice %arg2[%dma_start3A_5, %dma_start3A_6] : memref<10000x128xf32, #tpu.memory_space<hbm>> -> memref<10000x128xf32, #tpu.memory_space<hbm>>
    tpu.enqueue_indirect_dma source(%dma_start3A_7 : memref<10000x128xf32, #tpu.memory_space<hbm>>) target(%arg11 : memref<128x128xf32, #tpu.memory_space<vmem>>) offsets(%dma_start3A_4 : memref<128xi32, #tpu.memory_space<vmem>>) semaphore(%arg15 : memref<!tpu.dma_semaphore, #tpu.memory_space<semaphore_mem>>)
    %scan3A = arith.constant 0 : i32
    %scan3A_8 = arith.constant 0 : i32
    %scan3A_9 = arith.constant 128 : i32
    %scan3A_10 = arith.addi %scan3A_8, %scan3A_9 : i32
    %scan3A_11 = arith.constant 1 : i32
    scf.for %scan3A_123 = %scan3A_8 to %scan3A_10 step %scan3A_11  : i32 {
      %broadcast_in_dim3A = arith.constant 0.000000e+00 : f32
      %broadcast_in_dim3A_124 = vector.broadcast %broadcast_in_dim3A : f32 to vector<16xf32>
      %swap3A = arith.index_cast %scan3A_123 : i32 to index
      %swap3A_125 = arith.constant 0 : index
      %swap3A_126 = tpu.vector_load %arg12[%swap3A, %swap3A_125] {strides = array<i32>} : memref<128x128xf32, #tpu.memory_space<vmem>>, vector<1x16xf32>,
      %swap3A_127 = vector.shape_cast %swap3A_126 : vector<1x16xf32> to vector<16xf32>
      %swap3A_128 = vector.shape_cast %broadcast_in_dim3A_124 : vector<16xf32> to vector<1x16xf32>
      tpu.vector_store %arg12[%swap3A, %swap3A_125], %swap3A_128 {strides = array<i32>} : memref<128x128xf32, #tpu.memory_space<vmem>>, vector<1x16xf32>,
      %broadcast_in_dim3A_129 = arith.constant 0.000000e+00 : f32
      %broadcast_in_dim3A_130 = vector.broadcast %broadcast_in_dim3A_129 : f32 to vector<16xf32>
      %swap3A_131 = arith.index_cast %scan3A_123 : i32 to index
      %swap3A_132 = arith.constant 16 : index
      %swap3A_133 = tpu.vector_load %arg12[%swap3A_131, %swap3A_132] {strides = array<i32>} : memref<128x128xf32, #tpu.memory_space<vmem>>, vector<1x16xf32>,
      %swap3A_134 = vector.shape_cast %swap3A_133 : vector<1x16xf32> to vector<16xf32>
      %swap3A_135 = vector.shape_cast %broadcast_in_dim3A_130 : vector<16xf32> to vector<1x16xf32>
      tpu.vector_store %arg12[%swap3A_131, %swap3A_132], %swap3A_135 {strides = array<i32>} : memref<128x128xf32, #tpu.memory_space<vmem>>, vector<1x16xf32>,
      %broadcast_in_dim3A_136 = arith.constant 0.000000e+00 : f32
      %broadcast_in_dim3A_137 = vector.broadcast %broadcast_in_dim3A_136 : f32 to vector<16xf32>
      %swap3A_138 = arith.index_cast %scan3A_123 : i32 to index
      %swap3A_139 = arith.constant 32 : index
      %swap3A_140 = tpu.vector_load %arg12[%swap3A_138, %swap3A_139] {strides = array<i32>} : memref<128x128xf32, #tpu.memory_space<vmem>>, vector<1x16xf32>,
      %swap3A_141 = vector.shape_cast %swap3A_140 : vector<1x16xf32> to vector<16xf32>
      %swap3A_142 = vector.shape_cast %broadcast_in_dim3A_137 : vector<16xf32> to vector<1x16xf32>
      tpu.vector_store %arg12[%swap3A_138, %swap3A_139], %swap3A_142 {strides = array<i32>} : memref<128x128xf32, #tpu.memory_space<vmem>>, vector<1x16xf32>,
      %broadcast_in_dim3A_143 = arith.constant 0.000000e+00 : f32
      %broadcast_in_dim3A_144 = vector.broadcast %broadcast_in_dim3A_143 : f32 to vector<16xf32>
      %swap3A_145 = arith.index_cast %scan3A_123 : i32 to index
      %swap3A_146 = arith.constant 48 : index
      %swap3A_147 = tpu.vector_load %arg12[%swap3A_145, %swap3A_146] {strides = array<i32>} : memref<128x128xf32, #tpu.memory_space<vmem>>, vector<1x16xf32>,
      %swap3A_148 = vector.shape_cast %swap3A_147 : vector<1x16xf32> to vector<16xf32>
      %swap3A_149 = vector.shape_cast %broadcast_in_dim3A_144 : vector<16xf32> to vector<1x16xf32>
      tpu.vector_store %arg12[%swap3A_145, %swap3A_146], %swap3A_149 {strides = array<i32>} : memref<128x128xf32, #tpu.memory_space<vmem>>, vector<1x16xf32>,
      %broadcast_in_dim3A_150 = arith.constant 0.000000e+00 : f32
      %broadcast_in_dim3A_151 = vector.broadcast %broadcast_in_dim3A_150 : f32 to vector<16xf32>
      %swap3A_152 = arith.index_cast %scan3A_123 : i32 to index
      %swap3A_153 = arith.constant 64 : index
      %swap3A_154 = tpu.vector_load %arg12[%swap3A_152, %swap3A_153] {strides = array<i32>} : memref<128x128xf32, #tpu.memory_space<vmem>>, vector<1x16xf32>,
      %swap3A_155 = vector.shape_cast %swap3A_154 : vector<1x16xf32> to vector<16xf32>
      %swap3A_156 = vector.shape_cast %broadcast_in_dim3A_151 : vector<16xf32> to vector<1x16xf32>
      tpu.vector_store %arg12[%swap3A_152, %swap3A_153], %swap3A_156 {strides = array<i32>} : memref<128x128xf32, #tpu.memory_space<vmem>>, vector<1x16xf32>,
      %broadcast_in_dim3A_157 = arith.constant 0.000000e+00 : f32
      %broadcast_in_dim3A_158 = vector.broadcast %broadcast_in_dim3A_157 : f32 to vector<16xf32>
      %swap3A_159 = arith.index_cast %scan3A_123 : i32 to index
      %swap3A_160 = arith.constant 80 : index
      %swap3A_161 = tpu.vector_load %arg12[%swap3A_159, %swap3A_160] {strides = array<i32>} : memref<128x128xf32, #tpu.memory_space<vmem>>, vector<1x16xf32>,
      %swap3A_162 = vector.shape_cast %swap3A_161 : vector<1x16xf32> to vector<16xf32>
      %swap3A_163 = vector.shape_cast %broadcast_in_dim3A_158 : vector<16xf32> to vector<1x16xf32>
      tpu.vector_store %arg12[%swap3A_159, %swap3A_160], %swap3A_163 {strides = array<i32>} : memref<128x128xf32, #tpu.memory_space<vmem>>, vector<1x16xf32>,
      %broadcast_in_dim3A_164 = arith.constant 0.000000e+00 : f32
      %broadcast_in_dim3A_165 = vector.broadcast %broadcast_in_dim3A_164 : f32 to vector<16xf32>
      %swap3A_166 = arith.index_cast %scan3A_123 : i32 to index
      %swap3A_167 = arith.constant 96 : index
      %swap3A_168 = tpu.vector_load %arg12[%swap3A_166, %swap3A_167] {strides = array<i32>} : memref<128x128xf32, #tpu.memory_space<vmem>>, vector<1x16xf32>,
      %swap3A_169 = vector.shape_cast %swap3A_168 : vector<1x16xf32> to vector<16xf32>
      %swap3A_170 = vector.shape_cast %broadcast_in_dim3A_165 : vector<16xf32> to vector<1x16xf32>
      tpu.vector_store %arg12[%swap3A_166, %swap3A_167], %swap3A_170 {strides = array<i32>} : memref<128x128xf32, #tpu.memory_space<vmem>>, vector<1x16xf32>,
      %broadcast_in_dim3A_171 = arith.constant 0.000000e+00 : f32
      %broadcast_in_dim3A_172 = vector.broadcast %broadcast_in_dim3A_171 : f32 to vector<16xf32>
      %swap3A_173 = arith.index_cast %scan3A_123 : i32 to index
      %swap3A_174 = arith.constant 112 : index
      %swap3A_175 = tpu.vector_load %arg12[%swap3A_173, %swap3A_174] {strides = array<i32>} : memref<128x128xf32, #tpu.memory_space<vmem>>, vector<1x16xf32>,
      %swap3A_176 = vector.shape_cast %swap3A_175 : vector<1x16xf32> to vector<16xf32>
      %swap3A_177 = vector.shape_cast %broadcast_in_dim3A_172 : vector<16xf32> to vector<1x16xf32>
      tpu.vector_store %arg12[%swap3A_173, %swap3A_174], %swap3A_177 {strides = array<i32>} : memref<128x128xf32, #tpu.memory_space<vmem>>, vector<1x16xf32>,
    }
    %scan3A_12 = arith.constant 128 : i32
    %mul3A_13 = arith.constant 624 : i32
    %mul3A_14 = arith.muli %arg1, %mul3A_13 : i32
    %add3A_15 = arith.constant 0 : i32
    %add3A_16 = arith.addi %mul3A_14, %add3A_15 : i32
    "tpu.region"() ({
      %run_scoped3A_123 = tpu.sem_alloc : memref<!tpu.dma_semaphore, #tpu.memory_space<semaphore_mem>>
      %dma_start3A_124 = arith.constant 0 : i32
      %dma_start3A_125 = arith.constant 0 : i32
      %dma_start3A_126 = tpu.memref_slice %arg12[%dma_start3A_124, %dma_start3A_125] : memref<128x128xf32, #tpu.memory_space<vmem>> -> memref<128x128xf32, #tpu.memory_space<vmem>>
      %dma_start3A_127 = arith.constant 0 : i32
      %dma_start3A_128 = tpu.memref_slice %arg13[%add3A_16, %dma_start3A_127] : memref<10000x128xf32, #tpu.memory_space<vmem_shared>> -> memref<128x128xf32, #tpu.memory_space<vmem_shared>>
      %dma_start3A_129 = arith.constant 0 : i32
      %dma_start3A_130 = tpu.memref_slice %arg13[%add3A_16, %dma_start3A_129] : memref<10000x128xf32, #tpu.memory_space<vmem_shared>> -> memref<128x128xf32, #tpu.memory_space<vmem_shared>>
      %dma_start3A_131 = arith.constant 0 : i32
      %dma_start3A_132 = arith.constant 0 : i32
      %dma_start3A_133 = tpu.memref_slice %arg12[%dma_start3A_131, %dma_start3A_132] : memref<128x128xf32, #tpu.memory_space<vmem>> -> memref<128x128xf32, #tpu.memory_space<vmem>>
      tpu.enqueue_dma source(%dma_start3A_133 : memref<128x128xf32, #tpu.memory_space<vmem>>) target(%dma_start3A_130 : memref<128x128xf32, #tpu.memory_space<vmem_shared>>) target_semaphore(%run_scoped3A_123 : memref<!tpu.dma_semaphore, #tpu.memory_space<semaphore_mem>>)
      %dma_wait3A_134 = arith.constant 0 : i32
      %dma_wait3A_135 = arith.constant 0 : i32
      %dma_wait3A_136 = tpu.memref_slice %arg12[%dma_wait3A_134, %dma_wait3A_135] : memref<128x128xf32, #tpu.memory_space<vmem>> -> memref<128x128xf32, #tpu.memory_space<vmem>>
      %dma_wait3A_137 = arith.constant 0 : i32
      %dma_wait3A_138 = tpu.memref_slice %arg13[%add3A_16, %dma_wait3A_137] : memref<10000x128xf32, #tpu.memory_space<vmem_shared>> -> memref<128x128xf32, #tpu.memory_space<vmem_shared>>
      %dma_wait3A_139 = arith.constant 0 : i32
      %dma_wait3A_140 = tpu.memref_slice %arg13[%add3A_16, %dma_wait3A_139] : memref<10000x128xf32, #tpu.memory_space<vmem_shared>> -> memref<128x128xf32, #tpu.memory_space<vmem_shared>>
      %dma_wait3A_141 = arith.constant 0 : i32
      %dma_wait3A_142 = arith.constant 0 : i32
      %dma_wait3A_143 = tpu.memref_slice %arg12[%dma_wait3A_141, %dma_wait3A_142] : memref<128x128xf32, #tpu.memory_space<vmem>> -> memref<128x128xf32, #tpu.memory_space<vmem>>
      tpu.wait_dma2 semaphore(%run_scoped3A_123 : memref<!tpu.dma_semaphore, #tpu.memory_space<semaphore_mem>>) src(%dma_wait3A_143 : memref<128x128xf32, #tpu.memory_space<vmem>>) dst(%dma_wait3A_140 : memref<128x128xf32, #tpu.memory_space<vmem_shared>>)
      tpu.yield
    }) : () -> ()
    %mul3A_17 = arith.constant 624 : i32
    %mul3A_18 = arith.muli %arg1, %mul3A_17 : i32
    %add3A_19 = arith.constant 128 : i32
    %add3A_20 = arith.addi %mul3A_18, %add3A_19 : i32
    "tpu.region"() ({
      %run_scoped3A_123 = tpu.sem_alloc : memref<!tpu.dma_semaphore, #tpu.memory_space<semaphore_mem>>
      %dma_start3A_124 = arith.constant 0 : i32
      %dma_start3A_125 = arith.constant 0 : i32
      %dma_start3A_126 = tpu.memref_slice %arg12[%dma_start3A_124, %dma_start3A_125] : memref<128x128xf32, #tpu.memory_space<vmem>> -> memref<128x128xf32, #tpu.memory_space<vmem>>
      %dma_start3A_127 = arith.constant 0 : i32
      %dma_start3A_128 = tpu.memref_slice %arg13[%add3A_20, %dma_start3A_127] : memref<10000x128xf32, #tpu.memory_space<vmem_shared>> -> memref<128x128xf32, #tpu.memory_space<vmem_shared>>
      %dma_start3A_129 = arith.constant 0 : i32
      %dma_start3A_130 = tpu.memref_slice %arg13[%add3A_20, %dma_start3A_129] : memref<10000x128xf32, #tpu.memory_space<vmem_shared>> -> memref<128x128xf32, #tpu.memory_space<vmem_shared>>
      %dma_start3A_131 = arith.constant 0 : i32
      %dma_start3A_132 = arith.constant 0 : i32
      %dma_start3A_133 = tpu.memref_slice %arg12[%dma_start3A_131, %dma_start3A_132] : memref<128x128xf32, #tpu.memory_space<vmem>> -> memref<128x128xf32, #tpu.memory_space<vmem>>
      tpu.enqueue_dma source(%dma_start3A_133 : memref<128x128xf32, #tpu.memory_space<vmem>>) target(%dma_start3A_130 : memref<128x128xf32, #tpu.memory_space<vmem_shared>>) target_semaphore(%run_scoped3A_123 : memref<!tpu.dma_semaphore, #tpu.memory_space<semaphore_mem>>)
      %dma_wait3A_134 = arith.constant 0 : i32
      %dma_wait3A_135 = arith.constant 0 : i32
      %dma_wait3A_136 = tpu.memref_slice %arg12[%dma_wait3A_134, %dma_wait3A_135] : memref<128x128xf32, #tpu.memory_space<vmem>> -> memref<128x128xf32, #tpu.memory_space<vmem>>
      %dma_wait3A_137 = arith.constant 0 : i32
      %dma_wait3A_138 = tpu.memref_slice %arg13[%add3A_20, %dma_wait3A_137] : memref<10000x128xf32, #tpu.memory_space<vmem_shared>> -> memref<128x128xf32, #tpu.memory_space<vmem_shared>>
      %dma_wait3A_139 = arith.constant 0 : i32
      %dma_wait3A_140 = tpu.memref_slice %arg13[%add3A_20, %dma_wait3A_139] : memref<10000x128xf32, #tpu.memory_space<vmem_shared>> -> memref<128x128xf32, #tpu.memory_space<vmem_shared>>
      %dma_wait3A_141 = arith.constant 0 : i32
      %dma_wait3A_142 = arith.constant 0 : i32
      %dma_wait3A_143 = tpu.memref_slice %arg12[%dma_wait3A_141, %dma_wait3A_142] : memref<128x128xf32, #tpu.memory_space<vmem>> -> memref<128x128xf32, #tpu.memory_space<vmem>>
      tpu.wait_dma2 semaphore(%run_scoped3A_123 : memref<!tpu.dma_semaphore, #tpu.memory_space<semaphore_mem>>) src(%dma_wait3A_143 : memref<128x128xf32, #tpu.memory_space<vmem>>) dst(%dma_wait3A_140 : memref<128x128xf32, #tpu.memory_space<vmem_shared>>)
      tpu.yield
    }) : () -> ()
    %mul3A_21 = arith.constant 624 : i32
    %mul3A_22 = arith.muli %arg1, %mul3A_21 : i32
    %add3A_23 = arith.constant 256 : i32
    %add3A_24 = arith.addi %mul3A_22, %add3A_23 : i32
    "tpu.region"() ({
      %run_scoped3A_123 = tpu.sem_alloc : memref<!tpu.dma_semaphore, #tpu.memory_space<semaphore_mem>>
      %dma_start3A_124 = arith.constant 0 : i32
      %dma_start3A_125 = arith.constant 0 : i32
      %dma_start3A_126 = tpu.memref_slice %arg12[%dma_start3A_124, %dma_start3A_125] : memref<128x128xf32, #tpu.memory_space<vmem>> -> memref<128x128xf32, #tpu.memory_space<vmem>>
      %dma_start3A_127 = arith.constant 0 : i32
      %dma_start3A_128 = tpu.memref_slice %arg13[%add3A_24, %dma_start3A_127] : memref<10000x128xf32, #tpu.memory_space<vmem_shared>> -> memref<128x128xf32, #tpu.memory_space<vmem_shared>>
      %dma_start3A_129 = arith.constant 0 : i32
      %dma_start3A_130 = tpu.memref_slice %arg13[%add3A_24, %dma_start3A_129] : memref<10000x128xf32, #tpu.memory_space<vmem_shared>> -> memref<128x128xf32, #tpu.memory_space<vmem_shared>>
      %dma_start3A_131 = arith.constant 0 : i32
      %dma_start3A_132 = arith.constant 0 : i32
      %dma_start3A_133 = tpu.memref_slice %arg12[%dma_start3A_131, %dma_start3A_132] : memref<128x128xf32, #tpu.memory_space<vmem>> -> memref<128x128xf32, #tpu.memory_space<vmem>>
      tpu.enqueue_dma source(%dma_start3A_133 : memref<128x128xf32, #tpu.memory_space<vmem>>) target(%dma_start3A_130 : memref<128x128xf32, #tpu.memory_space<vmem_shared>>) target_semaphore(%run_scoped3A_123 : memref<!tpu.dma_semaphore, #tpu.memory_space<semaphore_mem>>)
      %dma_wait3A_134 = arith.constant 0 : i32
      %dma_wait3A_135 = arith.constant 0 : i32
      %dma_wait3A_136 = tpu.memref_slice %arg12[%dma_wait3A_134, %dma_wait3A_135] : memref<128x128xf32, #tpu.memory_space<vmem>> -> memref<128x128xf32, #tpu.memory_space<vmem>>
      %dma_wait3A_137 = arith.constant 0 : i32
      %dma_wait3A_138 = tpu.memref_slice %arg13[%add3A_24, %dma_wait3A_137] : memref<10000x128xf32, #tpu.memory_space<vmem_shared>> -> memref<128x128xf32, #tpu.memory_space<vmem_shared>>
      %dma_wait3A_139 = arith.constant 0 : i32
      %dma_wait3A_140 = tpu.memref_slice %arg13[%add3A_24, %dma_wait3A_139] : memref<10000x128xf32, #tpu.memory_space<vmem_shared>> -> memref<128x128xf32, #tpu.memory_space<vmem_shared>>
      %dma_wait3A_141 = arith.constant 0 : i32
      %dma_wait3A_142 = arith.constant 0 : i32
      %dma_wait3A_143 = tpu.memref_slice %arg12[%dma_wait3A_141, %dma_wait3A_142] : memref<128x128xf32, #tpu.memory_space<vmem>> -> memref<128x128xf32, #tpu.memory_space<vmem>>
      tpu.wait_dma2 semaphore(%run_scoped3A_123 : memref<!tpu.dma_semaphore, #tpu.memory_space<semaphore_mem>>) src(%dma_wait3A_143 : memref<128x128xf32, #tpu.memory_space<vmem>>) dst(%dma_wait3A_140 : memref<128x128xf32, #tpu.memory_space<vmem_shared>>)
      tpu.yield
    }) : () -> ()
    %mul3A_25 = arith.constant 624 : i32
    %mul3A_26 = arith.muli %arg1, %mul3A_25 : i32
    %add3A_27 = arith.constant 384 : i32
    %add3A_28 = arith.addi %mul3A_26, %add3A_27 : i32
    "tpu.region"() ({
      %run_scoped3A_123 = tpu.sem_alloc : memref<!tpu.dma_semaphore, #tpu.memory_space<semaphore_mem>>
      %dma_start3A_124 = arith.constant 0 : i32
      %dma_start3A_125 = arith.constant 0 : i32
      %dma_start3A_126 = tpu.memref_slice %arg12[%dma_start3A_124, %dma_start3A_125] : memref<128x128xf32, #tpu.memory_space<vmem>> -> memref<128x128xf32, #tpu.memory_space<vmem>>
      %dma_start3A_127 = arith.constant 0 : i32
      %dma_start3A_128 = tpu.memref_slice %arg13[%add3A_28, %dma_start3A_127] : memref<10000x128xf32, #tpu.memory_space<vmem_shared>> -> memref<128x128xf32, #tpu.memory_space<vmem_shared>>
      %dma_start3A_129 = arith.constant 0 : i32
      %dma_start3A_130 = tpu.memref_slice %arg13[%add3A_28, %dma_start3A_129] : memref<10000x128xf32, #tpu.memory_space<vmem_shared>> -> memref<128x128xf32, #tpu.memory_space<vmem_shared>>
      %dma_start3A_131 = arith.constant 0 : i32
      %dma_start3A_132 = arith.constant 0 : i32
      %dma_start3A_133 = tpu.memref_slice %arg12[%dma_start3A_131, %dma_start3A_132] : memref<128x128xf32, #tpu.memory_space<vmem>> -> memref<128x128xf32, #tpu.memory_space<vmem>>
      tpu.enqueue_dma source(%dma_start3A_133 : memref<128x128xf32, #tpu.memory_space<vmem>>) target(%dma_start3A_130 : memref<128x128xf32, #tpu.memory_space<vmem_shared>>) target_semaphore(%run_scoped3A_123 : memref<!tpu.dma_semaphore, #tpu.memory_space<semaphore_mem>>)
      %dma_wait3A_134 = arith.constant 0 : i32
      %dma_wait3A_135 = arith.constant 0 : i32
      %dma_wait3A_136 = tpu.memref_slice %arg12[%dma_wait3A_134, %dma_wait3A_135] : memref<128x128xf32, #tpu.memory_space<vmem>> -> memref<128x128xf32, #tpu.memory_space<vmem>>
      %dma_wait3A_137 = arith.constant 0 : i32
      %dma_wait3A_138 = tpu.memref_slice %arg13[%add3A_28, %dma_wait3A_137] : memref<10000x128xf32, #tpu.memory_space<vmem_shared>> -> memref<128x128xf32, #tpu.memory_space<vmem_shared>>
      %dma_wait3A_139 = arith.constant 0 : i32
      %dma_wait3A_140 = tpu.memref_slice %arg13[%add3A_28, %dma_wait3A_139] : memref<10000x128xf32, #tpu.memory_space<vmem_shared>> -> memref<128x128xf32, #tpu.memory_space<vmem_shared>>
      %dma_wait3A_141 = arith.constant 0 : i32
      %dma_wait3A_142 = arith.constant 0 : i32
      %dma_wait3A_143 = tpu.memref_slice %arg12[%dma_wait3A_141, %dma_wait3A_142] : memref<128x128xf32, #tpu.memory_space<vmem>> -> memref<128x128xf32, #tpu.memory_space<vmem>>
      tpu.wait_dma2 semaphore(%run_scoped3A_123 : memref<!tpu.dma_semaphore, #tpu.memory_space<semaphore_mem>>) src(%dma_wait3A_143 : memref<128x128xf32, #tpu.memory_space<vmem>>) dst(%dma_wait3A_140 : memref<128x128xf32, #tpu.memory_space<vmem_shared>>)
      tpu.yield
    }) : () -> ()
    %mul3A_29 = arith.constant 624 : i32
    %mul3A_30 = arith.muli %arg1, %mul3A_29 : i32
    %add3A_31 = arith.constant 512 : i32
    %add3A_32 = arith.addi %mul3A_30, %add3A_31 : i32
    "tpu.region"() ({
      %run_scoped3A_123 = tpu.sem_alloc : memref<!tpu.dma_semaphore, #tpu.memory_space<semaphore_mem>>
      %dma_start3A_124 = arith.constant 0 : i32
      %dma_start3A_125 = arith.constant 0 : i32
      %dma_start3A_126 = tpu.memref_slice %arg12[%dma_start3A_124, %dma_start3A_125] : memref<128x128xf32, #tpu.memory_space<vmem>> -> memref<112x128xf32, #tpu.memory_space<vmem>>
      %dma_start3A_127 = arith.constant 0 : i32
      %dma_start3A_128 = tpu.memref_slice %arg13[%add3A_32, %dma_start3A_127] : memref<10000x128xf32, #tpu.memory_space<vmem_shared>> -> memref<112x128xf32, #tpu.memory_space<vmem_shared>>
      %dma_start3A_129 = arith.constant 0 : i32
      %dma_start3A_130 = tpu.memref_slice %arg13[%add3A_32, %dma_start3A_129] : memref<10000x128xf32, #tpu.memory_space<vmem_shared>> -> memref<112x128xf32, #tpu.memory_space<vmem_shared>>
      %dma_start3A_131 = arith.constant 0 : i32
      %dma_start3A_132 = arith.constant 0 : i32
      %dma_start3A_133 = tpu.memref_slice %arg12[%dma_start3A_131, %dma_start3A_132] : memref<128x128xf32, #tpu.memory_space<vmem>> -> memref<112x128xf32, #tpu.memory_space<vmem>>
      tpu.enqueue_dma source(%dma_start3A_133 : memref<112x128xf32, #tpu.memory_space<vmem>>) target(%dma_start3A_130 : memref<112x128xf32, #tpu.memory_space<vmem_shared>>) target_semaphore(%run_scoped3A_123 : memref<!tpu.dma_semaphore, #tpu.memory_space<semaphore_mem>>)
      %dma_wait3A_134 = arith.constant 0 : i32
      %dma_wait3A_135 = arith.constant 0 : i32
      %dma_wait3A_136 = tpu.memref_slice %arg12[%dma_wait3A_134, %dma_wait3A_135] : memref<128x128xf32, #tpu.memory_space<vmem>> -> memref<112x128xf32, #tpu.memory_space<vmem>>
      %dma_wait3A_137 = arith.constant 0 : i32
      %dma_wait3A_138 = tpu.memref_slice %arg13[%add3A_32, %dma_wait3A_137] : memref<10000x128xf32, #tpu.memory_space<vmem_shared>> -> memref<112x128xf32, #tpu.memory_space<vmem_shared>>
      %dma_wait3A_139 = arith.constant 0 : i32
      %dma_wait3A_140 = tpu.memref_slice %arg13[%add3A_32, %dma_wait3A_139] : memref<10000x128xf32, #tpu.memory_space<vmem_shared>> -> memref<112x128xf32, #tpu.memory_space<vmem_shared>>
      %dma_wait3A_141 = arith.constant 0 : i32
      %dma_wait3A_142 = arith.constant 0 : i32
      %dma_wait3A_143 = tpu.memref_slice %arg12[%dma_wait3A_141, %dma_wait3A_142] : memref<128x128xf32, #tpu.memory_space<vmem>> -> memref<112x128xf32, #tpu.memory_space<vmem>>
      tpu.wait_dma2 semaphore(%run_scoped3A_123 : memref<!tpu.dma_semaphore, #tpu.memory_space<semaphore_mem>>) src(%dma_wait3A_143 : memref<112x128xf32, #tpu.memory_space<vmem>>) dst(%dma_wait3A_140 : memref<112x128xf32, #tpu.memory_space<vmem_shared>>)
      tpu.yield
    }) : () -> ()
    %eq3A = arith.constant 15 : i32
    %eq3A_33 = arith.cmpi eq, %arg1, %eq3A : i32
    %convert_element_type3A = arith.extui %eq3A_33 : i1 to i32
    %cond3A = arith.constant 0 : i32
    %cond3A_34 = arith.cmpi ne, %convert_element_type3A, %cond3A : i32
    scf.if %cond3A_34 {
      "tpu.region"() ({
        %run_scoped3A_123 = tpu.sem_alloc : memref<!tpu.dma_semaphore, #tpu.memory_space<semaphore_mem>>
        %dma_start3A_124 = arith.constant 0 : i32
        %dma_start3A_125 = arith.constant 0 : i32
        %dma_start3A_126 = tpu.memref_slice %arg12[%dma_start3A_124, %dma_start3A_125] : memref<128x128xf32, #tpu.memory_space<vmem>> -> memref<16x128xf32, #tpu.memory_space<vmem>>
        %dma_start3A_127 = arith.constant 9984 : i32
        %dma_start3A_128 = arith.constant 0 : i32
        %dma_start3A_129 = tpu.memref_slice %arg13[%dma_start3A_127, %dma_start3A_128] : memref<10000x128xf32, #tpu.memory_space<vmem_shared>> -> memref<16x128xf32, #tpu.memory_space<vmem_shared>>
        %dma_start3A_130 = arith.constant 9984 : i32
        %dma_start3A_131 = arith.constant 0 : i32
        %dma_start3A_132 = tpu.memref_slice %arg13[%dma_start3A_130, %dma_start3A_131] : memref<10000x128xf32, #tpu.memory_space<vmem_shared>> -> memref<16x128xf32, #tpu.memory_space<vmem_shared>>
        %dma_start3A_133 = arith.constant 0 : i32
        %dma_start3A_134 = arith.constant 0 : i32
        %dma_start3A_135 = tpu.memref_slice %arg12[%dma_start3A_133, %dma_start3A_134] : memref<128x128xf32, #tpu.memory_space<vmem>> -> memref<16x128xf32, #tpu.memory_space<vmem>>
        tpu.enqueue_dma source(%dma_start3A_135 : memref<16x128xf32, #tpu.memory_space<vmem>>) target(%dma_start3A_132 : memref<16x128xf32, #tpu.memory_space<vmem_shared>>) target_semaphore(%run_scoped3A_123 : memref<!tpu.dma_semaphore, #tpu.memory_space<semaphore_mem>>)
        %dma_wait3A_136 = arith.constant 0 : i32
        %dma_wait3A_137 = arith.constant 0 : i32
        %dma_wait3A_138 = tpu.memref_slice %arg12[%dma_wait3A_136, %dma_wait3A_137] : memref<128x128xf32, #tpu.memory_space<vmem>> -> memref<16x128xf32, #tpu.memory_space<vmem>>
        %dma_wait3A_139 = arith.constant 9984 : i32
        %dma_wait3A_140 = arith.constant 0 : i32
        %dma_wait3A_141 = tpu.memref_slice %arg13[%dma_wait3A_139, %dma_wait3A_140] : memref<10000x128xf32, #tpu.memory_space<vmem_shared>> -> memref<16x128xf32, #tpu.memory_space<vmem_shared>>
        %dma_wait3A_142 = arith.constant 9984 : i32
        %dma_wait3A_143 = arith.constant 0 : i32
        %dma_wait3A_144 = tpu.memref_slice %arg13[%dma_wait3A_142, %dma_wait3A_143] : memref<10000x128xf32, #tpu.memory_space<vmem_shared>> -> memref<16x128xf32, #tpu.memory_space<vmem_shared>>
        %dma_wait3A_145 = arith.constant 0 : i32
        %dma_wait3A_146 = arith.constant 0 : i32
        %dma_wait3A_147 = tpu.memref_slice %arg12[%dma_wait3A_145, %dma_wait3A_146] : memref<128x128xf32, #tpu.memory_space<vmem>> -> memref<16x128xf32, #tpu.memory_space<vmem>>
        tpu.wait_dma2 semaphore(%run_scoped3A_123 : memref<!tpu.dma_semaphore, #tpu.memory_space<semaphore_mem>>) src(%dma_wait3A_147 : memref<16x128xf32, #tpu.memory_space<vmem>>) dst(%dma_wait3A_144 : memref<16x128xf32, #tpu.memory_space<vmem_shared>>)
        tpu.yield
      }) : () -> ()
    } else {
    }
    %barrier3A = arith.constant 0 : index
    tpu.barrier barrier_id(%barrier3A)
    %scan3A_35 = arith.constant 0 : i32
    %scan3A_36 = arith.constant 0 : i32
    %scan3A_37 = arith.constant 13 : i32
    %scan3A_38 = arith.addi %scan3A_36, %scan3A_37 : i32
    %scan3A_39 = arith.constant 1 : i32
    scf.for %scan3A_123 = %scan3A_36 to %scan3A_38 step %scan3A_39  : i32 {
      %gt3A = arith.constant 0 : i32
      %gt3A_124 = arith.cmpi sgt, %scan3A_123, %gt3A : i32
      %convert_element_type3A_125 = arith.extui %gt3A_124 : i1 to i32
      %cond3A_126 = arith.constant 0 : i32
      %cond3A_127 = arith.cmpi ne, %convert_element_type3A_125, %cond3A_126 : i32
      scf.if %cond3A_127 {
        %dma_wait3A_191 = arith.constant 1 : i32
        %dma_wait3A_192 = arith.constant 0 : i32
        %dma_wait3A_193 = tpu.memref_slice %arg9[%dma_wait3A_191, %dma_wait3A_192] : memref<26x128xi32, #tpu.memory_space<vmem>> -> memref<1x128xi32, #tpu.memory_space<vmem>>
        %dma_wait3A_194 = tpu.memref_squeeze %dma_wait3A_193 : memref<1x128xi32, #tpu.memory_space<vmem>> -> memref<128xi32, #tpu.memory_space<vmem>>
        %dma_wait3A_195 = arith.constant 0 : i32
        %dma_wait3A_196 = arith.constant 0 : i32
        %dma_wait3A_197 = tpu.memref_slice %arg13[%dma_wait3A_195, %dma_wait3A_196] : memref<10000x128xf32, #tpu.memory_space<vmem_shared>> -> memref<10000x128xf32, #tpu.memory_space<vmem_shared>>
        tpu.wait_indirect_dma semaphore(%arg18 : memref<!tpu.dma_semaphore, #tpu.memory_space<semaphore_mem>>) src(%arg12 : memref<128x128xf32, #tpu.memory_space<vmem>>) dst(%dma_wait3A_197 : memref<10000x128xf32, #tpu.memory_space<vmem_shared>>)
      } else {
      }
      %mul3A_128 = arith.constant 2 : i32
      %mul3A_129 = arith.muli %mul3A_128, %scan3A_123 : i32
      %add3A_130 = arith.constant 1 : i32
      %add3A_131 = arith.addi %mul3A_129, %add3A_130 : i32
      %dma_start3A_132 = arith.constant 0 : i32
      %dma_start3A_133 = tpu.memref_slice %arg7[%add3A_131, %dma_start3A_132] : memref<26x128xi32, #tpu.memory_space<vmem>> -> memref<1x128xi32, #tpu.memory_space<vmem>>
      %dma_start3A_134 = tpu.memref_squeeze %dma_start3A_133 : memref<1x128xi32, #tpu.memory_space<vmem>> -> memref<128xi32, #tpu.memory_space<vmem>>
      %dma_start3A_135 = arith.constant 0 : i32
      %dma_start3A_136 = arith.constant 0 : i32
      %dma_start3A_137 = tpu.memref_slice %arg2[%dma_start3A_135, %dma_start3A_136] : memref<10000x128xf32, #tpu.memory_space<hbm>> -> memref<10000x128xf32, #tpu.memory_space<hbm>>
      tpu.enqueue_indirect_dma source(%dma_start3A_137 : memref<10000x128xf32, #tpu.memory_space<hbm>>) target(%arg12 : memref<128x128xf32, #tpu.memory_space<vmem>>) offsets(%dma_start3A_134 : memref<128xi32, #tpu.memory_space<vmem>>) semaphore(%arg16 : memref<!tpu.dma_semaphore, #tpu.memory_space<semaphore_mem>>)
      %mul3A_138 = arith.constant 2 : i32
      %mul3A_139 = arith.muli %mul3A_138, %scan3A_123 : i32
      %dma_wait3A_140 = arith.constant 0 : i32
      %dma_wait3A_141 = tpu.memref_slice %arg7[%mul3A_139, %dma_wait3A_140] : memref<26x128xi32, #tpu.memory_space<vmem>> -> memref<1x128xi32, #tpu.memory_space<vmem>>
      %dma_wait3A_142 = tpu.memref_squeeze %dma_wait3A_141 : memref<1x128xi32, #tpu.memory_space<vmem>> -> memref<128xi32, #tpu.memory_space<vmem>>
      %dma_wait3A_143 = arith.constant 0 : i32
      %dma_wait3A_144 = arith.constant 0 : i32
      %dma_wait3A_145 = tpu.memref_slice %arg2[%dma_wait3A_143, %dma_wait3A_144] : memref<10000x128xf32, #tpu.memory_space<hbm>> -> memref<10000x128xf32, #tpu.memory_space<hbm>>
      tpu.wait_indirect_dma semaphore(%arg15 : memref<!tpu.dma_semaphore, #tpu.memory_space<semaphore_mem>>) src(%dma_wait3A_145 : memref<10000x128xf32, #tpu.memory_space<hbm>>) dst(%arg11 : memref<128x128xf32, #tpu.memory_space<vmem>>)
      %mul3A_146 = arith.constant 2 : i32
      %mul3A_147 = arith.muli %mul3A_146, %scan3A_123 : i32
      %dma_start3A_148 = arith.constant 0 : i32
      %dma_start3A_149 = tpu.memref_slice %arg9[%mul3A_147, %dma_start3A_148] : memref<26x128xi32, #tpu.memory_space<vmem>> -> memref<1x128xi32, #tpu.memory_space<vmem>>
      %dma_start3A_150 = tpu.memref_squeeze %dma_start3A_149 : memref<1x128xi32, #tpu.memory_space<vmem>> -> memref<128xi32, #tpu.memory_space<vmem>>
      %dma_start3A_151 = arith.constant 0 : i32
      %dma_start3A_152 = arith.constant 0 : i32
      %dma_start3A_153 = tpu.memref_slice %arg13[%dma_start3A_151, %dma_start3A_152] : memref<10000x128xf32, #tpu.memory_space<vmem_shared>> -> memref<10000x128xf32, #tpu.memory_space<vmem_shared>>
      tpu.enqueue_indirect_dma source(%arg11 : memref<128x128xf32, #tpu.memory_space<vmem>>) target(%dma_start3A_153 : memref<10000x128xf32, #tpu.memory_space<vmem_shared>>) offsets(%dma_start3A_150 : memref<128xi32, #tpu.memory_space<vmem>>) semaphore(%arg17 : memref<!tpu.dma_semaphore, #tpu.memory_space<semaphore_mem>>) {add = true}
      %mul3A_154 = arith.constant 2 : i32
      %mul3A_155 = arith.muli %mul3A_154, %scan3A_123 : i32
      %add3A_156 = arith.constant 1 : i32
      %add3A_157 = arith.addi %mul3A_155, %add3A_156 : i32
      %dma_wait3A_158 = arith.constant 0 : i32
      %dma_wait3A_159 = tpu.memref_slice %arg7[%add3A_157, %dma_wait3A_158] : memref<26x128xi32, #tpu.memory_space<vmem>> -> memref<1x128xi32, #tpu.memory_space<vmem>>
      %dma_wait3A_160 = tpu.memref_squeeze %dma_wait3A_159 : memref<1x128xi32, #tpu.memory_space<vmem>> -> memref<128xi32, #tpu.memory_space<vmem>>
      %dma_wait3A_161 = arith.constant 0 : i32
      %dma_wait3A_162 = arith.constant 0 : i32
      %dma_wait3A_163 = tpu.memref_slice %arg2[%dma_wait3A_161, %dma_wait3A_162] : memref<10000x128xf32, #tpu.memory_space<hbm>> -> memref<10000x128xf32, #tpu.memory_space<hbm>>
      tpu.wait_indirect_dma semaphore(%arg16 : memref<!tpu.dma_semaphore, #tpu.memory_space<semaphore_mem>>) src(%dma_wait3A_163 : memref<10000x128xf32, #tpu.memory_space<hbm>>) dst(%arg12 : memref<128x128xf32, #tpu.memory_space<vmem>>)
      %mul3A_164 = arith.constant 2 : i32
      %mul3A_165 = arith.muli %mul3A_164, %scan3A_123 : i32
      %add3A_166 = arith.constant 1 : i32
      %add3A_167 = arith.addi %mul3A_165, %add3A_166 : i32
      %dma_start3A_168 = arith.constant 0 : i32
      %dma_start3A_169 = tpu.memref_slice %arg9[%add3A_167, %dma_start3A_168] : memref<26x128xi32, #tpu.memory_space<vmem>> -> memref<1x128xi32, #tpu.memory_space<vmem>>
      %dma_start3A_170 = tpu.memref_squeeze %dma_start3A_169 : memref<1x128xi32, #tpu.memory_space<vmem>> -> memref<128xi32, #tpu.memory_space<vmem>>
      %dma_start3A_171 = arith.constant 0 : i32
      %dma_start3A_172 = arith.constant 0 : i32
      %dma_start3A_173 = tpu.memref_slice %arg13[%dma_start3A_171, %dma_start3A_172] : memref<10000x128xf32, #tpu.memory_space<vmem_shared>> -> memref<10000x128xf32, #tpu.memory_space<vmem_shared>>
      tpu.enqueue_indirect_dma source(%arg12 : memref<128x128xf32, #tpu.memory_space<vmem>>) target(%dma_start3A_173 : memref<10000x128xf32, #tpu.memory_space<vmem_shared>>) offsets(%dma_start3A_170 : memref<128xi32, #tpu.memory_space<vmem>>) semaphore(%arg18 : memref<!tpu.dma_semaphore, #tpu.memory_space<semaphore_mem>>) {add = true}
      %dma_wait3A_174 = arith.constant 0 : i32
      %dma_wait3A_175 = arith.constant 0 : i32
      %dma_wait3A_176 = tpu.memref_slice %arg9[%dma_wait3A_174, %dma_wait3A_175] : memref<26x128xi32, #tpu.memory_space<vmem>> -> memref<1x128xi32, #tpu.memory_space<vmem>>
      %dma_wait3A_177 = tpu.memref_squeeze %dma_wait3A_176 : memref<1x128xi32, #tpu.memory_space<vmem>> -> memref<128xi32, #tpu.memory_space<vmem>>
      %dma_wait3A_178 = arith.constant 0 : i32
      %dma_wait3A_179 = arith.constant 0 : i32
      %dma_wait3A_180 = tpu.memref_slice %arg13[%dma_wait3A_178, %dma_wait3A_179] : memref<10000x128xf32, #tpu.memory_space<vmem_shared>> -> memref<10000x128xf32, #tpu.memory_space<vmem_shared>>
      tpu.wait_indirect_dma semaphore(%arg17 : memref<!tpu.dma_semaphore, #tpu.memory_space<semaphore_mem>>) src(%arg11 : memref<128x128xf32, #tpu.memory_space<vmem>>) dst(%dma_wait3A_180 : memref<10000x128xf32, #tpu.memory_space<vmem_shared>>)
      %lt3A_181 = arith.constant 12 : i32
      %lt3A_182 = arith.cmpi slt, %scan3A_123, %lt3A_181 : i32
      %convert_element_type3A_183 = arith.extui %lt3A_182 : i1 to i32
      %cond3A_184 = arith.constant 0 : i32
      %cond3A_185 = arith.cmpi ne, %convert_element_type3A_183, %cond3A_184 : i32
      scf.if %cond3A_185 {
        %mul3A_191 = arith.constant 2 : i32
        %mul3A_192 = arith.muli %mul3A_191, %scan3A_123 : i32
        %add3A_193 = arith.constant 2 : i32
        %add3A_194 = arith.addi %mul3A_192, %add3A_193 : i32
        %dma_start3A_195 = arith.constant 0 : i32
        %dma_start3A_196 = tpu.memref_slice %arg7[%add3A_194, %dma_start3A_195] : memref<26x128xi32, #tpu.memory_space<vmem>> -> memref<1x128xi32, #tpu.memory_space<vmem>>
        %dma_start3A_197 = tpu.memref_squeeze %dma_start3A_196 : memref<1x128xi32, #tpu.memory_space<vmem>> -> memref<128xi32, #tpu.memory_space<vmem>>
        %dma_start3A_198 = arith.constant 0 : i32
        %dma_start3A_199 = arith.constant 0 : i32
        %dma_start3A_200 = tpu.memref_slice %arg2[%dma_start3A_198, %dma_start3A_199] : memref<10000x128xf32, #tpu.memory_space<hbm>> -> memref<10000x128xf32, #tpu.memory_space<hbm>>
        tpu.enqueue_indirect_dma source(%dma_start3A_200 : memref<10000x128xf32, #tpu.memory_space<hbm>>) target(%arg11 : memref<128x128xf32, #tpu.memory_space<vmem>>) offsets(%dma_start3A_197 : memref<128xi32, #tpu.memory_space<vmem>>) semaphore(%arg15 : memref<!tpu.dma_semaphore, #tpu.memory_space<semaphore_mem>>)
      } else {
      }
      %eq3A_186 = arith.constant 0 : i32
      %eq3A_187 = arith.cmpi eq, %scan3A_123, %eq3A_186 : i32
      %convert_element_type3A_188 = arith.extui %eq3A_187 : i1 to i32
      %cond3A_189 = arith.constant 0 : i32
      %cond3A_190 = arith.cmpi ne, %convert_element_type3A_188, %cond3A_189 : i32
      scf.if %cond3A_190 {
        %dma_start3A_191 = arith.constant 1 : i32
        %dma_start3A_192 = arith.constant 0 : i32
        %dma_start3A_193 = arith.constant 0 : i32
        %dma_start3A_194 = tpu.memref_slice %arg3[%add3A, %dma_start3A_191, %dma_start3A_192, %dma_start3A_193] : memref<32x3x26x128xi32, #tpu.memory_space<hbm>> -> memref<1x1x26x128xi32, #tpu.memory_space<hbm>>
        %dma_start3A_195 = tpu.memref_squeeze %dma_start3A_194 : memref<1x1x26x128xi32, #tpu.memory_space<hbm>> -> memref<26x128xi32, #tpu.memory_space<hbm>>
        %dma_start3A_196 = arith.constant 0 : i32
        %dma_start3A_197 = arith.constant 0 : i32
        %dma_start3A_198 = tpu.memref_slice %arg3[%add3A, %dma_start3A_191, %dma_start3A_196, %dma_start3A_197] : memref<32x3x26x128xi32, #tpu.memory_space<hbm>> -> memref<1x1x26x128xi32, #tpu.memory_space<hbm>>
        %dma_start3A_199 = tpu.memref_squeeze %dma_start3A_198 : memref<1x1x26x128xi32, #tpu.memory_space<hbm>> -> memref<26x128xi32, #tpu.memory_space<hbm>>
        tpu.enqueue_dma source(%dma_start3A_199 : memref<26x128xi32, #tpu.memory_space<hbm>>) target(%arg8 : memref<26x128xi32, #tpu.memory_space<vmem>>) target_semaphore(%arg14 : memref<!tpu.dma_semaphore, #tpu.memory_space<semaphore_mem>>)
        %dma_start3A_200 = arith.constant 1 : i32
        %dma_start3A_201 = arith.constant 0 : i32
        %dma_start3A_202 = arith.constant 0 : i32
        %dma_start3A_203 = tpu.memref_slice %arg4[%add3A, %dma_start3A_200, %dma_start3A_201, %dma_start3A_202] : memref<32x3x26x128xi32, #tpu.memory_space<hbm>> -> memref<1x1x26x128xi32, #tpu.memory_space<hbm>>
        %dma_start3A_204 = tpu.memref_squeeze %dma_start3A_203 : memref<1x1x26x128xi32, #tpu.memory_space<hbm>> -> memref<26x128xi32, #tpu.memory_space<hbm>>
        %dma_start3A_205 = arith.constant 0 : i32
        %dma_start3A_206 = arith.constant 0 : i32
        %dma_start3A_207 = tpu.memref_slice %arg4[%add3A, %dma_start3A_200, %dma_start3A_205, %dma_start3A_206] : memref<32x3x26x128xi32, #tpu.memory_space<hbm>> -> memref<1x1x26x128xi32, #tpu.memory_space<hbm>>
        %dma_start3A_208 = tpu.memref_squeeze %dma_start3A_207 : memref<1x1x26x128xi32, #tpu.memory_space<hbm>> -> memref<26x128xi32, #tpu.memory_space<hbm>>
        tpu.enqueue_dma source(%dma_start3A_208 : memref<26x128xi32, #tpu.memory_space<hbm>>) target(%arg10 : memref<26x128xi32, #tpu.memory_space<vmem>>) target_semaphore(%arg14 : memref<!tpu.dma_semaphore, #tpu.memory_space<semaphore_mem>>)
      } else {
      }
    }
    %scan3A_40 = arith.constant 13 : i32
    %dma_wait3A = arith.constant 1 : i32
    %dma_wait3A_41 = arith.constant 0 : i32
    %dma_wait3A_42 = arith.constant 0 : i32
    %dma_wait3A_43 = tpu.memref_slice %arg3[%add3A, %dma_wait3A, %dma_wait3A_41, %dma_wait3A_42] : memref<32x3x26x128xi32, #tpu.memory_space<hbm>> -> memref<1x1x26x128xi32, #tpu.memory_space<hbm>>
    %dma_wait3A_44 = tpu.memref_squeeze %dma_wait3A_43 : memref<1x1x26x128xi32, #tpu.memory_space<hbm>> -> memref<26x128xi32, #tpu.memory_space<hbm>>
    %dma_wait3A_45 = arith.constant 0 : i32
    %dma_wait3A_46 = arith.constant 0 : i32
    %dma_wait3A_47 = tpu.memref_slice %arg3[%add3A, %dma_wait3A, %dma_wait3A_45, %dma_wait3A_46] : memref<32x3x26x128xi32, #tpu.memory_space<hbm>> -> memref<1x1x26x128xi32, #tpu.memory_space<hbm>>
    %dma_wait3A_48 = tpu.memref_squeeze %dma_wait3A_47 : memref<1x1x26x128xi32, #tpu.memory_space<hbm>> -> memref<26x128xi32, #tpu.memory_space<hbm>>
    tpu.wait_dma2 semaphore(%arg14 : memref<!tpu.dma_semaphore, #tpu.memory_space<semaphore_mem>>) src(%dma_wait3A_48 : memref<26x128xi32, #tpu.memory_space<hbm>>) dst(%arg8 : memref<26x128xi32, #tpu.memory_space<vmem>>)
    %dma_wait3A_49 = arith.constant 1 : i32
    %dma_wait3A_50 = arith.constant 0 : i32
    %dma_wait3A_51 = arith.constant 0 : i32
    %dma_wait3A_52 = tpu.memref_slice %arg4[%add3A, %dma_wait3A_49, %dma_wait3A_50, %dma_wait3A_51] : memref<32x3x26x128xi32, #tpu.memory_space<hbm>> -> memref<1x1x26x128xi32, #tpu.memory_space<hbm>>
    %dma_wait3A_53 = tpu.memref_squeeze %dma_wait3A_52 : memref<1x1x26x128xi32, #tpu.memory_space<hbm>> -> memref<26x128xi32, #tpu.memory_space<hbm>>
    %dma_wait3A_54 = arith.constant 0 : i32
    %dma_wait3A_55 = arith.constant 0 : i32
    %dma_wait3A_56 = tpu.memref_slice %arg4[%add3A, %dma_wait3A_49, %dma_wait3A_54, %dma_wait3A_55] : memref<32x3x26x128xi32, #tpu.memory_space<hbm>> -> memref<1x1x26x128xi32, #tpu.memory_space<hbm>>
    %dma_wait3A_57 = tpu.memref_squeeze %dma_wait3A_56 : memref<1x1x26x128xi32, #tpu.memory_space<hbm>> -> memref<26x128xi32, #tpu.memory_space<hbm>>
    tpu.wait_dma2 semaphore(%arg14 : memref<!tpu.dma_semaphore, #tpu.memory_space<semaphore_mem>>) src(%dma_wait3A_57 : memref<26x128xi32, #tpu.memory_space<hbm>>) dst(%arg10 : memref<26x128xi32, #tpu.memory_space<vmem>>)
    %dma_start3A_58 = arith.constant 0 : i32
    %dma_start3A_59 = arith.constant 0 : i32
    %dma_start3A_60 = tpu.memref_slice %arg8[%dma_start3A_58, %dma_start3A_59] : memref<26x128xi32, #tpu.memory_space<vmem>> -> memref<1x128xi32, #tpu.memory_space<vmem>>
    %dma_start3A_61 = tpu.memref_squeeze %dma_start3A_60 : memref<1x128xi32, #tpu.memory_space<vmem>> -> memref<128xi32, #tpu.memory_space<vmem>>
    %dma_start3A_62 = arith.constant 0 : i32
    %dma_start3A_63 = arith.constant 0 : i32
    %dma_start3A_64 = tpu.memref_slice %arg2[%dma_start3A_62, %dma_start3A_63] : memref<10000x128xf32, #tpu.memory_space<hbm>> -> memref<10000x128xf32, #tpu.memory_space<hbm>>
    tpu.enqueue_indirect_dma source(%dma_start3A_64 : memref<10000x128xf32, #tpu.memory_space<hbm>>) target(%arg11 : memref<128x128xf32, #tpu.memory_space<vmem>>) offsets(%dma_start3A_61 : memref<128xi32, #tpu.memory_space<vmem>>) semaphore(%arg15 : memref<!tpu.dma_semaphore, #tpu.memory_space<semaphore_mem>>)
    %scan3A_65 = arith.constant 0 : i32
    %scan3A_66 = arith.constant 0 : i32
    %scan3A_67 = arith.constant 13 : i32
    %scan3A_68 = arith.addi %scan3A_66, %scan3A_67 : i32
    %scan3A_69 = arith.constant 1 : i32
    scf.for %scan3A_123 = %scan3A_66 to %scan3A_68 step %scan3A_69  : i32 {
      %dma_wait3A_124 = arith.constant 1 : i32
      %dma_wait3A_125 = arith.constant 0 : i32
      %dma_wait3A_126 = tpu.memref_slice %arg10[%dma_wait3A_124, %dma_wait3A_125] : memref<26x128xi32, #tpu.memory_space<vmem>> -> memref<1x128xi32, #tpu.memory_space<vmem>>
      %dma_wait3A_127 = tpu.memref_squeeze %dma_wait3A_126 : memref<1x128xi32, #tpu.memory_space<vmem>> -> memref<128xi32, #tpu.memory_space<vmem>>
      %dma_wait3A_128 = arith.constant 0 : i32
      %dma_wait3A_129 = arith.constant 0 : i32
      %dma_wait3A_130 = tpu.memref_slice %arg13[%dma_wait3A_128, %dma_wait3A_129] : memref<10000x128xf32, #tpu.memory_space<vmem_shared>> -> memref<10000x128xf32, #tpu.memory_space<vmem_shared>>
      tpu.wait_indirect_dma semaphore(%arg18 : memref<!tpu.dma_semaphore, #tpu.memory_space<semaphore_mem>>) src(%arg12 : memref<128x128xf32, #tpu.memory_space<vmem>>) dst(%dma_wait3A_130 : memref<10000x128xf32, #tpu.memory_space<vmem_shared>>)
      %mul3A_131 = arith.constant 2 : i32
      %mul3A_132 = arith.muli %mul3A_131, %scan3A_123 : i32
      %add3A_133 = arith.constant 1 : i32
      %add3A_134 = arith.addi %mul3A_132, %add3A_133 : i32
      %dma_start3A_135 = arith.constant 0 : i32
      %dma_start3A_136 = tpu.memref_slice %arg8[%add3A_134, %dma_start3A_135] : memref<26x128xi32, #tpu.memory_space<vmem>> -> memref<1x128xi32, #tpu.memory_space<vmem>>
      %dma_start3A_137 = tpu.memref_squeeze %dma_start3A_136 : memref<1x128xi32, #tpu.memory_space<vmem>> -> memref<128xi32, #tpu.memory_space<vmem>>
      %dma_start3A_138 = arith.constant 0 : i32
      %dma_start3A_139 = arith.constant 0 : i32
      %dma_start3A_140 = tpu.memref_slice %arg2[%dma_start3A_138, %dma_start3A_139] : memref<10000x128xf32, #tpu.memory_space<hbm>> -> memref<10000x128xf32, #tpu.memory_space<hbm>>
      tpu.enqueue_indirect_dma source(%dma_start3A_140 : memref<10000x128xf32, #tpu.memory_space<hbm>>) target(%arg12 : memref<128x128xf32, #tpu.memory_space<vmem>>) offsets(%dma_start3A_137 : memref<128xi32, #tpu.memory_space<vmem>>) semaphore(%arg16 : memref<!tpu.dma_semaphore, #tpu.memory_space<semaphore_mem>>)
      %mul3A_141 = arith.constant 2 : i32
      %mul3A_142 = arith.muli %mul3A_141, %scan3A_123 : i32
      %dma_wait3A_143 = arith.constant 0 : i32
      %dma_wait3A_144 = tpu.memref_slice %arg8[%mul3A_142, %dma_wait3A_143] : memref<26x128xi32, #tpu.memory_space<vmem>> -> memref<1x128xi32, #tpu.memory_space<vmem>>
      %dma_wait3A_145 = tpu.memref_squeeze %dma_wait3A_144 : memref<1x128xi32, #tpu.memory_space<vmem>> -> memref<128xi32, #tpu.memory_space<vmem>>
      %dma_wait3A_146 = arith.constant 0 : i32
      %dma_wait3A_147 = arith.constant 0 : i32
      %dma_wait3A_148 = tpu.memref_slice %arg2[%dma_wait3A_146, %dma_wait3A_147] : memref<10000x128xf32, #tpu.memory_space<hbm>> -> memref<10000x128xf32, #tpu.memory_space<hbm>>
      tpu.wait_indirect_dma semaphore(%arg15 : memref<!tpu.dma_semaphore, #tpu.memory_space<semaphore_mem>>) src(%dma_wait3A_148 : memref<10000x128xf32, #tpu.memory_space<hbm>>) dst(%arg11 : memref<128x128xf32, #tpu.memory_space<vmem>>)
      %mul3A_149 = arith.constant 2 : i32
      %mul3A_150 = arith.muli %mul3A_149, %scan3A_123 : i32
      %dma_start3A_151 = arith.constant 0 : i32
      %dma_start3A_152 = tpu.memref_slice %arg10[%mul3A_150, %dma_start3A_151] : memref<26x128xi32, #tpu.memory_space<vmem>> -> memref<1x128xi32, #tpu.memory_space<vmem>>
      %dma_start3A_153 = tpu.memref_squeeze %dma_start3A_152 : memref<1x128xi32, #tpu.memory_space<vmem>> -> memref<128xi32, #tpu.memory_space<vmem>>
      %dma_start3A_154 = arith.constant 0 : i32
      %dma_start3A_155 = arith.constant 0 : i32
      %dma_start3A_156 = tpu.memref_slice %arg13[%dma_start3A_154, %dma_start3A_155] : memref<10000x128xf32, #tpu.memory_space<vmem_shared>> -> memref<10000x128xf32, #tpu.memory_space<vmem_shared>>
      tpu.enqueue_indirect_dma source(%arg11 : memref<128x128xf32, #tpu.memory_space<vmem>>) target(%dma_start3A_156 : memref<10000x128xf32, #tpu.memory_space<vmem_shared>>) offsets(%dma_start3A_153 : memref<128xi32, #tpu.memory_space<vmem>>) semaphore(%arg17 : memref<!tpu.dma_semaphore, #tpu.memory_space<semaphore_mem>>) {add = true}
      %mul3A_157 = arith.constant 2 : i32
      %mul3A_158 = arith.muli %mul3A_157, %scan3A_123 : i32
      %add3A_159 = arith.constant 1 : i32
      %add3A_160 = arith.addi %mul3A_158, %add3A_159 : i32
      %dma_wait3A_161 = arith.constant 0 : i32
      %dma_wait3A_162 = tpu.memref_slice %arg8[%add3A_160, %dma_wait3A_161] : memref<26x128xi32, #tpu.memory_space<vmem>> -> memref<1x128xi32, #tpu.memory_space<vmem>>
      %dma_wait3A_163 = tpu.memref_squeeze %dma_wait3A_162 : memref<1x128xi32, #tpu.memory_space<vmem>> -> memref<128xi32, #tpu.memory_space<vmem>>
      %dma_wait3A_164 = arith.constant 0 : i32
      %dma_wait3A_165 = arith.constant 0 : i32
      %dma_wait3A_166 = tpu.memref_slice %arg2[%dma_wait3A_164, %dma_wait3A_165] : memref<10000x128xf32, #tpu.memory_space<hbm>> -> memref<10000x128xf32, #tpu.memory_space<hbm>>
      tpu.wait_indirect_dma semaphore(%arg16 : memref<!tpu.dma_semaphore, #tpu.memory_space<semaphore_mem>>) src(%dma_wait3A_166 : memref<10000x128xf32, #tpu.memory_space<hbm>>) dst(%arg12 : memref<128x128xf32, #tpu.memory_space<vmem>>)
      %mul3A_167 = arith.constant 2 : i32
      %mul3A_168 = arith.muli %mul3A_167, %scan3A_123 : i32
      %add3A_169 = arith.constant 1 : i32
      %add3A_170 = arith.addi %mul3A_168, %add3A_169 : i32
      %dma_start3A_171 = arith.constant 0 : i32
      %dma_start3A_172 = tpu.memref_slice %arg10[%add3A_170, %dma_start3A_171] : memref<26x128xi32, #tpu.memory_space<vmem>> -> memref<1x128xi32, #tpu.memory_space<vmem>>
      %dma_start3A_173 = tpu.memref_squeeze %dma_start3A_172 : memref<1x128xi32, #tpu.memory_space<vmem>> -> memref<128xi32, #tpu.memory_space<vmem>>
      %dma_start3A_174 = arith.constant 0 : i32
      %dma_start3A_175 = arith.constant 0 : i32
      %dma_start3A_176 = tpu.memref_slice %arg13[%dma_start3A_174, %dma_start3A_175] : memref<10000x128xf32, #tpu.memory_space<vmem_shared>> -> memref<10000x128xf32, #tpu.memory_space<vmem_shared>>
      tpu.enqueue_indirect_dma source(%arg12 : memref<128x128xf32, #tpu.memory_space<vmem>>) target(%dma_start3A_176 : memref<10000x128xf32, #tpu.memory_space<vmem_shared>>) offsets(%dma_start3A_173 : memref<128xi32, #tpu.memory_space<vmem>>) semaphore(%arg18 : memref<!tpu.dma_semaphore, #tpu.memory_space<semaphore_mem>>) {add = true}
      %dma_wait3A_177 = arith.constant 0 : i32
      %dma_wait3A_178 = arith.constant 0 : i32
      %dma_wait3A_179 = tpu.memref_slice %arg10[%dma_wait3A_177, %dma_wait3A_178] : memref<26x128xi32, #tpu.memory_space<vmem>> -> memref<1x128xi32, #tpu.memory_space<vmem>>
      %dma_wait3A_180 = tpu.memref_squeeze %dma_wait3A_179 : memref<1x128xi32, #tpu.memory_space<vmem>> -> memref<128xi32, #tpu.memory_space<vmem>>
      %dma_wait3A_181 = arith.constant 0 : i32
      %dma_wait3A_182 = arith.constant 0 : i32
      %dma_wait3A_183 = tpu.memref_slice %arg13[%dma_wait3A_181, %dma_wait3A_182] : memref<10000x128xf32, #tpu.memory_space<vmem_shared>> -> memref<10000x128xf32, #tpu.memory_space<vmem_shared>>
      tpu.wait_indirect_dma semaphore(%arg17 : memref<!tpu.dma_semaphore, #tpu.memory_space<semaphore_mem>>) src(%arg11 : memref<128x128xf32, #tpu.memory_space<vmem>>) dst(%dma_wait3A_183 : memref<10000x128xf32, #tpu.memory_space<vmem_shared>>)
      %lt3A_184 = arith.constant 12 : i32
      %lt3A_185 = arith.cmpi slt, %scan3A_123, %lt3A_184 : i32
      %convert_element_type3A_186 = arith.extui %lt3A_185 : i1 to i32
      %cond3A_187 = arith.constant 0 : i32
      %cond3A_188 = arith.cmpi ne, %convert_element_type3A_186, %cond3A_187 : i32
      scf.if %cond3A_188 {
        %mul3A_194 = arith.constant 2 : i32
        %mul3A_195 = arith.muli %mul3A_194, %scan3A_123 : i32
        %add3A_196 = arith.constant 2 : i32
        %add3A_197 = arith.addi %mul3A_195, %add3A_196 : i32
        %dma_start3A_198 = arith.constant 0 : i32
        %dma_start3A_199 = tpu.memref_slice %arg8[%add3A_197, %dma_start3A_198] : memref<26x128xi32, #tpu.memory_space<vmem>> -> memref<1x128xi32, #tpu.memory_space<vmem>>
        %dma_start3A_200 = tpu.memref_squeeze %dma_start3A_199 : memref<1x128xi32, #tpu.memory_space<vmem>> -> memref<128xi32, #tpu.memory_space<vmem>>
        %dma_start3A_201 = arith.constant 0 : i32
        %dma_start3A_202 = arith.constant 0 : i32
        %dma_start3A_203 = tpu.memref_slice %arg2[%dma_start3A_201, %dma_start3A_202] : memref<10000x128xf32, #tpu.memory_space<hbm>> -> memref<10000x128xf32, #tpu.memory_space<hbm>>
        tpu.enqueue_indirect_dma source(%dma_start3A_203 : memref<10000x128xf32, #tpu.memory_space<hbm>>) target(%arg11 : memref<128x128xf32, #tpu.memory_space<vmem>>) offsets(%dma_start3A_200 : memref<128xi32, #tpu.memory_space<vmem>>) semaphore(%arg15 : memref<!tpu.dma_semaphore, #tpu.memory_space<semaphore_mem>>)
      } else {
      }
      %eq3A_189 = arith.constant 0 : i32
      %eq3A_190 = arith.cmpi eq, %scan3A_123, %eq3A_189 : i32
      %convert_element_type3A_191 = arith.extui %eq3A_190 : i1 to i32
      %cond3A_192 = arith.constant 0 : i32
      %cond3A_193 = arith.cmpi ne, %convert_element_type3A_191, %cond3A_192 : i32
      scf.if %cond3A_193 {
        %dma_start3A_194 = arith.constant 2 : i32
        %dma_start3A_195 = arith.constant 0 : i32
        %dma_start3A_196 = arith.constant 0 : i32
        %dma_start3A_197 = tpu.memref_slice %arg3[%add3A, %dma_start3A_194, %dma_start3A_195, %dma_start3A_196] : memref<32x3x26x128xi32, #tpu.memory_space<hbm>> -> memref<1x1x26x128xi32, #tpu.memory_space<hbm>>
        %dma_start3A_198 = tpu.memref_squeeze %dma_start3A_197 : memref<1x1x26x128xi32, #tpu.memory_space<hbm>> -> memref<26x128xi32, #tpu.memory_space<hbm>>
        %dma_start3A_199 = arith.constant 0 : i32
        %dma_start3A_200 = arith.constant 0 : i32
        %dma_start3A_201 = tpu.memref_slice %arg3[%add3A, %dma_start3A_194, %dma_start3A_199, %dma_start3A_200] : memref<32x3x26x128xi32, #tpu.memory_space<hbm>> -> memref<1x1x26x128xi32, #tpu.memory_space<hbm>>
        %dma_start3A_202 = tpu.memref_squeeze %dma_start3A_201 : memref<1x1x26x128xi32, #tpu.memory_space<hbm>> -> memref<26x128xi32, #tpu.memory_space<hbm>>
        tpu.enqueue_dma source(%dma_start3A_202 : memref<26x128xi32, #tpu.memory_space<hbm>>) target(%arg7 : memref<26x128xi32, #tpu.memory_space<vmem>>) target_semaphore(%arg14 : memref<!tpu.dma_semaphore, #tpu.memory_space<semaphore_mem>>)
        %dma_start3A_203 = arith.constant 2 : i32
        %dma_start3A_204 = arith.constant 0 : i32
        %dma_start3A_205 = arith.constant 0 : i32
        %dma_start3A_206 = tpu.memref_slice %arg4[%add3A, %dma_start3A_203, %dma_start3A_204, %dma_start3A_205] : memref<32x3x26x128xi32, #tpu.memory_space<hbm>> -> memref<1x1x26x128xi32, #tpu.memory_space<hbm>>
        %dma_start3A_207 = tpu.memref_squeeze %dma_start3A_206 : memref<1x1x26x128xi32, #tpu.memory_space<hbm>> -> memref<26x128xi32, #tpu.memory_space<hbm>>
        %dma_start3A_208 = arith.constant 0 : i32
        %dma_start3A_209 = arith.constant 0 : i32
        %dma_start3A_210 = tpu.memref_slice %arg4[%add3A, %dma_start3A_203, %dma_start3A_208, %dma_start3A_209] : memref<32x3x26x128xi32, #tpu.memory_space<hbm>> -> memref<1x1x26x128xi32, #tpu.memory_space<hbm>>
        %dma_start3A_211 = tpu.memref_squeeze %dma_start3A_210 : memref<1x1x26x128xi32, #tpu.memory_space<hbm>> -> memref<26x128xi32, #tpu.memory_space<hbm>>
        tpu.enqueue_dma source(%dma_start3A_211 : memref<26x128xi32, #tpu.memory_space<hbm>>) target(%arg9 : memref<26x128xi32, #tpu.memory_space<vmem>>) target_semaphore(%arg14 : memref<!tpu.dma_semaphore, #tpu.memory_space<semaphore_mem>>)
      } else {
      }
    }
    %scan3A_70 = arith.constant 13 : i32
    %dma_wait3A_71 = arith.constant 2 : i32
    %dma_wait3A_72 = arith.constant 0 : i32
    %dma_wait3A_73 = arith.constant 0 : i32
    %dma_wait3A_74 = tpu.memref_slice %arg3[%add3A, %dma_wait3A_71, %dma_wait3A_72, %dma_wait3A_73] : memref<32x3x26x128xi32, #tpu.memory_space<hbm>> -> memref<1x1x26x128xi32, #tpu.memory_space<hbm>>
    %dma_wait3A_75 = tpu.memref_squeeze %dma_wait3A_74 : memref<1x1x26x128xi32, #tpu.memory_space<hbm>> -> memref<26x128xi32, #tpu.memory_space<hbm>>
    %dma_wait3A_76 = arith.constant 0 : i32
    %dma_wait3A_77 = arith.constant 0 : i32
    %dma_wait3A_78 = tpu.memref_slice %arg3[%add3A, %dma_wait3A_71, %dma_wait3A_76, %dma_wait3A_77] : memref<32x3x26x128xi32, #tpu.memory_space<hbm>> -> memref<1x1x26x128xi32, #tpu.memory_space<hbm>>
    %dma_wait3A_79 = tpu.memref_squeeze %dma_wait3A_78 : memref<1x1x26x128xi32, #tpu.memory_space<hbm>> -> memref<26x128xi32, #tpu.memory_space<hbm>>
    tpu.wait_dma2 semaphore(%arg14 : memref<!tpu.dma_semaphore, #tpu.memory_space<semaphore_mem>>) src(%dma_wait3A_79 : memref<26x128xi32, #tpu.memory_space<hbm>>) dst(%arg7 : memref<26x128xi32, #tpu.memory_space<vmem>>)
    %dma_wait3A_80 = arith.constant 2 : i32
    %dma_wait3A_81 = arith.constant 0 : i32
    %dma_wait3A_82 = arith.constant 0 : i32
    %dma_wait3A_83 = tpu.memref_slice %arg4[%add3A, %dma_wait3A_80, %dma_wait3A_81, %dma_wait3A_82] : memref<32x3x26x128xi32, #tpu.memory_space<hbm>> -> memref<1x1x26x128xi32, #tpu.memory_space<hbm>>
    %dma_wait3A_84 = tpu.memref_squeeze %dma_wait3A_83 : memref<1x1x26x128xi32, #tpu.memory_space<hbm>> -> memref<26x128xi32, #tpu.memory_space<hbm>>
    %dma_wait3A_85 = arith.constant 0 : i32
    %dma_wait3A_86 = arith.constant 0 : i32
    %dma_wait3A_87 = tpu.memref_slice %arg4[%add3A, %dma_wait3A_80, %dma_wait3A_85, %dma_wait3A_86] : memref<32x3x26x128xi32, #tpu.memory_space<hbm>> -> memref<1x1x26x128xi32, #tpu.memory_space<hbm>>
    %dma_wait3A_88 = tpu.memref_squeeze %dma_wait3A_87 : memref<1x1x26x128xi32, #tpu.memory_space<hbm>> -> memref<26x128xi32, #tpu.memory_space<hbm>>
    tpu.wait_dma2 semaphore(%arg14 : memref<!tpu.dma_semaphore, #tpu.memory_space<semaphore_mem>>) src(%dma_wait3A_88 : memref<26x128xi32, #tpu.memory_space<hbm>>) dst(%arg9 : memref<26x128xi32, #tpu.memory_space<vmem>>)
    %dma_start3A_89 = arith.constant 0 : i32
    %dma_start3A_90 = arith.constant 0 : i32
    %dma_start3A_91 = tpu.memref_slice %arg7[%dma_start3A_89, %dma_start3A_90] : memref<26x128xi32, #tpu.memory_space<vmem>> -> memref<1x128xi32, #tpu.memory_space<vmem>>
    %dma_start3A_92 = tpu.memref_squeeze %dma_start3A_91 : memref<1x128xi32, #tpu.memory_space<vmem>> -> memref<128xi32, #tpu.memory_space<vmem>>
    %dma_start3A_93 = arith.constant 0 : i32
    %dma_start3A_94 = arith.constant 0 : i32
    %dma_start3A_95 = tpu.memref_slice %arg2[%dma_start3A_93, %dma_start3A_94] : memref<10000x128xf32, #tpu.memory_space<hbm>> -> memref<10000x128xf32, #tpu.memory_space<hbm>>
    tpu.enqueue_indirect_dma source(%dma_start3A_95 : memref<10000x128xf32, #tpu.memory_space<hbm>>) target(%arg11 : memref<128x128xf32, #tpu.memory_space<vmem>>) offsets(%dma_start3A_92 : memref<128xi32, #tpu.memory_space<vmem>>) semaphore(%arg15 : memref<!tpu.dma_semaphore, #tpu.memory_space<semaphore_mem>>)
    %scan3A_96 = arith.constant 0 : i32
    %scan3A_97 = arith.constant 0 : i32
    %scan3A_98 = arith.constant 13 : i32
    %scan3A_99 = arith.addi %scan3A_97, %scan3A_98 : i32
    %scan3A_100 = arith.constant 1 : i32
    scf.for %scan3A_123 = %scan3A_97 to %scan3A_99 step %scan3A_100  : i32 {
      %dma_wait3A_124 = arith.constant 1 : i32
      %dma_wait3A_125 = arith.constant 0 : i32
      %dma_wait3A_126 = tpu.memref_slice %arg9[%dma_wait3A_124, %dma_wait3A_125] : memref<26x128xi32, #tpu.memory_space<vmem>> -> memref<1x128xi32, #tpu.memory_space<vmem>>
      %dma_wait3A_127 = tpu.memref_squeeze %dma_wait3A_126 : memref<1x128xi32, #tpu.memory_space<vmem>> -> memref<128xi32, #tpu.memory_space<vmem>>
      %dma_wait3A_128 = arith.constant 0 : i32
      %dma_wait3A_129 = arith.constant 0 : i32
      %dma_wait3A_130 = tpu.memref_slice %arg13[%dma_wait3A_128, %dma_wait3A_129] : memref<10000x128xf32, #tpu.memory_space<vmem_shared>> -> memref<10000x128xf32, #tpu.memory_space<vmem_shared>>
      tpu.wait_indirect_dma semaphore(%arg18 : memref<!tpu.dma_semaphore, #tpu.memory_space<semaphore_mem>>) src(%arg12 : memref<128x128xf32, #tpu.memory_space<vmem>>) dst(%dma_wait3A_130 : memref<10000x128xf32, #tpu.memory_space<vmem_shared>>)
      %mul3A_131 = arith.constant 2 : i32
      %mul3A_132 = arith.muli %mul3A_131, %scan3A_123 : i32
      %add3A_133 = arith.constant 1 : i32
      %add3A_134 = arith.addi %mul3A_132, %add3A_133 : i32
      %dma_start3A_135 = arith.constant 0 : i32
      %dma_start3A_136 = tpu.memref_slice %arg7[%add3A_134, %dma_start3A_135] : memref<26x128xi32, #tpu.memory_space<vmem>> -> memref<1x128xi32, #tpu.memory_space<vmem>>
      %dma_start3A_137 = tpu.memref_squeeze %dma_start3A_136 : memref<1x128xi32, #tpu.memory_space<vmem>> -> memref<128xi32, #tpu.memory_space<vmem>>
      %dma_start3A_138 = arith.constant 0 : i32
      %dma_start3A_139 = arith.constant 0 : i32
      %dma_start3A_140 = tpu.memref_slice %arg2[%dma_start3A_138, %dma_start3A_139] : memref<10000x128xf32, #tpu.memory_space<hbm>> -> memref<10000x128xf32, #tpu.memory_space<hbm>>
      tpu.enqueue_indirect_dma source(%dma_start3A_140 : memref<10000x128xf32, #tpu.memory_space<hbm>>) target(%arg12 : memref<128x128xf32, #tpu.memory_space<vmem>>) offsets(%dma_start3A_137 : memref<128xi32, #tpu.memory_space<vmem>>) semaphore(%arg16 : memref<!tpu.dma_semaphore, #tpu.memory_space<semaphore_mem>>)
      %mul3A_141 = arith.constant 2 : i32
      %mul3A_142 = arith.muli %mul3A_141, %scan3A_123 : i32
      %dma_wait3A_143 = arith.constant 0 : i32
      %dma_wait3A_144 = tpu.memref_slice %arg7[%mul3A_142, %dma_wait3A_143] : memref<26x128xi32, #tpu.memory_space<vmem>> -> memref<1x128xi32, #tpu.memory_space<vmem>>
      %dma_wait3A_145 = tpu.memref_squeeze %dma_wait3A_144 : memref<1x128xi32, #tpu.memory_space<vmem>> -> memref<128xi32, #tpu.memory_space<vmem>>
      %dma_wait3A_146 = arith.constant 0 : i32
      %dma_wait3A_147 = arith.constant 0 : i32
      %dma_wait3A_148 = tpu.memref_slice %arg2[%dma_wait3A_146, %dma_wait3A_147] : memref<10000x128xf32, #tpu.memory_space<hbm>> -> memref<10000x128xf32, #tpu.memory_space<hbm>>
      tpu.wait_indirect_dma semaphore(%arg15 : memref<!tpu.dma_semaphore, #tpu.memory_space<semaphore_mem>>) src(%dma_wait3A_148 : memref<10000x128xf32, #tpu.memory_space<hbm>>) dst(%arg11 : memref<128x128xf32, #tpu.memory_space<vmem>>)
      %mul3A_149 = arith.constant 2 : i32
      %mul3A_150 = arith.muli %mul3A_149, %scan3A_123 : i32
      %dma_start3A_151 = arith.constant 0 : i32
      %dma_start3A_152 = tpu.memref_slice %arg9[%mul3A_150, %dma_start3A_151] : memref<26x128xi32, #tpu.memory_space<vmem>> -> memref<1x128xi32, #tpu.memory_space<vmem>>
      %dma_start3A_153 = tpu.memref_squeeze %dma_start3A_152 : memref<1x128xi32, #tpu.memory_space<vmem>> -> memref<128xi32, #tpu.memory_space<vmem>>
      %dma_start3A_154 = arith.constant 0 : i32
      %dma_start3A_155 = arith.constant 0 : i32
      %dma_start3A_156 = tpu.memref_slice %arg13[%dma_start3A_154, %dma_start3A_155] : memref<10000x128xf32, #tpu.memory_space<vmem_shared>> -> memref<10000x128xf32, #tpu.memory_space<vmem_shared>>
      tpu.enqueue_indirect_dma source(%arg11 : memref<128x128xf32, #tpu.memory_space<vmem>>) target(%dma_start3A_156 : memref<10000x128xf32, #tpu.memory_space<vmem_shared>>) offsets(%dma_start3A_153 : memref<128xi32, #tpu.memory_space<vmem>>) semaphore(%arg17 : memref<!tpu.dma_semaphore, #tpu.memory_space<semaphore_mem>>) {add = true}
      %mul3A_157 = arith.constant 2 : i32
      %mul3A_158 = arith.muli %mul3A_157, %scan3A_123 : i32
      %add3A_159 = arith.constant 1 : i32
      %add3A_160 = arith.addi %mul3A_158, %add3A_159 : i32
      %dma_wait3A_161 = arith.constant 0 : i32
      %dma_wait3A_162 = tpu.memref_slice %arg7[%add3A_160, %dma_wait3A_161] : memref<26x128xi32, #tpu.memory_space<vmem>> -> memref<1x128xi32, #tpu.memory_space<vmem>>
      %dma_wait3A_163 = tpu.memref_squeeze %dma_wait3A_162 : memref<1x128xi32, #tpu.memory_space<vmem>> -> memref<128xi32, #tpu.memory_space<vmem>>
      %dma_wait3A_164 = arith.constant 0 : i32
      %dma_wait3A_165 = arith.constant 0 : i32
      %dma_wait3A_166 = tpu.memref_slice %arg2[%dma_wait3A_164, %dma_wait3A_165] : memref<10000x128xf32, #tpu.memory_space<hbm>> -> memref<10000x128xf32, #tpu.memory_space<hbm>>
      tpu.wait_indirect_dma semaphore(%arg16 : memref<!tpu.dma_semaphore, #tpu.memory_space<semaphore_mem>>) src(%dma_wait3A_166 : memref<10000x128xf32, #tpu.memory_space<hbm>>) dst(%arg12 : memref<128x128xf32, #tpu.memory_space<vmem>>)
      %mul3A_167 = arith.constant 2 : i32
      %mul3A_168 = arith.muli %mul3A_167, %scan3A_123 : i32
      %add3A_169 = arith.constant 1 : i32
      %add3A_170 = arith.addi %mul3A_168, %add3A_169 : i32
      %dma_start3A_171 = arith.constant 0 : i32
      %dma_start3A_172 = tpu.memref_slice %arg9[%add3A_170, %dma_start3A_171] : memref<26x128xi32, #tpu.memory_space<vmem>> -> memref<1x128xi32, #tpu.memory_space<vmem>>
      %dma_start3A_173 = tpu.memref_squeeze %dma_start3A_172 : memref<1x128xi32, #tpu.memory_space<vmem>> -> memref<128xi32, #tpu.memory_space<vmem>>
      %dma_start3A_174 = arith.constant 0 : i32
      %dma_start3A_175 = arith.constant 0 : i32
      %dma_start3A_176 = tpu.memref_slice %arg13[%dma_start3A_174, %dma_start3A_175] : memref<10000x128xf32, #tpu.memory_space<vmem_shared>> -> memref<10000x128xf32, #tpu.memory_space<vmem_shared>>
      tpu.enqueue_indirect_dma source(%arg12 : memref<128x128xf32, #tpu.memory_space<vmem>>) target(%dma_start3A_176 : memref<10000x128xf32, #tpu.memory_space<vmem_shared>>) offsets(%dma_start3A_173 : memref<128xi32, #tpu.memory_space<vmem>>) semaphore(%arg18 : memref<!tpu.dma_semaphore, #tpu.memory_space<semaphore_mem>>) {add = true}
      %dma_wait3A_177 = arith.constant 0 : i32
      %dma_wait3A_178 = arith.constant 0 : i32
      %dma_wait3A_179 = tpu.memref_slice %arg9[%dma_wait3A_177, %dma_wait3A_178] : memref<26x128xi32, #tpu.memory_space<vmem>> -> memref<1x128xi32, #tpu.memory_space<vmem>>
      %dma_wait3A_180 = tpu.memref_squeeze %dma_wait3A_179 : memref<1x128xi32, #tpu.memory_space<vmem>> -> memref<128xi32, #tpu.memory_space<vmem>>
      %dma_wait3A_181 = arith.constant 0 : i32
      %dma_wait3A_182 = arith.constant 0 : i32
      %dma_wait3A_183 = tpu.memref_slice %arg13[%dma_wait3A_181, %dma_wait3A_182] : memref<10000x128xf32, #tpu.memory_space<vmem_shared>> -> memref<10000x128xf32, #tpu.memory_space<vmem_shared>>
      tpu.wait_indirect_dma semaphore(%arg17 : memref<!tpu.dma_semaphore, #tpu.memory_space<semaphore_mem>>) src(%arg11 : memref<128x128xf32, #tpu.memory_space<vmem>>) dst(%dma_wait3A_183 : memref<10000x128xf32, #tpu.memory_space<vmem_shared>>)
      %lt3A_184 = arith.constant 12 : i32
      %lt3A_185 = arith.cmpi slt, %scan3A_123, %lt3A_184 : i32
      %convert_element_type3A_186 = arith.extui %lt3A_185 : i1 to i32
      %cond3A_187 = arith.constant 0 : i32
      %cond3A_188 = arith.cmpi ne, %convert_element_type3A_186, %cond3A_187 : i32
      scf.if %cond3A_188 {
        %mul3A_189 = arith.constant 2 : i32
        %mul3A_190 = arith.muli %mul3A_189, %scan3A_123 : i32
        %add3A_191 = arith.constant 2 : i32
        %add3A_192 = arith.addi %mul3A_190, %add3A_191 : i32
        %dma_start3A_193 = arith.constant 0 : i32
        %dma_start3A_194 = tpu.memref_slice %arg7[%add3A_192, %dma_start3A_193] : memref<26x128xi32, #tpu.memory_space<vmem>> -> memref<1x128xi32, #tpu.memory_space<vmem>>
        %dma_start3A_195 = tpu.memref_squeeze %dma_start3A_194 : memref<1x128xi32, #tpu.memory_space<vmem>> -> memref<128xi32, #tpu.memory_space<vmem>>
        %dma_start3A_196 = arith.constant 0 : i32
        %dma_start3A_197 = arith.constant 0 : i32
        %dma_start3A_198 = tpu.memref_slice %arg2[%dma_start3A_196, %dma_start3A_197] : memref<10000x128xf32, #tpu.memory_space<hbm>> -> memref<10000x128xf32, #tpu.memory_space<hbm>>
        tpu.enqueue_indirect_dma source(%dma_start3A_198 : memref<10000x128xf32, #tpu.memory_space<hbm>>) target(%arg11 : memref<128x128xf32, #tpu.memory_space<vmem>>) offsets(%dma_start3A_195 : memref<128xi32, #tpu.memory_space<vmem>>) semaphore(%arg15 : memref<!tpu.dma_semaphore, #tpu.memory_space<semaphore_mem>>)
      } else {
      }
    }
    %scan3A_101 = arith.constant 13 : i32
    %dma_wait3A_102 = arith.constant 1 : i32
    %dma_wait3A_103 = arith.constant 0 : i32
    %dma_wait3A_104 = tpu.memref_slice %arg9[%dma_wait3A_102, %dma_wait3A_103] : memref<26x128xi32, #tpu.memory_space<vmem>> -> memref<1x128xi32, #tpu.memory_space<vmem>>
    %dma_wait3A_105 = tpu.memref_squeeze %dma_wait3A_104 : memref<1x128xi32, #tpu.memory_space<vmem>> -> memref<128xi32, #tpu.memory_space<vmem>>
    %dma_wait3A_106 = arith.constant 0 : i32
    %dma_wait3A_107 = arith.constant 0 : i32
    %dma_wait3A_108 = tpu.memref_slice %arg13[%dma_wait3A_106, %dma_wait3A_107] : memref<10000x128xf32, #tpu.memory_space<vmem_shared>> -> memref<10000x128xf32, #tpu.memory_space<vmem_shared>>
    tpu.wait_indirect_dma semaphore(%arg18 : memref<!tpu.dma_semaphore, #tpu.memory_space<semaphore_mem>>) src(%arg12 : memref<128x128xf32, #tpu.memory_space<vmem>>) dst(%dma_wait3A_108 : memref<10000x128xf32, #tpu.memory_space<vmem_shared>>)
    %lt3A = arith.constant 4 : i32
    %lt3A_109 = arith.cmpi slt, %add3A, %lt3A : i32
    %convert_element_type3A_110 = arith.extui %lt3A_109 : i1 to i32
    %cond3A_111 = arith.constant 0 : i32
    %cond3A_112 = arith.cmpi ne, %convert_element_type3A_110, %cond3A_111 : i32
    scf.if %cond3A_112 {
      "tpu.region"() ({
        %run_scoped3A_151 = tpu.sem_alloc : memref<!tpu.dma_semaphore, #tpu.memory_space<semaphore_mem>>
        %dma_start3A_152 = arith.constant 0 : i32
        %dma_start3A_153 = arith.constant 0 : i32
        %dma_start3A_154 = tpu.memref_slice %arg8[%dma_start3A_152, %dma_start3A_153] : memref<26x128xi32, #tpu.memory_space<vmem>> -> memref<2x128xi32, #tpu.memory_space<vmem>>
        %dma_start3A_155 = arith.constant 0 : i32
        %dma_start3A_156 = arith.constant 0 : i32
        %dma_start3A_157 = tpu.memref_slice %arg5[%add3A, %dma_start3A_155, %dma_start3A_156] : memref<4x2x128xi32, #tpu.memory_space<hbm>> -> memref<1x2x128xi32, #tpu.memory_space<hbm>>
        %dma_start3A_158 = tpu.memref_squeeze %dma_start3A_157 : memref<1x2x128xi32, #tpu.memory_space<hbm>> -> memref<2x128xi32, #tpu.memory_space<hbm>>
        %dma_start3A_159 = arith.constant 0 : i32
        %dma_start3A_160 = arith.constant 0 : i32
        %dma_start3A_161 = tpu.memref_slice %arg8[%dma_start3A_159, %dma_start3A_160] : memref<26x128xi32, #tpu.memory_space<vmem>> -> memref<2x128xi32, #tpu.memory_space<vmem>>
        %dma_start3A_162 = arith.constant 0 : i32
        %dma_start3A_163 = arith.constant 0 : i32
        %dma_start3A_164 = tpu.memref_slice %arg5[%add3A, %dma_start3A_162, %dma_start3A_163] : memref<4x2x128xi32, #tpu.memory_space<hbm>> -> memref<1x2x128xi32, #tpu.memory_space<hbm>>
        %dma_start3A_165 = tpu.memref_squeeze %dma_start3A_164 : memref<1x2x128xi32, #tpu.memory_space<hbm>> -> memref<2x128xi32, #tpu.memory_space<hbm>>
        tpu.enqueue_dma source(%dma_start3A_165 : memref<2x128xi32, #tpu.memory_space<hbm>>) target(%dma_start3A_161 : memref<2x128xi32, #tpu.memory_space<vmem>>) target_semaphore(%run_scoped3A_151 : memref<!tpu.dma_semaphore, #tpu.memory_space<semaphore_mem>>)
        %dma_wait3A_166 = arith.constant 0 : i32
        %dma_wait3A_167 = arith.constant 0 : i32
        %dma_wait3A_168 = tpu.memref_slice %arg8[%dma_wait3A_166, %dma_wait3A_167] : memref<26x128xi32, #tpu.memory_space<vmem>> -> memref<2x128xi32, #tpu.memory_space<vmem>>
        %dma_wait3A_169 = arith.constant 0 : i32
        %dma_wait3A_170 = arith.constant 0 : i32
        %dma_wait3A_171 = tpu.memref_slice %arg5[%add3A, %dma_wait3A_169, %dma_wait3A_170] : memref<4x2x128xi32, #tpu.memory_space<hbm>> -> memref<1x2x128xi32, #tpu.memory_space<hbm>>
        %dma_wait3A_172 = tpu.memref_squeeze %dma_wait3A_171 : memref<1x2x128xi32, #tpu.memory_space<hbm>> -> memref<2x128xi32, #tpu.memory_space<hbm>>
        %dma_wait3A_173 = arith.constant 0 : i32
        %dma_wait3A_174 = arith.constant 0 : i32
        %dma_wait3A_175 = tpu.memref_slice %arg8[%dma_wait3A_173, %dma_wait3A_174] : memref<26x128xi32, #tpu.memory_space<vmem>> -> memref<2x128xi32, #tpu.memory_space<vmem>>
        %dma_wait3A_176 = arith.constant 0 : i32
        %dma_wait3A_177 = arith.constant 0 : i32
        %dma_wait3A_178 = tpu.memref_slice %arg5[%add3A, %dma_wait3A_176, %dma_wait3A_177] : memref<4x2x128xi32, #tpu.memory_space<hbm>> -> memref<1x2x128xi32, #tpu.memory_space<hbm>>
        %dma_wait3A_179 = tpu.memref_squeeze %dma_wait3A_178 : memref<1x2x128xi32, #tpu.memory_space<hbm>> -> memref<2x128xi32, #tpu.memory_space<hbm>>
        tpu.wait_dma2 semaphore(%run_scoped3A_151 : memref<!tpu.dma_semaphore, #tpu.memory_space<semaphore_mem>>) src(%dma_wait3A_179 : memref<2x128xi32, #tpu.memory_space<hbm>>) dst(%dma_wait3A_175 : memref<2x128xi32, #tpu.memory_space<vmem>>)
        tpu.yield
      }) : () -> ()
      %dma_start3A_123 = arith.constant 0 : i32
      %dma_start3A_124 = arith.constant 0 : i32
      %dma_start3A_125 = tpu.memref_slice %arg8[%dma_start3A_123, %dma_start3A_124] : memref<26x128xi32, #tpu.memory_space<vmem>> -> memref<1x128xi32, #tpu.memory_space<vmem>>
      %dma_start3A_126 = tpu.memref_squeeze %dma_start3A_125 : memref<1x128xi32, #tpu.memory_space<vmem>> -> memref<128xi32, #tpu.memory_space<vmem>>
      %dma_start3A_127 = arith.constant 0 : i32
      %dma_start3A_128 = arith.constant 0 : i32
      %dma_start3A_129 = tpu.memref_slice %arg2[%dma_start3A_127, %dma_start3A_128] : memref<10000x128xf32, #tpu.memory_space<hbm>> -> memref<10000x128xf32, #tpu.memory_space<hbm>>
      tpu.enqueue_indirect_dma source(%dma_start3A_129 : memref<10000x128xf32, #tpu.memory_space<hbm>>) target(%arg11 : memref<128x128xf32, #tpu.memory_space<vmem>>) offsets(%dma_start3A_126 : memref<128xi32, #tpu.memory_space<vmem>>) semaphore(%arg15 : memref<!tpu.dma_semaphore, #tpu.memory_space<semaphore_mem>>)
      %dma_wait3A_130 = arith.constant 0 : i32
      %dma_wait3A_131 = arith.constant 0 : i32
      %dma_wait3A_132 = tpu.memref_slice %arg8[%dma_wait3A_130, %dma_wait3A_131] : memref<26x128xi32, #tpu.memory_space<vmem>> -> memref<1x128xi32, #tpu.memory_space<vmem>>
      %dma_wait3A_133 = tpu.memref_squeeze %dma_wait3A_132 : memref<1x128xi32, #tpu.memory_space<vmem>> -> memref<128xi32, #tpu.memory_space<vmem>>
      %dma_wait3A_134 = arith.constant 0 : i32
      %dma_wait3A_135 = arith.constant 0 : i32
      %dma_wait3A_136 = tpu.memref_slice %arg2[%dma_wait3A_134, %dma_wait3A_135] : memref<10000x128xf32, #tpu.memory_space<hbm>> -> memref<10000x128xf32, #tpu.memory_space<hbm>>
      tpu.wait_indirect_dma semaphore(%arg15 : memref<!tpu.dma_semaphore, #tpu.memory_space<semaphore_mem>>) src(%dma_wait3A_136 : memref<10000x128xf32, #tpu.memory_space<hbm>>) dst(%arg11 : memref<128x128xf32, #tpu.memory_space<vmem>>)
      %dma_start3A_137 = arith.constant 1 : i32
      %dma_start3A_138 = arith.constant 0 : i32
      %dma_start3A_139 = tpu.memref_slice %arg8[%dma_start3A_137, %dma_start3A_138] : memref<26x128xi32, #tpu.memory_space<vmem>> -> memref<1x128xi32, #tpu.memory_space<vmem>>
      %dma_start3A_140 = tpu.memref_squeeze %dma_start3A_139 : memref<1x128xi32, #tpu.memory_space<vmem>> -> memref<128xi32, #tpu.memory_space<vmem>>
      %dma_start3A_141 = arith.constant 0 : i32
      %dma_start3A_142 = arith.constant 0 : i32
      %dma_start3A_143 = tpu.memref_slice %arg13[%dma_start3A_141, %dma_start3A_142] : memref<10000x128xf32, #tpu.memory_space<vmem_shared>> -> memref<10000x128xf32, #tpu.memory_space<vmem_shared>>
      tpu.enqueue_indirect_dma source(%arg11 : memref<128x128xf32, #tpu.memory_space<vmem>>) target(%dma_start3A_143 : memref<10000x128xf32, #tpu.memory_space<vmem_shared>>) offsets(%dma_start3A_140 : memref<128xi32, #tpu.memory_space<vmem>>) semaphore(%arg17 : memref<!tpu.dma_semaphore, #tpu.memory_space<semaphore_mem>>) {add = true}
      %dma_wait3A_144 = arith.constant 1 : i32
      %dma_wait3A_145 = arith.constant 0 : i32
      %dma_wait3A_146 = tpu.memref_slice %arg8[%dma_wait3A_144, %dma_wait3A_145] : memref<26x128xi32, #tpu.memory_space<vmem>> -> memref<1x128xi32, #tpu.memory_space<vmem>>
      %dma_wait3A_147 = tpu.memref_squeeze %dma_wait3A_146 : memref<1x128xi32, #tpu.memory_space<vmem>> -> memref<128xi32, #tpu.memory_space<vmem>>
      %dma_wait3A_148 = arith.constant 0 : i32
      %dma_wait3A_149 = arith.constant 0 : i32
      %dma_wait3A_150 = tpu.memref_slice %arg13[%dma_wait3A_148, %dma_wait3A_149] : memref<10000x128xf32, #tpu.memory_space<vmem_shared>> -> memref<10000x128xf32, #tpu.memory_space<vmem_shared>>
      tpu.wait_indirect_dma semaphore(%arg17 : memref<!tpu.dma_semaphore, #tpu.memory_space<semaphore_mem>>) src(%arg11 : memref<128x128xf32, #tpu.memory_space<vmem>>) dst(%dma_wait3A_150 : memref<10000x128xf32, #tpu.memory_space<vmem_shared>>)
    } else {
    }
    %barrier3A_113 = arith.constant 0 : index
    tpu.barrier barrier_id(%barrier3A_113)
    %mul3A_114 = arith.constant 624 : i32
    %mul3A_115 = arith.muli %arg1, %mul3A_114 : i32
    %mul3A_116 = arith.constant 624 : i32
    %mul3A_117 = arith.muli %arg1, %mul3A_116 : i32
    "tpu.region"() ({
      %run_scoped3A_123 = tpu.sem_alloc : memref<!tpu.dma_semaphore, #tpu.memory_space<semaphore_mem>>
      %dma_start3A_124 = arith.constant 0 : i32
      %dma_start3A_125 = tpu.memref_slice %arg6[%arg0, %mul3A_117, %dma_start3A_124] : memref<2x10000x128xf32, #tpu.memory_space<hbm>> -> memref<1x624x128xf32, #tpu.memory_space<hbm>>
      %dma_start3A_126 = tpu.memref_squeeze %dma_start3A_125 : memref<1x624x128xf32, #tpu.memory_space<hbm>> -> memref<624x128xf32, #tpu.memory_space<hbm>>
      %dma_start3A_127 = arith.constant 0 : i32
      %dma_start3A_128 = tpu.memref_slice %arg13[%mul3A_115, %dma_start3A_127] : memref<10000x128xf32, #tpu.memory_space<vmem_shared>> -> memref<624x128xf32, #tpu.memory_space<vmem_shared>>
      tpu.enqueue_dma source(%dma_start3A_128 : memref<624x128xf32, #tpu.memory_space<vmem_shared>>) target(%dma_start3A_126 : memref<624x128xf32, #tpu.memory_space<hbm>>) target_semaphore(%run_scoped3A_123 : memref<!tpu.dma_semaphore, #tpu.memory_space<semaphore_mem>>)
      %dma_wait3A_129 = arith.constant 0 : i32
      %dma_wait3A_130 = tpu.memref_slice %arg6[%arg0, %mul3A_117, %dma_wait3A_129] : memref<2x10000x128xf32, #tpu.memory_space<hbm>> -> memref<1x624x128xf32, #tpu.memory_space<hbm>>
      %dma_wait3A_131 = tpu.memref_squeeze %dma_wait3A_130 : memref<1x624x128xf32, #tpu.memory_space<hbm>> -> memref<624x128xf32, #tpu.memory_space<hbm>>
      %dma_wait3A_132 = arith.constant 0 : i32
      %dma_wait3A_133 = tpu.memref_slice %arg13[%mul3A_115, %dma_wait3A_132] : memref<10000x128xf32, #tpu.memory_space<vmem_shared>> -> memref<624x128xf32, #tpu.memory_space<vmem_shared>>
      tpu.wait_dma2 semaphore(%run_scoped3A_123 : memref<!tpu.dma_semaphore, #tpu.memory_space<semaphore_mem>>) src(%dma_wait3A_133 : memref<624x128xf32, #tpu.memory_space<vmem_shared>>) dst(%dma_wait3A_131 : memref<624x128xf32, #tpu.memory_space<hbm>>)
      tpu.yield
    }) : () -> ()
    %eq3A_118 = arith.constant 15 : i32
    %eq3A_119 = arith.cmpi eq, %arg1, %eq3A_118 : i32
    %convert_element_type3A_120 = arith.extui %eq3A_119 : i1 to i32
    %cond3A_121 = arith.constant 0 : i32
    %cond3A_122 = arith.cmpi ne, %convert_element_type3A_120, %cond3A_121 : i32
    scf.if %cond3A_122 {
      "tpu.region"() ({
        %run_scoped3A_123 = tpu.sem_alloc : memref<!tpu.dma_semaphore, #tpu.memory_space<semaphore_mem>>
        %dma_start3A_124 = arith.constant 9984 : i32
        %dma_start3A_125 = arith.constant 0 : i32
        %dma_start3A_126 = tpu.memref_slice %arg6[%arg0, %dma_start3A_124, %dma_start3A_125] : memref<2x10000x128xf32, #tpu.memory_space<hbm>> -> memref<1x16x128xf32, #tpu.memory_space<hbm>>
        %dma_start3A_127 = tpu.memref_squeeze %dma_start3A_126 : memref<1x16x128xf32, #tpu.memory_space<hbm>> -> memref<16x128xf32, #tpu.memory_space<hbm>>
        %dma_start3A_128 = arith.constant 9984 : i32
        %dma_start3A_129 = arith.constant 0 : i32
        %dma_start3A_130 = tpu.memref_slice %arg13[%dma_start3A_128, %dma_start3A_129] : memref<10000x128xf32, #tpu.memory_space<vmem_shared>> -> memref<16x128xf32, #tpu.memory_space<vmem_shared>>
        tpu.enqueue_dma source(%dma_start3A_130 : memref<16x128xf32, #tpu.memory_space<vmem_shared>>) target(%dma_start3A_127 : memref<16x128xf32, #tpu.memory_space<hbm>>) target_semaphore(%run_scoped3A_123 : memref<!tpu.dma_semaphore, #tpu.memory_space<semaphore_mem>>)
        %dma_wait3A_131 = arith.constant 9984 : i32
        %dma_wait3A_132 = arith.constant 0 : i32
        %dma_wait3A_133 = tpu.memref_slice %arg6[%arg0, %dma_wait3A_131, %dma_wait3A_132] : memref<2x10000x128xf32, #tpu.memory_space<hbm>> -> memref<1x16x128xf32, #tpu.memory_space<hbm>>
        %dma_wait3A_134 = tpu.memref_squeeze %dma_wait3A_133 : memref<1x16x128xf32, #tpu.memory_space<hbm>> -> memref<16x128xf32, #tpu.memory_space<hbm>>
        %dma_wait3A_135 = arith.constant 9984 : i32
        %dma_wait3A_136 = arith.constant 0 : i32
        %dma_wait3A_137 = tpu.memref_slice %arg13[%dma_wait3A_135, %dma_wait3A_136] : memref<10000x128xf32, #tpu.memory_space<vmem_shared>> -> memref<16x128xf32, #tpu.memory_space<vmem_shared>>
        tpu.wait_dma2 semaphore(%run_scoped3A_123 : memref<!tpu.dma_semaphore, #tpu.memory_space<semaphore_mem>>) src(%dma_wait3A_137 : memref<16x128xf32, #tpu.memory_space<vmem_shared>>) dst(%dma_wait3A_134 : memref<16x128xf32, #tpu.memory_space<hbm>>)
        tpu.yield
      }) : () -> ()
    } else {
    }
    return
  }
}

module attributes {stable_mosaic.version = 14 : i64} {
  func.func @_mlp_body(%arg0: i32, %arg1: memref<2000x128xf32, #tpu.memory_space<vmem>>, %arg2: memref<2x2000x128xf32, #tpu.memory_space<vmem>>, %arg3: memref<128x128xf32, #tpu.memory_space<vmem>>, %arg4: memref<1x128xf32, #tpu.memory_space<vmem>>, %arg5: memref<128x128xf32, #tpu.memory_space<vmem>>, %arg6: memref<1x128xf32, #tpu.memory_space<vmem>>, %arg7: memref<2000x128xf32, #tpu.memory_space<vmem>>) attributes {dimension_semantics = [#tpu.dimension_semantics<arbitrary>], iteration_bounds = array<i64: 5>, scalar_prefetch = 0 : i64, scratch_operands = 0 : i64, tpu.core_type = #tpu.core_type<tc>, window_params = [{transform_indices = @transform_0, window_bounds = array<i64: 2000, 128>}, {transform_indices = @transform_1, window_bounds = array<i64: 2, 2000, 128>}, {pipeline_mode = #tpu.pipeline_mode<synchronous>, transform_indices = @transform_2, window_bounds = array<i64: 128, 128>}, {pipeline_mode = #tpu.pipeline_mode<synchronous>, transform_indices = @transform_3, window_bounds = array<i64: 1, 128>}, {pipeline_mode = #tpu.pipeline_mode<synchronous>, transform_indices = @transform_4, window_bounds = array<i64: 128, 128>}, {pipeline_mode = #tpu.pipeline_mode<synchronous>, transform_indices = @transform_5, window_bounds = array<i64: 1, 128>}, {transform_indices = @transform_6, window_bounds = array<i64: 2000, 128>}]} {
    %get3A = arith.constant 0 : index
    %get3A_0 = arith.constant 0 : index
    %get3A_1 = vector.load %arg1[%get3A, %get3A_0] : memref<2000x128xf32, #tpu.memory_space<vmem>>, vector<2000x128xf32>
    %get3A_2 = arith.constant 0 : index
    %get3A_3 = arith.constant 0 : index
    %get3A_4 = arith.constant 0 : index
    %get3A_5 = vector.load %arg2[%get3A_2, %get3A_3, %get3A_4] : memref<2x2000x128xf32, #tpu.memory_space<vmem>>, vector<1x2000x128xf32>
    %get3A_6 = vector.shape_cast %get3A_5 : vector<1x2000x128xf32> to vector<2000x128xf32>
    %add3A = arith.addf %get3A_1, %get3A_6 : vector<2000x128xf32>
    %get3A_7 = arith.constant 1 : index
    %get3A_8 = arith.constant 0 : index
    %get3A_9 = arith.constant 0 : index
    %get3A_10 = vector.load %arg2[%get3A_7, %get3A_8, %get3A_9] : memref<2x2000x128xf32, #tpu.memory_space<vmem>>, vector<1x2000x128xf32>
    %get3A_11 = vector.shape_cast %get3A_10 : vector<1x2000x128xf32> to vector<2000x128xf32>
    %add3A_12 = arith.addf %add3A, %get3A_11 : vector<2000x128xf32>
    %get3A_13 = arith.constant 0 : index
    %get3A_14 = arith.constant 0 : index
    %get3A_15 = vector.load %arg3[%get3A_13, %get3A_14] : memref<128x128xf32, #tpu.memory_space<vmem>>, vector<128x128xf32>
    %dot_general3A = arith.constant dense<0.000000e+00> : vector<2000x128xf32>
    %dot_general3A_16 = tpu.matmul %add3A_12, %get3A_15, %dot_general3A {dimension_numbers = #tpu.dot_dimension_numbers<[1], [0], [0], [1], [0, 0, 1, 1], [], []>, transpose_lhs_hint = false} : vector<2000x128xf32>, vector<128x128xf32>, vector<2000x128xf32> -> vector<2000x128xf32>
    %get3A_17 = arith.constant 0 : index
    %get3A_18 = arith.constant 0 : index
    %get3A_19 = vector.load %arg4[%get3A_17, %get3A_18] : memref<1x128xf32, #tpu.memory_space<vmem>>, vector<1x128xf32>
    %add3A_20 = vector.broadcast %get3A_19 : vector<1x128xf32> to vector<2000x128xf32>
    %add3A_21 = arith.addf %dot_general3A_16, %add3A_20 : vector<2000x128xf32>
    %max3A = arith.constant 0.000000e+00 : f32
    %max3A_22 = vector.broadcast %max3A : f32 to vector<2000x128xf32>
    %max3A_23 = arith.maximumf %add3A_21, %max3A_22 : vector<2000x128xf32>
    %get3A_24 = arith.constant 0 : index
    %get3A_25 = arith.constant 0 : index
    %get3A_26 = vector.load %arg5[%get3A_24, %get3A_25] : memref<128x128xf32, #tpu.memory_space<vmem>>, vector<128x128xf32>
    %dot_general3A_27 = arith.constant dense<0.000000e+00> : vector<2000x128xf32>
    %dot_general3A_28 = tpu.matmul %max3A_23, %get3A_26, %dot_general3A_27 {dimension_numbers = #tpu.dot_dimension_numbers<[1], [0], [0], [1], [0, 0, 1, 1], [], []>, transpose_lhs_hint = false} : vector<2000x128xf32>, vector<128x128xf32>, vector<2000x128xf32> -> vector<2000x128xf32>
    %get3A_29 = arith.constant 0 : index
    %get3A_30 = arith.constant 0 : index
    %get3A_31 = vector.load %arg6[%get3A_29, %get3A_30] : memref<1x128xf32, #tpu.memory_space<vmem>>, vector<1x128xf32>
    %add3A_32 = vector.broadcast %get3A_31 : vector<1x128xf32> to vector<2000x128xf32>
    %add3A_33 = arith.addf %dot_general3A_28, %add3A_32 : vector<2000x128xf32>
    %max3A_34 = arith.constant 0.000000e+00 : f32
    %max3A_35 = vector.broadcast %max3A_34 : f32 to vector<2000x128xf32>
    %max3A_36 = arith.maximumf %add3A_33, %max3A_35 : vector<2000x128xf32>
    %swap3A = arith.constant 0 : index
    %swap3A_37 = arith.constant 0 : index
    %swap3A_38 = vector.load %arg7[%swap3A, %swap3A_37] : memref<2000x128xf32, #tpu.memory_space<vmem>>, vector<2000x128xf32>
    tpu.vector_store %arg7[%swap3A, %swap3A_37], %max3A_36 {strides = array<i32>} : memref<2000x128xf32, #tpu.memory_space<vmem>>, vector<2000x128xf32>,
    return
  }
  func.func @transform_0(%arg0: i32) -> (i32, i32) {
    %c0_i32 = arith.constant 0 : i32
    %c0_i32_0 = arith.constant 0 : i32
    return %arg0, %c0_i32 : i32, i32
  }
  func.func @transform_1(%arg0: i32) -> (i32, i32, i32) {
    %c0_i32 = arith.constant 0 : i32
    %c0_i32_0 = arith.constant 0 : i32
    %c0_i32_1 = arith.constant 0 : i32
    return %c0_i32, %arg0, %c0_i32_0 : i32, i32, i32
  }
  func.func @transform_2(%arg0: i32) -> (i32, i32) {
    %c0_i32 = arith.constant 0 : i32
    %c0_i32_0 = arith.constant 0 : i32
    %c0_i32_1 = arith.constant 0 : i32
    return %c0_i32, %c0_i32_0 : i32, i32
  }
  func.func @transform_3(%arg0: i32) -> (i32, i32) {
    %c0_i32 = arith.constant 0 : i32
    %c0_i32_0 = arith.constant 0 : i32
    %c0_i32_1 = arith.constant 0 : i32
    return %c0_i32, %c0_i32_0 : i32, i32
  }
  func.func @transform_4(%arg0: i32) -> (i32, i32) {
    %c0_i32 = arith.constant 0 : i32
    %c0_i32_0 = arith.constant 0 : i32
    %c0_i32_1 = arith.constant 0 : i32
    return %c0_i32, %c0_i32_0 : i32, i32
  }
  func.func @transform_5(%arg0: i32) -> (i32, i32) {
    %c0_i32 = arith.constant 0 : i32
    %c0_i32_0 = arith.constant 0 : i32
    %c0_i32_1 = arith.constant 0 : i32
    return %c0_i32, %c0_i32_0 : i32, i32
  }
  func.func @transform_6(%arg0: i32) -> (i32, i32) {
    %c0_i32 = arith.constant 0 : i32
    %c0_i32_0 = arith.constant 0 : i32
    return %arg0, %c0_i32 : i32, i32
  }
}

module attributes {stable_mosaic.version = 14 : i64} {
  func.func @_mlp_pool_body(%arg0: i32, %arg1: memref<2000x128xf32, #tpu.memory_space<vmem>>, %arg2: memref<2x2000x128xf32, #tpu.memory_space<vmem>>, %arg3: memref<128x128xf32, #tpu.memory_space<vmem>>, %arg4: memref<1x128xf32, #tpu.memory_space<vmem>>, %arg5: memref<128x128xf32, #tpu.memory_space<vmem>>, %arg6: memref<1x128xf32, #tpu.memory_space<vmem>>, %arg7: memref<1x1x2000xi32, #tpu.memory_space<vmem>>, %arg8: memref<64x128xf32, #tpu.memory_space<vmem>>) attributes {dimension_semantics = [#tpu.dimension_semantics<arbitrary>], iteration_bounds = array<i64: 5>, scalar_prefetch = 0 : i64, scratch_operands = 0 : i64, tpu.core_type = #tpu.core_type<tc>, window_params = [{transform_indices = @transform_0, window_bounds = array<i64: 2000, 128>}, {transform_indices = @transform_1, window_bounds = array<i64: 2, 2000, 128>}, {pipeline_mode = #tpu.pipeline_mode<synchronous>, transform_indices = @transform_2, window_bounds = array<i64: 128, 128>}, {pipeline_mode = #tpu.pipeline_mode<synchronous>, transform_indices = @transform_3, window_bounds = array<i64: 1, 128>}, {pipeline_mode = #tpu.pipeline_mode<synchronous>, transform_indices = @transform_4, window_bounds = array<i64: 128, 128>}, {pipeline_mode = #tpu.pipeline_mode<synchronous>, transform_indices = @transform_5, window_bounds = array<i64: 1, 128>}, {transform_indices = @transform_6, window_bounds = array<i64: 1, 1, 2000>}, {pipeline_mode = #tpu.pipeline_mode<synchronous>, transform_indices = @transform_7, window_bounds = array<i64: 64, 128>}]} {
    %get3A = arith.constant 0 : index
    %get3A_0 = arith.constant 0 : index
    %get3A_1 = vector.load %arg1[%get3A, %get3A_0] : memref<2000x128xf32, #tpu.memory_space<vmem>>, vector<2000x128xf32>
    %get3A_2 = arith.constant 0 : index
    %get3A_3 = arith.constant 0 : index
    %get3A_4 = arith.constant 0 : index
    %get3A_5 = vector.load %arg2[%get3A_2, %get3A_3, %get3A_4] : memref<2x2000x128xf32, #tpu.memory_space<vmem>>, vector<1x2000x128xf32>
    %get3A_6 = vector.shape_cast %get3A_5 : vector<1x2000x128xf32> to vector<2000x128xf32>
    %add3A = arith.addf %get3A_1, %get3A_6 : vector<2000x128xf32>
    %get3A_7 = arith.constant 1 : index
    %get3A_8 = arith.constant 0 : index
    %get3A_9 = arith.constant 0 : index
    %get3A_10 = vector.load %arg2[%get3A_7, %get3A_8, %get3A_9] : memref<2x2000x128xf32, #tpu.memory_space<vmem>>, vector<1x2000x128xf32>
    %get3A_11 = vector.shape_cast %get3A_10 : vector<1x2000x128xf32> to vector<2000x128xf32>
    %add3A_12 = arith.addf %add3A, %get3A_11 : vector<2000x128xf32>
    %get3A_13 = arith.constant 0 : index
    %get3A_14 = arith.constant 0 : index
    %get3A_15 = vector.load %arg3[%get3A_13, %get3A_14] : memref<128x128xf32, #tpu.memory_space<vmem>>, vector<128x128xf32>
    %dot_general3A = arith.constant dense<0.000000e+00> : vector<2000x128xf32>
    %dot_general3A_16 = tpu.matmul %add3A_12, %get3A_15, %dot_general3A {dimension_numbers = #tpu.dot_dimension_numbers<[1], [0], [0], [1], [0, 0, 1, 1], [], []>, transpose_lhs_hint = false} : vector<2000x128xf32>, vector<128x128xf32>, vector<2000x128xf32> -> vector<2000x128xf32>
    %get3A_17 = arith.constant 0 : index
    %get3A_18 = arith.constant 0 : index
    %get3A_19 = vector.load %arg4[%get3A_17, %get3A_18] : memref<1x128xf32, #tpu.memory_space<vmem>>, vector<1x128xf32>
    %add3A_20 = vector.broadcast %get3A_19 : vector<1x128xf32> to vector<2000x128xf32>
    %add3A_21 = arith.addf %dot_general3A_16, %add3A_20 : vector<2000x128xf32>
    %max3A = arith.constant 0.000000e+00 : f32
    %max3A_22 = vector.broadcast %max3A : f32 to vector<2000x128xf32>
    %max3A_23 = arith.maximumf %add3A_21, %max3A_22 : vector<2000x128xf32>
    %get3A_24 = arith.constant 0 : index
    %get3A_25 = arith.constant 0 : index
    %get3A_26 = vector.load %arg5[%get3A_24, %get3A_25] : memref<128x128xf32, #tpu.memory_space<vmem>>, vector<128x128xf32>
    %dot_general3A_27 = arith.constant dense<0.000000e+00> : vector<2000x128xf32>
    %dot_general3A_28 = tpu.matmul %max3A_23, %get3A_26, %dot_general3A_27 {dimension_numbers = #tpu.dot_dimension_numbers<[1], [0], [0], [1], [0, 0, 1, 1], [], []>, transpose_lhs_hint = false} : vector<2000x128xf32>, vector<128x128xf32>, vector<2000x128xf32> -> vector<2000x128xf32>
    %get3A_29 = arith.constant 0 : index
    %get3A_30 = arith.constant 0 : index
    %get3A_31 = vector.load %arg6[%get3A_29, %get3A_30] : memref<1x128xf32, #tpu.memory_space<vmem>>, vector<1x128xf32>
    %add3A_32 = vector.broadcast %get3A_31 : vector<1x128xf32> to vector<2000x128xf32>
    %add3A_33 = arith.addf %dot_general3A_28, %add3A_32 : vector<2000x128xf32>
    %max3A_34 = arith.constant 0.000000e+00 : f32
    %max3A_35 = vector.broadcast %max3A_34 : f32 to vector<2000x128xf32>
    %max3A_36 = arith.maximumf %add3A_33, %max3A_35 : vector<2000x128xf32>
    %get3A_37 = arith.constant 0 : index
    %get3A_38 = arith.constant 0 : index
    %get3A_39 = arith.constant 0 : index
    %get3A_40 = vector.load %arg7[%get3A_37, %get3A_38, %get3A_39] : memref<1x1x2000xi32, #tpu.memory_space<vmem>>, vector<1x1x2000xi32>
    %get3A_41 = vector.shape_cast %get3A_40 : vector<1x1x2000xi32> to vector<2000xi32>
    %iota3A = tpu.iota {dimensions = array<i32: 0>} : vector<64x2000xi32>
    %broadcast_in_dim3A = vector.shape_cast %get3A_41 : vector<2000xi32> to vector<1x2000xi32>
    %eq3A = vector.broadcast %broadcast_in_dim3A : vector<1x2000xi32> to vector<64x2000xi32>
    %eq3A_42 = arith.cmpi eq, %iota3A, %eq3A : vector<64x2000xi32>
    %convert_element_type3A = arith.extui %eq3A_42 : vector<64x2000xi1> to vector<64x2000xi32>
    %convert_element_type3A_43 = arith.sitofp %convert_element_type3A : vector<64x2000xi32> to vector<64x2000xf32>
    %dot_general3A_44 = arith.constant dense<0.000000e+00> : vector<64x128xf32>
    %dot_general3A_45 = tpu.matmul %convert_element_type3A_43, %max3A_36, %dot_general3A_44 {dimension_numbers = #tpu.dot_dimension_numbers<[1], [0], [0], [1], [0, 0, 1, 1], [], []>, transpose_lhs_hint = false} : vector<64x2000xf32>, vector<2000x128xf32>, vector<64x128xf32> -> vector<64x128xf32>
    %eq3A_46 = arith.constant 0 : i32
    %eq3A_47 = arith.cmpi eq, %arg0, %eq3A_46 : i32
    %convert_element_type3A_48 = arith.extui %eq3A_47 : i1 to i32
    %cond3A = arith.constant 0 : i32
    %cond3A_49 = arith.cmpi ne, %convert_element_type3A_48, %cond3A : i32
    scf.if %cond3A_49 {
      %swap3A = arith.constant 0 : index
      %swap3A_54 = arith.constant 0 : index
      %swap3A_55 = vector.load %arg8[%swap3A, %swap3A_54] : memref<64x128xf32, #tpu.memory_space<vmem>>, vector<64x128xf32>
      tpu.vector_store %arg8[%swap3A, %swap3A_54], %dot_general3A_45 {strides = array<i32>} : memref<64x128xf32, #tpu.memory_space<vmem>>, vector<64x128xf32>,
    } else {
    }
    %gt3A = arith.constant 0 : i32
    %gt3A_50 = arith.cmpi sgt, %arg0, %gt3A : i32
    %convert_element_type3A_51 = arith.extui %gt3A_50 : i1 to i32
    %cond3A_52 = arith.constant 0 : i32
    %cond3A_53 = arith.cmpi ne, %convert_element_type3A_51, %cond3A_52 : i32
    scf.if %cond3A_53 {
      %get3A_54 = arith.constant 0 : index
      %get3A_55 = arith.constant 0 : index
      %get3A_56 = vector.load %arg8[%get3A_54, %get3A_55] : memref<64x128xf32, #tpu.memory_space<vmem>>, vector<64x128xf32>
      %add3A_57 = arith.addf %get3A_56, %dot_general3A_45 : vector<64x128xf32>
      %swap3A = arith.constant 0 : index
      %swap3A_58 = arith.constant 0 : index
      %swap3A_59 = vector.load %arg8[%swap3A, %swap3A_58] : memref<64x128xf32, #tpu.memory_space<vmem>>, vector<64x128xf32>
      tpu.vector_store %arg8[%swap3A, %swap3A_58], %add3A_57 {strides = array<i32>} : memref<64x128xf32, #tpu.memory_space<vmem>>, vector<64x128xf32>,
    } else {
    }
    return
  }
  func.func @transform_0(%arg0: i32) -> (i32, i32) {
    %c0_i32 = arith.constant 0 : i32
    %c0_i32_0 = arith.constant 0 : i32
    return %arg0, %c0_i32 : i32, i32
  }
  func.func @transform_1(%arg0: i32) -> (i32, i32, i32) {
    %c0_i32 = arith.constant 0 : i32
    %c0_i32_0 = arith.constant 0 : i32
    %c0_i32_1 = arith.constant 0 : i32
    return %c0_i32, %arg0, %c0_i32_0 : i32, i32, i32
  }
  func.func @transform_2(%arg0: i32) -> (i32, i32) {
    %c0_i32 = arith.constant 0 : i32
    %c0_i32_0 = arith.constant 0 : i32
    %c0_i32_1 = arith.constant 0 : i32
    return %c0_i32, %c0_i32_0 : i32, i32
  }
  func.func @transform_3(%arg0: i32) -> (i32, i32) {
    %c0_i32 = arith.constant 0 : i32
    %c0_i32_0 = arith.constant 0 : i32
    %c0_i32_1 = arith.constant 0 : i32
    return %c0_i32, %c0_i32_0 : i32, i32
  }
  func.func @transform_4(%arg0: i32) -> (i32, i32) {
    %c0_i32 = arith.constant 0 : i32
    %c0_i32_0 = arith.constant 0 : i32
    %c0_i32_1 = arith.constant 0 : i32
    return %c0_i32, %c0_i32_0 : i32, i32
  }
  func.func @transform_5(%arg0: i32) -> (i32, i32) {
    %c0_i32 = arith.constant 0 : i32
    %c0_i32_0 = arith.constant 0 : i32
    %c0_i32_1 = arith.constant 0 : i32
    return %c0_i32, %c0_i32_0 : i32, i32
  }
  func.func @transform_6(%arg0: i32) -> (i32, i32, i32) {
    %c0_i32 = arith.constant 0 : i32
    %c0_i32_0 = arith.constant 0 : i32
    %c0_i32_1 = arith.constant 0 : i32
    return %arg0, %c0_i32, %c0_i32_0 : i32, i32, i32
  }
  func.func @transform_7(%arg0: i32) -> (i32, i32) {
    %c0_i32 = arith.constant 0 : i32
    %c0_i32_0 = arith.constant 0 : i32
    %c0_i32_1 = arith.constant 0 : i32
    return %c0_i32, %c0_i32_0 : i32, i32
  }
}

</mosaic_0001>

<sc_bundles>
// kernel: kernel.11.cloned.1.call-start
scs
__scs_entry_jumppad:
0x0: {  	(pc) =	sbr.rel $0x88, $3  }
0x1: {  	(tag) =	ssettag $0x0;
	lr =	simm.s32 $0x1  }
0x2: {  	[smem:$0x3F92] =	sst lr;
	_ =	strace $0xD0000000  }
0x3: {  	_ = 	snop  }
0x4: {  	_ = 	snop  }
0x5: {  	_ = 	snop  }
0x6: {  	_ = 	snop  }
0x7: {  	_ = 	snop  }
__scs_overlays_trampoline_lowered:
0x8: {  	[smem:$0x3FA1] =	sst s0  }
0x9: {  	[smem:$0x3FA2] =	sst s1  }
0xa: {  	[smem:$0x3FA3] =	sst s2  }
0xb: {  	[smem:$0x3FA4] =	sst s3  }
0xc: {  	[smem:$0x3FA5] =	sst s4  }
0xd: {  	[smem:$0x3FA6] =	sst s5  }
0xe: {  	[smem:$0x3FA7] =	sst s6  }
0xf: {  	[smem:$0x3FA8] =	sst s7  }
0x10: {  	[smem:$0x3FA9] =	sst s8  }
0x11: {  	[smem:$0x3FAA] =	sst s9;
	s0 =	simm.s32 @!p0 $0x0  }
0x12: {  	s1 =	sld [smem:$0x3F90];
	s0 =	simm.s32 @p0 $0x1  }
0x13: {  	[smem:$0x3FAB] =	sst s0;
	s0 =	simm.s32 @!p1 $0x0  }
0x14: {  	s2 =	sld [smem:$0x3F8F];
	s0 =	simm.s32 @p1 $0x1  }
0x15: {  	[smem:$0x3FAC] =	sst s0;
	s0 =	simm.s32 @!p2 $0x0  }
0x16: {  	s3 =	sld [smem:$0x3FDB];
	s0 =	simm.s32 @p2 $0x1  }
0x17: {  	s4 =	simm.s32 $0x1BF5;
	[smem:$0x3FAE] =	sst s0  }
0x18: {  	s0 =	sld [smem:$0x3F91];
	_ =	swait.ge [sflag:s4], $0x0  }
0x19: {  	s7 =	sld [smem:$0x3F92]  }
0x1a: {  	s8 =	sadd.s32 $0xFFFFE003, lr  }
0x1b: {  	s9 =	sadd.s32 $0xFFFFFEF7, lr;
	s5 =	simm.s32 $0xFFFFFFFF;
	p2 =	slt.u32 s8, $0xFFFFF086  }
0x1c: {  	p1 =	slt.u32 s9, $0xF7A;
	s5 =	simm.s32 @!p2 $0x0  }
0x1d: {  	s5 =	simm.s32 @p1 $0x1;
	p0 =	seq.s32 s7, s2  }
0x1e: {  	s7 =	smul.u32 @!p0 $0xF7A, s2;
	p2 =	seq.s32 @!p0 s5, $0x0  }
0x1f: {  	s9 =	smul.u32 $0xF7A, s1;
	s8 =	simm.s32 @!p0 $0x1BF5;
	p2 =	por !p2, p0  }
0x20: {  	[sflag:s8] =	ssyncset.s32 @!p0 $0xFFFFF086;
	s6 =	sadd.s32 @!p0 s3, s7;
	s7 =	simm.s32 @!p0 $0x108  }
0x21: {  	s3 =	sadd.s32 s3, s9;
	s6 =	sadd.s32 @!p0 $0x88, s6;
	s7 =	simm.s32 @p2 $0x1082  }
0x22: {  	[simem:s7], [sflag:s8] =	dma.local @!p0 [hbm:s6], $0xF7A  }
0x23: {  	s9 =	sor.u32 $0xD0000000, s2;
	s6 =	simm.s32 $0x108;
	_ =	swait.ge @!p0 [sflag:s8], $0x0  }
0x24: {  	s3 =	sadd.s32 $0x88, s3;
	s6 =	simm.s32 @!p1 $0x1082;
	[sflag:s4] =	ssyncset.s32 $0xFFFFF086  }
0x25: {  	[simem:s6], [sflag:s4] =	dma.local [hbm:s3], $0xF7A  }
0x26: {  	[smem:$0x3F92] =	sst s1;
	(tag) =	ssettag s2;
	_ =	strace s9  }
0x27: {  	s1 =	sld [smem:$0x3FA2]  }
0x28: {  	s2 =	sld [smem:$0x3FA3]  }
0x29: {  	s4 =	sld [smem:$0x3FA5]  }
0x2a: {  	p0 =	seq.s32 s5, $0x0;
	s5 =	sld [smem:$0x3FA6]  }
0x2b: {  	s6 =	sld [smem:$0x3FA7]  }
0x2c: {  	s7 =	sld [smem:$0x3FA8]  }
0x2d: {  	s3 =	simm.s32 $0x108;
	s8 =	sld [smem:$0x3FA9]  }
0x2e: {  	s3 =	simm.s32 @!p0 $0x1082;
	s9 =	sld [smem:$0x3FAA]  }
0x2f: {  	lr =	sadd.s32 s0, s3;
	s0 =	sld [smem:$0x3FA1]  }
0x30: {  	s3 =	sld [smem:$0x3FA4]  }
0x31: {  	[smem:$0x3FAD] =	sst s10  }
0x32: {  	s10 =	sld [smem:$0x3FAB];
	_ =	sdelay $0x3  }
0x33: {  	p0 =	seq.s32 s10, $0x1;
	s10 =	sld [smem:$0x3FAD];
	_ =	sdelay $0x3  }
0x34: {  	[smem:$0x3FAD] =	sst s10  }
0x35: {  	s10 =	sld [smem:$0x3FAC];
	_ =	sdelay $0x3  }
0x36: {  	p1 =	seq.s32 s10, $0x1;
	s10 =	sld [smem:$0x3FAD];
	_ =	sdelay $0x3  }
0x37: {  	[smem:$0x3FAD] =	sst s10  }
0x38: {  	s10 =	sld [smem:$0x3FAE]  }
0x39: {  	_ = 	snop;
	(pc) =	sbr.ind lr, $3  }
0x3a: {  	_ = 	snop  }
0x3b: {  	_ = 	snop  }
0x3c: {  	p2 =	seq.s32 s10, $0x1;
	s10 =	sld [smem:$0x3FAD]  }
0x3d: {  	_ =	shalt  }
0x3e: {  	_ =	shalt  }
0x3f: {  	_ =	shalt  }
0x40: {  	_ =	shalt  }
0x41: {  	_ =	shalt  }
0x42: {  	_ =	shalt  }
0x43: {  	_ =	shalt  }
0x44: {  	_ =	shalt  }
0x45: {  	_ =	shalt  }
0x46: {  	_ =	shalt  }
0x47: {  	_ =	shalt  }
0x48: {  	_ =	shalt  }
0x49: {  	_ =	shalt  }
0x4a: {  	_ =	shalt  }
0x4b: {  	_ =	shalt  }
0x4c: {  	_ =	shalt  }
0x4d: {  	_ =	shalt  }
0x4e: {  	_ =	shalt  }
0x4f: {  	_ =	shalt  }
0x50: {  	_ =	shalt  }
0x51: {  	_ =	shalt  }
0x52: {  	_ =	shalt  }
0x53: {  	_ =	shalt  }
0x54: {  	_ =	shalt  }
0x55: {  	_ =	shalt  }
0x56: {  	_ =	shalt  }
0x57: {  	_ =	shalt  }
0x58: {  	_ =	shalt  }
0x59: {  	_ =	shalt  }
0x5a: {  	_ =	shalt  }
0x5b: {  	_ =	shalt  }
0x5c: {  	_ =	shalt  }
0x5d: {  	_ =	shalt  }
0x5e: {  	_ =	shalt  }
0x5f: {  	_ =	shalt  }
0x60: {  	_ =	shalt  }
0x61: {  	_ =	shalt  }
0x62: {  	_ =	shalt  }
0x63: {  	_ =	shalt  }
0x64: {  	_ =	shalt  }
0x65: {  	_ =	shalt  }
0x66: {  	_ =	shalt  }
0x67: {  	_ =	shalt  }
0x68: {  	_ =	shalt  }
0x69: {  	_ =	shalt  }
0x6a: {  	_ =	shalt  }
0x6b: {  	_ =	shalt  }
0x6c: {  	_ =	shalt  }
0x6d: {  	_ =	shalt  }
0x6e: {  	_ =	shalt  }
0x6f: {  	_ =	shalt  }
0x70: {  	_ =	shalt  }
0x71: {  	_ =	shalt  }
0x72: {  	_ =	shalt  }
0x73: {  	_ =	shalt  }
0x74: {  	_ =	shalt  }
0x75: {  	_ =	shalt  }
0x76: {  	_ =	shalt  }
0x77: {  	_ =	shalt  }
0x78: {  	_ =	shalt  }
0x79: {  	_ =	shalt  }
0x7a: {  	_ =	shalt  }
0x7b: {  	_ =	shalt  }
0x7c: {  	_ =	shalt  }
0x7d: {  	_ =	shalt  }
0x7e: {  	_ =	shalt  }
0x7f: {  	_ =	shalt  }
0x80: {  	_ =	shalt  }
0x81: {  	_ =	shalt  }
0x82: {  	_ =	shalt  }
0x83: {  	_ =	shalt  }
0x84: {  	_ =	shalt  }
0x85: {  	_ =	shalt  }
0x86: {  	_ =	shalt  }
0x87: {  	_ =	shalt  }
.Lfunc_end0:
.L_simem_size_0:
called_computation.1_lowered:
.L_overlay_start_0:
0x88: {  	s2 =	sld [smem:$0x3FD9]  }
0x89: {  	s3 =	sld [smem:$0x3FFE];
	_ =	sdelay $0x1  }
0x8a: {  	s1 =	srdreg.scid  }
0x8b: {  	s0 =	sand.u32 $0x1, s1  }
0x8c: {  	s17 =	sshll.u32 s0, $0xA;
	s2 =	sadd.s32 s3, s2  }
0x8d: {  	s2 =	sadd.s32 s2, s17  }
0x8e: {  	[smem:$0x3FB9] =	sst s2  }
0x8f: {  	_ = 	snop  }
0x90: {  	s2 =	sld [smem:$0x3FD0];
	(tm) =	ssettm $0x1  }
0x91: {  	s18 =	sld [smem:$0x3FFB];
	_ =	sdelay $0x3  }
0x92: {  	_ =	strace s18  }
0x93: {  	s3 =	sld [smem:$0x3FFC];
	_ =	sdelay $0x3  }
0x94: {  	_ =	strace s3  }
0x95: {  	s3 =	sld [smem:$0x3FFD];
	_ =	sdelay $0x3  }
0x96: {  	_ =	strace s3  }
0x97: {  	_ =	strace $0x8FFFFFFF  }
0x98: {  	s19 =	sld [smem:$0x3FDB];
	_ =	sdelay $0x1  }
0x99: {  	s4 =	simm.s32 $_scs_section_size  }
0x9a: {  	s5 =	simm.s32 $_size__tile_overlayer_lowered;
	s6 =	simm.s32 $_tile_overlayer_lowered  }
0x9b: {  	s22 =	simm.s32 $0x1BFF;
	s21 =	sshll.u32 s6, $0x1;
	s3 =	sadd.s32 s4, s19  }
0x9c: {  	s7 =	simm.s32 $0x0;
	s20 =	sshll.u32 s5, $0x1;
	s5 =	sadd.s32 s21, s3  }
0x9d: {  	[timem:s7], [sflag:s22] =	dma.local [hbm:s5], s20  }
0x9e: {  	_ =	swait.ge [sflag:s22], s20  }
0x9f: {  	s4 =	ssub.s32 $0x0, s20;
	[sflag:s22] =	ssyncset.done $0x0  }
0xa0: {  	[sflag:s22] =	ssyncadd.s32 s4;
	_ =	sdelay $0x1  }
0xa1: {  	s23 =	simm.s32 $0x1B8B  }
0xa2: {  	_ =	swait.ge [sflag:s23], $0x1  }
0xa3: {  	[sflag:s23] =	ssyncset.done $0x0  }
0xa4: {  	s25 =	simm.s32 $0x1B8E;
	s24 =	sld [smem:$0x3FFE];
	[sflag:s23] =	ssyncadd.s32 $0xFFFFFFFF  }
0xa5: {  	s26 =	simm.s32 $execute0_lowered;
	[smem:$0x3FD2] =	sst s25  }
0xa6: {  	s5 =	sshll.u32 s26, $0x1;
	_ =	strace $0x80000049;
	[dreg:$0x1] =	wrdreg $0xFFFFFFFF  }
0xa7: {  	s28 =	simm.s32 $_size_execute0_lowered;
	s3 =	sadd.s32 s3, s5;
	[dreg:$0x0] =	wrdreg $0x0  }
0xa8: {  	s5 =	sshll.u32 s28, $0x1;
	[dreg:$0x2] =	wrdreg s3  }
0xa9: {  	[dreg:$0x3] =	wrdreg s5  }
0xaa: {  	[dreg:$0x4] =	wrdreg $0xC0  }
0xab: {  	_ =	task [dreg:s7], $0x5FFFF  }
0xac: {  	[dreg:$0x1] =	wrdreg $0xFFFFFFFF  }
0xad: {  	[dreg:$0x0] =	wrdreg $0x60  }
0xae: {  	[dreg:$0x2] =	wrdreg s24  }
0xaf: {  	[dreg:$0x3] =	wrdreg s2  }
0xb0: {  	[dreg:$0x4] =	wrdreg $0xC0000  }
0xb1: {  	[dreg:$0x5] =	wrdreg $0x9  }
0xb2: {  	_ =	task.clear_ibuf [dreg:s7], $0x6FFFF;
	_ =	strace $0x90000049  }
0xb3: {  	s29 =	simm.s32 $0x9;
	_ =	strace $0x8000004B  }
0xb4: {  	_ =	swait.ge [sflag:s29], $0x1  }
0xb5: {  	[sflag:s29] =	ssyncadd.s32 $0xFFFFFFFF  }
0xb6: {  	_ =	strace $0x9000004B  }
0xb7: {  	_ =	sfence  }
0xb8: {  	s30 =	sld [smem:$0x0];
	_ =	sdelay $0x2  }
0xb9: {  	s31 =	sshll.u32 s1, $0xD;
	s1 =	sshrl.u32 s1, $0x2  }
0xba: {  	s3 =	sand.u32 $0x4000, s31;
	s1 =	sadd.s32 s1, s30  }
0xbb: {  	s0 =	sor.u32 s3, s0;
	s1 =	sshll.u32 s1, $0x11  }
0xbc: {  	s0 =	sor.u32 s1, s0  }
0xbd: {  	s0 =	sadd.s32 $0x8F2B, s0  }
0xbe: {  	[sflag:s0] =	ssyncadd.remote.s32 $0x1  }
0xbf: {  	_ =	sfence.sel $0xFFFF  }
0xc0: {  	[dreg:$0x0] =	wrdreg $0xFFFFFFFF;
	(pc) =	sbr.abs _section_cstart, $3  }
0xc1: {  	[dreg:$0x1] =	wrdreg $0xFFFFFFFF  }
0xc2: {  	_ =	task.clear_ibuf [dreg:s7], $0x2FFFF;
	_ =	strace $0x9FFFFFFF  }
0xc3: {  	(tm) =	ssettm $0x7FFFFFFF  }
tec
execute0_lowered:
.L_overlay_start_1:
0x0: {  	(tag) =	ssettag $0x1  }
0x1: {  	s0 =	rddreg [dreg:$0x0]  }
0x2: {  	s2 =	rddreg [dreg:$0x1]  }
0x3: {  	s1 =	rddreg [dreg:$0x2]  }
0x4: {  	s3 =	srdreg.scid;
	s25 =	stileid.u32;
	s28 =	simm.s32 $0x3  }
0x5: {  	s30 =	simm.s32 $0x4;
	s29 =	simm.s32 $0x3000;
	s31 =	simm.s32 $0x5  }
0x6: {  	s5 =	sand.u32 $0x1, s3;
	s3 =	simm.s32 $0x0;
	s8 =	sadd.s32 $0xEC00, s0  }
0x7: {  	s10 =	smul.u32 $0x4E000, s25;
	s16 =	sadd.s32 $0x2C00, s0;
	s12 =	sadd.s32 $0x138000, s1  }
0x8: {  	s26 =	sshll.u32 s25, $0x5;
	p0 =	sne.s32 s25, $0xF;
	s4 =	sshll.u32 s5, $0x4  }
0x9: {  	[smem:$0x7FF] =	sst s3;
	s9 =	ssub.s32 $0x2, s5;
	s5 =	smul.u32 $0x138800, s5  }
0xa: {  	s6 =	sor.u32 s25, s4;
	_ =	strace $0x8000004A;
	s4 =	sadd.s32 $0x1AC00, s0  }
0xb: {  	s0 =	sadd.s32 $0x41E00, s0;
	s11 =	sshrl.u32 s9, $0x1;
	s7 =	smul.u32 $0x3000, s6  }
0xc: {  	s18 =	sshrl.u32 s10, $0x2;
	s20 =	ssub.s32 s9, s11;
	p1 =	sgt.u32 s6, $0x3  }
0xd: {  	s20 =	smax.u32 s20, $0x1;
	s13 =	sshrl.u32 s7, $0x3;
	s7 =	sadd.s32 s18, s1  }
0xe: {  	s18 =	smul.u32 $0x13800, s25;
	s25 =	simm.s32 $0x8000;
	s19 =	sadd.s32 s8, s13  }
0xf: {  	s21 =	sadd.s32 s16, s13;
	s22 =	sadd.s32 $0x4000, s7;
	[dreg:$0x4] =	wrdreg s19  }
0x10: {  	s23 =	sadd.s32 $0x8000, s7;
	s10 =	sadd.s32 $0xC000, s7;
	[dreg:$0x5] =	wrdreg s21  }
0x11: {  	s11 =	sadd.s32 $0x10000, s7;
	s14 =	sadd.s32 $0x200, s13;
	[dreg:$0x6] =	wrdreg s22  }
0x12: {  	s17 =	sadd.s32 $0x400, s13;
	[dreg:$0x7] =	wrdreg s23;
	s13 =	sadd.s32 s8, s14  }
0x13: {  	s14 =	sadd.s32 s16, s14;
	s15 =	sadd.s32 s8, s17;
	s16 =	sadd.s32 s16, s17  }
0x14: {  	s24 =	sadd.s32 s18, s5;
	s5 =	sshrl.u32 s5, $0x3;
	s17 =	sadd.s32 s2, s26  }
0x15: {  	s21 =	simm.s32 $0x6;
	s22 =	simm.s32 $0x2000;
	s23 =	simm.s32 $0x80  }
0x16: {  	s26 =	simm.s32 $0x2;
	s2 =	simm.s32 $0x1;
	s8 =	sshrl.u32 s24, $0x3  }
0x17: {  	s5 =	sadd.s32 s0, s5;
	s24 =	simm.s32 $0x4000;
	s18 =	sadd.s32 s0, s8  }
0x18: {  	v0 =	vimm.f32 $0.0e+00;
	s19 =	sadd.s32 $0x27000, s5;
	s0 =	simm.s32 $0x1000;
	s5 =	simm.s32 $0x0  }
.LBB2_1:
0x19: {  	s6 =	rddreg [dreg:$0x4]  }
0x1a: {  	[tilespmem:s3], [sflag:$0x6] =	stream.linear.gather [hbm4b:s6+s3], $0xD00, $0x38;
	[tilespmem:$0x1F880] =	vst v63  }
0x1b: {  	_ =	swait.ge [sflag:s21], $0xD00  }
0x1c: {  	[sflag:s21] =	ssyncset.done $0x0  }
0x1d: {  	s9 =	rddreg [dreg:$0x5];
	[sflag:s21] =	ssyncadd.s32 $0xFFFFF300  }
0x1e: {  	[tilespmem:s22], [sflag:$0x6] =	stream.linear.gather [hbm4b:s9+s3], $0xD00, $0x38;
	[tilespmem:$0x1F880] =	vst v63  }
0x1f: {  	_ =	swait.ge [sflag:s21], $0xD00  }
0x20: {  	[sflag:s21] =	ssyncset.done $0x0  }
0x21: {  	s8 =	simm.s32 $0x200;
	s6 =	simm.s32 $0x0;
	[sflag:s21] =	ssyncadd.s32 $0xFFFFF300  }
0x22: {  	[tilespmem:s24], [sflag:$0x2] =	stream.indirect.gather [hbm4b:s4+s23], $0x80, s3, s23, $0xb8;
	[tilespmem:$0x1F880] =	vst v63  }
.LBB2_2:
0x23: {  	p2 =	sne.s32 s8, $0xFE00;
	[tilespmem:s6+$0x8070] =	vst v0  }
0x24: {  	[tilespmem:s6+$0x8000] =	vst v0  }
0x25: {  	[tilespmem:s6+$0x8010] =	vst v0  }
.Ltmp0:
0x26: {  	[tilespmem:s6+$0x8020] =	vst v0;
	(pc) =	sbr.rel @p2 .LBB2_2-.Ltmp0, $4  }
0x27: {  	[tilespmem:s6+$0x8030] =	vst v0  }
0x28: {  	[tilespmem:s6+$0x8040] =	vst v0  }
0x29: {  	[tilespmem:s6+$0x8050] =	vst v0  }
0x2a: {  	[tilespmem:s6+$0x8060] =	vst v0;
	s6 =	sshra.s32 s8, $0x2;
	s8 =	sadd.s32 $0x200, s8  }
0x2b: {  	[tilespmem:s6+$0x8070] =	vst v0  }
0x2c: {  	[tilespmem:s6+$0x8000] =	vst v0  }
0x2d: {  	[tilespmem:s6+$0x8010] =	vst v0  }
0x2e: {  	[tilespmem:s6+$0x8020] =	vst v0  }
0x2f: {  	[tilespmem:s6+$0x8030] =	vst v0  }
0x30: {  	[tilespmem:s6+$0x8040] =	vst v0  }
0x31: {  	[tilespmem:s6+$0x8050] =	vst v0  }
0x32: {  	[tilespmem:s6+$0x8060] =	vst v0  }
0x33: {  	[spmem:s7] =	stream.linear.scatter [tilespmem:s25], [sflag:$0x6], $0x4000, $0x38;
	[tilespmem:$0x1F880] =	vst v63  }
0x34: {  	_ =	swait.ge [sflag:s21], $0x4000  }
0x35: {  	[sflag:s21] =	ssyncset.done $0x0  }
0x36: {  	s8 =	rddreg [dreg:$0x6];
	[sflag:s21] =	ssyncadd.s32 $0xFFFFC000  }
0x37: {  	[spmem:s8] =	stream.linear.scatter [tilespmem:s25], [sflag:$0x6], $0x4000, $0x38;
	[tilespmem:$0x1F880] =	vst v63  }
0x38: {  	_ =	swait.ge [sflag:s21], $0x4000  }
0x39: {  	[sflag:s21] =	ssyncset.done $0x0  }
0x3a: {  	s9 =	rddreg [dreg:$0x7];
	[sflag:s21] =	ssyncadd.s32 $0xFFFFC000  }
0x3b: {  	[spmem:s9] =	stream.linear.scatter [tilespmem:s25], [sflag:$0x6], $0x4000, $0x38;
	[tilespmem:$0x1F880] =	vst v63  }
0x3c: {  	_ =	swait.ge [sflag:s21], $0x4000  }
0x3d: {  	[sflag:s21] =	ssyncset.done $0x0  }
0x3e: {  	[sflag:s21] =	ssyncadd.s32 $0xFFFFC000  }
0x3f: {  	[spmem:s10] =	stream.linear.scatter [tilespmem:s25], [sflag:$0x6], $0x4000, $0x38;
	[tilespmem:$0x1F880] =	vst v63  }
0x40: {  	_ =	swait.ge [sflag:s21], $0x4000  }
0x41: {  	[sflag:s21] =	ssyncset.done $0x0  }
0x42: {  	[sflag:s21] =	ssyncadd.s32 $0xFFFFC000  }
0x43: {  	[spmem:s11] =	stream.linear.scatter [tilespmem:s25], [sflag:$0x6], $0x3800, $0x38;
	[tilespmem:$0x1F880] =	vst v63  }
0x44: {  	_ =	swait.ge [sflag:s21], $0x3800  }
0x45: {  	[sflag:s21] =	ssyncset.done $0x0  }
0x46: {  	s6 =	simm.s32 @!p0 $0x8000;
	[sflag:s21] =	ssyncadd.s32 $0xFFFFC800  }
0x47: {  	[spmem:s12] =	stream.linear.scatter @!p0 [tilespmem:s6], [sflag:$0x6], $0x800, $0x38;
	[tilespmem:$0x1F880] =	vst v63  }
0x48: {  	s6 =	simm.s32 @!p0 $0x6  }
0x49: {  	_ =	swait.ge @!p0 [sflag:s6], $0x800  }
0x4a: {  	[sflag:s6] =	ssyncset.done @!p0 $0x0  }
0x4b: {  	[sflag:s6] =	ssyncadd.s32 @!p0 $0xFFFFF800  }
0x4c: {  	[bflag:$0x0] =	sbarrier.arrive $0xFFFF  }
0x4d: {  	[tilespmem:s25], [sflag:$0x3] =	stream.indirect.gather [hbm4b:s4+s23], $0x80, s23, s23, $0xb8;
	[tilespmem:$0x1F880] =	vst v63  }
0x4e: {  	_ =	swait.ge [sflag:s26], $0x4000  }
0x4f: {  	[sflag:s26] =	ssyncset.done $0x0  }
0x50: {  	[sflag:s26] =	ssyncadd.s32 $0xFFFFC000  }
0x51: {  	[spmem:s1] =	stream.indirect.scatter.add.f32 [tilespmem:s24], [sflag:$0x4], $0x80, s22, s23, $0xb8;
	[tilespmem:$0x1F880] =	vst v63  }
0x52: {  	_ =	swait.ge [sflag:s28], $0x4000  }
0x53: {  	[sflag:s28] =	ssyncset.done $0x0  }
0x54: {  	s8 =	simm.s32 $0x2080;
	[sflag:s28] =	ssyncadd.s32 $0xFFFFC000  }
0x55: {  	[spmem:s1] =	stream.indirect.scatter.add.f32 [tilespmem:s25], [sflag:$0x5], $0x80, s8, s23, $0xb8;
	[tilespmem:$0x1F880] =	vst v63  }
0x56: {  	_ =	swait.ge [sflag:s30], $0x4000  }
0x57: {  	[sflag:s30] =	ssyncset.done $0x0  }
0x58: {  	s9 =	simm.s32 $0x100;
	[sflag:s30] =	ssyncadd.s32 $0xFFFFC000  }
0x59: {  	[tilespmem:s24], [sflag:$0x2] =	stream.indirect.gather [hbm4b:s4+s23], $0x80, s9, s23, $0xb8;
	[tilespmem:$0x1F880] =	vst v63  }
0x5a: {  	_ = 	snop  }
0x5b: {  	[tilespmem:s0], [sflag:$0x1] =	stream.linear.gather [hbm4b:s13+s3], $0xD00, $0x38;
	[tilespmem:$0x1F880] =	vst v63  }
0x5c: {  	s6 =	simm.s32 $0xFFFFD400  }
0x5d: {  	[tilespmem:s29], [sflag:$0x1] =	stream.linear.gather [hbm4b:s14+s3], $0xD00, $0x38;
	[tilespmem:$0x1F880] =	vst v63  }
.LBB2_4:
0x5e: {  	_ =	swait.ge [sflag:s31], $0x4000  }
0x5f: {  	s8 =	sshra.s32 s6, $0x2;
	[sflag:s31] =	ssyncset.done $0x0  }
0x60: {  	s9 =	sadd.s32 $0xC80, s8;
	[sflag:s31] =	ssyncadd.s32 $0xFFFFC000  }
0x61: {  	[tilespmem:s25], [sflag:$0x3] =	stream.indirect.gather [hbm4b:s4+s23], $0x80, s9, s23, $0xb8;
	[tilespmem:$0x1F880] =	vst v63  }
0x62: {  	_ =	swait.ge [sflag:s26], $0x4000  }
0x63: {  	[sflag:s26] =	ssyncset.done $0x0  }
0x64: {  	s9 =	sadd.s32 $0x2C00, s8;
	[sflag:s26] =	ssyncadd.s32 $0xFFFFC000  }
0x65: {  	[spmem:s1] =	stream.indirect.scatter.add.f32 [tilespmem:s24], [sflag:$0x4], $0x80, s9, s23, $0xb8;
	[tilespmem:$0x1F880] =	vst v63  }
0x66: {  	_ =	swait.ge [sflag:s28], $0x4000  }
0x67: {  	p2 =	seq.s32 s6, $0x0;
	[sflag:s28] =	ssyncset.done $0x0  }
.Ltmp1:
0x68: {  	s9 =	sadd.s32 $0x2C80, s8;
	[sflag:s28] =	ssyncadd.s32 $0xFFFFC000;
	(pc) =	sbr.rel @p2 .LBB2_6-.Ltmp1, $4  }
0x69: {  	[spmem:s1] =	stream.indirect.scatter.add.f32 [tilespmem:s25], [sflag:$0x5], $0x80, s9, s23, $0xb8;
	[tilespmem:$0x1F880] =	vst v63  }
0x6a: {  	_ =	swait.ge [sflag:s30], $0x4000  }
0x6b: {  	[sflag:s30] =	ssyncset.done $0x0  }
0x6c: {  	[sflag:s30] =	ssyncadd.s32 $0xFFFFC000  }
.Ltmp2:
0x6d: {  	(pc) =	sbr.rel .LBB2_4-.Ltmp2, $3  }
0x6e: {  	_ =	sdelay $0x1  }
0x6f: {  	s8 =	sadd.s32 $0xD00, s8;
	s6 =	sadd.s32 $0x400, s6  }
0x70: {  	[tilespmem:s24], [sflag:$0x2] =	stream.indirect.gather [hbm4b:s4+s23], $0x80, s8, s23, $0xb8;
	[tilespmem:$0x1F880] =	vst v63  }
.LBB2_6:
0x71: {  	_ =	swait.ge [sflag:s2], $0xD00  }
0x72: {  	[sflag:s2] =	ssyncset.done $0x0  }
0x73: {  	[sflag:s2] =	ssyncadd.s32 $0xFFFFF300  }
0x74: {  	_ =	swait.ge [sflag:s2], $0xD00  }
0x75: {  	[sflag:s2] =	ssyncset.done $0x0  }
0x76: {  	[sflag:s2] =	ssyncadd.s32 $0xFFFFF300  }
0x77: {  	[tilespmem:s24], [sflag:$0x2] =	stream.indirect.gather [hbm4b:s4+s23], $0x80, s0, s23, $0xb8;
	[tilespmem:$0x1F880] =	vst v63  }
0x78: {  	_ =	swait.ge [sflag:s31], $0x4000  }
0x79: {  	[sflag:s31] =	ssyncset.done $0x0  }
0x7a: {  	s6 =	simm.s32 $0x1080;
	[sflag:s31] =	ssyncadd.s32 $0xFFFFC000  }
0x7b: {  	[tilespmem:s25], [sflag:$0x3] =	stream.indirect.gather [hbm4b:s4+s23], $0x80, s6, s23, $0xb8;
	[tilespmem:$0x1F880] =	vst v63  }
0x7c: {  	_ =	swait.ge [sflag:s26], $0x4000  }
0x7d: {  	[sflag:s26] =	ssyncset.done $0x0  }
0x7e: {  	[sflag:s26] =	ssyncadd.s32 $0xFFFFC000  }
0x7f: {  	[spmem:s1] =	stream.indirect.scatter.add.f32 [tilespmem:s24], [sflag:$0x4], $0x80, s29, s23, $0xb8;
	[tilespmem:$0x1F880] =	vst v63  }
0x80: {  	_ =	swait.ge [sflag:s28], $0x4000  }
0x81: {  	[sflag:s28] =	ssyncset.done $0x0  }
0x82: {  	s8 =	simm.s32 $0x3080;
	[sflag:s28] =	ssyncadd.s32 $0xFFFFC000  }
0x83: {  	[spmem:s1] =	stream.indirect.scatter.add.f32 [tilespmem:s25], [sflag:$0x5], $0x80, s8, s23, $0xb8;
	[tilespmem:$0x1F880] =	vst v63  }
0x84: {  	_ =	swait.ge [sflag:s30], $0x4000  }
0x85: {  	[sflag:s30] =	ssyncset.done $0x0  }
0x86: {  	s9 =	simm.s32 $0x1100;
	[sflag:s30] =	ssyncadd.s32 $0xFFFFC000  }
0x87: {  	[tilespmem:s24], [sflag:$0x2] =	stream.indirect.gather [hbm4b:s4+s23], $0x80, s9, s23, $0xb8;
	[tilespmem:$0x1F880] =	vst v63  }
0x88: {  	_ = 	snop  }
0x89: {  	[tilespmem:s3], [sflag:$0x1] =	stream.linear.gather [hbm4b:s15+s3], $0xD00, $0x38;
	[tilespmem:$0x1F880] =	vst v63  }
0x8a: {  	s6 =	simm.s32 $0xFFFFD400  }
0x8b: {  	[tilespmem:s22], [sflag:$0x1] =	stream.linear.gather [hbm4b:s16+s3], $0xD00, $0x38;
	[tilespmem:$0x1F880] =	vst v63  }
.LBB2_7:
0x8c: {  	_ =	swait.ge [sflag:s31], $0x4000  }
0x8d: {  	s8 =	sshra.s32 s6, $0x2;
	[sflag:s31] =	ssyncset.done $0x0  }
0x8e: {  	s9 =	sadd.s32 $0x1C80, s8;
	[sflag:s31] =	ssyncadd.s32 $0xFFFFC000  }
0x8f: {  	[tilespmem:s25], [sflag:$0x3] =	stream.indirect.gather [hbm4b:s4+s23], $0x80, s9, s23, $0xb8;
	[tilespmem:$0x1F880] =	vst v63  }
0x90: {  	_ =	swait.ge [sflag:s26], $0x4000  }
0x91: {  	[sflag:s26] =	ssyncset.done $0x0  }
0x92: {  	s9 =	sadd.s32 $0x3C00, s8;
	[sflag:s26] =	ssyncadd.s32 $0xFFFFC000  }
0x93: {  	[spmem:s1] =	stream.indirect.scatter.add.f32 [tilespmem:s24], [sflag:$0x4], $0x80, s9, s23, $0xb8;
	[tilespmem:$0x1F880] =	vst v63  }
0x94: {  	_ =	swait.ge [sflag:s28], $0x4000  }
0x95: {  	p2 =	seq.s32 s6, $0x0;
	[sflag:s28] =	ssyncset.done $0x0  }
.Ltmp3:
0x96: {  	s9 =	sadd.s32 $0x3C80, s8;
	[sflag:s28] =	ssyncadd.s32 $0xFFFFC000;
	(pc) =	sbr.rel @p2 .LBB2_9-.Ltmp3, $4  }
0x97: {  	[spmem:s1] =	stream.indirect.scatter.add.f32 [tilespmem:s25], [sflag:$0x5], $0x80, s9, s23, $0xb8;
	[tilespmem:$0x1F880] =	vst v63  }
0x98: {  	_ =	swait.ge [sflag:s30], $0x4000  }
0x99: {  	[sflag:s30] =	ssyncset.done $0x0  }
0x9a: {  	[sflag:s30] =	ssyncadd.s32 $0xFFFFC000  }
.Ltmp4:
0x9b: {  	(pc) =	sbr.rel .LBB2_7-.Ltmp4, $3  }
0x9c: {  	_ =	sdelay $0x1  }
0x9d: {  	s8 =	sadd.s32 $0x1D00, s8;
	s6 =	sadd.s32 $0x400, s6  }
0x9e: {  	[tilespmem:s24], [sflag:$0x2] =	stream.indirect.gather [hbm4b:s4+s23], $0x80, s8, s23, $0xb8;
	[tilespmem:$0x1F880] =	vst v63  }
.LBB2_9:
0x9f: {  	_ =	swait.ge [sflag:s2], $0xD00  }
0xa0: {  	[sflag:s2] =	ssyncset.done $0x0  }
0xa1: {  	[sflag:s2] =	ssyncadd.s32 $0xFFFFF300  }
0xa2: {  	_ =	swait.ge [sflag:s2], $0xD00  }
0xa3: {  	[sflag:s2] =	ssyncset.done $0x0  }
0xa4: {  	s6 =	simm.s32 $0x0;
	[sflag:s2] =	ssyncadd.s32 $0xFFFFF300  }
0xa5: {  	[tilespmem:s24], [sflag:$0x2] =	stream.indirect.gather [hbm4b:s4+s23], $0x80, s6, s23, $0xb8;
	[tilespmem:$0x1F880] =	vst v63  }
0xa6: {  	_ =	swait.ge [sflag:s31], $0x4000  }
0xa7: {  	[sflag:s31] =	ssyncset.done $0x0  }
0xa8: {  	s9 =	simm.s32 $0x80;
	[sflag:s31] =	ssyncadd.s32 $0xFFFFC000  }
0xa9: {  	[tilespmem:s25], [sflag:$0x3] =	stream.indirect.gather [hbm4b:s4+s23], $0x80, s9, s23, $0xb8;
	[tilespmem:$0x1F880] =	vst v63  }
0xaa: {  	_ =	swait.ge [sflag:s26], $0x4000  }
0xab: {  	[sflag:s26] =	ssyncset.done $0x0  }
0xac: {  	s8 =	simm.s32 $0x2000;
	[sflag:s26] =	ssyncadd.s32 $0xFFFFC000  }
0xad: {  	[spmem:s1] =	stream.indirect.scatter.add.f32 [tilespmem:s24], [sflag:$0x4], $0x80, s8, s23, $0xb8;
	[tilespmem:$0x1F880] =	vst v63  }
0xae: {  	_ =	swait.ge [sflag:s28], $0x4000  }
0xaf: {  	[sflag:s28] =	ssyncset.done $0x0  }
0xb0: {  	s9 =	simm.s32 $0x2080;
	[sflag:s28] =	ssyncadd.s32 $0xFFFFC000  }
0xb1: {  	[spmem:s1] =	stream.indirect.scatter.add.f32 [tilespmem:s25], [sflag:$0x5], $0x80, s9, s23, $0xb8;
	[tilespmem:$0x1F880] =	vst v63  }
0xb2: {  	_ =	swait.ge [sflag:s30], $0x4000  }
0xb3: {  	[sflag:s30] =	ssyncset.done $0x0  }
0xb4: {  	s6 =	simm.s32 $0x400;
	s8 =	simm.s32 $0x100;
	[sflag:s30] =	ssyncadd.s32 $0xFFFFC000  }
.LBB2_10:
0xb5: {  	[tilespmem:s24], [sflag:$0x2] =	stream.indirect.gather [hbm4b:s4+s23], $0x80, s8, s23, $0xb8;
	[tilespmem:$0x1F880] =	vst v63  }
0xb6: {  	s8 =	smov.u32 s6  }
0xb7: {  	p2 =	sne.s32 s6, $0x2C00;
	s6 =	sadd.s32 $0x400, s6;
	_ =	swait.ge [sflag:s31], $0x4000  }
0xb8: {  	s8 =	sshra.s32 s8, $0x2;
	[sflag:s31] =	ssyncset.done $0x0  }
0xb9: {  	s9 =	sadd.s32 $0x80, s8;
	[sflag:s31] =	ssyncadd.s32 $0xFFFFC000  }
0xba: {  	[tilespmem:s25], [sflag:$0x3] =	stream.indirect.gather [hbm4b:s4+s23], $0x80, s9, s23, $0xb8;
	[tilespmem:$0x1F880] =	vst v63  }
0xbb: {  	_ =	swait.ge [sflag:s26], $0x4000  }
0xbc: {  	[sflag:s26] =	ssyncset.done $0x0  }
0xbd: {  	s9 =	sadd.s32 $0x2000, s8;
	[sflag:s26] =	ssyncadd.s32 $0xFFFFC000  }
0xbe: {  	[spmem:s1] =	stream.indirect.scatter.add.f32 [tilespmem:s24], [sflag:$0x4], $0x80, s9, s23, $0xb8;
	[tilespmem:$0x1F880] =	vst v63  }
0xbf: {  	_ =	swait.ge [sflag:s28], $0x4000  }
0xc0: {  	[sflag:s28] =	ssyncset.done $0x0  }
.Ltmp5:
0xc1: {  	s9 =	sadd.s32 $0x2080, s8;
	[sflag:s28] =	ssyncadd.s32 $0xFFFFC000;
	(pc) =	sbr.rel @p2 .LBB2_10-.Ltmp5, $4  }
0xc2: {  	[spmem:s1] =	stream.indirect.scatter.add.f32 [tilespmem:s25], [sflag:$0x5], $0x80, s9, s23, $0xb8;
	[tilespmem:$0x1F880] =	vst v63  }
0xc3: {  	_ =	swait.ge [sflag:s30], $0x4000  }
0xc4: {  	[sflag:s30] =	ssyncset.done $0x0  }
0xc5: {  	s8 =	sadd.s32 $0x100, s8;
	[sflag:s30] =	ssyncadd.s32 $0xFFFFC000  }
0xc6: {  	[tilespmem:s24], [sflag:$0x2] =	stream.indirect.gather [hbm4b:s4+s23], $0x80, s8, s23, $0xb8;
	[tilespmem:$0x1F880] =	vst v63  }
0xc7: {  	_ =	swait.ge [sflag:s31], $0x4000  }
0xc8: {  	[sflag:s31] =	ssyncset.done $0x0  }
0xc9: {  	s6 =	simm.s32 $0xC80;
	[sflag:s31] =	ssyncadd.s32 $0xFFFFC000  }
0xca: {  	[tilespmem:s25], [sflag:$0x3] =	stream.indirect.gather [hbm4b:s4+s23], $0x80, s6, s23, $0xb8;
	[tilespmem:$0x1F880] =	vst v63  }
0xcb: {  	_ =	swait.ge [sflag:s26], $0x4000  }
0xcc: {  	[sflag:s26] =	ssyncset.done $0x0  }
0xcd: {  	s8 =	simm.s32 $0x2C00;
	[sflag:s26] =	ssyncadd.s32 $0xFFFFC000  }
0xce: {  	[spmem:s1] =	stream.indirect.scatter.add.f32 [tilespmem:s24], [sflag:$0x4], $0x80, s8, s23, $0xb8;
	[tilespmem:$0x1F880] =	vst v63  }
0xcf: {  	_ =	swait.ge [sflag:s28], $0x4000  }
0xd0: {  	[sflag:s28] =	ssyncset.done $0x0  }
0xd1: {  	s9 =	simm.s32 $0x2C80;
	[sflag:s28] =	ssyncadd.s32 $0xFFFFC000  }
0xd2: {  	[spmem:s1] =	stream.indirect.scatter.add.f32 [tilespmem:s25], [sflag:$0x5], $0x80, s9, s23, $0xb8;
	[tilespmem:$0x1F880] =	vst v63  }
0xd3: {  	_ =	swait.ge [sflag:s30], $0x4000  }
0xd4: {  	[sflag:s30] =	ssyncset.done $0x0  }
0xd5: {  	[sflag:s30] =	ssyncadd.s32 $0xFFFFC000  }
0xd6: {  	_ =	swait.ge [sflag:s31], $0x4000  }
0xd7: {  	[sflag:s31] =	ssyncset.done $0x0  }
0xd8: {  	s6 =	simm.s32 @!p1 $0x0;
	s8 =	simm.s32 @!p1 $0x1000;
	[sflag:s31] =	ssyncadd.s32 $0xFFFFC000  }
0xd9: {  	[tilespmem:s8], [sflag:$0x6] =	stream.linear.gather @!p1 [hbm4b:s17+s6], $0x100, $0x38;
	[tilespmem:$0x1F880] =	vst v63  }
0xda: {  	s6 =	simm.s32 @!p1 $0x6  }
0xdb: {  	_ =	swait.ge @!p1 [sflag:s6], $0x100  }
0xdc: {  	[sflag:s6] =	ssyncset.done @!p1 $0x0  }
0xdd: {  	s9 =	simm.s32 @!p1 $0x4000;
	[sflag:s6] =	ssyncadd.s32 @!p1 $0xFFFFFF00;
	s6 =	simm.s32 @!p1 $0x80  }
0xde: {  	[tilespmem:s9], [sflag:$0x2] =	stream.indirect.gather @!p1 [hbm4b:s4+s6], $0x80, s8, s6, $0xb8;
	[tilespmem:$0x1F880] =	vst v63  }
0xdf: {  	s8 =	simm.s32 @!p1 $0x2  }
0xe0: {  	_ =	swait.ge @!p1 [sflag:s8], $0x4000  }
0xe1: {  	[sflag:s8] =	ssyncset.done @!p1 $0x0  }
0xe2: {  	[sflag:s8] =	ssyncadd.s32 @!p1 $0xFFFFC000;
	s8 =	simm.s32 @!p1 $0x1080  }
0xe3: {  	[spmem:s1] =	stream.indirect.scatter.add.f32 @!p1 [tilespmem:s9], [sflag:$0x4], $0x80, s8, s6, $0xb8;
	[tilespmem:$0x1F880] =	vst v63  }
0xe4: {  	s6 =	simm.s32 @!p1 $0x4  }
0xe5: {  	_ =	swait.ge @!p1 [sflag:s6], $0x4000  }
0xe6: {  	s8 =	stileid.u32;
	[sflag:s6] =	ssyncset.done @!p1 $0x0  }
0xe7: {  	[sflag:s6] =	ssyncadd.s32 @!p1 $0xFFFFC000;
	s6 =	sshll.u32 s8, $0x6  }
0xe8: {  	s9 =	sshrl.u32 s7, $0x3;
	[bflag:$0x0] =	sbarrier.arrive $0xFFFF;
	s6 =	sor.u32 $0x1C06, s6  }
0xe9: {  	[hbm:s18], [sflag:s6] =	dma.local [spmem:s9], $0x2700  }
0xea: {  	_ =	swait.ge [sflag:s21], $0x2700  }
0xeb: {  	s5 =	sadd.s32 $0x1, s5;
	[sflag:s21] =	ssyncset.done $0x0  }
0xec: {  	p2 =	sne.s32 s5, s20;
	s8 =	sshrl.u32 @!p0 s12, $0x3;
	[sflag:s21] =	ssyncadd.s32 $0xFFFFD900  }
0xed: {  	[hbm:s19], [sflag:s6] =	dma.local @!p0 [spmem:s8], $0x100  }
.Ltmp6:
0xee: {  	_ = 	snop;
	(pc) =	sbr.rel @p2 .LBB2_1-.Ltmp6, $4  }
0xef: {  	s6 =	simm.s32 @!p0 $0x6  }
0xf0: {  	_ =	swait.ge @!p0 [sflag:s6], $0x100  }
0xf1: {  	[sflag:s6] =	ssyncset.done @!p0 $0x0  }
0xf2: {  	[sflag:s6] =	ssyncadd.s32 @!p0 $0xFFFFFF00  }
0xf3: {  	_ =	sfence.sel $0x180000  }
0xf4: {  	[bflag:$0x0] =	sbarrier.arrive $0xFFFF  }
0xf5: {  	_ =	strace $0x9000004A  }
0xf6: {  	s0 =	stileid.u32;
	[bflag:$0x2] =	sbarrier.arrive $0xFFFF  }
0xf7: {  	p0 =	sne.s32 s0, $0x0;
	s0 =	rddreg [dreg:$0x3]  }
0xf8: {  	s0 =	sadd.s32 @!p0 $0x100000, s0  }
0xf9: {  	[sflag:s0] =	ssyncadd.tile.s32 @!p0 $0x1;
	_ =	shalt  }
.Lfunc_end2:
_tile_overlayer_lowered:
.L_overlay_start_2:
0xfa: {  	(tag) =	ssettag $0x2  }
0xfb: {  	s0 =	rddreg [dreg:$0x0];
	s2 =	stileid.u32  }
0xfc: {  	s1 =	rddreg [dreg:$0x1];
	p0 =	sne.s32 s2, $0x0  }
0xfd: {  	s3 =	rddreg [dreg:$0x2];
	[bflag:$0x3] =	sbarrier.arrive $0xFFFF;
	s2 =	simm.s32 @!p0 $0x1C06  }
0xfe: {  	[timem:s3], [sflag:s2] =	dma.local @!p0 [hbm:s0], s1  }
0xff: {  	s0 =	simm.s32 @!p0 $0x6  }
0x100: {  	_ =	swait.ge @!p0 [sflag:s0], s1  }
0x101: {  	s1 =	ssub.s32 @!p0 $0x0, s1;
	[sflag:s0] =	ssyncset.done @!p0 $0x0  }
0x102: {  	[sflag:s0] =	ssyncadd.s32 @!p0 s1  }
0x103: {  	[bflag:$0x3] =	sbarrier.arrive $0xFFFF  }
0x104: {  	_ =	shalt  }

// kernel: kernel.14.cloned.1.call-start
scs
__scs_entry_jumppad:
0x0: {  	(pc) =	sbr.rel $0x88, $3  }
0x1: {  	(tag) =	ssettag $0x0;
	lr =	simm.s32 $0x1  }
0x2: {  	[smem:$0x3F92] =	sst lr;
	_ =	strace $0xD0000000  }
0x3: {  	_ = 	snop  }
0x4: {  	_ = 	snop  }
0x5: {  	_ = 	snop  }
0x6: {  	_ = 	snop  }
0x7: {  	_ = 	snop  }
__scs_overlays_trampoline_lowered:
0x8: {  	[smem:$0x3FA1] =	sst s0  }
0x9: {  	[smem:$0x3FA2] =	sst s1  }
0xa: {  	[smem:$0x3FA3] =	sst s2  }
0xb: {  	[smem:$0x3FA4] =	sst s3  }
0xc: {  	[smem:$0x3FA5] =	sst s4  }
0xd: {  	[smem:$0x3FA6] =	sst s5  }
0xe: {  	[smem:$0x3FA7] =	sst s6  }
0xf: {  	[smem:$0x3FA8] =	sst s7  }
0x10: {  	[smem:$0x3FA9] =	sst s8  }
0x11: {  	[smem:$0x3FAA] =	sst s9;
	s0 =	simm.s32 @!p0 $0x0  }
0x12: {  	s1 =	sld [smem:$0x3F90];
	s0 =	simm.s32 @p0 $0x1  }
0x13: {  	[smem:$0x3FAB] =	sst s0;
	s0 =	simm.s32 @!p1 $0x0  }
0x14: {  	s2 =	sld [smem:$0x3F8F];
	s0 =	simm.s32 @p1 $0x1  }
0x15: {  	[smem:$0x3FAC] =	sst s0;
	s0 =	simm.s32 @!p2 $0x0  }
0x16: {  	s3 =	sld [smem:$0x3FDB];
	s0 =	simm.s32 @p2 $0x1  }
0x17: {  	s4 =	simm.s32 $0x1BF5;
	[smem:$0x3FAE] =	sst s0  }
0x18: {  	s0 =	sld [smem:$0x3F91];
	_ =	swait.ge [sflag:s4], $0x0  }
0x19: {  	s7 =	sld [smem:$0x3F92]  }
0x1a: {  	s8 =	sadd.s32 $0xFFFFE003, lr  }
0x1b: {  	s9 =	sadd.s32 $0xFFFFFEF7, lr;
	s5 =	simm.s32 $0xFFFFFFFF;
	p2 =	slt.u32 s8, $0xFFFFF086  }
0x1c: {  	p1 =	slt.u32 s9, $0xF7A;
	s5 =	simm.s32 @!p2 $0x0  }
0x1d: {  	s5 =	simm.s32 @p1 $0x1;
	p0 =	seq.s32 s7, s2  }
0x1e: {  	s7 =	smul.u32 @!p0 $0xF7A, s2;
	p2 =	seq.s32 @!p0 s5, $0x0  }
0x1f: {  	s9 =	smul.u32 $0xF7A, s1;
	s8 =	simm.s32 @!p0 $0x1BF5;
	p2 =	por !p2, p0  }
0x20: {  	[sflag:s8] =	ssyncset.s32 @!p0 $0xFFFFF086;
	s6 =	sadd.s32 @!p0 s3, s7;
	s7 =	simm.s32 @!p0 $0x108  }
0x21: {  	s3 =	sadd.s32 s3, s9;
	s6 =	sadd.s32 @!p0 $0x88, s6;
	s7 =	simm.s32 @p2 $0x1082  }
0x22: {  	[simem:s7], [sflag:s8] =	dma.local @!p0 [hbm:s6], $0xF7A  }
0x23: {  	s9 =	sor.u32 $0xD0000000, s2;
	s6 =	simm.s32 $0x108;
	_ =	swait.ge @!p0 [sflag:s8], $0x0  }
0x24: {  	s3 =	sadd.s32 $0x88, s3;
	s6 =	simm.s32 @!p1 $0x1082;
	[sflag:s4] =	ssyncset.s32 $0xFFFFF086  }
0x25: {  	[simem:s6], [sflag:s4] =	dma.local [hbm:s3], $0xF7A  }
0x26: {  	[smem:$0x3F92] =	sst s1;
	(tag) =	ssettag s2;
	_ =	strace s9  }
0x27: {  	s1 =	sld [smem:$0x3FA2]  }
0x28: {  	s2 =	sld [smem:$0x3FA3]  }
0x29: {  	s4 =	sld [smem:$0x3FA5]  }
0x2a: {  	p0 =	seq.s32 s5, $0x0;
	s5 =	sld [smem:$0x3FA6]  }
0x2b: {  	s6 =	sld [smem:$0x3FA7]  }
0x2c: {  	s7 =	sld [smem:$0x3FA8]  }
0x2d: {  	s3 =	simm.s32 $0x108;
	s8 =	sld [smem:$0x3FA9]  }
0x2e: {  	s3 =	simm.s32 @!p0 $0x1082;
	s9 =	sld [smem:$0x3FAA]  }
0x2f: {  	lr =	sadd.s32 s0, s3;
	s0 =	sld [smem:$0x3FA1]  }
0x30: {  	s3 =	sld [smem:$0x3FA4]  }
0x31: {  	[smem:$0x3FAD] =	sst s10  }
0x32: {  	s10 =	sld [smem:$0x3FAB];
	_ =	sdelay $0x3  }
0x33: {  	p0 =	seq.s32 s10, $0x1;
	s10 =	sld [smem:$0x3FAD];
	_ =	sdelay $0x3  }
0x34: {  	[smem:$0x3FAD] =	sst s10  }
0x35: {  	s10 =	sld [smem:$0x3FAC];
	_ =	sdelay $0x3  }
0x36: {  	p1 =	seq.s32 s10, $0x1;
	s10 =	sld [smem:$0x3FAD];
	_ =	sdelay $0x3  }
0x37: {  	[smem:$0x3FAD] =	sst s10  }
0x38: {  	s10 =	sld [smem:$0x3FAE]  }
0x39: {  	_ = 	snop;
	(pc) =	sbr.ind lr, $3  }
0x3a: {  	_ = 	snop  }
0x3b: {  	_ = 	snop  }
0x3c: {  	p2 =	seq.s32 s10, $0x1;
	s10 =	sld [smem:$0x3FAD]  }
0x3d: {  	_ =	shalt  }
0x3e: {  	_ =	shalt  }
0x3f: {  	_ =	shalt  }
0x40: {  	_ =	shalt  }
0x41: {  	_ =	shalt  }
0x42: {  	_ =	shalt  }
0x43: {  	_ =	shalt  }
0x44: {  	_ =	shalt  }
0x45: {  	_ =	shalt  }
0x46: {  	_ =	shalt  }
0x47: {  	_ =	shalt  }
0x48: {  	_ =	shalt  }
0x49: {  	_ =	shalt  }
0x4a: {  	_ =	shalt  }
0x4b: {  	_ =	shalt  }
0x4c: {  	_ =	shalt  }
0x4d: {  	_ =	shalt  }
0x4e: {  	_ =	shalt  }
0x4f: {  	_ =	shalt  }
0x50: {  	_ =	shalt  }
0x51: {  	_ =	shalt  }
0x52: {  	_ =	shalt  }
0x53: {  	_ =	shalt  }
0x54: {  	_ =	shalt  }
0x55: {  	_ =	shalt  }
0x56: {  	_ =	shalt  }
0x57: {  	_ =	shalt  }
0x58: {  	_ =	shalt  }
0x59: {  	_ =	shalt  }
0x5a: {  	_ =	shalt  }
0x5b: {  	_ =	shalt  }
0x5c: {  	_ =	shalt  }
0x5d: {  	_ =	shalt  }
0x5e: {  	_ =	shalt  }
0x5f: {  	_ =	shalt  }
0x60: {  	_ =	shalt  }
0x61: {  	_ =	shalt  }
0x62: {  	_ =	shalt  }
0x63: {  	_ =	shalt  }
0x64: {  	_ =	shalt  }
0x65: {  	_ =	shalt  }
0x66: {  	_ =	shalt  }
0x67: {  	_ =	shalt  }
0x68: {  	_ =	shalt  }
0x69: {  	_ =	shalt  }
0x6a: {  	_ =	shalt  }
0x6b: {  	_ =	shalt  }
0x6c: {  	_ =	shalt  }
0x6d: {  	_ =	shalt  }
0x6e: {  	_ =	shalt  }
0x6f: {  	_ =	shalt  }
0x70: {  	_ =	shalt  }
0x71: {  	_ =	shalt  }
0x72: {  	_ =	shalt  }
0x73: {  	_ =	shalt  }
0x74: {  	_ =	shalt  }
0x75: {  	_ =	shalt  }
0x76: {  	_ =	shalt  }
0x77: {  	_ =	shalt  }
0x78: {  	_ =	shalt  }
0x79: {  	_ =	shalt  }
0x7a: {  	_ =	shalt  }
0x7b: {  	_ =	shalt  }
0x7c: {  	_ =	shalt  }
0x7d: {  	_ =	shalt  }
0x7e: {  	_ =	shalt  }
0x7f: {  	_ =	shalt  }
0x80: {  	_ =	shalt  }
0x81: {  	_ =	shalt  }
0x82: {  	_ =	shalt  }
0x83: {  	_ =	shalt  }
0x84: {  	_ =	shalt  }
0x85: {  	_ =	shalt  }
0x86: {  	_ =	shalt  }
0x87: {  	_ =	shalt  }
.Lfunc_end0:
.L_simem_size_0:
called_computation.2_lowered:
.L_overlay_start_0:
0x88: {  	s2 =	sld [smem:$0x3FD9]  }
0x89: {  	s3 =	sld [smem:$0x3FFE];
	_ =	sdelay $0x1  }
0x8a: {  	s1 =	srdreg.scid  }
0x8b: {  	s0 =	sand.u32 $0x1, s1  }
0x8c: {  	s17 =	sshll.u32 s0, $0xA;
	s2 =	sadd.s32 s3, s2  }
0x8d: {  	s2 =	sadd.s32 s2, s17  }
0x8e: {  	[smem:$0x3FB9] =	sst s2  }
0x8f: {  	_ = 	snop  }
0x90: {  	s2 =	sld [smem:$0x3FD0];
	(tm) =	ssettm $0x1  }
0x91: {  	s18 =	sld [smem:$0x3FFB];
	_ =	sdelay $0x3  }
0x92: {  	_ =	strace s18  }
0x93: {  	s3 =	sld [smem:$0x3FFC];
	_ =	sdelay $0x3  }
0x94: {  	_ =	strace s3  }
0x95: {  	s3 =	sld [smem:$0x3FFD];
	_ =	sdelay $0x3  }
0x96: {  	_ =	strace s3  }
0x97: {  	_ =	strace $0x8FFFFFFF  }
0x98: {  	s19 =	sld [smem:$0x3FDB];
	_ =	sdelay $0x1  }
0x99: {  	s4 =	simm.s32 $_scs_section_size  }
0x9a: {  	s5 =	simm.s32 $_size__tile_overlayer_lowered;
	s6 =	simm.s32 $_tile_overlayer_lowered  }
0x9b: {  	s22 =	simm.s32 $0x1BFF;
	s21 =	sshll.u32 s6, $0x1;
	s3 =	sadd.s32 s4, s19  }
0x9c: {  	s7 =	simm.s32 $0x0;
	s20 =	sshll.u32 s5, $0x1;
	s5 =	sadd.s32 s21, s3  }
0x9d: {  	[timem:s7], [sflag:s22] =	dma.local [hbm:s5], s20  }
0x9e: {  	_ =	swait.ge [sflag:s22], s20  }
0x9f: {  	s4 =	ssub.s32 $0x0, s20;
	[sflag:s22] =	ssyncset.done $0x0  }
0xa0: {  	[sflag:s22] =	ssyncadd.s32 s4;
	_ =	sdelay $0x1  }
0xa1: {  	s23 =	simm.s32 $0x1B8B  }
0xa2: {  	_ =	swait.ge [sflag:s23], $0x1  }
0xa3: {  	[sflag:s23] =	ssyncset.done $0x0  }
0xa4: {  	s25 =	simm.s32 $0x1B8E;
	s24 =	sld [smem:$0x3FFE];
	[sflag:s23] =	ssyncadd.s32 $0xFFFFFFFF  }
0xa5: {  	s26 =	simm.s32 $execute0_lowered;
	[smem:$0x3FD2] =	sst s25  }
0xa6: {  	s5 =	sshll.u32 s26, $0x1;
	_ =	strace $0x8000004C;
	[dreg:$0x1] =	wrdreg $0xFFFFFFFF  }
0xa7: {  	s28 =	simm.s32 $_size_execute0_lowered;
	s3 =	sadd.s32 s3, s5;
	[dreg:$0x0] =	wrdreg $0x0  }
0xa8: {  	s5 =	sshll.u32 s28, $0x1;
	[dreg:$0x2] =	wrdreg s3  }
0xa9: {  	[dreg:$0x3] =	wrdreg s5  }
0xaa: {  	[dreg:$0x4] =	wrdreg $0xC0  }
0xab: {  	_ =	task [dreg:s7], $0x5FFFF  }
0xac: {  	[dreg:$0x1] =	wrdreg $0xFFFFFFFF  }
0xad: {  	[dreg:$0x0] =	wrdreg $0x60  }
0xae: {  	[dreg:$0x2] =	wrdreg s24  }
0xaf: {  	[dreg:$0x3] =	wrdreg s2  }
0xb0: {  	[dreg:$0x4] =	wrdreg $0xC0000  }
0xb1: {  	[dreg:$0x5] =	wrdreg $0x9  }
0xb2: {  	_ =	task.clear_ibuf [dreg:s7], $0x6FFFF;
	_ =	strace $0x9000004C  }
0xb3: {  	s29 =	simm.s32 $0x9;
	_ =	strace $0x8000004E  }
0xb4: {  	_ =	swait.ge [sflag:s29], $0x1  }
0xb5: {  	[sflag:s29] =	ssyncadd.s32 $0xFFFFFFFF  }
0xb6: {  	_ =	strace $0x9000004E  }
0xb7: {  	_ =	sfence  }
0xb8: {  	s30 =	sld [smem:$0x0];
	_ =	sdelay $0x2  }
0xb9: {  	s31 =	sshll.u32 s1, $0xD;
	s1 =	sshrl.u32 s1, $0x2  }
0xba: {  	s3 =	sand.u32 $0x4000, s31;
	s1 =	sadd.s32 s1, s30  }
0xbb: {  	s0 =	sor.u32 s3, s0;
	s1 =	sshll.u32 s1, $0x11  }
0xbc: {  	s0 =	sor.u32 s1, s0  }
0xbd: {  	s0 =	sadd.s32 $0x8F2B, s0  }
0xbe: {  	[sflag:s0] =	ssyncadd.remote.s32 $0x1  }
0xbf: {  	_ =	sfence.sel $0xFFFF  }
0xc0: {  	[dreg:$0x0] =	wrdreg $0xFFFFFFFF;
	(pc) =	sbr.abs _section_cstart, $3  }
0xc1: {  	[dreg:$0x1] =	wrdreg $0xFFFFFFFF  }
0xc2: {  	_ =	task.clear_ibuf [dreg:s7], $0x2FFFF;
	_ =	strace $0x9FFFFFFF  }
0xc3: {  	(tm) =	ssettm $0x7FFFFFFF  }
tec
execute0_lowered:
.L_overlay_start_1:
0x0: {  	(tag) =	ssettag $0x1  }
0x1: {  	s0 =	rddreg [dreg:$0x0]  }
0x2: {  	s2 =	rddreg [dreg:$0x1]  }
0x3: {  	s1 =	rddreg [dreg:$0x2]  }
0x4: {  	s3 =	srdreg.scid;
	s25 =	stileid.u32;
	s28 =	simm.s32 $0x3  }
0x5: {  	s30 =	simm.s32 $0x4;
	s29 =	simm.s32 $0x3000;
	s31 =	simm.s32 $0x5  }
0x6: {  	s5 =	sand.u32 $0x1, s3;
	s3 =	simm.s32 $0x0;
	s8 =	sadd.s32 $0xEC00, s0  }
0x7: {  	s10 =	smul.u32 $0x4E000, s25;
	s16 =	sadd.s32 $0x2C00, s0;
	s12 =	sadd.s32 $0x138000, s1  }
0x8: {  	s26 =	sshll.u32 s25, $0x5;
	p0 =	sne.s32 s25, $0xF;
	s4 =	sshll.u32 s5, $0x4  }
0x9: {  	[smem:$0x7FF] =	sst s3;
	s9 =	ssub.s32 $0x2, s5;
	s5 =	smul.u32 $0x138800, s5  }
0xa: {  	s6 =	sor.u32 s25, s4;
	_ =	strace $0x8000004D;
	s4 =	sadd.s32 $0x1AC00, s0  }
0xb: {  	s0 =	sadd.s32 $0x41E00, s0;
	s11 =	sshrl.u32 s9, $0x1;
	s7 =	smul.u32 $0x3000, s6  }
0xc: {  	s18 =	sshrl.u32 s10, $0x2;
	s20 =	ssub.s32 s9, s11;
	p1 =	sgt.u32 s6, $0x3  }
0xd: {  	s20 =	smax.u32 s20, $0x1;
	s13 =	sshrl.u32 s7, $0x3;
	s7 =	sadd.s32 s18, s1  }
0xe: {  	s18 =	smul.u32 $0x13800, s25;
	s25 =	simm.s32 $0x8000;
	s19 =	sadd.s32 s8, s13  }
0xf: {  	s21 =	sadd.s32 s16, s13;
	s22 =	sadd.s32 $0x4000, s7;
	[dreg:$0x4] =	wrdreg s19  }
0x10: {  	s23 =	sadd.s32 $0x8000, s7;
	s10 =	sadd.s32 $0xC000, s7;
	[dreg:$0x5] =	wrdreg s21  }
0x11: {  	s11 =	sadd.s32 $0x10000, s7;
	s14 =	sadd.s32 $0x200, s13;
	[dreg:$0x6] =	wrdreg s22  }
0x12: {  	s17 =	sadd.s32 $0x400, s13;
	[dreg:$0x7] =	wrdreg s23;
	s13 =	sadd.s32 s8, s14  }
0x13: {  	s14 =	sadd.s32 s16, s14;
	s15 =	sadd.s32 s8, s17;
	s16 =	sadd.s32 s16, s17  }
0x14: {  	s24 =	sadd.s32 s18, s5;
	s5 =	sshrl.u32 s5, $0x3;
	s17 =	sadd.s32 s2, s26  }
0x15: {  	s21 =	simm.s32 $0x6;
	s22 =	simm.s32 $0x2000;
	s23 =	simm.s32 $0x80  }
0x16: {  	s26 =	simm.s32 $0x2;
	s2 =	simm.s32 $0x1;
	s8 =	sshrl.u32 s24, $0x3  }
0x17: {  	s5 =	sadd.s32 s0, s5;
	s24 =	simm.s32 $0x4000;
	s18 =	sadd.s32 s0, s8  }
0x18: {  	v0 =	vimm.f32 $0.0e+00;
	s19 =	sadd.s32 $0x27000, s5;
	s0 =	simm.s32 $0x1000;
	s5 =	simm.s32 $0x0  }
.LBB2_1:
0x19: {  	s6 =	rddreg [dreg:$0x4]  }
0x1a: {  	[tilespmem:s3], [sflag:$0x6] =	stream.linear.gather [hbm4b:s6+s3], $0xD00, $0x38;
	[tilespmem:$0x1F880] =	vst v63  }
0x1b: {  	_ =	swait.ge [sflag:s21], $0xD00  }
0x1c: {  	[sflag:s21] =	ssyncset.done $0x0  }
0x1d: {  	s9 =	rddreg [dreg:$0x5];
	[sflag:s21] =	ssyncadd.s32 $0xFFFFF300  }
0x1e: {  	[tilespmem:s22], [sflag:$0x6] =	stream.linear.gather [hbm4b:s9+s3], $0xD00, $0x38;
	[tilespmem:$0x1F880] =	vst v63  }
0x1f: {  	_ =	swait.ge [sflag:s21], $0xD00  }
0x20: {  	[sflag:s21] =	ssyncset.done $0x0  }
0x21: {  	s8 =	simm.s32 $0x200;
	s6 =	simm.s32 $0x0;
	[sflag:s21] =	ssyncadd.s32 $0xFFFFF300  }
0x22: {  	[tilespmem:s24], [sflag:$0x2] =	stream.indirect.gather [hbm4b:s4+s23], $0x80, s3, s23, $0xb8;
	[tilespmem:$0x1F880] =	vst v63  }
.LBB2_2:
0x23: {  	p2 =	sne.s32 s8, $0xFE00;
	[tilespmem:s6+$0x8070] =	vst v0  }
0x24: {  	[tilespmem:s6+$0x8000] =	vst v0  }
0x25: {  	[tilespmem:s6+$0x8010] =	vst v0  }
.Ltmp0:
0x26: {  	[tilespmem:s6+$0x8020] =	vst v0;
	(pc) =	sbr.rel @p2 .LBB2_2-.Ltmp0, $4  }
0x27: {  	[tilespmem:s6+$0x8030] =	vst v0  }
0x28: {  	[tilespmem:s6+$0x8040] =	vst v0  }
0x29: {  	[tilespmem:s6+$0x8050] =	vst v0  }
0x2a: {  	[tilespmem:s6+$0x8060] =	vst v0;
	s6 =	sshra.s32 s8, $0x2;
	s8 =	sadd.s32 $0x200, s8  }
0x2b: {  	[tilespmem:s6+$0x8070] =	vst v0  }
0x2c: {  	[tilespmem:s6+$0x8000] =	vst v0  }
0x2d: {  	[tilespmem:s6+$0x8010] =	vst v0  }
0x2e: {  	[tilespmem:s6+$0x8020] =	vst v0  }
0x2f: {  	[tilespmem:s6+$0x8030] =	vst v0  }
0x30: {  	[tilespmem:s6+$0x8040] =	vst v0  }
0x31: {  	[tilespmem:s6+$0x8050] =	vst v0  }
0x32: {  	[tilespmem:s6+$0x8060] =	vst v0  }
0x33: {  	[spmem:s7] =	stream.linear.scatter [tilespmem:s25], [sflag:$0x6], $0x4000, $0x38;
	[tilespmem:$0x1F880] =	vst v63  }
0x34: {  	_ =	swait.ge [sflag:s21], $0x4000  }
0x35: {  	[sflag:s21] =	ssyncset.done $0x0  }
0x36: {  	s8 =	rddreg [dreg:$0x6];
	[sflag:s21] =	ssyncadd.s32 $0xFFFFC000  }
0x37: {  	[spmem:s8] =	stream.linear.scatter [tilespmem:s25], [sflag:$0x6], $0x4000, $0x38;
	[tilespmem:$0x1F880] =	vst v63  }
0x38: {  	_ =	swait.ge [sflag:s21], $0x4000  }
0x39: {  	[sflag:s21] =	ssyncset.done $0x0  }
0x3a: {  	s9 =	rddreg [dreg:$0x7];
	[sflag:s21] =	ssyncadd.s32 $0xFFFFC000  }
0x3b: {  	[spmem:s9] =	stream.linear.scatter [tilespmem:s25], [sflag:$0x6], $0x4000, $0x38;
	[tilespmem:$0x1F880] =	vst v63  }
0x3c: {  	_ =	swait.ge [sflag:s21], $0x4000  }
0x3d: {  	[sflag:s21] =	ssyncset.done $0x0  }
0x3e: {  	[sflag:s21] =	ssyncadd.s32 $0xFFFFC000  }
0x3f: {  	[spmem:s10] =	stream.linear.scatter [tilespmem:s25], [sflag:$0x6], $0x4000, $0x38;
	[tilespmem:$0x1F880] =	vst v63  }
0x40: {  	_ =	swait.ge [sflag:s21], $0x4000  }
0x41: {  	[sflag:s21] =	ssyncset.done $0x0  }
0x42: {  	[sflag:s21] =	ssyncadd.s32 $0xFFFFC000  }
0x43: {  	[spmem:s11] =	stream.linear.scatter [tilespmem:s25], [sflag:$0x6], $0x3800, $0x38;
	[tilespmem:$0x1F880] =	vst v63  }
0x44: {  	_ =	swait.ge [sflag:s21], $0x3800  }
0x45: {  	[sflag:s21] =	ssyncset.done $0x0  }
0x46: {  	s6 =	simm.s32 @!p0 $0x8000;
	[sflag:s21] =	ssyncadd.s32 $0xFFFFC800  }
0x47: {  	[spmem:s12] =	stream.linear.scatter @!p0 [tilespmem:s6], [sflag:$0x6], $0x800, $0x38;
	[tilespmem:$0x1F880] =	vst v63  }
0x48: {  	s6 =	simm.s32 @!p0 $0x6  }
0x49: {  	_ =	swait.ge @!p0 [sflag:s6], $0x800  }
0x4a: {  	[sflag:s6] =	ssyncset.done @!p0 $0x0  }
0x4b: {  	[sflag:s6] =	ssyncadd.s32 @!p0 $0xFFFFF800  }
0x4c: {  	[bflag:$0x0] =	sbarrier.arrive $0xFFFF  }
0x4d: {  	[tilespmem:s25], [sflag:$0x3] =	stream.indirect.gather [hbm4b:s4+s23], $0x80, s23, s23, $0xb8;
	[tilespmem:$0x1F880] =	vst v63  }
0x4e: {  	_ =	swait.ge [sflag:s26], $0x4000  }
0x4f: {  	[sflag:s26] =	ssyncset.done $0x0  }
0x50: {  	[sflag:s26] =	ssyncadd.s32 $0xFFFFC000  }
0x51: {  	[spmem:s1] =	stream.indirect.scatter.add.f32 [tilespmem:s24], [sflag:$0x4], $0x80, s22, s23, $0xb8;
	[tilespmem:$0x1F880] =	vst v63  }
0x52: {  	_ =	swait.ge [sflag:s28], $0x4000  }
0x53: {  	[sflag:s28] =	ssyncset.done $0x0  }
0x54: {  	s8 =	simm.s32 $0x2080;
	[sflag:s28] =	ssyncadd.s32 $0xFFFFC000  }
0x55: {  	[spmem:s1] =	stream.indirect.scatter.add.f32 [tilespmem:s25], [sflag:$0x5], $0x80, s8, s23, $0xb8;
	[tilespmem:$0x1F880] =	vst v63  }
0x56: {  	_ =	swait.ge [sflag:s30], $0x4000  }
0x57: {  	[sflag:s30] =	ssyncset.done $0x0  }
0x58: {  	s9 =	simm.s32 $0x100;
	[sflag:s30] =	ssyncadd.s32 $0xFFFFC000  }
0x59: {  	[tilespmem:s24], [sflag:$0x2] =	stream.indirect.gather [hbm4b:s4+s23], $0x80, s9, s23, $0xb8;
	[tilespmem:$0x1F880] =	vst v63  }
0x5a: {  	_ = 	snop  }
0x5b: {  	[tilespmem:s0], [sflag:$0x1] =	stream.linear.gather [hbm4b:s13+s3], $0xD00, $0x38;
	[tilespmem:$0x1F880] =	vst v63  }
0x5c: {  	s6 =	simm.s32 $0xFFFFD400  }
0x5d: {  	[tilespmem:s29], [sflag:$0x1] =	stream.linear.gather [hbm4b:s14+s3], $0xD00, $0x38;
	[tilespmem:$0x1F880] =	vst v63  }
.LBB2_4:
0x5e: {  	_ =	swait.ge [sflag:s31], $0x4000  }
0x5f: {  	s8 =	sshra.s32 s6, $0x2;
	[sflag:s31] =	ssyncset.done $0x0  }
0x60: {  	s9 =	sadd.s32 $0xC80, s8;
	[sflag:s31] =	ssyncadd.s32 $0xFFFFC000  }
0x61: {  	[tilespmem:s25], [sflag:$0x3] =	stream.indirect.gather [hbm4b:s4+s23], $0x80, s9, s23, $0xb8;
	[tilespmem:$0x1F880] =	vst v63  }
0x62: {  	_ =	swait.ge [sflag:s26], $0x4000  }
0x63: {  	[sflag:s26] =	ssyncset.done $0x0  }
0x64: {  	s9 =	sadd.s32 $0x2C00, s8;
	[sflag:s26] =	ssyncadd.s32 $0xFFFFC000  }
0x65: {  	[spmem:s1] =	stream.indirect.scatter.add.f32 [tilespmem:s24], [sflag:$0x4], $0x80, s9, s23, $0xb8;
	[tilespmem:$0x1F880] =	vst v63  }
0x66: {  	_ =	swait.ge [sflag:s28], $0x4000  }
0x67: {  	p2 =	seq.s32 s6, $0x0;
	[sflag:s28] =	ssyncset.done $0x0  }
.Ltmp1:
0x68: {  	s9 =	sadd.s32 $0x2C80, s8;
	[sflag:s28] =	ssyncadd.s32 $0xFFFFC000;
	(pc) =	sbr.rel @p2 .LBB2_6-.Ltmp1, $4  }
0x69: {  	[spmem:s1] =	stream.indirect.scatter.add.f32 [tilespmem:s25], [sflag:$0x5], $0x80, s9, s23, $0xb8;
	[tilespmem:$0x1F880] =	vst v63  }
0x6a: {  	_ =	swait.ge [sflag:s30], $0x4000  }
0x6b: {  	[sflag:s30] =	ssyncset.done $0x0  }
0x6c: {  	[sflag:s30] =	ssyncadd.s32 $0xFFFFC000  }
.Ltmp2:
0x6d: {  	(pc) =	sbr.rel .LBB2_4-.Ltmp2, $3  }
0x6e: {  	_ =	sdelay $0x1  }
0x6f: {  	s8 =	sadd.s32 $0xD00, s8;
	s6 =	sadd.s32 $0x400, s6  }
0x70: {  	[tilespmem:s24], [sflag:$0x2] =	stream.indirect.gather [hbm4b:s4+s23], $0x80, s8, s23, $0xb8;
	[tilespmem:$0x1F880] =	vst v63  }
.LBB2_6:
0x71: {  	_ =	swait.ge [sflag:s2], $0xD00  }
0x72: {  	[sflag:s2] =	ssyncset.done $0x0  }
0x73: {  	[sflag:s2] =	ssyncadd.s32 $0xFFFFF300  }
0x74: {  	_ =	swait.ge [sflag:s2], $0xD00  }
0x75: {  	[sflag:s2] =	ssyncset.done $0x0  }
0x76: {  	[sflag:s2] =	ssyncadd.s32 $0xFFFFF300  }
0x77: {  	[tilespmem:s24], [sflag:$0x2] =	stream.indirect.gather [hbm4b:s4+s23], $0x80, s0, s23, $0xb8;
	[tilespmem:$0x1F880] =	vst v63  }
0x78: {  	_ =	swait.ge [sflag:s31], $0x4000  }
0x79: {  	[sflag:s31] =	ssyncset.done $0x0  }
0x7a: {  	s6 =	simm.s32 $0x1080;
	[sflag:s31] =	ssyncadd.s32 $0xFFFFC000  }
0x7b: {  	[tilespmem:s25], [sflag:$0x3] =	stream.indirect.gather [hbm4b:s4+s23], $0x80, s6, s23, $0xb8;
	[tilespmem:$0x1F880] =	vst v63  }
0x7c: {  	_ =	swait.ge [sflag:s26], $0x4000  }
0x7d: {  	[sflag:s26] =	ssyncset.done $0x0  }
0x7e: {  	[sflag:s26] =	ssyncadd.s32 $0xFFFFC000  }
0x7f: {  	[spmem:s1] =	stream.indirect.scatter.add.f32 [tilespmem:s24], [sflag:$0x4], $0x80, s29, s23, $0xb8;
	[tilespmem:$0x1F880] =	vst v63  }
0x80: {  	_ =	swait.ge [sflag:s28], $0x4000  }
0x81: {  	[sflag:s28] =	ssyncset.done $0x0  }
0x82: {  	s8 =	simm.s32 $0x3080;
	[sflag:s28] =	ssyncadd.s32 $0xFFFFC000  }
0x83: {  	[spmem:s1] =	stream.indirect.scatter.add.f32 [tilespmem:s25], [sflag:$0x5], $0x80, s8, s23, $0xb8;
	[tilespmem:$0x1F880] =	vst v63  }
0x84: {  	_ =	swait.ge [sflag:s30], $0x4000  }
0x85: {  	[sflag:s30] =	ssyncset.done $0x0  }
0x86: {  	s9 =	simm.s32 $0x1100;
	[sflag:s30] =	ssyncadd.s32 $0xFFFFC000  }
0x87: {  	[tilespmem:s24], [sflag:$0x2] =	stream.indirect.gather [hbm4b:s4+s23], $0x80, s9, s23, $0xb8;
	[tilespmem:$0x1F880] =	vst v63  }
0x88: {  	_ = 	snop  }
0x89: {  	[tilespmem:s3], [sflag:$0x1] =	stream.linear.gather [hbm4b:s15+s3], $0xD00, $0x38;
	[tilespmem:$0x1F880] =	vst v63  }
0x8a: {  	s6 =	simm.s32 $0xFFFFD400  }
0x8b: {  	[tilespmem:s22], [sflag:$0x1] =	stream.linear.gather [hbm4b:s16+s3], $0xD00, $0x38;
	[tilespmem:$0x1F880] =	vst v63  }
.LBB2_7:
0x8c: {  	_ =	swait.ge [sflag:s31], $0x4000  }
0x8d: {  	s8 =	sshra.s32 s6, $0x2;
	[sflag:s31] =	ssyncset.done $0x0  }
0x8e: {  	s9 =	sadd.s32 $0x1C80, s8;
	[sflag:s31] =	ssyncadd.s32 $0xFFFFC000  }
0x8f: {  	[tilespmem:s25], [sflag:$0x3] =	stream.indirect.gather [hbm4b:s4+s23], $0x80, s9, s23, $0xb8;
	[tilespmem:$0x1F880] =	vst v63  }
0x90: {  	_ =	swait.ge [sflag:s26], $0x4000  }
0x91: {  	[sflag:s26] =	ssyncset.done $0x0  }
0x92: {  	s9 =	sadd.s32 $0x3C00, s8;
	[sflag:s26] =	ssyncadd.s32 $0xFFFFC000  }
0x93: {  	[spmem:s1] =	stream.indirect.scatter.add.f32 [tilespmem:s24], [sflag:$0x4], $0x80, s9, s23, $0xb8;
	[tilespmem:$0x1F880] =	vst v63  }
0x94: {  	_ =	swait.ge [sflag:s28], $0x4000  }
0x95: {  	p2 =	seq.s32 s6, $0x0;
	[sflag:s28] =	ssyncset.done $0x0  }
.Ltmp3:
0x96: {  	s9 =	sadd.s32 $0x3C80, s8;
	[sflag:s28] =	ssyncadd.s32 $0xFFFFC000;
	(pc) =	sbr.rel @p2 .LBB2_9-.Ltmp3, $4  }
0x97: {  	[spmem:s1] =	stream.indirect.scatter.add.f32 [tilespmem:s25], [sflag:$0x5], $0x80, s9, s23, $0xb8;
	[tilespmem:$0x1F880] =	vst v63  }
0x98: {  	_ =	swait.ge [sflag:s30], $0x4000  }
0x99: {  	[sflag:s30] =	ssyncset.done $0x0  }
0x9a: {  	[sflag:s30] =	ssyncadd.s32 $0xFFFFC000  }
.Ltmp4:
0x9b: {  	(pc) =	sbr.rel .LBB2_7-.Ltmp4, $3  }
0x9c: {  	_ =	sdelay $0x1  }
0x9d: {  	s8 =	sadd.s32 $0x1D00, s8;
	s6 =	sadd.s32 $0x400, s6  }
0x9e: {  	[tilespmem:s24], [sflag:$0x2] =	stream.indirect.gather [hbm4b:s4+s23], $0x80, s8, s23, $0xb8;
	[tilespmem:$0x1F880] =	vst v63  }
.LBB2_9:
0x9f: {  	_ =	swait.ge [sflag:s2], $0xD00  }
0xa0: {  	[sflag:s2] =	ssyncset.done $0x0  }
0xa1: {  	[sflag:s2] =	ssyncadd.s32 $0xFFFFF300  }
0xa2: {  	_ =	swait.ge [sflag:s2], $0xD00  }
0xa3: {  	[sflag:s2] =	ssyncset.done $0x0  }
0xa4: {  	s6 =	simm.s32 $0x0;
	[sflag:s2] =	ssyncadd.s32 $0xFFFFF300  }
0xa5: {  	[tilespmem:s24], [sflag:$0x2] =	stream.indirect.gather [hbm4b:s4+s23], $0x80, s6, s23, $0xb8;
	[tilespmem:$0x1F880] =	vst v63  }
0xa6: {  	_ =	swait.ge [sflag:s31], $0x4000  }
0xa7: {  	[sflag:s31] =	ssyncset.done $0x0  }
0xa8: {  	s9 =	simm.s32 $0x80;
	[sflag:s31] =	ssyncadd.s32 $0xFFFFC000  }
0xa9: {  	[tilespmem:s25], [sflag:$0x3] =	stream.indirect.gather [hbm4b:s4+s23], $0x80, s9, s23, $0xb8;
	[tilespmem:$0x1F880] =	vst v63  }
0xaa: {  	_ =	swait.ge [sflag:s26], $0x4000  }
0xab: {  	[sflag:s26] =	ssyncset.done $0x0  }
0xac: {  	s8 =	simm.s32 $0x2000;
	[sflag:s26] =	ssyncadd.s32 $0xFFFFC000  }
0xad: {  	[spmem:s1] =	stream.indirect.scatter.add.f32 [tilespmem:s24], [sflag:$0x4], $0x80, s8, s23, $0xb8;
	[tilespmem:$0x1F880] =	vst v63  }
0xae: {  	_ =	swait.ge [sflag:s28], $0x4000  }
0xaf: {  	[sflag:s28] =	ssyncset.done $0x0  }
0xb0: {  	s9 =	simm.s32 $0x2080;
	[sflag:s28] =	ssyncadd.s32 $0xFFFFC000  }
0xb1: {  	[spmem:s1] =	stream.indirect.scatter.add.f32 [tilespmem:s25], [sflag:$0x5], $0x80, s9, s23, $0xb8;
	[tilespmem:$0x1F880] =	vst v63  }
0xb2: {  	_ =	swait.ge [sflag:s30], $0x4000  }
0xb3: {  	[sflag:s30] =	ssyncset.done $0x0  }
0xb4: {  	s6 =	simm.s32 $0x400;
	s8 =	simm.s32 $0x100;
	[sflag:s30] =	ssyncadd.s32 $0xFFFFC000  }
.LBB2_10:
0xb5: {  	[tilespmem:s24], [sflag:$0x2] =	stream.indirect.gather [hbm4b:s4+s23], $0x80, s8, s23, $0xb8;
	[tilespmem:$0x1F880] =	vst v63  }
0xb6: {  	s8 =	smov.u32 s6  }
0xb7: {  	p2 =	sne.s32 s6, $0x2C00;
	s6 =	sadd.s32 $0x400, s6;
	_ =	swait.ge [sflag:s31], $0x4000  }
0xb8: {  	s8 =	sshra.s32 s8, $0x2;
	[sflag:s31] =	ssyncset.done $0x0  }
0xb9: {  	s9 =	sadd.s32 $0x80, s8;
	[sflag:s31] =	ssyncadd.s32 $0xFFFFC000  }
0xba: {  	[tilespmem:s25], [sflag:$0x3] =	stream.indirect.gather [hbm4b:s4+s23], $0x80, s9, s23, $0xb8;
	[tilespmem:$0x1F880] =	vst v63  }
0xbb: {  	_ =	swait.ge [sflag:s26], $0x4000  }
0xbc: {  	[sflag:s26] =	ssyncset.done $0x0  }
0xbd: {  	s9 =	sadd.s32 $0x2000, s8;
	[sflag:s26] =	ssyncadd.s32 $0xFFFFC000  }
0xbe: {  	[spmem:s1] =	stream.indirect.scatter.add.f32 [tilespmem:s24], [sflag:$0x4], $0x80, s9, s23, $0xb8;
	[tilespmem:$0x1F880] =	vst v63  }
0xbf: {  	_ =	swait.ge [sflag:s28], $0x4000  }
0xc0: {  	[sflag:s28] =	ssyncset.done $0x0  }
.Ltmp5:
0xc1: {  	s9 =	sadd.s32 $0x2080, s8;
	[sflag:s28] =	ssyncadd.s32 $0xFFFFC000;
	(pc) =	sbr.rel @p2 .LBB2_10-.Ltmp5, $4  }
0xc2: {  	[spmem:s1] =	stream.indirect.scatter.add.f32 [tilespmem:s25], [sflag:$0x5], $0x80, s9, s23, $0xb8;
	[tilespmem:$0x1F880] =	vst v63  }
0xc3: {  	_ =	swait.ge [sflag:s30], $0x4000  }
0xc4: {  	[sflag:s30] =	ssyncset.done $0x0  }
0xc5: {  	s8 =	sadd.s32 $0x100, s8;
	[sflag:s30] =	ssyncadd.s32 $0xFFFFC000  }
0xc6: {  	[tilespmem:s24], [sflag:$0x2] =	stream.indirect.gather [hbm4b:s4+s23], $0x80, s8, s23, $0xb8;
	[tilespmem:$0x1F880] =	vst v63  }
0xc7: {  	_ =	swait.ge [sflag:s31], $0x4000  }
0xc8: {  	[sflag:s31] =	ssyncset.done $0x0  }
0xc9: {  	s6 =	simm.s32 $0xC80;
	[sflag:s31] =	ssyncadd.s32 $0xFFFFC000  }
0xca: {  	[tilespmem:s25], [sflag:$0x3] =	stream.indirect.gather [hbm4b:s4+s23], $0x80, s6, s23, $0xb8;
	[tilespmem:$0x1F880] =	vst v63  }
0xcb: {  	_ =	swait.ge [sflag:s26], $0x4000  }
0xcc: {  	[sflag:s26] =	ssyncset.done $0x0  }
0xcd: {  	s8 =	simm.s32 $0x2C00;
	[sflag:s26] =	ssyncadd.s32 $0xFFFFC000  }
0xce: {  	[spmem:s1] =	stream.indirect.scatter.add.f32 [tilespmem:s24], [sflag:$0x4], $0x80, s8, s23, $0xb8;
	[tilespmem:$0x1F880] =	vst v63  }
0xcf: {  	_ =	swait.ge [sflag:s28], $0x4000  }
0xd0: {  	[sflag:s28] =	ssyncset.done $0x0  }
0xd1: {  	s9 =	simm.s32 $0x2C80;
	[sflag:s28] =	ssyncadd.s32 $0xFFFFC000  }
0xd2: {  	[spmem:s1] =	stream.indirect.scatter.add.f32 [tilespmem:s25], [sflag:$0x5], $0x80, s9, s23, $0xb8;
	[tilespmem:$0x1F880] =	vst v63  }
0xd3: {  	_ =	swait.ge [sflag:s30], $0x4000  }
0xd4: {  	[sflag:s30] =	ssyncset.done $0x0  }
0xd5: {  	[sflag:s30] =	ssyncadd.s32 $0xFFFFC000  }
0xd6: {  	_ =	swait.ge [sflag:s31], $0x4000  }
0xd7: {  	[sflag:s31] =	ssyncset.done $0x0  }
0xd8: {  	s6 =	simm.s32 @!p1 $0x0;
	s8 =	simm.s32 @!p1 $0x1000;
	[sflag:s31] =	ssyncadd.s32 $0xFFFFC000  }
0xd9: {  	[tilespmem:s8], [sflag:$0x6] =	stream.linear.gather @!p1 [hbm4b:s17+s6], $0x100, $0x38;
	[tilespmem:$0x1F880] =	vst v63  }
0xda: {  	s6 =	simm.s32 @!p1 $0x6  }
0xdb: {  	_ =	swait.ge @!p1 [sflag:s6], $0x100  }
0xdc: {  	[sflag:s6] =	ssyncset.done @!p1 $0x0  }
0xdd: {  	s9 =	simm.s32 @!p1 $0x4000;
	[sflag:s6] =	ssyncadd.s32 @!p1 $0xFFFFFF00;
	s6 =	simm.s32 @!p1 $0x80  }
0xde: {  	[tilespmem:s9], [sflag:$0x2] =	stream.indirect.gather @!p1 [hbm4b:s4+s6], $0x80, s8, s6, $0xb8;
	[tilespmem:$0x1F880] =	vst v63  }
0xdf: {  	s8 =	simm.s32 @!p1 $0x2  }
0xe0: {  	_ =	swait.ge @!p1 [sflag:s8], $0x4000  }
0xe1: {  	[sflag:s8] =	ssyncset.done @!p1 $0x0  }
0xe2: {  	[sflag:s8] =	ssyncadd.s32 @!p1 $0xFFFFC000;
	s8 =	simm.s32 @!p1 $0x1080  }
0xe3: {  	[spmem:s1] =	stream.indirect.scatter.add.f32 @!p1 [tilespmem:s9], [sflag:$0x4], $0x80, s8, s6, $0xb8;
	[tilespmem:$0x1F880] =	vst v63  }
0xe4: {  	s6 =	simm.s32 @!p1 $0x4  }
0xe5: {  	_ =	swait.ge @!p1 [sflag:s6], $0x4000  }
0xe6: {  	s8 =	stileid.u32;
	[sflag:s6] =	ssyncset.done @!p1 $0x0  }
0xe7: {  	[sflag:s6] =	ssyncadd.s32 @!p1 $0xFFFFC000;
	s6 =	sshll.u32 s8, $0x6  }
0xe8: {  	s9 =	sshrl.u32 s7, $0x3;
	[bflag:$0x0] =	sbarrier.arrive $0xFFFF;
	s6 =	sor.u32 $0x1C06, s6  }
0xe9: {  	[hbm:s18], [sflag:s6] =	dma.local [spmem:s9], $0x2700  }
0xea: {  	_ =	swait.ge [sflag:s21], $0x2700  }
0xeb: {  	s5 =	sadd.s32 $0x1, s5;
	[sflag:s21] =	ssyncset.done $0x0  }
0xec: {  	p2 =	sne.s32 s5, s20;
	s8 =	sshrl.u32 @!p0 s12, $0x3;
	[sflag:s21] =	ssyncadd.s32 $0xFFFFD900  }
0xed: {  	[hbm:s19], [sflag:s6] =	dma.local @!p0 [spmem:s8], $0x100  }
.Ltmp6:
0xee: {  	_ = 	snop;
	(pc) =	sbr.rel @p2 .LBB2_1-.Ltmp6, $4  }
0xef: {  	s6 =	simm.s32 @!p0 $0x6  }
0xf0: {  	_ =	swait.ge @!p0 [sflag:s6], $0x100  }
0xf1: {  	[sflag:s6] =	ssyncset.done @!p0 $0x0  }
0xf2: {  	[sflag:s6] =	ssyncadd.s32 @!p0 $0xFFFFFF00  }
0xf3: {  	_ =	sfence.sel $0x180000  }
0xf4: {  	[bflag:$0x0] =	sbarrier.arrive $0xFFFF  }
0xf5: {  	_ =	strace $0x9000004D  }
0xf6: {  	s0 =	stileid.u32;
	[bflag:$0x2] =	sbarrier.arrive $0xFFFF  }
0xf7: {  	p0 =	sne.s32 s0, $0x0;
	s0 =	rddreg [dreg:$0x3]  }
0xf8: {  	s0 =	sadd.s32 @!p0 $0x100000, s0  }
0xf9: {  	[sflag:s0] =	ssyncadd.tile.s32 @!p0 $0x1;
	_ =	shalt  }
.Lfunc_end2:
_tile_overlayer_lowered:
.L_overlay_start_2:
0xfa: {  	(tag) =	ssettag $0x2  }
0xfb: {  	s0 =	rddreg [dreg:$0x0];
	s2 =	stileid.u32  }
0xfc: {  	s1 =	rddreg [dreg:$0x1];
	p0 =	sne.s32 s2, $0x0  }
0xfd: {  	s3 =	rddreg [dreg:$0x2];
	[bflag:$0x3] =	sbarrier.arrive $0xFFFF;
	s2 =	simm.s32 @!p0 $0x1C06  }
0xfe: {  	[timem:s3], [sflag:s2] =	dma.local @!p0 [hbm:s0], s1  }
0xff: {  	s0 =	simm.s32 @!p0 $0x6  }
0x100: {  	_ =	swait.ge @!p0 [sflag:s0], s1  }
0x101: {  	s1 =	ssub.s32 @!p0 $0x0, s1;
	[sflag:s0] =	ssyncset.done @!p0 $0x0  }
0x102: {  	[sflag:s0] =	ssyncadd.s32 @!p0 s1  }
0x103: {  	[bflag:$0x3] =	sbarrier.arrive $0xFFFF  }
0x104: {  	_ =	shalt  }

// kernel: kernel.8.cloned.1.call-start
scs
__scs_entry_jumppad:
0x0: {  	(pc) =	sbr.rel $0x88, $3  }
0x1: {  	(tag) =	ssettag $0x0;
	lr =	simm.s32 $0x1  }
0x2: {  	[smem:$0x3F92] =	sst lr;
	_ =	strace $0xD0000000  }
0x3: {  	_ = 	snop  }
0x4: {  	_ = 	snop  }
0x5: {  	_ = 	snop  }
0x6: {  	_ = 	snop  }
0x7: {  	_ = 	snop  }
__scs_overlays_trampoline_lowered:
0x8: {  	[smem:$0x3FA1] =	sst s0  }
0x9: {  	[smem:$0x3FA2] =	sst s1  }
0xa: {  	[smem:$0x3FA3] =	sst s2  }
0xb: {  	[smem:$0x3FA4] =	sst s3  }
0xc: {  	[smem:$0x3FA5] =	sst s4  }
0xd: {  	[smem:$0x3FA6] =	sst s5  }
0xe: {  	[smem:$0x3FA7] =	sst s6  }
0xf: {  	[smem:$0x3FA8] =	sst s7  }
0x10: {  	[smem:$0x3FA9] =	sst s8  }
0x11: {  	[smem:$0x3FAA] =	sst s9;
	s0 =	simm.s32 @!p0 $0x0  }
0x12: {  	s1 =	sld [smem:$0x3F90];
	s0 =	simm.s32 @p0 $0x1  }
0x13: {  	[smem:$0x3FAB] =	sst s0;
	s0 =	simm.s32 @!p1 $0x0  }
0x14: {  	s2 =	sld [smem:$0x3F8F];
	s0 =	simm.s32 @p1 $0x1  }
0x15: {  	[smem:$0x3FAC] =	sst s0;
	s0 =	simm.s32 @!p2 $0x0  }
0x16: {  	s3 =	sld [smem:$0x3FDB];
	s0 =	simm.s32 @p2 $0x1  }
0x17: {  	s4 =	simm.s32 $0x1BF5;
	[smem:$0x3FAE] =	sst s0  }
0x18: {  	s0 =	sld [smem:$0x3F91];
	_ =	swait.ge [sflag:s4], $0x0  }
0x19: {  	s7 =	sld [smem:$0x3F92]  }
0x1a: {  	s8 =	sadd.s32 $0xFFFFE003, lr  }
0x1b: {  	s9 =	sadd.s32 $0xFFFFFEF7, lr;
	s5 =	simm.s32 $0xFFFFFFFF;
	p2 =	slt.u32 s8, $0xFFFFF086  }
0x1c: {  	p1 =	slt.u32 s9, $0xF7A;
	s5 =	simm.s32 @!p2 $0x0  }
0x1d: {  	s5 =	simm.s32 @p1 $0x1;
	p0 =	seq.s32 s7, s2  }
0x1e: {  	s7 =	smul.u32 @!p0 $0xF7A, s2;
	p2 =	seq.s32 @!p0 s5, $0x0  }
0x1f: {  	s9 =	smul.u32 $0xF7A, s1;
	s8 =	simm.s32 @!p0 $0x1BF5;
	p2 =	por !p2, p0  }
0x20: {  	[sflag:s8] =	ssyncset.s32 @!p0 $0xFFFFF086;
	s6 =	sadd.s32 @!p0 s3, s7;
	s7 =	simm.s32 @!p0 $0x108  }
0x21: {  	s3 =	sadd.s32 s3, s9;
	s6 =	sadd.s32 @!p0 $0x88, s6;
	s7 =	simm.s32 @p2 $0x1082  }
0x22: {  	[simem:s7], [sflag:s8] =	dma.local @!p0 [hbm:s6], $0xF7A  }
0x23: {  	s9 =	sor.u32 $0xD0000000, s2;
	s6 =	simm.s32 $0x108;
	_ =	swait.ge @!p0 [sflag:s8], $0x0  }
0x24: {  	s3 =	sadd.s32 $0x88, s3;
	s6 =	simm.s32 @!p1 $0x1082;
	[sflag:s4] =	ssyncset.s32 $0xFFFFF086  }
0x25: {  	[simem:s6], [sflag:s4] =	dma.local [hbm:s3], $0xF7A  }
0x26: {  	[smem:$0x3F92] =	sst s1;
	(tag) =	ssettag s2;
	_ =	strace s9  }
0x27: {  	s1 =	sld [smem:$0x3FA2]  }
0x28: {  	s2 =	sld [smem:$0x3FA3]  }
0x29: {  	s4 =	sld [smem:$0x3FA5]  }
0x2a: {  	p0 =	seq.s32 s5, $0x0;
	s5 =	sld [smem:$0x3FA6]  }
0x2b: {  	s6 =	sld [smem:$0x3FA7]  }
0x2c: {  	s7 =	sld [smem:$0x3FA8]  }
0x2d: {  	s3 =	simm.s32 $0x108;
	s8 =	sld [smem:$0x3FA9]  }
0x2e: {  	s3 =	simm.s32 @!p0 $0x1082;
	s9 =	sld [smem:$0x3FAA]  }
0x2f: {  	lr =	sadd.s32 s0, s3;
	s0 =	sld [smem:$0x3FA1]  }
0x30: {  	s3 =	sld [smem:$0x3FA4]  }
0x31: {  	[smem:$0x3FAD] =	sst s10  }
0x32: {  	s10 =	sld [smem:$0x3FAB];
	_ =	sdelay $0x3  }
0x33: {  	p0 =	seq.s32 s10, $0x1;
	s10 =	sld [smem:$0x3FAD];
	_ =	sdelay $0x3  }
0x34: {  	[smem:$0x3FAD] =	sst s10  }
0x35: {  	s10 =	sld [smem:$0x3FAC];
	_ =	sdelay $0x3  }
0x36: {  	p1 =	seq.s32 s10, $0x1;
	s10 =	sld [smem:$0x3FAD];
	_ =	sdelay $0x3  }
0x37: {  	[smem:$0x3FAD] =	sst s10  }
0x38: {  	s10 =	sld [smem:$0x3FAE]  }
0x39: {  	_ = 	snop;
	(pc) =	sbr.ind lr, $3  }
0x3a: {  	_ = 	snop  }
0x3b: {  	_ = 	snop  }
0x3c: {  	p2 =	seq.s32 s10, $0x1;
	s10 =	sld [smem:$0x3FAD]  }
0x3d: {  	_ =	shalt  }
0x3e: {  	_ =	shalt  }
0x3f: {  	_ =	shalt  }
0x40: {  	_ =	shalt  }
0x41: {  	_ =	shalt  }
0x42: {  	_ =	shalt  }
0x43: {  	_ =	shalt  }
0x44: {  	_ =	shalt  }
0x45: {  	_ =	shalt  }
0x46: {  	_ =	shalt  }
0x47: {  	_ =	shalt  }
0x48: {  	_ =	shalt  }
0x49: {  	_ =	shalt  }
0x4a: {  	_ =	shalt  }
0x4b: {  	_ =	shalt  }
0x4c: {  	_ =	shalt  }
0x4d: {  	_ =	shalt  }
0x4e: {  	_ =	shalt  }
0x4f: {  	_ =	shalt  }
0x50: {  	_ =	shalt  }
0x51: {  	_ =	shalt  }
0x52: {  	_ =	shalt  }
0x53: {  	_ =	shalt  }
0x54: {  	_ =	shalt  }
0x55: {  	_ =	shalt  }
0x56: {  	_ =	shalt  }
0x57: {  	_ =	shalt  }
0x58: {  	_ =	shalt  }
0x59: {  	_ =	shalt  }
0x5a: {  	_ =	shalt  }
0x5b: {  	_ =	shalt  }
0x5c: {  	_ =	shalt  }
0x5d: {  	_ =	shalt  }
0x5e: {  	_ =	shalt  }
0x5f: {  	_ =	shalt  }
0x60: {  	_ =	shalt  }
0x61: {  	_ =	shalt  }
0x62: {  	_ =	shalt  }
0x63: {  	_ =	shalt  }
0x64: {  	_ =	shalt  }
0x65: {  	_ =	shalt  }
0x66: {  	_ =	shalt  }
0x67: {  	_ =	shalt  }
0x68: {  	_ =	shalt  }
0x69: {  	_ =	shalt  }
0x6a: {  	_ =	shalt  }
0x6b: {  	_ =	shalt  }
0x6c: {  	_ =	shalt  }
0x6d: {  	_ =	shalt  }
0x6e: {  	_ =	shalt  }
0x6f: {  	_ =	shalt  }
0x70: {  	_ =	shalt  }
0x71: {  	_ =	shalt  }
0x72: {  	_ =	shalt  }
0x73: {  	_ =	shalt  }
0x74: {  	_ =	shalt  }
0x75: {  	_ =	shalt  }
0x76: {  	_ =	shalt  }
0x77: {  	_ =	shalt  }
0x78: {  	_ =	shalt  }
0x79: {  	_ =	shalt  }
0x7a: {  	_ =	shalt  }
0x7b: {  	_ =	shalt  }
0x7c: {  	_ =	shalt  }
0x7d: {  	_ =	shalt  }
0x7e: {  	_ =	shalt  }
0x7f: {  	_ =	shalt  }
0x80: {  	_ =	shalt  }
0x81: {  	_ =	shalt  }
0x82: {  	_ =	shalt  }
0x83: {  	_ =	shalt  }
0x84: {  	_ =	shalt  }
0x85: {  	_ =	shalt  }
0x86: {  	_ =	shalt  }
0x87: {  	_ =	shalt  }
.Lfunc_end0:
.L_simem_size_0:
called_computation_lowered:
.L_overlay_start_0:
0x88: {  	s2 =	sld [smem:$0x3FD9]  }
0x89: {  	s3 =	sld [smem:$0x3FFE];
	_ =	sdelay $0x1  }
0x8a: {  	s1 =	srdreg.scid  }
0x8b: {  	s0 =	sand.u32 $0x1, s1  }
0x8c: {  	s17 =	sshll.u32 s0, $0xA;
	s2 =	sadd.s32 s3, s2  }
0x8d: {  	s2 =	sadd.s32 s2, s17  }
0x8e: {  	[smem:$0x3FB9] =	sst s2  }
0x8f: {  	_ = 	snop  }
0x90: {  	s2 =	sld [smem:$0x3FC9]  }
0x91: {  	s18 =	sld [smem:$0x3FD0];
	(tm) =	ssettm $0x1  }
0x92: {  	s4 =	sld [smem:$0x3FFB];
	_ =	sdelay $0x3  }
0x93: {  	_ =	strace s4  }
0x94: {  	s4 =	sld [smem:$0x3FFC];
	_ =	sdelay $0x3  }
0x95: {  	_ =	strace s4  }
0x96: {  	s4 =	sld [smem:$0x3FFD];
	_ =	sdelay $0x3  }
0x97: {  	_ =	strace s4  }
0x98: {  	_ =	strace $0x8FFFFFFF  }
0x99: {  	s19 =	sld [smem:$0x3FDB];
	_ =	sdelay $0x1  }
0x9a: {  	s5 =	simm.s32 $_scs_section_size  }
0x9b: {  	s6 =	simm.s32 $_size__tile_overlayer_lowered;
	s7 =	simm.s32 $_tile_overlayer_lowered  }
0x9c: {  	s22 =	simm.s32 $0x1BFF;
	s21 =	sshll.u32 s7, $0x1;
	s4 =	sadd.s32 s5, s19  }
0x9d: {  	s8 =	simm.s32 $0x0;
	s20 =	sshll.u32 s6, $0x1;
	s6 =	sadd.s32 s21, s4  }
0x9e: {  	[timem:s8], [sflag:s22] =	dma.local [hbm:s6], s20  }
0x9f: {  	_ =	swait.ge [sflag:s22], s20  }
0xa0: {  	s5 =	ssub.s32 $0x0, s20;
	[sflag:s22] =	ssyncset.done $0x0  }
0xa1: {  	[sflag:s22] =	ssyncadd.s32 s5;
	_ =	sdelay $0x1  }
0xa2: {  	s23 =	simm.s32 $0x1B8B  }
0xa3: {  	_ =	swait.ge [sflag:s23], $0x1  }
0xa4: {  	[sflag:s23] =	ssyncset.done $0x0  }
0xa5: {  	s25 =	simm.s32 $0x1B8E;
	s24 =	sld [smem:$0x3FFE];
	[sflag:s23] =	ssyncadd.s32 $0xFFFFFFFF  }
0xa6: {  	s26 =	simm.s32 $execute0_lowered;
	[smem:$0x3FD2] =	sst s25  }
0xa7: {  	s6 =	sshll.u32 s26, $0x1;
	_ =	strace $0x80000046;
	[dreg:$0x1] =	wrdreg $0xFFFFFFFF  }
0xa8: {  	s28 =	simm.s32 $_size_execute0_lowered;
	s4 =	sadd.s32 s4, s6;
	[dreg:$0x0] =	wrdreg $0x0  }
0xa9: {  	s6 =	sshll.u32 s28, $0x1;
	[dreg:$0x2] =	wrdreg s4  }
0xaa: {  	[dreg:$0x3] =	wrdreg s6  }
0xab: {  	[dreg:$0x4] =	wrdreg $0xC0  }
0xac: {  	_ =	task [dreg:s8], $0x5FFFF  }
0xad: {  	[dreg:$0x1] =	wrdreg $0xFFFFFFFF  }
0xae: {  	[dreg:$0x0] =	wrdreg $0x60  }
0xaf: {  	[dreg:$0x2] =	wrdreg s2  }
0xb0: {  	[dreg:$0x3] =	wrdreg s24  }
0xb1: {  	[dreg:$0x4] =	wrdreg s18  }
0xb2: {  	[dreg:$0x5] =	wrdreg $0xC0000  }
0xb3: {  	[dreg:$0x6] =	wrdreg $0x9  }
0xb4: {  	_ =	task.clear_ibuf [dreg:s8], $0x7FFFF;
	_ =	strace $0x90000046  }
0xb5: {  	s29 =	simm.s32 $0x9;
	_ =	strace $0x80000048  }
0xb6: {  	_ =	swait.ge [sflag:s29], $0x1  }
0xb7: {  	[sflag:s29] =	ssyncadd.s32 $0xFFFFFFFF  }
0xb8: {  	_ =	strace $0x90000048  }
0xb9: {  	_ =	sfence  }
0xba: {  	s30 =	sld [smem:$0x0];
	_ =	sdelay $0x2  }
0xbb: {  	s31 =	sshll.u32 s1, $0xD;
	s1 =	sshrl.u32 s1, $0x2  }
0xbc: {  	s3 =	sand.u32 $0x4000, s31;
	s1 =	sadd.s32 s1, s30  }
0xbd: {  	s0 =	sor.u32 s3, s0;
	s1 =	sshll.u32 s1, $0x11  }
0xbe: {  	s0 =	sor.u32 s1, s0  }
0xbf: {  	s0 =	sadd.s32 $0x8F2B, s0  }
0xc0: {  	[sflag:s0] =	ssyncadd.remote.s32 $0x1  }
0xc1: {  	_ =	sfence.sel $0xFFFF  }
0xc2: {  	[dreg:$0x0] =	wrdreg $0xFFFFFFFF;
	(pc) =	sbr.abs _section_cstart, $3  }
0xc3: {  	[dreg:$0x1] =	wrdreg $0xFFFFFFFF  }
0xc4: {  	_ =	task.clear_ibuf [dreg:s8], $0x2FFFF;
	_ =	strace $0x9FFFFFFF  }
0xc5: {  	(tm) =	ssettm $0x7FFFFFFF  }
tec
execute0_lowered:
.L_overlay_start_1:
0x0: {  	(tag) =	ssettag $0x1  }
0x1: {  	s1 =	rddreg [dreg:$0x0]  }
0x2: {  	s0 =	rddreg [dreg:$0x1]  }
0x3: {  	s3 =	rddreg [dreg:$0x2]  }
0x4: {  	s2 =	rddreg [dreg:$0x3]  }
0x5: {  	s4 =	srdreg.scid;
	s25 =	stileid.u32  }
0x6: {  	s28 =	simm.s32 $0x3;
	s30 =	simm.s32 $0x4;
	s29 =	simm.s32 $0x3000  }
0x7: {  	s31 =	simm.s32 $0x5;
	s5 =	sand.u32 $0x1, s4;
	s4 =	simm.s32 $0x0  }
0x8: {  	s8 =	sadd.s32 $0xEC00, s0;
	s10 =	smul.u32 $0x4E000, s25;
	s16 =	sadd.s32 $0x2C00, s0  }
0x9: {  	s0 =	sadd.s32 $0x1AC00, s0;
	s12 =	sadd.s32 $0x138000, s2;
	s26 =	sshll.u32 s25, $0x5  }
0xa: {  	p0 =	sne.s32 s25, $0xF;
	s6 =	sshll.u32 s5, $0x4;
	[smem:$0x7FF] =	sst s4  }
0xb: {  	s9 =	ssub.s32 $0x2, s5;
	s5 =	smul.u32 $0x138800, s5;
	s6 =	sor.u32 s25, s6  }
0xc: {  	_ =	strace $0x80000047;
	s11 =	sshrl.u32 s9, $0x1;
	s7 =	smul.u32 $0x3000, s6  }
0xd: {  	s18 =	sshrl.u32 s10, $0x2;
	s20 =	ssub.s32 s9, s11;
	p1 =	sgt.u32 s6, $0x3  }
0xe: {  	s20 =	smax.u32 s20, $0x1;
	s13 =	sshrl.u32 s7, $0x3;
	s7 =	sadd.s32 s18, s2  }
0xf: {  	s18 =	smul.u32 $0x13800, s25;
	s25 =	simm.s32 $0x8000;
	s19 =	sadd.s32 s8, s13  }
0x10: {  	s21 =	sadd.s32 s16, s13;
	s22 =	sadd.s32 $0x4000, s7;
	[dreg:$0x5] =	wrdreg s19  }
0x11: {  	s23 =	sadd.s32 $0x8000, s7;
	s10 =	sadd.s32 $0xC000, s7;
	[dreg:$0x6] =	wrdreg s21  }
0x12: {  	s11 =	sadd.s32 $0x10000, s7;
	s14 =	sadd.s32 $0x200, s13;
	[dreg:$0x7] =	wrdreg s22  }
0x13: {  	s17 =	sadd.s32 $0x400, s13;
	[dreg:$0x8] =	wrdreg s23;
	s13 =	sadd.s32 s8, s14  }
0x14: {  	s14 =	sadd.s32 s16, s14;
	s15 =	sadd.s32 s8, s17;
	s16 =	sadd.s32 s16, s17  }
0x15: {  	s24 =	sadd.s32 s18, s5;
	s5 =	sshrl.u32 s5, $0x3;
	s17 =	sadd.s32 s3, s26  }
0x16: {  	s21 =	simm.s32 $0x6;
	s22 =	simm.s32 $0x2000;
	s23 =	simm.s32 $0x80  }
0x17: {  	s26 =	simm.s32 $0x2;
	s3 =	simm.s32 $0x1;
	s8 =	sshrl.u32 s24, $0x3  }
0x18: {  	s5 =	sadd.s32 s0, s5;
	s24 =	simm.s32 $0x4000;
	s18 =	sadd.s32 s0, s8  }
0x19: {  	v0 =	vimm.f32 $0.0e+00;
	s19 =	sadd.s32 $0x27000, s5;
	s0 =	simm.s32 $0x1000;
	s5 =	simm.s32 $0x0  }
.LBB2_1:
0x1a: {  	s6 =	rddreg [dreg:$0x5]  }
0x1b: {  	[tilespmem:s4], [sflag:$0x6] =	stream.linear.gather [hbm4b:s6+s4], $0xD00, $0x38;
	[tilespmem:$0x1F880] =	vst v63  }
0x1c: {  	_ =	swait.ge [sflag:s21], $0xD00  }
0x1d: {  	[sflag:s21] =	ssyncset.done $0x0  }
0x1e: {  	s9 =	rddreg [dreg:$0x6];
	[sflag:s21] =	ssyncadd.s32 $0xFFFFF300  }
0x1f: {  	[tilespmem:s22], [sflag:$0x6] =	stream.linear.gather [hbm4b:s9+s4], $0xD00, $0x38;
	[tilespmem:$0x1F880] =	vst v63  }
0x20: {  	_ =	swait.ge [sflag:s21], $0xD00  }
0x21: {  	[sflag:s21] =	ssyncset.done $0x0  }
0x22: {  	s8 =	simm.s32 $0x200;
	s6 =	simm.s32 $0x0;
	[sflag:s21] =	ssyncadd.s32 $0xFFFFF300  }
0x23: {  	[tilespmem:s24], [sflag:$0x2] =	stream.indirect.gather [hbm4b:s1+s23], $0x80, s4, s23, $0xb8;
	[tilespmem:$0x1F880] =	vst v63  }
.LBB2_2:
0x24: {  	p2 =	sne.s32 s8, $0xFE00;
	[tilespmem:s6+$0x8070] =	vst v0  }
0x25: {  	[tilespmem:s6+$0x8000] =	vst v0  }
0x26: {  	[tilespmem:s6+$0x8010] =	vst v0  }
.Ltmp0:
0x27: {  	[tilespmem:s6+$0x8020] =	vst v0;
	(pc) =	sbr.rel @p2 .LBB2_2-.Ltmp0, $4  }
0x28: {  	[tilespmem:s6+$0x8030] =	vst v0  }
0x29: {  	[tilespmem:s6+$0x8040] =	vst v0  }
0x2a: {  	[tilespmem:s6+$0x8050] =	vst v0  }
0x2b: {  	[tilespmem:s6+$0x8060] =	vst v0;
	s6 =	sshra.s32 s8, $0x2;
	s8 =	sadd.s32 $0x200, s8  }
0x2c: {  	[tilespmem:s6+$0x8070] =	vst v0  }
0x2d: {  	[tilespmem:s6+$0x8000] =	vst v0  }
0x2e: {  	[tilespmem:s6+$0x8010] =	vst v0  }
0x2f: {  	[tilespmem:s6+$0x8020] =	vst v0  }
0x30: {  	[tilespmem:s6+$0x8030] =	vst v0  }
0x31: {  	[tilespmem:s6+$0x8040] =	vst v0  }
0x32: {  	[tilespmem:s6+$0x8050] =	vst v0  }
0x33: {  	[tilespmem:s6+$0x8060] =	vst v0  }
0x34: {  	[spmem:s7] =	stream.linear.scatter [tilespmem:s25], [sflag:$0x6], $0x4000, $0x38;
	[tilespmem:$0x1F880] =	vst v63  }
0x35: {  	_ =	swait.ge [sflag:s21], $0x4000  }
0x36: {  	[sflag:s21] =	ssyncset.done $0x0  }
0x37: {  	s8 =	rddreg [dreg:$0x7];
	[sflag:s21] =	ssyncadd.s32 $0xFFFFC000  }
0x38: {  	[spmem:s8] =	stream.linear.scatter [tilespmem:s25], [sflag:$0x6], $0x4000, $0x38;
	[tilespmem:$0x1F880] =	vst v63  }
0x39: {  	_ =	swait.ge [sflag:s21], $0x4000  }
0x3a: {  	[sflag:s21] =	ssyncset.done $0x0  }
0x3b: {  	s9 =	rddreg [dreg:$0x8];
	[sflag:s21] =	ssyncadd.s32 $0xFFFFC000  }
0x3c: {  	[spmem:s9] =	stream.linear.scatter [tilespmem:s25], [sflag:$0x6], $0x4000, $0x38;
	[tilespmem:$0x1F880] =	vst v63  }
0x3d: {  	_ =	swait.ge [sflag:s21], $0x4000  }
0x3e: {  	[sflag:s21] =	ssyncset.done $0x0  }
0x3f: {  	[sflag:s21] =	ssyncadd.s32 $0xFFFFC000  }
0x40: {  	[spmem:s10] =	stream.linear.scatter [tilespmem:s25], [sflag:$0x6], $0x4000, $0x38;
	[tilespmem:$0x1F880] =	vst v63  }
0x41: {  	_ =	swait.ge [sflag:s21], $0x4000  }
0x42: {  	[sflag:s21] =	ssyncset.done $0x0  }
0x43: {  	[sflag:s21] =	ssyncadd.s32 $0xFFFFC000  }
0x44: {  	[spmem:s11] =	stream.linear.scatter [tilespmem:s25], [sflag:$0x6], $0x3800, $0x38;
	[tilespmem:$0x1F880] =	vst v63  }
0x45: {  	_ =	swait.ge [sflag:s21], $0x3800  }
0x46: {  	[sflag:s21] =	ssyncset.done $0x0  }
0x47: {  	s6 =	simm.s32 @!p0 $0x8000;
	[sflag:s21] =	ssyncadd.s32 $0xFFFFC800  }
0x48: {  	[spmem:s12] =	stream.linear.scatter @!p0 [tilespmem:s6], [sflag:$0x6], $0x800, $0x38;
	[tilespmem:$0x1F880] =	vst v63  }
0x49: {  	s6 =	simm.s32 @!p0 $0x6  }
0x4a: {  	_ =	swait.ge @!p0 [sflag:s6], $0x800  }
0x4b: {  	[sflag:s6] =	ssyncset.done @!p0 $0x0  }
0x4c: {  	[sflag:s6] =	ssyncadd.s32 @!p0 $0xFFFFF800  }
0x4d: {  	[bflag:$0x0] =	sbarrier.arrive $0xFFFF  }
0x4e: {  	[tilespmem:s25], [sflag:$0x3] =	stream.indirect.gather [hbm4b:s1+s23], $0x80, s23, s23, $0xb8;
	[tilespmem:$0x1F880] =	vst v63  }
0x4f: {  	_ =	swait.ge [sflag:s26], $0x4000  }
0x50: {  	[sflag:s26] =	ssyncset.done $0x0  }
0x51: {  	[sflag:s26] =	ssyncadd.s32 $0xFFFFC000  }
0x52: {  	[spmem:s2] =	stream.indirect.scatter.add.f32 [tilespmem:s24], [sflag:$0x4], $0x80, s22, s23, $0xb8;
	[tilespmem:$0x1F880] =	vst v63  }
0x53: {  	_ =	swait.ge [sflag:s28], $0x4000  }
0x54: {  	[sflag:s28] =	ssyncset.done $0x0  }
0x55: {  	s8 =	simm.s32 $0x2080;
	[sflag:s28] =	ssyncadd.s32 $0xFFFFC000  }
0x56: {  	[spmem:s2] =	stream.indirect.scatter.add.f32 [tilespmem:s25], [sflag:$0x5], $0x80, s8, s23, $0xb8;
	[tilespmem:$0x1F880] =	vst v63  }
0x57: {  	_ =	swait.ge [sflag:s30], $0x4000  }
0x58: {  	[sflag:s30] =	ssyncset.done $0x0  }
0x59: {  	s9 =	simm.s32 $0x100;
	[sflag:s30] =	ssyncadd.s32 $0xFFFFC000  }
0x5a: {  	[tilespmem:s24], [sflag:$0x2] =	stream.indirect.gather [hbm4b:s1+s23], $0x80, s9, s23, $0xb8;
	[tilespmem:$0x1F880] =	vst v63  }
0x5b: {  	_ = 	snop  }
0x5c: {  	[tilespmem:s0], [sflag:$0x1] =	stream.linear.gather [hbm4b:s13+s4], $0xD00, $0x38;
	[tilespmem:$0x1F880] =	vst v63  }
0x5d: {  	s6 =	simm.s32 $0xFFFFD400  }
0x5e: {  	[tilespmem:s29], [sflag:$0x1] =	stream.linear.gather [hbm4b:s14+s4], $0xD00, $0x38;
	[tilespmem:$0x1F880] =	vst v63  }
.LBB2_4:
0x5f: {  	_ =	swait.ge [sflag:s31], $0x4000  }
0x60: {  	s8 =	sshra.s32 s6, $0x2;
	[sflag:s31] =	ssyncset.done $0x0  }
0x61: {  	s9 =	sadd.s32 $0xC80, s8;
	[sflag:s31] =	ssyncadd.s32 $0xFFFFC000  }
0x62: {  	[tilespmem:s25], [sflag:$0x3] =	stream.indirect.gather [hbm4b:s1+s23], $0x80, s9, s23, $0xb8;
	[tilespmem:$0x1F880] =	vst v63  }
0x63: {  	_ =	swait.ge [sflag:s26], $0x4000  }
0x64: {  	[sflag:s26] =	ssyncset.done $0x0  }
0x65: {  	s9 =	sadd.s32 $0x2C00, s8;
	[sflag:s26] =	ssyncadd.s32 $0xFFFFC000  }
0x66: {  	[spmem:s2] =	stream.indirect.scatter.add.f32 [tilespmem:s24], [sflag:$0x4], $0x80, s9, s23, $0xb8;
	[tilespmem:$0x1F880] =	vst v63  }
0x67: {  	_ =	swait.ge [sflag:s28], $0x4000  }
0x68: {  	p2 =	seq.s32 s6, $0x0;
	[sflag:s28] =	ssyncset.done $0x0  }
.Ltmp1:
0x69: {  	s9 =	sadd.s32 $0x2C80, s8;
	[sflag:s28] =	ssyncadd.s32 $0xFFFFC000;
	(pc) =	sbr.rel @p2 .LBB2_6-.Ltmp1, $4  }
0x6a: {  	[spmem:s2] =	stream.indirect.scatter.add.f32 [tilespmem:s25], [sflag:$0x5], $0x80, s9, s23, $0xb8;
	[tilespmem:$0x1F880] =	vst v63  }
0x6b: {  	_ =	swait.ge [sflag:s30], $0x4000  }
0x6c: {  	[sflag:s30] =	ssyncset.done $0x0  }
0x6d: {  	[sflag:s30] =	ssyncadd.s32 $0xFFFFC000  }
.Ltmp2:
0x6e: {  	(pc) =	sbr.rel .LBB2_4-.Ltmp2, $3  }
0x6f: {  	_ =	sdelay $0x1  }
0x70: {  	s8 =	sadd.s32 $0xD00, s8;
	s6 =	sadd.s32 $0x400, s6  }
0x71: {  	[tilespmem:s24], [sflag:$0x2] =	stream.indirect.gather [hbm4b:s1+s23], $0x80, s8, s23, $0xb8;
	[tilespmem:$0x1F880] =	vst v63  }
.LBB2_6:
0x72: {  	_ =	swait.ge [sflag:s3], $0xD00  }
0x73: {  	[sflag:s3] =	ssyncset.done $0x0  }
0x74: {  	[sflag:s3] =	ssyncadd.s32 $0xFFFFF300  }
0x75: {  	_ =	swait.ge [sflag:s3], $0xD00  }
0x76: {  	[sflag:s3] =	ssyncset.done $0x0  }
0x77: {  	[sflag:s3] =	ssyncadd.s32 $0xFFFFF300  }
0x78: {  	[tilespmem:s24], [sflag:$0x2] =	stream.indirect.gather [hbm4b:s1+s23], $0x80, s0, s23, $0xb8;
	[tilespmem:$0x1F880] =	vst v63  }
0x79: {  	_ =	swait.ge [sflag:s31], $0x4000  }
0x7a: {  	[sflag:s31] =	ssyncset.done $0x0  }
0x7b: {  	s6 =	simm.s32 $0x1080;
	[sflag:s31] =	ssyncadd.s32 $0xFFFFC000  }
0x7c: {  	[tilespmem:s25], [sflag:$0x3] =	stream.indirect.gather [hbm4b:s1+s23], $0x80, s6, s23, $0xb8;
	[tilespmem:$0x1F880] =	vst v63  }
0x7d: {  	_ =	swait.ge [sflag:s26], $0x4000  }
0x7e: {  	[sflag:s26] =	ssyncset.done $0x0  }
0x7f: {  	[sflag:s26] =	ssyncadd.s32 $0xFFFFC000  }
0x80: {  	[spmem:s2] =	stream.indirect.scatter.add.f32 [tilespmem:s24], [sflag:$0x4], $0x80, s29, s23, $0xb8;
	[tilespmem:$0x1F880] =	vst v63  }
0x81: {  	_ =	swait.ge [sflag:s28], $0x4000  }
0x82: {  	[sflag:s28] =	ssyncset.done $0x0  }
0x83: {  	s8 =	simm.s32 $0x3080;
	[sflag:s28] =	ssyncadd.s32 $0xFFFFC000  }
0x84: {  	[spmem:s2] =	stream.indirect.scatter.add.f32 [tilespmem:s25], [sflag:$0x5], $0x80, s8, s23, $0xb8;
	[tilespmem:$0x1F880] =	vst v63  }
0x85: {  	_ =	swait.ge [sflag:s30], $0x4000  }
0x86: {  	[sflag:s30] =	ssyncset.done $0x0  }
0x87: {  	s9 =	simm.s32 $0x1100;
	[sflag:s30] =	ssyncadd.s32 $0xFFFFC000  }
0x88: {  	[tilespmem:s24], [sflag:$0x2] =	stream.indirect.gather [hbm4b:s1+s23], $0x80, s9, s23, $0xb8;
	[tilespmem:$0x1F880] =	vst v63  }
0x89: {  	_ = 	snop  }
0x8a: {  	[tilespmem:s4], [sflag:$0x1] =	stream.linear.gather [hbm4b:s15+s4], $0xD00, $0x38;
	[tilespmem:$0x1F880] =	vst v63  }
0x8b: {  	s6 =	simm.s32 $0xFFFFD400  }
0x8c: {  	[tilespmem:s22], [sflag:$0x1] =	stream.linear.gather [hbm4b:s16+s4], $0xD00, $0x38;
	[tilespmem:$0x1F880] =	vst v63  }
.LBB2_7:
0x8d: {  	_ =	swait.ge [sflag:s31], $0x4000  }
0x8e: {  	s8 =	sshra.s32 s6, $0x2;
	[sflag:s31] =	ssyncset.done $0x0  }
0x8f: {  	s9 =	sadd.s32 $0x1C80, s8;
	[sflag:s31] =	ssyncadd.s32 $0xFFFFC000  }
0x90: {  	[tilespmem:s25], [sflag:$0x3] =	stream.indirect.gather [hbm4b:s1+s23], $0x80, s9, s23, $0xb8;
	[tilespmem:$0x1F880] =	vst v63  }
0x91: {  	_ =	swait.ge [sflag:s26], $0x4000  }
0x92: {  	[sflag:s26] =	ssyncset.done $0x0  }
0x93: {  	s9 =	sadd.s32 $0x3C00, s8;
	[sflag:s26] =	ssyncadd.s32 $0xFFFFC000  }
0x94: {  	[spmem:s2] =	stream.indirect.scatter.add.f32 [tilespmem:s24], [sflag:$0x4], $0x80, s9, s23, $0xb8;
	[tilespmem:$0x1F880] =	vst v63  }
0x95: {  	_ =	swait.ge [sflag:s28], $0x4000  }
0x96: {  	p2 =	seq.s32 s6, $0x0;
	[sflag:s28] =	ssyncset.done $0x0  }
.Ltmp3:
0x97: {  	s9 =	sadd.s32 $0x3C80, s8;
	[sflag:s28] =	ssyncadd.s32 $0xFFFFC000;
	(pc) =	sbr.rel @p2 .LBB2_9-.Ltmp3, $4  }
0x98: {  	[spmem:s2] =	stream.indirect.scatter.add.f32 [tilespmem:s25], [sflag:$0x5], $0x80, s9, s23, $0xb8;
	[tilespmem:$0x1F880] =	vst v63  }
0x99: {  	_ =	swait.ge [sflag:s30], $0x4000  }
0x9a: {  	[sflag:s30] =	ssyncset.done $0x0  }
0x9b: {  	[sflag:s30] =	ssyncadd.s32 $0xFFFFC000  }
.Ltmp4:
0x9c: {  	(pc) =	sbr.rel .LBB2_7-.Ltmp4, $3  }
0x9d: {  	_ =	sdelay $0x1  }
0x9e: {  	s8 =	sadd.s32 $0x1D00, s8;
	s6 =	sadd.s32 $0x400, s6  }
0x9f: {  	[tilespmem:s24], [sflag:$0x2] =	stream.indirect.gather [hbm4b:s1+s23], $0x80, s8, s23, $0xb8;
	[tilespmem:$0x1F880] =	vst v63  }
.LBB2_9:
0xa0: {  	_ =	swait.ge [sflag:s3], $0xD00  }
0xa1: {  	[sflag:s3] =	ssyncset.done $0x0  }
0xa2: {  	[sflag:s3] =	ssyncadd.s32 $0xFFFFF300  }
0xa3: {  	_ =	swait.ge [sflag:s3], $0xD00  }
0xa4: {  	[sflag:s3] =	ssyncset.done $0x0  }
0xa5: {  	s6 =	simm.s32 $0x0;
	[sflag:s3] =	ssyncadd.s32 $0xFFFFF300  }
0xa6: {  	[tilespmem:s24], [sflag:$0x2] =	stream.indirect.gather [hbm4b:s1+s23], $0x80, s6, s23, $0xb8;
	[tilespmem:$0x1F880] =	vst v63  }
0xa7: {  	_ =	swait.ge [sflag:s31], $0x4000  }
0xa8: {  	[sflag:s31] =	ssyncset.done $0x0  }
0xa9: {  	s9 =	simm.s32 $0x80;
	[sflag:s31] =	ssyncadd.s32 $0xFFFFC000  }
0xaa: {  	[tilespmem:s25], [sflag:$0x3] =	stream.indirect.gather [hbm4b:s1+s23], $0x80, s9, s23, $0xb8;
	[tilespmem:$0x1F880] =	vst v63  }
0xab: {  	_ =	swait.ge [sflag:s26], $0x4000  }
0xac: {  	[sflag:s26] =	ssyncset.done $0x0  }
0xad: {  	s8 =	simm.s32 $0x2000;
	[sflag:s26] =	ssyncadd.s32 $0xFFFFC000  }
0xae: {  	[spmem:s2] =	stream.indirect.scatter.add.f32 [tilespmem:s24], [sflag:$0x4], $0x80, s8, s23, $0xb8;
	[tilespmem:$0x1F880] =	vst v63  }
0xaf: {  	_ =	swait.ge [sflag:s28], $0x4000  }
0xb0: {  	[sflag:s28] =	ssyncset.done $0x0  }
0xb1: {  	s9 =	simm.s32 $0x2080;
	[sflag:s28] =	ssyncadd.s32 $0xFFFFC000  }
0xb2: {  	[spmem:s2] =	stream.indirect.scatter.add.f32 [tilespmem:s25], [sflag:$0x5], $0x80, s9, s23, $0xb8;
	[tilespmem:$0x1F880] =	vst v63  }
0xb3: {  	_ =	swait.ge [sflag:s30], $0x4000  }
0xb4: {  	[sflag:s30] =	ssyncset.done $0x0  }
0xb5: {  	s6 =	simm.s32 $0x400;
	s8 =	simm.s32 $0x100;
	[sflag:s30] =	ssyncadd.s32 $0xFFFFC000  }
.LBB2_10:
0xb6: {  	[tilespmem:s24], [sflag:$0x2] =	stream.indirect.gather [hbm4b:s1+s23], $0x80, s8, s23, $0xb8;
	[tilespmem:$0x1F880] =	vst v63  }
0xb7: {  	s8 =	smov.u32 s6  }
0xb8: {  	p2 =	sne.s32 s6, $0x2C00;
	s6 =	sadd.s32 $0x400, s6;
	_ =	swait.ge [sflag:s31], $0x4000  }
0xb9: {  	s8 =	sshra.s32 s8, $0x2;
	[sflag:s31] =	ssyncset.done $0x0  }
0xba: {  	s9 =	sadd.s32 $0x80, s8;
	[sflag:s31] =	ssyncadd.s32 $0xFFFFC000  }
0xbb: {  	[tilespmem:s25], [sflag:$0x3] =	stream.indirect.gather [hbm4b:s1+s23], $0x80, s9, s23, $0xb8;
	[tilespmem:$0x1F880] =	vst v63  }
0xbc: {  	_ =	swait.ge [sflag:s26], $0x4000  }
0xbd: {  	[sflag:s26] =	ssyncset.done $0x0  }
0xbe: {  	s9 =	sadd.s32 $0x2000, s8;
	[sflag:s26] =	ssyncadd.s32 $0xFFFFC000  }
0xbf: {  	[spmem:s2] =	stream.indirect.scatter.add.f32 [tilespmem:s24], [sflag:$0x4], $0x80, s9, s23, $0xb8;
	[tilespmem:$0x1F880] =	vst v63  }
0xc0: {  	_ =	swait.ge [sflag:s28], $0x4000  }
0xc1: {  	[sflag:s28] =	ssyncset.done $0x0  }
.Ltmp5:
0xc2: {  	s9 =	sadd.s32 $0x2080, s8;
	[sflag:s28] =	ssyncadd.s32 $0xFFFFC000;
	(pc) =	sbr.rel @p2 .LBB2_10-.Ltmp5, $4  }
0xc3: {  	[spmem:s2] =	stream.indirect.scatter.add.f32 [tilespmem:s25], [sflag:$0x5], $0x80, s9, s23, $0xb8;
	[tilespmem:$0x1F880] =	vst v63  }
0xc4: {  	_ =	swait.ge [sflag:s30], $0x4000  }
0xc5: {  	[sflag:s30] =	ssyncset.done $0x0  }
0xc6: {  	s8 =	sadd.s32 $0x100, s8;
	[sflag:s30] =	ssyncadd.s32 $0xFFFFC000  }
0xc7: {  	[tilespmem:s24], [sflag:$0x2] =	stream.indirect.gather [hbm4b:s1+s23], $0x80, s8, s23, $0xb8;
	[tilespmem:$0x1F880] =	vst v63  }
0xc8: {  	_ =	swait.ge [sflag:s31], $0x4000  }
0xc9: {  	[sflag:s31] =	ssyncset.done $0x0  }
0xca: {  	s6 =	simm.s32 $0xC80;
	[sflag:s31] =	ssyncadd.s32 $0xFFFFC000  }
0xcb: {  	[tilespmem:s25], [sflag:$0x3] =	stream.indirect.gather [hbm4b:s1+s23], $0x80, s6, s23, $0xb8;
	[tilespmem:$0x1F880] =	vst v63  }
0xcc: {  	_ =	swait.ge [sflag:s26], $0x4000  }
0xcd: {  	[sflag:s26] =	ssyncset.done $0x0  }
0xce: {  	s8 =	simm.s32 $0x2C00;
	[sflag:s26] =	ssyncadd.s32 $0xFFFFC000  }
0xcf: {  	[spmem:s2] =	stream.indirect.scatter.add.f32 [tilespmem:s24], [sflag:$0x4], $0x80, s8, s23, $0xb8;
	[tilespmem:$0x1F880] =	vst v63  }
0xd0: {  	_ =	swait.ge [sflag:s28], $0x4000  }
0xd1: {  	[sflag:s28] =	ssyncset.done $0x0  }
0xd2: {  	s9 =	simm.s32 $0x2C80;
	[sflag:s28] =	ssyncadd.s32 $0xFFFFC000  }
0xd3: {  	[spmem:s2] =	stream.indirect.scatter.add.f32 [tilespmem:s25], [sflag:$0x5], $0x80, s9, s23, $0xb8;
	[tilespmem:$0x1F880] =	vst v63  }
0xd4: {  	_ =	swait.ge [sflag:s30], $0x4000  }
0xd5: {  	[sflag:s30] =	ssyncset.done $0x0  }
0xd6: {  	[sflag:s30] =	ssyncadd.s32 $0xFFFFC000  }
0xd7: {  	_ =	swait.ge [sflag:s31], $0x4000  }
0xd8: {  	[sflag:s31] =	ssyncset.done $0x0  }
0xd9: {  	s6 =	simm.s32 @!p1 $0x0;
	s8 =	simm.s32 @!p1 $0x1000;
	[sflag:s31] =	ssyncadd.s32 $0xFFFFC000  }
0xda: {  	[tilespmem:s8], [sflag:$0x6] =	stream.linear.gather @!p1 [hbm4b:s17+s6], $0x100, $0x38;
	[tilespmem:$0x1F880] =	vst v63  }
0xdb: {  	s6 =	simm.s32 @!p1 $0x6  }
0xdc: {  	_ =	swait.ge @!p1 [sflag:s6], $0x100  }
0xdd: {  	[sflag:s6] =	ssyncset.done @!p1 $0x0  }
0xde: {  	s9 =	simm.s32 @!p1 $0x4000;
	[sflag:s6] =	ssyncadd.s32 @!p1 $0xFFFFFF00;
	s6 =	simm.s32 @!p1 $0x80  }
0xdf: {  	[tilespmem:s9], [sflag:$0x2] =	stream.indirect.gather @!p1 [hbm4b:s1+s6], $0x80, s8, s6, $0xb8;
	[tilespmem:$0x1F880] =	vst v63  }
0xe0: {  	s8 =	simm.s32 @!p1 $0x2  }
0xe1: {  	_ =	swait.ge @!p1 [sflag:s8], $0x4000  }
0xe2: {  	[sflag:s8] =	ssyncset.done @!p1 $0x0  }
0xe3: {  	[sflag:s8] =	ssyncadd.s32 @!p1 $0xFFFFC000;
	s8 =	simm.s32 @!p1 $0x1080  }
0xe4: {  	[spmem:s2] =	stream.indirect.scatter.add.f32 @!p1 [tilespmem:s9], [sflag:$0x4], $0x80, s8, s6, $0xb8;
	[tilespmem:$0x1F880] =	vst v63  }
0xe5: {  	s6 =	simm.s32 @!p1 $0x4  }
0xe6: {  	_ =	swait.ge @!p1 [sflag:s6], $0x4000  }
0xe7: {  	s8 =	stileid.u32;
	[sflag:s6] =	ssyncset.done @!p1 $0x0  }
0xe8: {  	[sflag:s6] =	ssyncadd.s32 @!p1 $0xFFFFC000;
	s6 =	sshll.u32 s8, $0x6  }
0xe9: {  	s9 =	sshrl.u32 s7, $0x3;
	[bflag:$0x0] =	sbarrier.arrive $0xFFFF;
	s6 =	sor.u32 $0x1C06, s6  }
0xea: {  	[hbm:s18], [sflag:s6] =	dma.local [spmem:s9], $0x2700  }
0xeb: {  	_ =	swait.ge [sflag:s21], $0x2700  }
0xec: {  	s5 =	sadd.s32 $0x1, s5;
	[sflag:s21] =	ssyncset.done $0x0  }
0xed: {  	p2 =	sne.s32 s5, s20;
	s8 =	sshrl.u32 @!p0 s12, $0x3;
	[sflag:s21] =	ssyncadd.s32 $0xFFFFD900  }
0xee: {  	[hbm:s19], [sflag:s6] =	dma.local @!p0 [spmem:s8], $0x100  }
.Ltmp6:
0xef: {  	_ = 	snop;
	(pc) =	sbr.rel @p2 .LBB2_1-.Ltmp6, $4  }
0xf0: {  	s6 =	simm.s32 @!p0 $0x6  }
0xf1: {  	_ =	swait.ge @!p0 [sflag:s6], $0x100  }
0xf2: {  	[sflag:s6] =	ssyncset.done @!p0 $0x0  }
0xf3: {  	[sflag:s6] =	ssyncadd.s32 @!p0 $0xFFFFFF00  }
0xf4: {  	_ =	sfence.sel $0x180000  }
0xf5: {  	[bflag:$0x0] =	sbarrier.arrive $0xFFFF  }
0xf6: {  	_ =	strace $0x90000047  }
0xf7: {  	s0 =	stileid.u32;
	[bflag:$0x2] =	sbarrier.arrive $0xFFFF  }
0xf8: {  	p0 =	sne.s32 s0, $0x0;
	s0 =	rddreg [dreg:$0x4]  }
0xf9: {  	s0 =	sadd.s32 @!p0 $0x100000, s0  }
0xfa: {  	[sflag:s0] =	ssyncadd.tile.s32 @!p0 $0x1;
	_ =	shalt  }
.Lfunc_end2:
_tile_overlayer_lowered:
.L_overlay_start_2:
0xfb: {  	(tag) =	ssettag $0x2  }
0xfc: {  	s0 =	rddreg [dreg:$0x0];
	s2 =	stileid.u32  }
0xfd: {  	s1 =	rddreg [dreg:$0x1];
	p0 =	sne.s32 s2, $0x0  }
0xfe: {  	s3 =	rddreg [dreg:$0x2];
	[bflag:$0x3] =	sbarrier.arrive $0xFFFF;
	s2 =	simm.s32 @!p0 $0x1C06  }
0xff: {  	[timem:s3], [sflag:s2] =	dma.local @!p0 [hbm:s0], s1  }
0x100: {  	s0 =	simm.s32 @!p0 $0x6  }
0x101: {  	_ =	swait.ge @!p0 [sflag:s0], s1  }
0x102: {  	s1 =	ssub.s32 @!p0 $0x0, s1;
	[sflag:s0] =	ssyncset.done @!p0 $0x0  }
0x103: {  	[sflag:s0] =	ssyncadd.s32 @!p0 s1  }
0x104: {  	[bflag:$0x3] =	sbarrier.arrive $0xFFFF  }
0x105: {  	_ =	shalt  }

</sc_bundles>
